<compile_context>
chip_gen: v7x
topology: tpu7x:2x2x1
jax: 0.10.2.dev20260603
libtpu: 0.0.44.dev20260713+nightly
codegen_flags: <defaults>
</compile_context>

<pallas_src>
import functools

import jax
import jax.numpy as jnp
from jax import lax
from jax.experimental import pallas as pl
from jax.experimental.pallas import tpu as pltpu
from jax.experimental.pallas import tpu_sc as plsc

T = 2048
BEAM = 8
SRC = 2048
NBEST = 4
NS = T - 1
ROWS = NBEST * T

_MESH = dict(core_axis_name="c", subcore_axis_name="s", num_cores=2,
             num_subcores=16)

_CHUNK = 8
_PER_W = ROWS // 32
_NCHUNK = _PER_W // _CHUNK
_RING = 4


def _fused_body(tw_hbm, prev_hbm, tokens_hbm, scores_hbm,
                ord_hbm, sc_hbm, tok_hbm, tls_hbm, out_hbm,
                prev_v, sc16_v, idx_v, rowsfull_v, tokens_v, scores_v,
                tokbuf_v, tlsbuf_v, misci_v, miscf_v,
                buf0, buf1, buf2, buf3,
                gsem0, gsem1, gsem2, gsem3, wsem0, wsem1, wsem2, wsem3):
    cid = lax.axis_index("c")
    sid = lax.axis_index("s")
    wid = cid * 16 + sid
    base = wid * _PER_W
    hyp = wid // 8
    r = wid % 8
    ts = r * _PER_W

    lane = lax.broadcasted_iota(jnp.int32, (16,), 0)
    mask4 = lane < NBEST
    zeros = jnp.zeros((16,), jnp.int32)

    pltpu.sync_copy(prev_hbm, prev_v)
    pltpu.sync_copy(scores_hbm.at[pl.ds(T * BEAM - 16, 16)], sc16_v)

    sc_last = sc16_v[...]
    neg = jnp.float32(-jnp.inf)
    cand = jnp.where(lane >= 8, sc_last, neg)
    b = jnp.zeros((16,), jnp.int32)
    for i in range(NBEST):
        m = cand
        for sh in (1, 2, 4, 8):
            rot = m.at[jnp.bitwise_and(lane + sh, 15)].get(
                mode="promise_in_bounds")
            m = jnp.maximum(m, rot)
        j = plsc.all_reduce_ffs(cand == m)
        b = jnp.where(lane == i, j - 8, b)
        cand = jnp.where(lane == j, neg, cand)

    @pl.when(wid == 0)
    def _():
        misci_v[...] = jnp.where(mask4, b, 0)
        sc4 = sc_last.at[8 + b].get(mode="promise_in_bounds")
        miscf_v[...] = jnp.where(mask4, sc4, jnp.float32(0.0))
        pltpu.sync_copy(misci_v, ord_hbm)
        pltpu.sync_copy(miscf_v, sc_hbm)

    own_lane = lane == hyp
    full_lane = jnp.logical_and(own_lane, r == 0)

    plsc.store_scatter(idx_v, [zeros + (_PER_W - 1)], zeros,
                       mask=jnp.logical_and(lane == 0, r == 8 - 1))
    plsc.store_scatter(rowsfull_v, [zeros + (T - 1)], zeros, mask=full_lane)

    def bt_step(t, bcur):
        idx = t * BEAM + bcur
        in_own = jnp.logical_and(t - 1 >= ts, t - 1 < ts + _PER_W)
        plsc.store_scatter(idx_v, [zeros + jnp.bitwise_and(t - 1 - ts,
                                                           _PER_W - 1)],
                           idx, mask=jnp.logical_and(own_lane, in_own))
        plsc.store_scatter(rowsfull_v, [zeros + jnp.bitwise_and(t - 1, T - 1)],
                           idx, mask=jnp.logical_and(full_lane, t >= 1))
        return plsc.load_gather(prev_v, [idx])

    def bt_body(k, bcur):
        t0 = NS - k * 8
        for u in range(8):
            bcur = bt_step(t0 - u, bcur)
        return bcur

    @pl.when(r == 0)
    def _():
        pltpu.sync_copy(tokens_hbm, tokens_v)
        pltpu.sync_copy(scores_hbm, scores_v)

    lax.fori_loop(0, (NS - ts + 7) // 8, bt_body, b)

    def post_pass():
        rotm1 = jnp.bitwise_and(lane + 15, 16 - 1)

        def blk_body(v, carry):
            off = v * 16
            ivec = rowsfull_v[pl.ds(off, 16)]
            tokbuf_v[pl.ds(off, 16)] = plsc.load_gather(tokens_v, [ivec])
            sc = plsc.load_gather(scores_v, [ivec])
            srot = sc.at[rotm1].get(mode="promise_in_bounds")
            prev_sc = jnp.where(lane == 0, carry, srot)
            tlsbuf_v[pl.ds(off, 16)] = sc - prev_sc
            return sc[15]

        lax.fori_loop(0, T // 16, blk_body, jnp.float32(0.0))

        for hy in range(NBEST):
            @pl.when(hyp == hy)
            def _(hy=hy):
                pltpu.sync_copy(tokbuf_v, tok_hbm.at[hy])
                pltpu.sync_copy(tlsbuf_v, tls_hbm.at[hy])

    bufs = (buf0, buf1, buf2, buf3)
    gsems = (gsem0, gsem1, gsem2, gsem3)
    wsems = (wsem0, wsem1, wsem2, wsem3)

    def fire(c):
        return pltpu.async_copy(
            tw_hbm.at[idx_v.at[pl.ds(c * _CHUNK, _CHUNK)]],
            bufs[c % _RING], gsems[c % _RING])

    gcp = {}
    wcp = {}
    for c in range(min(_RING - 1, _NCHUNK)):
        gcp[c % _RING] = fire(c)

    @pl.when(r == 0)
    def _():
        post_pass()

    for c in range(_NCHUNK):
        p = c % _RING
        q = (c + _RING - 1) % _RING
        if c + _RING - 1 < _NCHUNK:
            if c >= 1:
                wcp[q].wait()
            gcp[q] = fire(c + _RING - 1)
        gcp[p].wait()
        wcp[p] = pltpu.async_copy(
            bufs[p], out_hbm.at[pl.ds(base + c * _CHUNK, _CHUNK)], wsems[p])
    for c in range(max(0, _NCHUNK - _RING), _NCHUNK):
        wcp[c % _RING].wait()


_fused = functools.partial(
    pl.kernel,
    out_type=[
        jax.ShapeDtypeStruct((16,), jnp.int32),
        jax.ShapeDtypeStruct((16,), jnp.float32),
        jax.ShapeDtypeStruct((NBEST, T), jnp.int32),
        jax.ShapeDtypeStruct((NBEST, T), jnp.float32),
        jax.ShapeDtypeStruct((ROWS, SRC), jnp.float32),
    ],
    mesh=plsc.VectorSubcoreMesh(**_MESH),
    compiler_params=pltpu.CompilerParams(needs_layout_passes=False),
    scratch_types=[
        pltpu.VMEM((T * BEAM,), jnp.int32),
        pltpu.VMEM((16,), jnp.float32),
        pltpu.VMEM((_PER_W,), jnp.int32),
        pltpu.VMEM((T,), jnp.int32),
        pltpu.VMEM((T * BEAM,), jnp.int32),
        pltpu.VMEM((T * BEAM,), jnp.float32),
        pltpu.VMEM((T,), jnp.int32),
        pltpu.VMEM((T,), jnp.float32),
        pltpu.VMEM((16,), jnp.int32),
        pltpu.VMEM((16,), jnp.float32),
        pltpu.VMEM((_CHUNK, SRC), jnp.float32),
        pltpu.VMEM((_CHUNK, SRC), jnp.float32),
        pltpu.VMEM((_CHUNK, SRC), jnp.float32),
        pltpu.VMEM((_CHUNK, SRC), jnp.float32),
        pltpu.SemaphoreType.DMA,
        pltpu.SemaphoreType.DMA,
        pltpu.SemaphoreType.DMA,
        pltpu.SemaphoreType.DMA,
        pltpu.SemaphoreType.DMA,
        pltpu.SemaphoreType.DMA,
        pltpu.SemaphoreType.DMA,
        pltpu.SemaphoreType.DMA,
    ],
)(_fused_body)


_TT = 256


def _tr_body(*refs):
    xs, os = refs[:NBEST], refs[NBEST:]
    for x, o in zip(xs, os):
        o[...] = jnp.swapaxes(x[0], 0, 1)


def _stage3(compact):
    in_specs = [
        pl.BlockSpec((1, _TT, SRC), lambda tb, k=k: (k, tb, 0))
        for k in range(NBEST)
    ]
    out_specs = [
        pl.BlockSpec((SRC, _TT), lambda tb: (0, tb)) for _ in range(NBEST)
    ]
    out_shape = [
        jax.ShapeDtypeStruct((SRC, NS), jnp.float32) for _ in range(NBEST)
    ]
    return pl.pallas_call(
        _tr_body,
        grid=(T // _TT,),
        in_specs=in_specs,
        out_specs=out_specs,
        out_shape=out_shape,
        compiler_params=pltpu.CompilerParams(
            vmem_limit_bytes=100 * 1024 * 1024),
    )(*([compact] * NBEST))


def kernel(beam_tokens, beam_scores, token_weights, beam_prev_indices,
           num_steps):
    tokens_flat = beam_tokens.reshape(-1)
    scores_flat = beam_scores.reshape(-1)
    prev_flat = beam_prev_indices.reshape(-1)
    tw_flat = token_weights.reshape(T * BEAM, SRC)
    ord16, sc16, tok4, tls4, compact = _fused(tw_flat, prev_flat,
                                              tokens_flat, scores_flat)
    baw = _stage3(compact.reshape(NBEST, T, SRC))

    ns_t = jnp.asarray(num_steps, jnp.int32)
    ns_f = ns_t.astype(jnp.float32)
    outs = []
    for i in range(NBEST):
        outs.extend([
            tok4[i, :NS],
            sc16[i] / ns_f,
            tls4[i, :NS],
            baw[i],
            jnp.stack([ns_t, ord16[i]]).astype(jnp.int32),
        ])
    return tuple(outs)

# --- scband reference (transcript-rebuilt; emitter-appended) ---
"""Pipeline reference for scband-beam-decode-58420145160351 (READ-ONLY COPY).

The authoritative reference and input builder live on the scoring server;
editing this copy changes nothing except your own understanding.
"""

import jax, jax.numpy as jnp
import numpy as np

EOS = 32001
LENGTH_PENALTY = 1.0
NBEST = 4
BEAM_SIZE = 8
STOP_AT_EOS = True
T = 2048
SRC = 2048
NUM_STEPS = 2047
VOCAB = 32000


def setup_inputs(seed: int = 0) -> dict:
    key = jax.random.key(seed)
    k1, k2, k3, k4 = jax.random.split(key, 4)
    return {
        "beam_tokens": jax.random.randint(k1, (T, BEAM_SIZE), 0, VOCAB, dtype=jnp.int32),
        "beam_scores": jax.random.normal(k2, (T, BEAM_SIZE), dtype=jnp.float32),
        "token_weights": jax.random.uniform(k3, (T, BEAM_SIZE, SRC), dtype=jnp.float32),
        "beam_prev_indices": jax.random.randint(k4, (T, BEAM_SIZE), 0, BEAM_SIZE, dtype=jnp.int32),
        "num_steps": NUM_STEPS,
    }


def reference(beam_tokens, beam_scores, token_weights, beam_prev_indices, num_steps):
    ns = beam_tokens.shape[0] - 1
    ns_t = jnp.asarray(num_steps, dtype=jnp.int32)
    scores = beam_scores[ns, :]
    if LENGTH_PENALTY != 0.0:
        scores = scores / (ns_t.astype(jnp.float32) ** LENGTH_PENALTY)
    order = jnp.argsort(-scores)[:NBEST]
    pos_arr = jnp.arange(1, ns + 1)
    outs = []
    for i in range(NBEST):
        h = order[i].astype(jnp.int32)

        def step(bi, pp):
            return beam_prev_indices[pp, bi], bi

        _, ys = jax.lax.scan(step, h, jnp.arange(ns, 0, -1))
        b_arr = ys[::-1]
        beam_output = beam_tokens[pos_arr, b_arr]
        seq_scores = beam_scores[pos_arr, b_arr]
        prev_scores = jnp.concatenate(
            [jnp.zeros((1,), dtype=jnp.float32), beam_scores[pos_arr[:-1], b_arr[:-1]]]
        )
        token_level_scores = (seq_scores - prev_scores).astype(jnp.float32)
        baw = jnp.transpose(token_weights[pos_arr, b_arr])
        outs.extend([
            beam_output,
            scores[h].astype(jnp.float32),
            token_level_scores,
            baw,
            jnp.stack([ns_t, h]).astype(jnp.int32),
        ])
    return tuple(outs)

if __name__ == "__main__":
    import jax
    _d = setup_inputs()
    print(jax.jit(kernel)(*tuple(_d.values())))

</pallas_src>

<mosaic_0001>
#map = affine_map<(d0, d1) -> (0, 0)>
#map1 = affine_map<(d0, d1) -> (0)>
module attributes {stable_mosaic.version = 14 : i64} {
  func.func @_fused_body(%arg0: i32, %arg1: i32, %arg2: memref<16384x2048xf32, #tpu.memory_space<hbm>>, %arg3: memref<16384xi32, #tpu.memory_space<hbm>>, %arg4: memref<16384xi32, #tpu.memory_space<hbm>>, %arg5: memref<16384xf32, #tpu.memory_space<hbm>>, %arg6: memref<16xi32, #tpu.memory_space<hbm>>, %arg7: memref<16xf32, #tpu.memory_space<hbm>>, %arg8: memref<4x2048xi32, #tpu.memory_space<hbm>>, %arg9: memref<4x2048xf32, #tpu.memory_space<hbm>>, %arg10: memref<8192x2048xf32, #tpu.memory_space<hbm>>, %arg11: memref<16384xi32, #tpu.memory_space<vmem>>, %arg12: memref<16xf32, #tpu.memory_space<vmem>>, %arg13: memref<256xi32, #tpu.memory_space<vmem>>, %arg14: memref<2048xi32, #tpu.memory_space<vmem>>, %arg15: memref<16384xi32, #tpu.memory_space<vmem>>, %arg16: memref<16384xf32, #tpu.memory_space<vmem>>, %arg17: memref<2048xi32, #tpu.memory_space<vmem>>, %arg18: memref<2048xf32, #tpu.memory_space<vmem>>, %arg19: memref<16xi32, #tpu.memory_space<vmem>>, %arg20: memref<16xf32, #tpu.memory_space<vmem>>, %arg21: memref<8x2048xf32, #tpu.memory_space<vmem>>, %arg22: memref<8x2048xf32, #tpu.memory_space<vmem>>, %arg23: memref<8x2048xf32, #tpu.memory_space<vmem>>, %arg24: memref<8x2048xf32, #tpu.memory_space<vmem>>, %arg25: memref<!tpu.dma_semaphore, #tpu.memory_space<semaphore_mem>>, %arg26: memref<!tpu.dma_semaphore, #tpu.memory_space<semaphore_mem>>, %arg27: memref<!tpu.dma_semaphore, #tpu.memory_space<semaphore_mem>>, %arg28: memref<!tpu.dma_semaphore, #tpu.memory_space<semaphore_mem>>, %arg29: memref<!tpu.dma_semaphore, #tpu.memory_space<semaphore_mem>>, %arg30: memref<!tpu.dma_semaphore, #tpu.memory_space<semaphore_mem>>, %arg31: memref<!tpu.dma_semaphore, #tpu.memory_space<semaphore_mem>>, %arg32: memref<!tpu.dma_semaphore, #tpu.memory_space<semaphore_mem>>) attributes {dimension_semantics = [#tpu.dimension_semantics<core_parallel>, #tpu.dimension_semantics<subcore_parallel>], iteration_bounds = array<i64: 2, 16>, scalar_prefetch = 0 : i64, scratch_operands = 22 : i64, tpu.core_type = #tpu.core_type<sc_vector_subcore>, window_params = [{transform_indices = #map}, {transform_indices = #map1}, {transform_indices = #map1}, {transform_indices = #map1}, {transform_indices = #map1}, {transform_indices = #map1}, {transform_indices = #map}, {transform_indices = #map}, {transform_indices = #map}]} {
    %mul3A = arith.constant 16 : i32
    %mul3A_0 = arith.muli %arg0, %mul3A : i32
    %add3A = arith.addi %mul3A_0, %arg1 : i32
    %mul3A_1 = arith.constant 256 : i32
    %mul3A_2 = arith.muli %add3A, %mul3A_1 : i32
    %jit3A = arith.constant 8 : i32
    %div3A = arith.divsi %add3A, %jit3A : i32
    %sign3A = arith.constant 0 : i32
    %sign3A_3 = arith.cmpi sgt, %add3A, %sign3A : i32
    %sign3A_4 = arith.extui %sign3A_3 : i1 to i32
    %sign3A_5 = arith.constant 0 : i32
    %sign3A_6 = arith.cmpi slt, %add3A, %sign3A_5 : i32
    %sign3A_7 = arith.extui %sign3A_6 : i1 to i32
    %sign3A_8 = arith.subi %sign3A_4, %sign3A_7 : i32
    %sign3A_9 = arith.constant 0 : i32
    %sign3A_10 = arith.cmpi sgt, %jit3A, %sign3A_9 : i32
    %sign3A_11 = arith.extui %sign3A_10 : i1 to i32
    %sign3A_12 = arith.constant 0 : i32
    %sign3A_13 = arith.cmpi slt, %jit3A, %sign3A_12 : i32
    %sign3A_14 = arith.extui %sign3A_13 : i1 to i32
    %sign3A_15 = arith.subi %sign3A_11, %sign3A_14 : i32
    %ne3A = arith.cmpi ne, %sign3A_8, %sign3A_15 : i32
    %rem3A = arith.remsi %add3A, %jit3A : i32
    %ne3A_16 = arith.constant 0 : i32
    %ne3A_17 = arith.cmpi ne, %rem3A, %ne3A_16 : i32
    %and3A = arith.andi %ne3A, %ne3A_17 : i1
    %sub3A = arith.constant 1 : i32
    %sub3A_18 = arith.subi %div3A, %sub3A : i32
    %select_n3A = arith.select %and3A, %sub3A_18, %div3A : i32
    %jit3A_19 = arith.constant 8 : i32
    %eq3A = arith.constant 0 : i32
    %eq3A_20 = arith.cmpi eq, %jit3A_19, %eq3A : i32
    %jit3A_21 = arith.constant 1 : i32
    %select_n3A_22 = arith.select %eq3A_20, %jit3A_21, %jit3A_19 : i32
    %rem3A_23 = arith.remsi %add3A, %select_n3A_22 : i32
    %ne3A_24 = arith.constant 0 : i32
    %ne3A_25 = arith.cmpi ne, %rem3A_23, %ne3A_24 : i32
    %lt3A = arith.constant 0 : i32
    %lt3A_26 = arith.cmpi slt, %rem3A_23, %lt3A : i32
    %lt3A_27 = arith.constant 0 : i32
    %lt3A_28 = arith.cmpi slt, %select_n3A_22, %lt3A_27 : i32
    %ne3A_29 = arith.xori %lt3A_26, %lt3A_28 : i1
    %and3A_30 = arith.andi %ne3A_29, %ne3A_25 : i1
    %add3A_31 = arith.addi %rem3A_23, %select_n3A_22 : i32
    %select_n3A_32 = arith.select %and3A_30, %add3A_31, %rem3A_23 : i32
    %mul3A_33 = arith.constant 256 : i32
    %mul3A_34 = arith.muli %select_n3A_32, %mul3A_33 : i32
    %iota3A = tpu.iota {dimensions = array<i32: 0>} : vector<16xi32>
    %lt3A_35 = arith.constant 4 : i32
    %lt3A_36 = vector.broadcast %lt3A_35 : i32 to vector<16xi32>
    %lt3A_37 = arith.cmpi slt, %iota3A, %lt3A_36 : vector<16xi32>
    %broadcast_in_dim3A = arith.constant 0 : i32
    %broadcast_in_dim3A_38 = vector.broadcast %broadcast_in_dim3A : i32 to vector<16xi32>
    "tpu.region"() ({
      %run_scoped3A = tpu.sem_alloc : memref<!tpu.dma_semaphore, #tpu.memory_space<semaphore_mem>>
      tpu.enqueue_dma source(%arg3 : memref<16384xi32, #tpu.memory_space<hbm>>) target(%arg11 : memref<16384xi32, #tpu.memory_space<vmem>>) target_semaphore(%run_scoped3A : memref<!tpu.dma_semaphore, #tpu.memory_space<semaphore_mem>>)
      tpu.wait_dma2 semaphore(%run_scoped3A : memref<!tpu.dma_semaphore, #tpu.memory_space<semaphore_mem>>) src(%arg3 : memref<16384xi32, #tpu.memory_space<hbm>>) dst(%arg11 : memref<16384xi32, #tpu.memory_space<vmem>>)
      tpu.yield
    }) : () -> ()
    "tpu.region"() ({
      %run_scoped3A = tpu.sem_alloc : memref<!tpu.dma_semaphore, #tpu.memory_space<semaphore_mem>>
      %dma_start3A_1076 = arith.constant 16368 : i32
      %dma_start3A_1077 = tpu.memref_slice %arg5[%dma_start3A_1076] : memref<16384xf32, #tpu.memory_space<hbm>> -> memref<16xf32, #tpu.memory_space<hbm>>
      %dma_start3A_1078 = arith.constant 16368 : i32
      %dma_start3A_1079 = tpu.memref_slice %arg5[%dma_start3A_1078] : memref<16384xf32, #tpu.memory_space<hbm>> -> memref<16xf32, #tpu.memory_space<hbm>>
      tpu.enqueue_dma source(%dma_start3A_1079 : memref<16xf32, #tpu.memory_space<hbm>>) target(%arg12 : memref<16xf32, #tpu.memory_space<vmem>>) target_semaphore(%run_scoped3A : memref<!tpu.dma_semaphore, #tpu.memory_space<semaphore_mem>>)
      %dma_wait3A_1080 = arith.constant 16368 : i32
      %dma_wait3A_1081 = tpu.memref_slice %arg5[%dma_wait3A_1080] : memref<16384xf32, #tpu.memory_space<hbm>> -> memref<16xf32, #tpu.memory_space<hbm>>
      %dma_wait3A_1082 = arith.constant 16368 : i32
      %dma_wait3A_1083 = tpu.memref_slice %arg5[%dma_wait3A_1082] : memref<16384xf32, #tpu.memory_space<hbm>> -> memref<16xf32, #tpu.memory_space<hbm>>
      tpu.wait_dma2 semaphore(%run_scoped3A : memref<!tpu.dma_semaphore, #tpu.memory_space<semaphore_mem>>) src(%dma_wait3A_1083 : memref<16xf32, #tpu.memory_space<hbm>>) dst(%arg12 : memref<16xf32, #tpu.memory_space<vmem>>)
      tpu.yield
    }) : () -> ()
    %get3A = arith.constant 0 : index
    %get3A_39 = tpu.vector_load %arg12[%get3A] {strides = array<i32>} : memref<16xf32, #tpu.memory_space<vmem>>, vector<16xf32>,
    %ge3A = arith.constant 8 : i32
    %ge3A_40 = vector.broadcast %ge3A : i32 to vector<16xi32>
    %ge3A_41 = arith.cmpi sge, %iota3A, %ge3A_40 : vector<16xi32>
    %jit3A_42 = arith.constant 0xFF800000 : f32
    %broadcast_in_dim3A_43 = vector.broadcast %jit3A_42 : f32 to vector<16xf32>
    %select_n3A_44 = arith.select %ge3A_41, %get3A_39, %broadcast_in_dim3A_43 : vector<16xi1>, vector<16xf32>
    %broadcast_in_dim3A_45 = arith.constant 0 : i32
    %broadcast_in_dim3A_46 = vector.broadcast %broadcast_in_dim3A_45 : i32 to vector<16xi32>
    %add3A_47 = arith.constant 1 : i32
    %add3A_48 = vector.broadcast %add3A_47 : i32 to vector<16xi32>
    %add3A_49 = arith.addi %iota3A, %add3A_48 : vector<16xi32>
    %and3A_50 = arith.constant 15 : i32
    %and3A_51 = vector.broadcast %and3A_50 : i32 to vector<16xi32>
    %and3A_52 = arith.andi %add3A_49, %and3A_51 : vector<16xi32>
    %lt3A_53 = arith.constant 0 : i32
    %lt3A_54 = vector.broadcast %lt3A_53 : i32 to vector<16xi32>
    %lt3A_55 = arith.cmpi slt, %and3A_52, %lt3A_54 : vector<16xi32>
    %add3A_56 = arith.constant 16 : i32
    %add3A_57 = vector.broadcast %add3A_56 : i32 to vector<16xi32>
    %add3A_58 = arith.addi %and3A_52, %add3A_57 : vector<16xi32>
    %select_n3A_59 = arith.select %lt3A_55, %add3A_58, %and3A_52 : vector<16xi1>, vector<16xi32>
    %broadcast_in_dim3A_60 = vector.shape_cast %select_n3A_59 : vector<16xi32> to vector<16x1xi32>
    %gather3A = vector.shape_cast %broadcast_in_dim3A_60 : vector<16x1xi32> to vector<16xi32>
    %gather3A_61 = tpu.dynamic_gather %select_n3A_44[%gather3A] in [0] : vector<16xf32>, vector<16xi32> -> vector<16xf32>
    %max3A = arith.maximumf %select_n3A_44, %gather3A_61 : vector<16xf32>
    %add3A_62 = arith.constant 2 : i32
    %add3A_63 = vector.broadcast %add3A_62 : i32 to vector<16xi32>
    %add3A_64 = arith.addi %iota3A, %add3A_63 : vector<16xi32>
    %and3A_65 = arith.constant 15 : i32
    %and3A_66 = vector.broadcast %and3A_65 : i32 to vector<16xi32>
    %and3A_67 = arith.andi %add3A_64, %and3A_66 : vector<16xi32>
    %lt3A_68 = arith.constant 0 : i32
    %lt3A_69 = vector.broadcast %lt3A_68 : i32 to vector<16xi32>
    %lt3A_70 = arith.cmpi slt, %and3A_67, %lt3A_69 : vector<16xi32>
    %add3A_71 = arith.constant 16 : i32
    %add3A_72 = vector.broadcast %add3A_71 : i32 to vector<16xi32>
    %add3A_73 = arith.addi %and3A_67, %add3A_72 : vector<16xi32>
    %select_n3A_74 = arith.select %lt3A_70, %add3A_73, %and3A_67 : vector<16xi1>, vector<16xi32>
    %broadcast_in_dim3A_75 = vector.shape_cast %select_n3A_74 : vector<16xi32> to vector<16x1xi32>
    %gather3A_76 = vector.shape_cast %broadcast_in_dim3A_75 : vector<16x1xi32> to vector<16xi32>
    %gather3A_77 = tpu.dynamic_gather %max3A[%gather3A_76] in [0] : vector<16xf32>, vector<16xi32> -> vector<16xf32>
    %max3A_78 = arith.maximumf %max3A, %gather3A_77 : vector<16xf32>
    %add3A_79 = arith.constant 4 : i32
    %add3A_80 = vector.broadcast %add3A_79 : i32 to vector<16xi32>
    %add3A_81 = arith.addi %iota3A, %add3A_80 : vector<16xi32>
    %and3A_82 = arith.constant 15 : i32
    %and3A_83 = vector.broadcast %and3A_82 : i32 to vector<16xi32>
    %and3A_84 = arith.andi %add3A_81, %and3A_83 : vector<16xi32>
    %lt3A_85 = arith.constant 0 : i32
    %lt3A_86 = vector.broadcast %lt3A_85 : i32 to vector<16xi32>
    %lt3A_87 = arith.cmpi slt, %and3A_84, %lt3A_86 : vector<16xi32>
    %add3A_88 = arith.constant 16 : i32
    %add3A_89 = vector.broadcast %add3A_88 : i32 to vector<16xi32>
    %add3A_90 = arith.addi %and3A_84, %add3A_89 : vector<16xi32>
    %select_n3A_91 = arith.select %lt3A_87, %add3A_90, %and3A_84 : vector<16xi1>, vector<16xi32>
    %broadcast_in_dim3A_92 = vector.shape_cast %select_n3A_91 : vector<16xi32> to vector<16x1xi32>
    %gather3A_93 = vector.shape_cast %broadcast_in_dim3A_92 : vector<16x1xi32> to vector<16xi32>
    %gather3A_94 = tpu.dynamic_gather %max3A_78[%gather3A_93] in [0] : vector<16xf32>, vector<16xi32> -> vector<16xf32>
    %max3A_95 = arith.maximumf %max3A_78, %gather3A_94 : vector<16xf32>
    %add3A_96 = arith.constant 8 : i32
    %add3A_97 = vector.broadcast %add3A_96 : i32 to vector<16xi32>
    %add3A_98 = arith.addi %iota3A, %add3A_97 : vector<16xi32>
    %and3A_99 = arith.constant 15 : i32
    %and3A_100 = vector.broadcast %and3A_99 : i32 to vector<16xi32>
    %and3A_101 = arith.andi %add3A_98, %and3A_100 : vector<16xi32>
    %lt3A_102 = arith.constant 0 : i32
    %lt3A_103 = vector.broadcast %lt3A_102 : i32 to vector<16xi32>
    %lt3A_104 = arith.cmpi slt, %and3A_101, %lt3A_103 : vector<16xi32>
    %add3A_105 = arith.constant 16 : i32
    %add3A_106 = vector.broadcast %add3A_105 : i32 to vector<16xi32>
    %add3A_107 = arith.addi %and3A_101, %add3A_106 : vector<16xi32>
    %select_n3A_108 = arith.select %lt3A_104, %add3A_107, %and3A_101 : vector<16xi1>, vector<16xi32>
    %broadcast_in_dim3A_109 = vector.shape_cast %select_n3A_108 : vector<16xi32> to vector<16x1xi32>
    %gather3A_110 = vector.shape_cast %broadcast_in_dim3A_109 : vector<16x1xi32> to vector<16xi32>
    %gather3A_111 = tpu.dynamic_gather %max3A_95[%gather3A_110] in [0] : vector<16xf32>, vector<16xi32> -> vector<16xf32>
    %max3A_112 = arith.maximumf %max3A_95, %gather3A_111 : vector<16xf32>
    %eq3A_113 = arith.cmpf oeq, %select_n3A_44, %max3A_112 : vector<16xf32>
    %all_reduce_ffs3A = tpu.all_reduce %eq3A_113 {dim = 0 : i64, kind = #tpu.reduction_kind<find_first_set>} : vector<16xi1> -> vector<16xi32>
    %eq3A_114 = arith.constant 0 : i32
    %eq3A_115 = vector.broadcast %eq3A_114 : i32 to vector<16xi32>
    %eq3A_116 = arith.cmpi eq, %iota3A, %eq3A_115 : vector<16xi32>
    %sub3A_117 = arith.constant 8 : i32
    %sub3A_118 = vector.broadcast %sub3A_117 : i32 to vector<16xi32>
    %sub3A_119 = arith.subi %all_reduce_ffs3A, %sub3A_118 : vector<16xi32>
    %select_n3A_120 = arith.select %eq3A_116, %sub3A_119, %broadcast_in_dim3A_46 : vector<16xi1>, vector<16xi32>
    %eq3A_121 = arith.cmpi eq, %iota3A, %all_reduce_ffs3A : vector<16xi32>
    %jit3A_122 = arith.constant 0xFF800000 : f32
    %broadcast_in_dim3A_123 = vector.broadcast %jit3A_122 : f32 to vector<16xf32>
    %select_n3A_124 = arith.select %eq3A_121, %broadcast_in_dim3A_123, %select_n3A_44 : vector<16xi1>, vector<16xf32>
    %add3A_125 = arith.constant 1 : i32
    %add3A_126 = vector.broadcast %add3A_125 : i32 to vector<16xi32>
    %add3A_127 = arith.addi %iota3A, %add3A_126 : vector<16xi32>
    %and3A_128 = arith.constant 15 : i32
    %and3A_129 = vector.broadcast %and3A_128 : i32 to vector<16xi32>
    %and3A_130 = arith.andi %add3A_127, %and3A_129 : vector<16xi32>
    %lt3A_131 = arith.constant 0 : i32
    %lt3A_132 = vector.broadcast %lt3A_131 : i32 to vector<16xi32>
    %lt3A_133 = arith.cmpi slt, %and3A_130, %lt3A_132 : vector<16xi32>
    %add3A_134 = arith.constant 16 : i32
    %add3A_135 = vector.broadcast %add3A_134 : i32 to vector<16xi32>
    %add3A_136 = arith.addi %and3A_130, %add3A_135 : vector<16xi32>
    %select_n3A_137 = arith.select %lt3A_133, %add3A_136, %and3A_130 : vector<16xi1>, vector<16xi32>
    %broadcast_in_dim3A_138 = vector.shape_cast %select_n3A_137 : vector<16xi32> to vector<16x1xi32>
    %gather3A_139 = vector.shape_cast %broadcast_in_dim3A_138 : vector<16x1xi32> to vector<16xi32>
    %gather3A_140 = tpu.dynamic_gather %select_n3A_124[%gather3A_139] in [0] : vector<16xf32>, vector<16xi32> -> vector<16xf32>
    %max3A_141 = arith.maximumf %select_n3A_124, %gather3A_140 : vector<16xf32>
    %add3A_142 = arith.constant 2 : i32
    %add3A_143 = vector.broadcast %add3A_142 : i32 to vector<16xi32>
    %add3A_144 = arith.addi %iota3A, %add3A_143 : vector<16xi32>
    %and3A_145 = arith.constant 15 : i32
    %and3A_146 = vector.broadcast %and3A_145 : i32 to vector<16xi32>
    %and3A_147 = arith.andi %add3A_144, %and3A_146 : vector<16xi32>
    %lt3A_148 = arith.constant 0 : i32
    %lt3A_149 = vector.broadcast %lt3A_148 : i32 to vector<16xi32>
    %lt3A_150 = arith.cmpi slt, %and3A_147, %lt3A_149 : vector<16xi32>
    %add3A_151 = arith.constant 16 : i32
    %add3A_152 = vector.broadcast %add3A_151 : i32 to vector<16xi32>
    %add3A_153 = arith.addi %and3A_147, %add3A_152 : vector<16xi32>
    %select_n3A_154 = arith.select %lt3A_150, %add3A_153, %and3A_147 : vector<16xi1>, vector<16xi32>
    %broadcast_in_dim3A_155 = vector.shape_cast %select_n3A_154 : vector<16xi32> to vector<16x1xi32>
    %gather3A_156 = vector.shape_cast %broadcast_in_dim3A_155 : vector<16x1xi32> to vector<16xi32>
    %gather3A_157 = tpu.dynamic_gather %max3A_141[%gather3A_156] in [0] : vector<16xf32>, vector<16xi32> -> vector<16xf32>
    %max3A_158 = arith.maximumf %max3A_141, %gather3A_157 : vector<16xf32>
    %add3A_159 = arith.constant 4 : i32
    %add3A_160 = vector.broadcast %add3A_159 : i32 to vector<16xi32>
    %add3A_161 = arith.addi %iota3A, %add3A_160 : vector<16xi32>
    %and3A_162 = arith.constant 15 : i32
    %and3A_163 = vector.broadcast %and3A_162 : i32 to vector<16xi32>
    %and3A_164 = arith.andi %add3A_161, %and3A_163 : vector<16xi32>
    %lt3A_165 = arith.constant 0 : i32
    %lt3A_166 = vector.broadcast %lt3A_165 : i32 to vector<16xi32>
    %lt3A_167 = arith.cmpi slt, %and3A_164, %lt3A_166 : vector<16xi32>
    %add3A_168 = arith.constant 16 : i32
    %add3A_169 = vector.broadcast %add3A_168 : i32 to vector<16xi32>
    %add3A_170 = arith.addi %and3A_164, %add3A_169 : vector<16xi32>
    %select_n3A_171 = arith.select %lt3A_167, %add3A_170, %and3A_164 : vector<16xi1>, vector<16xi32>
    %broadcast_in_dim3A_172 = vector.shape_cast %select_n3A_171 : vector<16xi32> to vector<16x1xi32>
    %gather3A_173 = vector.shape_cast %broadcast_in_dim3A_172 : vector<16x1xi32> to vector<16xi32>
    %gather3A_174 = tpu.dynamic_gather %max3A_158[%gather3A_173] in [0] : vector<16xf32>, vector<16xi32> -> vector<16xf32>
    %max3A_175 = arith.maximumf %max3A_158, %gather3A_174 : vector<16xf32>
    %add3A_176 = arith.constant 8 : i32
    %add3A_177 = vector.broadcast %add3A_176 : i32 to vector<16xi32>
    %add3A_178 = arith.addi %iota3A, %add3A_177 : vector<16xi32>
    %and3A_179 = arith.constant 15 : i32
    %and3A_180 = vector.broadcast %and3A_179 : i32 to vector<16xi32>
    %and3A_181 = arith.andi %add3A_178, %and3A_180 : vector<16xi32>
    %lt3A_182 = arith.constant 0 : i32
    %lt3A_183 = vector.broadcast %lt3A_182 : i32 to vector<16xi32>
    %lt3A_184 = arith.cmpi slt, %and3A_181, %lt3A_183 : vector<16xi32>
    %add3A_185 = arith.constant 16 : i32
    %add3A_186 = vector.broadcast %add3A_185 : i32 to vector<16xi32>
    %add3A_187 = arith.addi %and3A_181, %add3A_186 : vector<16xi32>
    %select_n3A_188 = arith.select %lt3A_184, %add3A_187, %and3A_181 : vector<16xi1>, vector<16xi32>
    %broadcast_in_dim3A_189 = vector.shape_cast %select_n3A_188 : vector<16xi32> to vector<16x1xi32>
    %gather3A_190 = vector.shape_cast %broadcast_in_dim3A_189 : vector<16x1xi32> to vector<16xi32>
    %gather3A_191 = tpu.dynamic_gather %max3A_175[%gather3A_190] in [0] : vector<16xf32>, vector<16xi32> -> vector<16xf32>
    %max3A_192 = arith.maximumf %max3A_175, %gather3A_191 : vector<16xf32>
    %eq3A_193 = arith.cmpf oeq, %select_n3A_124, %max3A_192 : vector<16xf32>
    %all_reduce_ffs3A_194 = tpu.all_reduce %eq3A_193 {dim = 0 : i64, kind = #tpu.reduction_kind<find_first_set>} : vector<16xi1> -> vector<16xi32>
    %eq3A_195 = arith.constant 1 : i32
    %eq3A_196 = vector.broadcast %eq3A_195 : i32 to vector<16xi32>
    %eq3A_197 = arith.cmpi eq, %iota3A, %eq3A_196 : vector<16xi32>
    %sub3A_198 = arith.constant 8 : i32
    %sub3A_199 = vector.broadcast %sub3A_198 : i32 to vector<16xi32>
    %sub3A_200 = arith.subi %all_reduce_ffs3A_194, %sub3A_199 : vector<16xi32>
    %select_n3A_201 = arith.select %eq3A_197, %sub3A_200, %select_n3A_120 : vector<16xi1>, vector<16xi32>
    %eq3A_202 = arith.cmpi eq, %iota3A, %all_reduce_ffs3A_194 : vector<16xi32>
    %jit3A_203 = arith.constant 0xFF800000 : f32
    %broadcast_in_dim3A_204 = vector.broadcast %jit3A_203 : f32 to vector<16xf32>
    %select_n3A_205 = arith.select %eq3A_202, %broadcast_in_dim3A_204, %select_n3A_124 : vector<16xi1>, vector<16xf32>
    %add3A_206 = arith.constant 1 : i32
    %add3A_207 = vector.broadcast %add3A_206 : i32 to vector<16xi32>
    %add3A_208 = arith.addi %iota3A, %add3A_207 : vector<16xi32>
    %and3A_209 = arith.constant 15 : i32
    %and3A_210 = vector.broadcast %and3A_209 : i32 to vector<16xi32>
    %and3A_211 = arith.andi %add3A_208, %and3A_210 : vector<16xi32>
    %lt3A_212 = arith.constant 0 : i32
    %lt3A_213 = vector.broadcast %lt3A_212 : i32 to vector<16xi32>
    %lt3A_214 = arith.cmpi slt, %and3A_211, %lt3A_213 : vector<16xi32>
    %add3A_215 = arith.constant 16 : i32
    %add3A_216 = vector.broadcast %add3A_215 : i32 to vector<16xi32>
    %add3A_217 = arith.addi %and3A_211, %add3A_216 : vector<16xi32>
    %select_n3A_218 = arith.select %lt3A_214, %add3A_217, %and3A_211 : vector<16xi1>, vector<16xi32>
    %broadcast_in_dim3A_219 = vector.shape_cast %select_n3A_218 : vector<16xi32> to vector<16x1xi32>
    %gather3A_220 = vector.shape_cast %broadcast_in_dim3A_219 : vector<16x1xi32> to vector<16xi32>
    %gather3A_221 = tpu.dynamic_gather %select_n3A_205[%gather3A_220] in [0] : vector<16xf32>, vector<16xi32> -> vector<16xf32>
    %max3A_222 = arith.maximumf %select_n3A_205, %gather3A_221 : vector<16xf32>
    %add3A_223 = arith.constant 2 : i32
    %add3A_224 = vector.broadcast %add3A_223 : i32 to vector<16xi32>
    %add3A_225 = arith.addi %iota3A, %add3A_224 : vector<16xi32>
    %and3A_226 = arith.constant 15 : i32
    %and3A_227 = vector.broadcast %and3A_226 : i32 to vector<16xi32>
    %and3A_228 = arith.andi %add3A_225, %and3A_227 : vector<16xi32>
    %lt3A_229 = arith.constant 0 : i32
    %lt3A_230 = vector.broadcast %lt3A_229 : i32 to vector<16xi32>
    %lt3A_231 = arith.cmpi slt, %and3A_228, %lt3A_230 : vector<16xi32>
    %add3A_232 = arith.constant 16 : i32
    %add3A_233 = vector.broadcast %add3A_232 : i32 to vector<16xi32>
    %add3A_234 = arith.addi %and3A_228, %add3A_233 : vector<16xi32>
    %select_n3A_235 = arith.select %lt3A_231, %add3A_234, %and3A_228 : vector<16xi1>, vector<16xi32>
    %broadcast_in_dim3A_236 = vector.shape_cast %select_n3A_235 : vector<16xi32> to vector<16x1xi32>
    %gather3A_237 = vector.shape_cast %broadcast_in_dim3A_236 : vector<16x1xi32> to vector<16xi32>
    %gather3A_238 = tpu.dynamic_gather %max3A_222[%gather3A_237] in [0] : vector<16xf32>, vector<16xi32> -> vector<16xf32>
    %max3A_239 = arith.maximumf %max3A_222, %gather3A_238 : vector<16xf32>
    %add3A_240 = arith.constant 4 : i32
    %add3A_241 = vector.broadcast %add3A_240 : i32 to vector<16xi32>
    %add3A_242 = arith.addi %iota3A, %add3A_241 : vector<16xi32>
    %and3A_243 = arith.constant 15 : i32
    %and3A_244 = vector.broadcast %and3A_243 : i32 to vector<16xi32>
    %and3A_245 = arith.andi %add3A_242, %and3A_244 : vector<16xi32>
    %lt3A_246 = arith.constant 0 : i32
    %lt3A_247 = vector.broadcast %lt3A_246 : i32 to vector<16xi32>
    %lt3A_248 = arith.cmpi slt, %and3A_245, %lt3A_247 : vector<16xi32>
    %add3A_249 = arith.constant 16 : i32
    %add3A_250 = vector.broadcast %add3A_249 : i32 to vector<16xi32>
    %add3A_251 = arith.addi %and3A_245, %add3A_250 : vector<16xi32>
    %select_n3A_252 = arith.select %lt3A_248, %add3A_251, %and3A_245 : vector<16xi1>, vector<16xi32>
    %broadcast_in_dim3A_253 = vector.shape_cast %select_n3A_252 : vector<16xi32> to vector<16x1xi32>
    %gather3A_254 = vector.shape_cast %broadcast_in_dim3A_253 : vector<16x1xi32> to vector<16xi32>
    %gather3A_255 = tpu.dynamic_gather %max3A_239[%gather3A_254] in [0] : vector<16xf32>, vector<16xi32> -> vector<16xf32>
    %max3A_256 = arith.maximumf %max3A_239, %gather3A_255 : vector<16xf32>
    %add3A_257 = arith.constant 8 : i32
    %add3A_258 = vector.broadcast %add3A_257 : i32 to vector<16xi32>
    %add3A_259 = arith.addi %iota3A, %add3A_258 : vector<16xi32>
    %and3A_260 = arith.constant 15 : i32
    %and3A_261 = vector.broadcast %and3A_260 : i32 to vector<16xi32>
    %and3A_262 = arith.andi %add3A_259, %and3A_261 : vector<16xi32>
    %lt3A_263 = arith.constant 0 : i32
    %lt3A_264 = vector.broadcast %lt3A_263 : i32 to vector<16xi32>
    %lt3A_265 = arith.cmpi slt, %and3A_262, %lt3A_264 : vector<16xi32>
    %add3A_266 = arith.constant 16 : i32
    %add3A_267 = vector.broadcast %add3A_266 : i32 to vector<16xi32>
    %add3A_268 = arith.addi %and3A_262, %add3A_267 : vector<16xi32>
    %select_n3A_269 = arith.select %lt3A_265, %add3A_268, %and3A_262 : vector<16xi1>, vector<16xi32>
    %broadcast_in_dim3A_270 = vector.shape_cast %select_n3A_269 : vector<16xi32> to vector<16x1xi32>
    %gather3A_271 = vector.shape_cast %broadcast_in_dim3A_270 : vector<16x1xi32> to vector<16xi32>
    %gather3A_272 = tpu.dynamic_gather %max3A_256[%gather3A_271] in [0] : vector<16xf32>, vector<16xi32> -> vector<16xf32>
    %max3A_273 = arith.maximumf %max3A_256, %gather3A_272 : vector<16xf32>
    %eq3A_274 = arith.cmpf oeq, %select_n3A_205, %max3A_273 : vector<16xf32>
    %all_reduce_ffs3A_275 = tpu.all_reduce %eq3A_274 {dim = 0 : i64, kind = #tpu.reduction_kind<find_first_set>} : vector<16xi1> -> vector<16xi32>
    %eq3A_276 = arith.constant 2 : i32
    %eq3A_277 = vector.broadcast %eq3A_276 : i32 to vector<16xi32>
    %eq3A_278 = arith.cmpi eq, %iota3A, %eq3A_277 : vector<16xi32>
    %sub3A_279 = arith.constant 8 : i32
    %sub3A_280 = vector.broadcast %sub3A_279 : i32 to vector<16xi32>
    %sub3A_281 = arith.subi %all_reduce_ffs3A_275, %sub3A_280 : vector<16xi32>
    %select_n3A_282 = arith.select %eq3A_278, %sub3A_281, %select_n3A_201 : vector<16xi1>, vector<16xi32>
    %eq3A_283 = arith.cmpi eq, %iota3A, %all_reduce_ffs3A_275 : vector<16xi32>
    %jit3A_284 = arith.constant 0xFF800000 : f32
    %broadcast_in_dim3A_285 = vector.broadcast %jit3A_284 : f32 to vector<16xf32>
    %select_n3A_286 = arith.select %eq3A_283, %broadcast_in_dim3A_285, %select_n3A_205 : vector<16xi1>, vector<16xf32>
    %add3A_287 = arith.constant 1 : i32
    %add3A_288 = vector.broadcast %add3A_287 : i32 to vector<16xi32>
    %add3A_289 = arith.addi %iota3A, %add3A_288 : vector<16xi32>
    %and3A_290 = arith.constant 15 : i32
    %and3A_291 = vector.broadcast %and3A_290 : i32 to vector<16xi32>
    %and3A_292 = arith.andi %add3A_289, %and3A_291 : vector<16xi32>
    %lt3A_293 = arith.constant 0 : i32
    %lt3A_294 = vector.broadcast %lt3A_293 : i32 to vector<16xi32>
    %lt3A_295 = arith.cmpi slt, %and3A_292, %lt3A_294 : vector<16xi32>
    %add3A_296 = arith.constant 16 : i32
    %add3A_297 = vector.broadcast %add3A_296 : i32 to vector<16xi32>
    %add3A_298 = arith.addi %and3A_292, %add3A_297 : vector<16xi32>
    %select_n3A_299 = arith.select %lt3A_295, %add3A_298, %and3A_292 : vector<16xi1>, vector<16xi32>
    %broadcast_in_dim3A_300 = vector.shape_cast %select_n3A_299 : vector<16xi32> to vector<16x1xi32>
    %gather3A_301 = vector.shape_cast %broadcast_in_dim3A_300 : vector<16x1xi32> to vector<16xi32>
    %gather3A_302 = tpu.dynamic_gather %select_n3A_286[%gather3A_301] in [0] : vector<16xf32>, vector<16xi32> -> vector<16xf32>
    %max3A_303 = arith.maximumf %select_n3A_286, %gather3A_302 : vector<16xf32>
    %add3A_304 = arith.constant 2 : i32
    %add3A_305 = vector.broadcast %add3A_304 : i32 to vector<16xi32>
    %add3A_306 = arith.addi %iota3A, %add3A_305 : vector<16xi32>
    %and3A_307 = arith.constant 15 : i32
    %and3A_308 = vector.broadcast %and3A_307 : i32 to vector<16xi32>
    %and3A_309 = arith.andi %add3A_306, %and3A_308 : vector<16xi32>
    %lt3A_310 = arith.constant 0 : i32
    %lt3A_311 = vector.broadcast %lt3A_310 : i32 to vector<16xi32>
    %lt3A_312 = arith.cmpi slt, %and3A_309, %lt3A_311 : vector<16xi32>
    %add3A_313 = arith.constant 16 : i32
    %add3A_314 = vector.broadcast %add3A_313 : i32 to vector<16xi32>
    %add3A_315 = arith.addi %and3A_309, %add3A_314 : vector<16xi32>
    %select_n3A_316 = arith.select %lt3A_312, %add3A_315, %and3A_309 : vector<16xi1>, vector<16xi32>
    %broadcast_in_dim3A_317 = vector.shape_cast %select_n3A_316 : vector<16xi32> to vector<16x1xi32>
    %gather3A_318 = vector.shape_cast %broadcast_in_dim3A_317 : vector<16x1xi32> to vector<16xi32>
    %gather3A_319 = tpu.dynamic_gather %max3A_303[%gather3A_318] in [0] : vector<16xf32>, vector<16xi32> -> vector<16xf32>
    %max3A_320 = arith.maximumf %max3A_303, %gather3A_319 : vector<16xf32>
    %add3A_321 = arith.constant 4 : i32
    %add3A_322 = vector.broadcast %add3A_321 : i32 to vector<16xi32>
    %add3A_323 = arith.addi %iota3A, %add3A_322 : vector<16xi32>
    %and3A_324 = arith.constant 15 : i32
    %and3A_325 = vector.broadcast %and3A_324 : i32 to vector<16xi32>
    %and3A_326 = arith.andi %add3A_323, %and3A_325 : vector<16xi32>
    %lt3A_327 = arith.constant 0 : i32
    %lt3A_328 = vector.broadcast %lt3A_327 : i32 to vector<16xi32>
    %lt3A_329 = arith.cmpi slt, %and3A_326, %lt3A_328 : vector<16xi32>
    %add3A_330 = arith.constant 16 : i32
    %add3A_331 = vector.broadcast %add3A_330 : i32 to vector<16xi32>
    %add3A_332 = arith.addi %and3A_326, %add3A_331 : vector<16xi32>
    %select_n3A_333 = arith.select %lt3A_329, %add3A_332, %and3A_326 : vector<16xi1>, vector<16xi32>
    %broadcast_in_dim3A_334 = vector.shape_cast %select_n3A_333 : vector<16xi32> to vector<16x1xi32>
    %gather3A_335 = vector.shape_cast %broadcast_in_dim3A_334 : vector<16x1xi32> to vector<16xi32>
    %gather3A_336 = tpu.dynamic_gather %max3A_320[%gather3A_335] in [0] : vector<16xf32>, vector<16xi32> -> vector<16xf32>
    %max3A_337 = arith.maximumf %max3A_320, %gather3A_336 : vector<16xf32>
    %add3A_338 = arith.constant 8 : i32
    %add3A_339 = vector.broadcast %add3A_338 : i32 to vector<16xi32>
    %add3A_340 = arith.addi %iota3A, %add3A_339 : vector<16xi32>
    %and3A_341 = arith.constant 15 : i32
    %and3A_342 = vector.broadcast %and3A_341 : i32 to vector<16xi32>
    %and3A_343 = arith.andi %add3A_340, %and3A_342 : vector<16xi32>
    %lt3A_344 = arith.constant 0 : i32
    %lt3A_345 = vector.broadcast %lt3A_344 : i32 to vector<16xi32>
    %lt3A_346 = arith.cmpi slt, %and3A_343, %lt3A_345 : vector<16xi32>
    %add3A_347 = arith.constant 16 : i32
    %add3A_348 = vector.broadcast %add3A_347 : i32 to vector<16xi32>
    %add3A_349 = arith.addi %and3A_343, %add3A_348 : vector<16xi32>
    %select_n3A_350 = arith.select %lt3A_346, %add3A_349, %and3A_343 : vector<16xi1>, vector<16xi32>
    %broadcast_in_dim3A_351 = vector.shape_cast %select_n3A_350 : vector<16xi32> to vector<16x1xi32>
    %gather3A_352 = vector.shape_cast %broadcast_in_dim3A_351 : vector<16x1xi32> to vector<16xi32>
    %gather3A_353 = tpu.dynamic_gather %max3A_337[%gather3A_352] in [0] : vector<16xf32>, vector<16xi32> -> vector<16xf32>
    %max3A_354 = arith.maximumf %max3A_337, %gather3A_353 : vector<16xf32>
    %eq3A_355 = arith.cmpf oeq, %select_n3A_286, %max3A_354 : vector<16xf32>
    %all_reduce_ffs3A_356 = tpu.all_reduce %eq3A_355 {dim = 0 : i64, kind = #tpu.reduction_kind<find_first_set>} : vector<16xi1> -> vector<16xi32>
    %eq3A_357 = arith.constant 3 : i32
    %eq3A_358 = vector.broadcast %eq3A_357 : i32 to vector<16xi32>
    %eq3A_359 = arith.cmpi eq, %iota3A, %eq3A_358 : vector<16xi32>
    %sub3A_360 = arith.constant 8 : i32
    %sub3A_361 = vector.broadcast %sub3A_360 : i32 to vector<16xi32>
    %sub3A_362 = arith.subi %all_reduce_ffs3A_356, %sub3A_361 : vector<16xi32>
    %select_n3A_363 = arith.select %eq3A_359, %sub3A_362, %select_n3A_282 : vector<16xi1>, vector<16xi32>
    %eq3A_364 = arith.cmpi eq, %iota3A, %all_reduce_ffs3A_356 : vector<16xi32>
    %jit3A_365 = arith.constant 0xFF800000 : f32
    %broadcast_in_dim3A_366 = vector.broadcast %jit3A_365 : f32 to vector<16xf32>
    %select_n3A_367 = arith.select %eq3A_364, %broadcast_in_dim3A_366, %select_n3A_286 : vector<16xi1>, vector<16xf32>
    %eq3A_368 = arith.constant 0 : i32
    %eq3A_369 = arith.cmpi eq, %add3A, %eq3A_368 : i32
    %convert_element_type3A = arith.extui %eq3A_369 : i1 to i32
    %cond3A = arith.constant 0 : i32
    %cond3A_370 = arith.cmpi ne, %convert_element_type3A, %cond3A : i32
    scf.if %cond3A_370 {
      %jit3A_1076 = arith.constant 0 : i32
      %broadcast_in_dim3A_1077 = vector.broadcast %jit3A_1076 : i32 to vector<16xi32>
      %select_n3A_1078 = arith.select %lt3A_37, %select_n3A_363, %broadcast_in_dim3A_1077 : vector<16xi1>, vector<16xi32>
      %swap3A = arith.constant 0 : index
      %swap3A_1079 = tpu.vector_load %arg19[%swap3A] {strides = array<i32>} : memref<16xi32, #tpu.memory_space<vmem>>, vector<16xi32>,
      tpu.vector_store %arg19[%swap3A], %select_n3A_1078 {strides = array<i32>} : memref<16xi32, #tpu.memory_space<vmem>>, vector<16xi32>,
      %add3A_1080 = arith.constant 8 : i32
      %add3A_1081 = vector.broadcast %add3A_1080 : i32 to vector<16xi32>
      %add3A_1082 = arith.addi %add3A_1081, %select_n3A_363 : vector<16xi32>
      %lt3A_1083 = arith.constant 0 : i32
      %lt3A_1084 = vector.broadcast %lt3A_1083 : i32 to vector<16xi32>
      %lt3A_1085 = arith.cmpi slt, %add3A_1082, %lt3A_1084 : vector<16xi32>
      %add3A_1086 = arith.constant 16 : i32
      %add3A_1087 = vector.broadcast %add3A_1086 : i32 to vector<16xi32>
      %add3A_1088 = arith.addi %add3A_1082, %add3A_1087 : vector<16xi32>
      %select_n3A_1089 = arith.select %lt3A_1085, %add3A_1088, %add3A_1082 : vector<16xi1>, vector<16xi32>
      %broadcast_in_dim3A_1090 = vector.shape_cast %select_n3A_1089 : vector<16xi32> to vector<16x1xi32>
      %gather3A_1091 = vector.shape_cast %broadcast_in_dim3A_1090 : vector<16x1xi32> to vector<16xi32>
      %gather3A_1092 = tpu.dynamic_gather %get3A_39[%gather3A_1091] in [0] : vector<16xf32>, vector<16xi32> -> vector<16xf32>
      %jit3A_1093 = arith.constant 0.000000e+00 : f32
      %broadcast_in_dim3A_1094 = vector.broadcast %jit3A_1093 : f32 to vector<16xf32>
      %select_n3A_1095 = arith.select %lt3A_37, %gather3A_1092, %broadcast_in_dim3A_1094 : vector<16xi1>, vector<16xf32>
      %swap3A_1096 = arith.constant 0 : index
      %swap3A_1097 = tpu.vector_load %arg20[%swap3A_1096] {strides = array<i32>} : memref<16xf32, #tpu.memory_space<vmem>>, vector<16xf32>,
      tpu.vector_store %arg20[%swap3A_1096], %select_n3A_1095 {strides = array<i32>} : memref<16xf32, #tpu.memory_space<vmem>>, vector<16xf32>,
      "tpu.region"() ({
        %run_scoped3A = tpu.sem_alloc : memref<!tpu.dma_semaphore, #tpu.memory_space<semaphore_mem>>
        tpu.enqueue_dma source(%arg19 : memref<16xi32, #tpu.memory_space<vmem>>) target(%arg6 : memref<16xi32, #tpu.memory_space<hbm>>) target_semaphore(%run_scoped3A : memref<!tpu.dma_semaphore, #tpu.memory_space<semaphore_mem>>)
        tpu.wait_dma2 semaphore(%run_scoped3A : memref<!tpu.dma_semaphore, #tpu.memory_space<semaphore_mem>>) src(%arg19 : memref<16xi32, #tpu.memory_space<vmem>>) dst(%arg6 : memref<16xi32, #tpu.memory_space<hbm>>)
        tpu.yield
      }) : () -> ()
      "tpu.region"() ({
        %run_scoped3A = tpu.sem_alloc : memref<!tpu.dma_semaphore, #tpu.memory_space<semaphore_mem>>
        tpu.enqueue_dma source(%arg20 : memref<16xf32, #tpu.memory_space<vmem>>) target(%arg7 : memref<16xf32, #tpu.memory_space<hbm>>) target_semaphore(%run_scoped3A : memref<!tpu.dma_semaphore, #tpu.memory_space<semaphore_mem>>)
        tpu.wait_dma2 semaphore(%run_scoped3A : memref<!tpu.dma_semaphore, #tpu.memory_space<semaphore_mem>>) src(%arg20 : memref<16xf32, #tpu.memory_space<vmem>>) dst(%arg7 : memref<16xf32, #tpu.memory_space<hbm>>)
        tpu.yield
      }) : () -> ()
    } else {
    }
    %eq3A_371 = vector.broadcast %select_n3A : i32 to vector<16xi32>
    %eq3A_372 = arith.cmpi eq, %iota3A, %eq3A_371 : vector<16xi32>
    %eq3A_373 = arith.constant 0 : i32
    %eq3A_374 = arith.cmpi eq, %select_n3A_32, %eq3A_373 : i32
    %and3A_375 = vector.broadcast %eq3A_374 : i1 to vector<16xi1>
    %and3A_376 = arith.andi %eq3A_372, %and3A_375 : vector<16xi1>
    %add3A_377 = arith.constant 255 : i32
    %add3A_378 = vector.broadcast %add3A_377 : i32 to vector<16xi32>
    %add3A_379 = arith.addi %broadcast_in_dim3A_38, %add3A_378 : vector<16xi32>
    %eq3A_380 = arith.constant 0 : i32
    %eq3A_381 = vector.broadcast %eq3A_380 : i32 to vector<16xi32>
    %eq3A_382 = arith.cmpi eq, %iota3A, %eq3A_381 : vector<16xi32>
    %eq3A_383 = arith.constant 7 : i32
    %eq3A_384 = arith.cmpi eq, %select_n3A_32, %eq3A_383 : i32
    %and3A_385 = vector.broadcast %eq3A_384 : i1 to vector<16xi1>
    %and3A_386 = arith.andi %eq3A_382, %and3A_385 : vector<16xi1>
    tpu.vector_store_idx %arg13[%add3A_379], %broadcast_in_dim3A_38 masked %and3A_386 : memref<256xi32, #tpu.memory_space<vmem>>[vector<16xi32>], vector<16xi32>, vector<16xi1>
    %add3A_387 = arith.constant 2047 : i32
    %add3A_388 = vector.broadcast %add3A_387 : i32 to vector<16xi32>
    %add3A_389 = arith.addi %broadcast_in_dim3A_38, %add3A_388 : vector<16xi32>
    tpu.vector_store_idx %arg14[%add3A_389], %broadcast_in_dim3A_38 masked %and3A_376 : memref<2048xi32, #tpu.memory_space<vmem>>[vector<16xi32>], vector<16xi32>, vector<16xi1>
    %eq3A_390 = arith.constant 0 : i32
    %eq3A_391 = arith.cmpi eq, %select_n3A_32, %eq3A_390 : i32
    %convert_element_type3A_392 = arith.extui %eq3A_391 : i1 to i32
    %cond3A_393 = arith.constant 0 : i32
    %cond3A_394 = arith.cmpi ne, %convert_element_type3A_392, %cond3A_393 : i32
    scf.if %cond3A_394 {
      "tpu.region"() ({
        %run_scoped3A = tpu.sem_alloc : memref<!tpu.dma_semaphore, #tpu.memory_space<semaphore_mem>>
        tpu.enqueue_dma source(%arg4 : memref<16384xi32, #tpu.memory_space<hbm>>) target(%arg15 : memref<16384xi32, #tpu.memory_space<vmem>>) target_semaphore(%run_scoped3A : memref<!tpu.dma_semaphore, #tpu.memory_space<semaphore_mem>>)
        tpu.wait_dma2 semaphore(%run_scoped3A : memref<!tpu.dma_semaphore, #tpu.memory_space<semaphore_mem>>) src(%arg4 : memref<16384xi32, #tpu.memory_space<hbm>>) dst(%arg15 : memref<16384xi32, #tpu.memory_space<vmem>>)
        tpu.yield
      }) : () -> ()
      "tpu.region"() ({
        %run_scoped3A = tpu.sem_alloc : memref<!tpu.dma_semaphore, #tpu.memory_space<semaphore_mem>>
        tpu.enqueue_dma source(%arg5 : memref<16384xf32, #tpu.memory_space<hbm>>) target(%arg16 : memref<16384xf32, #tpu.memory_space<vmem>>) target_semaphore(%run_scoped3A : memref<!tpu.dma_semaphore, #tpu.memory_space<semaphore_mem>>)
        tpu.wait_dma2 semaphore(%run_scoped3A : memref<!tpu.dma_semaphore, #tpu.memory_space<semaphore_mem>>) src(%arg5 : memref<16384xf32, #tpu.memory_space<hbm>>) dst(%arg16 : memref<16384xf32, #tpu.memory_space<vmem>>)
        tpu.yield
      }) : () -> ()
    } else {
    }
    %sub3A_395 = arith.constant 2047 : i32
    %sub3A_396 = arith.subi %sub3A_395, %mul3A_34 : i32
    %add3A_397 = arith.constant 7 : i32
    %add3A_398 = arith.addi %sub3A_396, %add3A_397 : i32
    %jit3A_399 = arith.constant 8 : i32
    %div3A_400 = arith.divsi %add3A_398, %jit3A_399 : i32
    %sign3A_401 = arith.constant 0 : i32
    %sign3A_402 = arith.cmpi sgt, %add3A_398, %sign3A_401 : i32
    %sign3A_403 = arith.extui %sign3A_402 : i1 to i32
    %sign3A_404 = arith.constant 0 : i32
    %sign3A_405 = arith.cmpi slt, %add3A_398, %sign3A_404 : i32
    %sign3A_406 = arith.extui %sign3A_405 : i1 to i32
    %sign3A_407 = arith.subi %sign3A_403, %sign3A_406 : i32
    %sign3A_408 = arith.constant 0 : i32
    %sign3A_409 = arith.cmpi sgt, %jit3A_399, %sign3A_408 : i32
    %sign3A_410 = arith.extui %sign3A_409 : i1 to i32
    %sign3A_411 = arith.constant 0 : i32
    %sign3A_412 = arith.cmpi slt, %jit3A_399, %sign3A_411 : i32
    %sign3A_413 = arith.extui %sign3A_412 : i1 to i32
    %sign3A_414 = arith.subi %sign3A_410, %sign3A_413 : i32
    %ne3A_415 = arith.cmpi ne, %sign3A_407, %sign3A_414 : i32
    %rem3A_416 = arith.remsi %add3A_398, %jit3A_399 : i32
    %ne3A_417 = arith.constant 0 : i32
    %ne3A_418 = arith.cmpi ne, %rem3A_416, %ne3A_417 : i32
    %and3A_419 = arith.andi %ne3A_415, %ne3A_418 : i1
    %sub3A_420 = arith.constant 1 : i32
    %sub3A_421 = arith.subi %div3A_400, %sub3A_420 : i32
    %select_n3A_422 = arith.select %and3A_419, %sub3A_421, %div3A_400 : i32
    %while3A = arith.constant 0 : i32
    %while3A_423 = arith.subi %select_n3A_422, %while3A : i32
    %while3A_424 = arith.addi %while3A, %while3A_423 : i32
    %while3A_425 = arith.constant 1 : i32
    %while3A_426 = arith.divsi %while3A_423, %while3A_425 : i32
    %while3A_427 = arith.muli %while3A_426, %while3A_425 : i32
    %while3A_428 = arith.addi %while3A, %while3A_427 : i32
    %while3A_429 = arith.constant 1 : i32
    %while3A_430 = scf.for %while3A_1076 = %while3A to %while3A_428 step %while3A_429 iter_args(%while3A_1077 = %select_n3A_363) -> (vector<16xi32>)  : i32 {
      %mul3A_1078 = arith.constant 8 : i32
      %mul3A_1079 = arith.muli %while3A_1076, %mul3A_1078 : i32
      %sub3A_1080 = arith.constant 2047 : i32
      %sub3A_1081 = arith.subi %sub3A_1080, %mul3A_1079 : i32
      %sub3A_1082 = arith.constant 0 : i32
      %sub3A_1083 = arith.subi %sub3A_1081, %sub3A_1082 : i32
      %mul3A_1084 = arith.constant 8 : i32
      %mul3A_1085 = arith.muli %sub3A_1083, %mul3A_1084 : i32
      %add3A_1086 = vector.broadcast %mul3A_1085 : i32 to vector<16xi32>
      %add3A_1087 = arith.addi %add3A_1086, %while3A_1077 : vector<16xi32>
      %sub3A_1088 = arith.constant 1 : i32
      %sub3A_1089 = arith.subi %sub3A_1083, %sub3A_1088 : i32
      %ge3A_1090 = arith.cmpi sge, %sub3A_1089, %mul3A_34 : i32
      %sub3A_1091 = arith.constant 1 : i32
      %sub3A_1092 = arith.subi %sub3A_1083, %sub3A_1091 : i32
      %add3A_1093 = arith.constant 256 : i32
      %add3A_1094 = arith.addi %mul3A_34, %add3A_1093 : i32
      %lt3A_1095 = arith.cmpi slt, %sub3A_1092, %add3A_1094 : i32
      %and3A_1096 = arith.andi %ge3A_1090, %lt3A_1095 : i1
      %sub3A_1097 = arith.constant 1 : i32
      %sub3A_1098 = arith.subi %sub3A_1083, %sub3A_1097 : i32
      %sub3A_1099 = arith.subi %sub3A_1098, %mul3A_34 : i32
      %and3A_1100 = arith.constant 255 : i32
      %and3A_1101 = arith.andi %sub3A_1099, %and3A_1100 : i32
      %add3A_1102 = vector.broadcast %and3A_1101 : i32 to vector<16xi32>
      %add3A_1103 = arith.addi %broadcast_in_dim3A_38, %add3A_1102 : vector<16xi32>
      %and3A_1104 = vector.broadcast %and3A_1096 : i1 to vector<16xi1>
      %and3A_1105 = arith.andi %eq3A_372, %and3A_1104 : vector<16xi1>
      tpu.vector_store_idx %arg13[%add3A_1103], %add3A_1087 masked %and3A_1105 : memref<256xi32, #tpu.memory_space<vmem>>[vector<16xi32>], vector<16xi32>, vector<16xi1>
      %sub3A_1106 = arith.constant 1 : i32
      %sub3A_1107 = arith.subi %sub3A_1083, %sub3A_1106 : i32
      %and3A_1108 = arith.constant 2047 : i32
      %and3A_1109 = arith.andi %sub3A_1107, %and3A_1108 : i32
      %add3A_1110 = vector.broadcast %and3A_1109 : i32 to vector<16xi32>
      %add3A_1111 = arith.addi %broadcast_in_dim3A_38, %add3A_1110 : vector<16xi32>
      %ge3A_1112 = arith.constant 1 : i32
      %ge3A_1113 = arith.cmpi sge, %sub3A_1083, %ge3A_1112 : i32
      %and3A_1114 = vector.broadcast %ge3A_1113 : i1 to vector<16xi1>
      %and3A_1115 = arith.andi %and3A_376, %and3A_1114 : vector<16xi1>
      tpu.vector_store_idx %arg14[%add3A_1111], %add3A_1087 masked %and3A_1115 : memref<2048xi32, #tpu.memory_space<vmem>>[vector<16xi32>], vector<16xi32>, vector<16xi1>
      %gather3A_1116 = tpu.vector_load_idx %arg11[%add3A_1087] : memref<16384xi32, #tpu.memory_space<vmem>>[vector<16xi32>], vector<16xi32>,
      %sub3A_1117 = arith.constant 1 : i32
      %sub3A_1118 = arith.subi %sub3A_1081, %sub3A_1117 : i32
      %mul3A_1119 = arith.constant 8 : i32
      %mul3A_1120 = arith.muli %sub3A_1118, %mul3A_1119 : i32
      %add3A_1121 = vector.broadcast %mul3A_1120 : i32 to vector<16xi32>
      %add3A_1122 = arith.addi %add3A_1121, %gather3A_1116 : vector<16xi32>
      %sub3A_1123 = arith.constant 1 : i32
      %sub3A_1124 = arith.subi %sub3A_1118, %sub3A_1123 : i32
      %ge3A_1125 = arith.cmpi sge, %sub3A_1124, %mul3A_34 : i32
      %sub3A_1126 = arith.constant 1 : i32
      %sub3A_1127 = arith.subi %sub3A_1118, %sub3A_1126 : i32
      %add3A_1128 = arith.constant 256 : i32
      %add3A_1129 = arith.addi %mul3A_34, %add3A_1128 : i32
      %lt3A_1130 = arith.cmpi slt, %sub3A_1127, %add3A_1129 : i32
      %and3A_1131 = arith.andi %ge3A_1125, %lt3A_1130 : i1
      %sub3A_1132 = arith.constant 1 : i32
      %sub3A_1133 = arith.subi %sub3A_1118, %sub3A_1132 : i32
      %sub3A_1134 = arith.subi %sub3A_1133, %mul3A_34 : i32
      %and3A_1135 = arith.constant 255 : i32
      %and3A_1136 = arith.andi %sub3A_1134, %and3A_1135 : i32
      %add3A_1137 = vector.broadcast %and3A_1136 : i32 to vector<16xi32>
      %add3A_1138 = arith.addi %broadcast_in_dim3A_38, %add3A_1137 : vector<16xi32>
      %and3A_1139 = vector.broadcast %and3A_1131 : i1 to vector<16xi1>
      %and3A_1140 = arith.andi %eq3A_372, %and3A_1139 : vector<16xi1>
      tpu.vector_store_idx %arg13[%add3A_1138], %add3A_1122 masked %and3A_1140 : memref<256xi32, #tpu.memory_space<vmem>>[vector<16xi32>], vector<16xi32>, vector<16xi1>
      %sub3A_1141 = arith.constant 1 : i32
      %sub3A_1142 = arith.subi %sub3A_1118, %sub3A_1141 : i32
      %and3A_1143 = arith.constant 2047 : i32
      %and3A_1144 = arith.andi %sub3A_1142, %and3A_1143 : i32
      %add3A_1145 = vector.broadcast %and3A_1144 : i32 to vector<16xi32>
      %add3A_1146 = arith.addi %broadcast_in_dim3A_38, %add3A_1145 : vector<16xi32>
      %ge3A_1147 = arith.constant 1 : i32
      %ge3A_1148 = arith.cmpi sge, %sub3A_1118, %ge3A_1147 : i32
      %and3A_1149 = vector.broadcast %ge3A_1148 : i1 to vector<16xi1>
      %and3A_1150 = arith.andi %and3A_376, %and3A_1149 : vector<16xi1>
      tpu.vector_store_idx %arg14[%add3A_1146], %add3A_1122 masked %and3A_1150 : memref<2048xi32, #tpu.memory_space<vmem>>[vector<16xi32>], vector<16xi32>, vector<16xi1>
      %gather3A_1151 = tpu.vector_load_idx %arg11[%add3A_1122] : memref<16384xi32, #tpu.memory_space<vmem>>[vector<16xi32>], vector<16xi32>,
      %sub3A_1152 = arith.constant 2 : i32
      %sub3A_1153 = arith.subi %sub3A_1081, %sub3A_1152 : i32
      %mul3A_1154 = arith.constant 8 : i32
      %mul3A_1155 = arith.muli %sub3A_1153, %mul3A_1154 : i32
      %add3A_1156 = vector.broadcast %mul3A_1155 : i32 to vector<16xi32>
      %add3A_1157 = arith.addi %add3A_1156, %gather3A_1151 : vector<16xi32>
      %sub3A_1158 = arith.constant 1 : i32
      %sub3A_1159 = arith.subi %sub3A_1153, %sub3A_1158 : i32
      %ge3A_1160 = arith.cmpi sge, %sub3A_1159, %mul3A_34 : i32
      %sub3A_1161 = arith.constant 1 : i32
      %sub3A_1162 = arith.subi %sub3A_1153, %sub3A_1161 : i32
      %add3A_1163 = arith.constant 256 : i32
      %add3A_1164 = arith.addi %mul3A_34, %add3A_1163 : i32
      %lt3A_1165 = arith.cmpi slt, %sub3A_1162, %add3A_1164 : i32
      %and3A_1166 = arith.andi %ge3A_1160, %lt3A_1165 : i1
      %sub3A_1167 = arith.constant 1 : i32
      %sub3A_1168 = arith.subi %sub3A_1153, %sub3A_1167 : i32
      %sub3A_1169 = arith.subi %sub3A_1168, %mul3A_34 : i32
      %and3A_1170 = arith.constant 255 : i32
      %and3A_1171 = arith.andi %sub3A_1169, %and3A_1170 : i32
      %add3A_1172 = vector.broadcast %and3A_1171 : i32 to vector<16xi32>
      %add3A_1173 = arith.addi %broadcast_in_dim3A_38, %add3A_1172 : vector<16xi32>
      %and3A_1174 = vector.broadcast %and3A_1166 : i1 to vector<16xi1>
      %and3A_1175 = arith.andi %eq3A_372, %and3A_1174 : vector<16xi1>
      tpu.vector_store_idx %arg13[%add3A_1173], %add3A_1157 masked %and3A_1175 : memref<256xi32, #tpu.memory_space<vmem>>[vector<16xi32>], vector<16xi32>, vector<16xi1>
      %sub3A_1176 = arith.constant 1 : i32
      %sub3A_1177 = arith.subi %sub3A_1153, %sub3A_1176 : i32
      %and3A_1178 = arith.constant 2047 : i32
      %and3A_1179 = arith.andi %sub3A_1177, %and3A_1178 : i32
      %add3A_1180 = vector.broadcast %and3A_1179 : i32 to vector<16xi32>
      %add3A_1181 = arith.addi %broadcast_in_dim3A_38, %add3A_1180 : vector<16xi32>
      %ge3A_1182 = arith.constant 1 : i32
      %ge3A_1183 = arith.cmpi sge, %sub3A_1153, %ge3A_1182 : i32
      %and3A_1184 = vector.broadcast %ge3A_1183 : i1 to vector<16xi1>
      %and3A_1185 = arith.andi %and3A_376, %and3A_1184 : vector<16xi1>
      tpu.vector_store_idx %arg14[%add3A_1181], %add3A_1157 masked %and3A_1185 : memref<2048xi32, #tpu.memory_space<vmem>>[vector<16xi32>], vector<16xi32>, vector<16xi1>
      %gather3A_1186 = tpu.vector_load_idx %arg11[%add3A_1157] : memref<16384xi32, #tpu.memory_space<vmem>>[vector<16xi32>], vector<16xi32>,
      %sub3A_1187 = arith.constant 3 : i32
      %sub3A_1188 = arith.subi %sub3A_1081, %sub3A_1187 : i32
      %mul3A_1189 = arith.constant 8 : i32
      %mul3A_1190 = arith.muli %sub3A_1188, %mul3A_1189 : i32
      %add3A_1191 = vector.broadcast %mul3A_1190 : i32 to vector<16xi32>
      %add3A_1192 = arith.addi %add3A_1191, %gather3A_1186 : vector<16xi32>
      %sub3A_1193 = arith.constant 1 : i32
      %sub3A_1194 = arith.subi %sub3A_1188, %sub3A_1193 : i32
      %ge3A_1195 = arith.cmpi sge, %sub3A_1194, %mul3A_34 : i32
      %sub3A_1196 = arith.constant 1 : i32
      %sub3A_1197 = arith.subi %sub3A_1188, %sub3A_1196 : i32
      %add3A_1198 = arith.constant 256 : i32
      %add3A_1199 = arith.addi %mul3A_34, %add3A_1198 : i32
      %lt3A_1200 = arith.cmpi slt, %sub3A_1197, %add3A_1199 : i32
      %and3A_1201 = arith.andi %ge3A_1195, %lt3A_1200 : i1
      %sub3A_1202 = arith.constant 1 : i32
      %sub3A_1203 = arith.subi %sub3A_1188, %sub3A_1202 : i32
      %sub3A_1204 = arith.subi %sub3A_1203, %mul3A_34 : i32
      %and3A_1205 = arith.constant 255 : i32
      %and3A_1206 = arith.andi %sub3A_1204, %and3A_1205 : i32
      %add3A_1207 = vector.broadcast %and3A_1206 : i32 to vector<16xi32>
      %add3A_1208 = arith.addi %broadcast_in_dim3A_38, %add3A_1207 : vector<16xi32>
      %and3A_1209 = vector.broadcast %and3A_1201 : i1 to vector<16xi1>
      %and3A_1210 = arith.andi %eq3A_372, %and3A_1209 : vector<16xi1>
      tpu.vector_store_idx %arg13[%add3A_1208], %add3A_1192 masked %and3A_1210 : memref<256xi32, #tpu.memory_space<vmem>>[vector<16xi32>], vector<16xi32>, vector<16xi1>
      %sub3A_1211 = arith.constant 1 : i32
      %sub3A_1212 = arith.subi %sub3A_1188, %sub3A_1211 : i32
      %and3A_1213 = arith.constant 2047 : i32
      %and3A_1214 = arith.andi %sub3A_1212, %and3A_1213 : i32
      %add3A_1215 = vector.broadcast %and3A_1214 : i32 to vector<16xi32>
      %add3A_1216 = arith.addi %broadcast_in_dim3A_38, %add3A_1215 : vector<16xi32>
      %ge3A_1217 = arith.constant 1 : i32
      %ge3A_1218 = arith.cmpi sge, %sub3A_1188, %ge3A_1217 : i32
      %and3A_1219 = vector.broadcast %ge3A_1218 : i1 to vector<16xi1>
      %and3A_1220 = arith.andi %and3A_376, %and3A_1219 : vector<16xi1>
      tpu.vector_store_idx %arg14[%add3A_1216], %add3A_1192 masked %and3A_1220 : memref<2048xi32, #tpu.memory_space<vmem>>[vector<16xi32>], vector<16xi32>, vector<16xi1>
      %gather3A_1221 = tpu.vector_load_idx %arg11[%add3A_1192] : memref<16384xi32, #tpu.memory_space<vmem>>[vector<16xi32>], vector<16xi32>,
      %sub3A_1222 = arith.constant 4 : i32
      %sub3A_1223 = arith.subi %sub3A_1081, %sub3A_1222 : i32
      %mul3A_1224 = arith.constant 8 : i32
      %mul3A_1225 = arith.muli %sub3A_1223, %mul3A_1224 : i32
      %add3A_1226 = vector.broadcast %mul3A_1225 : i32 to vector<16xi32>
      %add3A_1227 = arith.addi %add3A_1226, %gather3A_1221 : vector<16xi32>
      %sub3A_1228 = arith.constant 1 : i32
      %sub3A_1229 = arith.subi %sub3A_1223, %sub3A_1228 : i32
      %ge3A_1230 = arith.cmpi sge, %sub3A_1229, %mul3A_34 : i32
      %sub3A_1231 = arith.constant 1 : i32
      %sub3A_1232 = arith.subi %sub3A_1223, %sub3A_1231 : i32
      %add3A_1233 = arith.constant 256 : i32
      %add3A_1234 = arith.addi %mul3A_34, %add3A_1233 : i32
      %lt3A_1235 = arith.cmpi slt, %sub3A_1232, %add3A_1234 : i32
      %and3A_1236 = arith.andi %ge3A_1230, %lt3A_1235 : i1
      %sub3A_1237 = arith.constant 1 : i32
      %sub3A_1238 = arith.subi %sub3A_1223, %sub3A_1237 : i32
      %sub3A_1239 = arith.subi %sub3A_1238, %mul3A_34 : i32
      %and3A_1240 = arith.constant 255 : i32
      %and3A_1241 = arith.andi %sub3A_1239, %and3A_1240 : i32
      %add3A_1242 = vector.broadcast %and3A_1241 : i32 to vector<16xi32>
      %add3A_1243 = arith.addi %broadcast_in_dim3A_38, %add3A_1242 : vector<16xi32>
      %and3A_1244 = vector.broadcast %and3A_1236 : i1 to vector<16xi1>
      %and3A_1245 = arith.andi %eq3A_372, %and3A_1244 : vector<16xi1>
      tpu.vector_store_idx %arg13[%add3A_1243], %add3A_1227 masked %and3A_1245 : memref<256xi32, #tpu.memory_space<vmem>>[vector<16xi32>], vector<16xi32>, vector<16xi1>
      %sub3A_1246 = arith.constant 1 : i32
      %sub3A_1247 = arith.subi %sub3A_1223, %sub3A_1246 : i32
      %and3A_1248 = arith.constant 2047 : i32
      %and3A_1249 = arith.andi %sub3A_1247, %and3A_1248 : i32
      %add3A_1250 = vector.broadcast %and3A_1249 : i32 to vector<16xi32>
      %add3A_1251 = arith.addi %broadcast_in_dim3A_38, %add3A_1250 : vector<16xi32>
      %ge3A_1252 = arith.constant 1 : i32
      %ge3A_1253 = arith.cmpi sge, %sub3A_1223, %ge3A_1252 : i32
      %and3A_1254 = vector.broadcast %ge3A_1253 : i1 to vector<16xi1>
      %and3A_1255 = arith.andi %and3A_376, %and3A_1254 : vector<16xi1>
      tpu.vector_store_idx %arg14[%add3A_1251], %add3A_1227 masked %and3A_1255 : memref<2048xi32, #tpu.memory_space<vmem>>[vector<16xi32>], vector<16xi32>, vector<16xi1>
      %gather3A_1256 = tpu.vector_load_idx %arg11[%add3A_1227] : memref<16384xi32, #tpu.memory_space<vmem>>[vector<16xi32>], vector<16xi32>,
      %sub3A_1257 = arith.constant 5 : i32
      %sub3A_1258 = arith.subi %sub3A_1081, %sub3A_1257 : i32
      %mul3A_1259 = arith.constant 8 : i32
      %mul3A_1260 = arith.muli %sub3A_1258, %mul3A_1259 : i32
      %add3A_1261 = vector.broadcast %mul3A_1260 : i32 to vector<16xi32>
      %add3A_1262 = arith.addi %add3A_1261, %gather3A_1256 : vector<16xi32>
      %sub3A_1263 = arith.constant 1 : i32
      %sub3A_1264 = arith.subi %sub3A_1258, %sub3A_1263 : i32
      %ge3A_1265 = arith.cmpi sge, %sub3A_1264, %mul3A_34 : i32
      %sub3A_1266 = arith.constant 1 : i32
      %sub3A_1267 = arith.subi %sub3A_1258, %sub3A_1266 : i32
      %add3A_1268 = arith.constant 256 : i32
      %add3A_1269 = arith.addi %mul3A_34, %add3A_1268 : i32
      %lt3A_1270 = arith.cmpi slt, %sub3A_1267, %add3A_1269 : i32
      %and3A_1271 = arith.andi %ge3A_1265, %lt3A_1270 : i1
      %sub3A_1272 = arith.constant 1 : i32
      %sub3A_1273 = arith.subi %sub3A_1258, %sub3A_1272 : i32
      %sub3A_1274 = arith.subi %sub3A_1273, %mul3A_34 : i32
      %and3A_1275 = arith.constant 255 : i32
      %and3A_1276 = arith.andi %sub3A_1274, %and3A_1275 : i32
      %add3A_1277 = vector.broadcast %and3A_1276 : i32 to vector<16xi32>
      %add3A_1278 = arith.addi %broadcast_in_dim3A_38, %add3A_1277 : vector<16xi32>
      %and3A_1279 = vector.broadcast %and3A_1271 : i1 to vector<16xi1>
      %and3A_1280 = arith.andi %eq3A_372, %and3A_1279 : vector<16xi1>
      tpu.vector_store_idx %arg13[%add3A_1278], %add3A_1262 masked %and3A_1280 : memref<256xi32, #tpu.memory_space<vmem>>[vector<16xi32>], vector<16xi32>, vector<16xi1>
      %sub3A_1281 = arith.constant 1 : i32
      %sub3A_1282 = arith.subi %sub3A_1258, %sub3A_1281 : i32
      %and3A_1283 = arith.constant 2047 : i32
      %and3A_1284 = arith.andi %sub3A_1282, %and3A_1283 : i32
      %add3A_1285 = vector.broadcast %and3A_1284 : i32 to vector<16xi32>
      %add3A_1286 = arith.addi %broadcast_in_dim3A_38, %add3A_1285 : vector<16xi32>
      %ge3A_1287 = arith.constant 1 : i32
      %ge3A_1288 = arith.cmpi sge, %sub3A_1258, %ge3A_1287 : i32
      %and3A_1289 = vector.broadcast %ge3A_1288 : i1 to vector<16xi1>
      %and3A_1290 = arith.andi %and3A_376, %and3A_1289 : vector<16xi1>
      tpu.vector_store_idx %arg14[%add3A_1286], %add3A_1262 masked %and3A_1290 : memref<2048xi32, #tpu.memory_space<vmem>>[vector<16xi32>], vector<16xi32>, vector<16xi1>
      %gather3A_1291 = tpu.vector_load_idx %arg11[%add3A_1262] : memref<16384xi32, #tpu.memory_space<vmem>>[vector<16xi32>], vector<16xi32>,
      %sub3A_1292 = arith.constant 6 : i32
      %sub3A_1293 = arith.subi %sub3A_1081, %sub3A_1292 : i32
      %mul3A_1294 = arith.constant 8 : i32
      %mul3A_1295 = arith.muli %sub3A_1293, %mul3A_1294 : i32
      %add3A_1296 = vector.broadcast %mul3A_1295 : i32 to vector<16xi32>
      %add3A_1297 = arith.addi %add3A_1296, %gather3A_1291 : vector<16xi32>
      %sub3A_1298 = arith.constant 1 : i32
      %sub3A_1299 = arith.subi %sub3A_1293, %sub3A_1298 : i32
      %ge3A_1300 = arith.cmpi sge, %sub3A_1299, %mul3A_34 : i32
      %sub3A_1301 = arith.constant 1 : i32
      %sub3A_1302 = arith.subi %sub3A_1293, %sub3A_1301 : i32
      %add3A_1303 = arith.constant 256 : i32
      %add3A_1304 = arith.addi %mul3A_34, %add3A_1303 : i32
      %lt3A_1305 = arith.cmpi slt, %sub3A_1302, %add3A_1304 : i32
      %and3A_1306 = arith.andi %ge3A_1300, %lt3A_1305 : i1
      %sub3A_1307 = arith.constant 1 : i32
      %sub3A_1308 = arith.subi %sub3A_1293, %sub3A_1307 : i32
      %sub3A_1309 = arith.subi %sub3A_1308, %mul3A_34 : i32
      %and3A_1310 = arith.constant 255 : i32
      %and3A_1311 = arith.andi %sub3A_1309, %and3A_1310 : i32
      %add3A_1312 = vector.broadcast %and3A_1311 : i32 to vector<16xi32>
      %add3A_1313 = arith.addi %broadcast_in_dim3A_38, %add3A_1312 : vector<16xi32>
      %and3A_1314 = vector.broadcast %and3A_1306 : i1 to vector<16xi1>
      %and3A_1315 = arith.andi %eq3A_372, %and3A_1314 : vector<16xi1>
      tpu.vector_store_idx %arg13[%add3A_1313], %add3A_1297 masked %and3A_1315 : memref<256xi32, #tpu.memory_space<vmem>>[vector<16xi32>], vector<16xi32>, vector<16xi1>
      %sub3A_1316 = arith.constant 1 : i32
      %sub3A_1317 = arith.subi %sub3A_1293, %sub3A_1316 : i32
      %and3A_1318 = arith.constant 2047 : i32
      %and3A_1319 = arith.andi %sub3A_1317, %and3A_1318 : i32
      %add3A_1320 = vector.broadcast %and3A_1319 : i32 to vector<16xi32>
      %add3A_1321 = arith.addi %broadcast_in_dim3A_38, %add3A_1320 : vector<16xi32>
      %ge3A_1322 = arith.constant 1 : i32
      %ge3A_1323 = arith.cmpi sge, %sub3A_1293, %ge3A_1322 : i32
      %and3A_1324 = vector.broadcast %ge3A_1323 : i1 to vector<16xi1>
      %and3A_1325 = arith.andi %and3A_376, %and3A_1324 : vector<16xi1>
      tpu.vector_store_idx %arg14[%add3A_1321], %add3A_1297 masked %and3A_1325 : memref<2048xi32, #tpu.memory_space<vmem>>[vector<16xi32>], vector<16xi32>, vector<16xi1>
      %gather3A_1326 = tpu.vector_load_idx %arg11[%add3A_1297] : memref<16384xi32, #tpu.memory_space<vmem>>[vector<16xi32>], vector<16xi32>,
      %sub3A_1327 = arith.constant 7 : i32
      %sub3A_1328 = arith.subi %sub3A_1081, %sub3A_1327 : i32
      %mul3A_1329 = arith.constant 8 : i32
      %mul3A_1330 = arith.muli %sub3A_1328, %mul3A_1329 : i32
      %add3A_1331 = vector.broadcast %mul3A_1330 : i32 to vector<16xi32>
      %add3A_1332 = arith.addi %add3A_1331, %gather3A_1326 : vector<16xi32>
      %sub3A_1333 = arith.constant 1 : i32
      %sub3A_1334 = arith.subi %sub3A_1328, %sub3A_1333 : i32
      %ge3A_1335 = arith.cmpi sge, %sub3A_1334, %mul3A_34 : i32
      %sub3A_1336 = arith.constant 1 : i32
      %sub3A_1337 = arith.subi %sub3A_1328, %sub3A_1336 : i32
      %add3A_1338 = arith.constant 256 : i32
      %add3A_1339 = arith.addi %mul3A_34, %add3A_1338 : i32
      %lt3A_1340 = arith.cmpi slt, %sub3A_1337, %add3A_1339 : i32
      %and3A_1341 = arith.andi %ge3A_1335, %lt3A_1340 : i1
      %sub3A_1342 = arith.constant 1 : i32
      %sub3A_1343 = arith.subi %sub3A_1328, %sub3A_1342 : i32
      %sub3A_1344 = arith.subi %sub3A_1343, %mul3A_34 : i32
      %and3A_1345 = arith.constant 255 : i32
      %and3A_1346 = arith.andi %sub3A_1344, %and3A_1345 : i32
      %add3A_1347 = vector.broadcast %and3A_1346 : i32 to vector<16xi32>
      %add3A_1348 = arith.addi %broadcast_in_dim3A_38, %add3A_1347 : vector<16xi32>
      %and3A_1349 = vector.broadcast %and3A_1341 : i1 to vector<16xi1>
      %and3A_1350 = arith.andi %eq3A_372, %and3A_1349 : vector<16xi1>
      tpu.vector_store_idx %arg13[%add3A_1348], %add3A_1332 masked %and3A_1350 : memref<256xi32, #tpu.memory_space<vmem>>[vector<16xi32>], vector<16xi32>, vector<16xi1>
      %sub3A_1351 = arith.constant 1 : i32
      %sub3A_1352 = arith.subi %sub3A_1328, %sub3A_1351 : i32
      %and3A_1353 = arith.constant 2047 : i32
      %and3A_1354 = arith.andi %sub3A_1352, %and3A_1353 : i32
      %add3A_1355 = vector.broadcast %and3A_1354 : i32 to vector<16xi32>
      %add3A_1356 = arith.addi %broadcast_in_dim3A_38, %add3A_1355 : vector<16xi32>
      %ge3A_1357 = arith.constant 1 : i32
      %ge3A_1358 = arith.cmpi sge, %sub3A_1328, %ge3A_1357 : i32
      %and3A_1359 = vector.broadcast %ge3A_1358 : i1 to vector<16xi1>
      %and3A_1360 = arith.andi %and3A_376, %and3A_1359 : vector<16xi1>
      tpu.vector_store_idx %arg14[%add3A_1356], %add3A_1332 masked %and3A_1360 : memref<2048xi32, #tpu.memory_space<vmem>>[vector<16xi32>], vector<16xi32>, vector<16xi1>
      %gather3A_1361 = tpu.vector_load_idx %arg11[%add3A_1332] : memref<16384xi32, #tpu.memory_space<vmem>>[vector<16xi32>], vector<16xi32>,
      scf.yield %gather3A_1361 : vector<16xi32>
    }
    %while3A_431 = arith.constant 1 : i32
    %while3A_432 = scf.for %while3A_1076 = %while3A_428 to %while3A_424 step %while3A_431 iter_args(%while3A_1077 = %while3A_430) -> (vector<16xi32>)  : i32 {
      %mul3A_1078 = arith.constant 8 : i32
      %mul3A_1079 = arith.muli %while3A_1076, %mul3A_1078 : i32
      %sub3A_1080 = arith.constant 2047 : i32
      %sub3A_1081 = arith.subi %sub3A_1080, %mul3A_1079 : i32
      %sub3A_1082 = arith.constant 0 : i32
      %sub3A_1083 = arith.subi %sub3A_1081, %sub3A_1082 : i32
      %mul3A_1084 = arith.constant 8 : i32
      %mul3A_1085 = arith.muli %sub3A_1083, %mul3A_1084 : i32
      %add3A_1086 = vector.broadcast %mul3A_1085 : i32 to vector<16xi32>
      %add3A_1087 = arith.addi %add3A_1086, %while3A_1077 : vector<16xi32>
      %sub3A_1088 = arith.constant 1 : i32
      %sub3A_1089 = arith.subi %sub3A_1083, %sub3A_1088 : i32
      %ge3A_1090 = arith.cmpi sge, %sub3A_1089, %mul3A_34 : i32
      %sub3A_1091 = arith.constant 1 : i32
      %sub3A_1092 = arith.subi %sub3A_1083, %sub3A_1091 : i32
      %add3A_1093 = arith.constant 256 : i32
      %add3A_1094 = arith.addi %mul3A_34, %add3A_1093 : i32
      %lt3A_1095 = arith.cmpi slt, %sub3A_1092, %add3A_1094 : i32
      %and3A_1096 = arith.andi %ge3A_1090, %lt3A_1095 : i1
      %sub3A_1097 = arith.constant 1 : i32
      %sub3A_1098 = arith.subi %sub3A_1083, %sub3A_1097 : i32
      %sub3A_1099 = arith.subi %sub3A_1098, %mul3A_34 : i32
      %and3A_1100 = arith.constant 255 : i32
      %and3A_1101 = arith.andi %sub3A_1099, %and3A_1100 : i32
      %add3A_1102 = vector.broadcast %and3A_1101 : i32 to vector<16xi32>
      %add3A_1103 = arith.addi %broadcast_in_dim3A_38, %add3A_1102 : vector<16xi32>
      %and3A_1104 = vector.broadcast %and3A_1096 : i1 to vector<16xi1>
      %and3A_1105 = arith.andi %eq3A_372, %and3A_1104 : vector<16xi1>
      tpu.vector_store_idx %arg13[%add3A_1103], %add3A_1087 masked %and3A_1105 : memref<256xi32, #tpu.memory_space<vmem>>[vector<16xi32>], vector<16xi32>, vector<16xi1>
      %sub3A_1106 = arith.constant 1 : i32
      %sub3A_1107 = arith.subi %sub3A_1083, %sub3A_1106 : i32
      %and3A_1108 = arith.constant 2047 : i32
      %and3A_1109 = arith.andi %sub3A_1107, %and3A_1108 : i32
      %add3A_1110 = vector.broadcast %and3A_1109 : i32 to vector<16xi32>
      %add3A_1111 = arith.addi %broadcast_in_dim3A_38, %add3A_1110 : vector<16xi32>
      %ge3A_1112 = arith.constant 1 : i32
      %ge3A_1113 = arith.cmpi sge, %sub3A_1083, %ge3A_1112 : i32
      %and3A_1114 = vector.broadcast %ge3A_1113 : i1 to vector<16xi1>
      %and3A_1115 = arith.andi %and3A_376, %and3A_1114 : vector<16xi1>
      tpu.vector_store_idx %arg14[%add3A_1111], %add3A_1087 masked %and3A_1115 : memref<2048xi32, #tpu.memory_space<vmem>>[vector<16xi32>], vector<16xi32>, vector<16xi1>
      %gather3A_1116 = tpu.vector_load_idx %arg11[%add3A_1087] : memref<16384xi32, #tpu.memory_space<vmem>>[vector<16xi32>], vector<16xi32>,
      %sub3A_1117 = arith.constant 1 : i32
      %sub3A_1118 = arith.subi %sub3A_1081, %sub3A_1117 : i32
      %mul3A_1119 = arith.constant 8 : i32
      %mul3A_1120 = arith.muli %sub3A_1118, %mul3A_1119 : i32
      %add3A_1121 = vector.broadcast %mul3A_1120 : i32 to vector<16xi32>
      %add3A_1122 = arith.addi %add3A_1121, %gather3A_1116 : vector<16xi32>
      %sub3A_1123 = arith.constant 1 : i32
      %sub3A_1124 = arith.subi %sub3A_1118, %sub3A_1123 : i32
      %ge3A_1125 = arith.cmpi sge, %sub3A_1124, %mul3A_34 : i32
      %sub3A_1126 = arith.constant 1 : i32
      %sub3A_1127 = arith.subi %sub3A_1118, %sub3A_1126 : i32
      %add3A_1128 = arith.constant 256 : i32
      %add3A_1129 = arith.addi %mul3A_34, %add3A_1128 : i32
      %lt3A_1130 = arith.cmpi slt, %sub3A_1127, %add3A_1129 : i32
      %and3A_1131 = arith.andi %ge3A_1125, %lt3A_1130 : i1
      %sub3A_1132 = arith.constant 1 : i32
      %sub3A_1133 = arith.subi %sub3A_1118, %sub3A_1132 : i32
      %sub3A_1134 = arith.subi %sub3A_1133, %mul3A_34 : i32
      %and3A_1135 = arith.constant 255 : i32
      %and3A_1136 = arith.andi %sub3A_1134, %and3A_1135 : i32
      %add3A_1137 = vector.broadcast %and3A_1136 : i32 to vector<16xi32>
      %add3A_1138 = arith.addi %broadcast_in_dim3A_38, %add3A_1137 : vector<16xi32>
      %and3A_1139 = vector.broadcast %and3A_1131 : i1 to vector<16xi1>
      %and3A_1140 = arith.andi %eq3A_372, %and3A_1139 : vector<16xi1>
      tpu.vector_store_idx %arg13[%add3A_1138], %add3A_1122 masked %and3A_1140 : memref<256xi32, #tpu.memory_space<vmem>>[vector<16xi32>], vector<16xi32>, vector<16xi1>
      %sub3A_1141 = arith.constant 1 : i32
      %sub3A_1142 = arith.subi %sub3A_1118, %sub3A_1141 : i32
      %and3A_1143 = arith.constant 2047 : i32
      %and3A_1144 = arith.andi %sub3A_1142, %and3A_1143 : i32
      %add3A_1145 = vector.broadcast %and3A_1144 : i32 to vector<16xi32>
      %add3A_1146 = arith.addi %broadcast_in_dim3A_38, %add3A_1145 : vector<16xi32>
      %ge3A_1147 = arith.constant 1 : i32
      %ge3A_1148 = arith.cmpi sge, %sub3A_1118, %ge3A_1147 : i32
      %and3A_1149 = vector.broadcast %ge3A_1148 : i1 to vector<16xi1>
      %and3A_1150 = arith.andi %and3A_376, %and3A_1149 : vector<16xi1>
      tpu.vector_store_idx %arg14[%add3A_1146], %add3A_1122 masked %and3A_1150 : memref<2048xi32, #tpu.memory_space<vmem>>[vector<16xi32>], vector<16xi32>, vector<16xi1>
      %gather3A_1151 = tpu.vector_load_idx %arg11[%add3A_1122] : memref<16384xi32, #tpu.memory_space<vmem>>[vector<16xi32>], vector<16xi32>,
      %sub3A_1152 = arith.constant 2 : i32
      %sub3A_1153 = arith.subi %sub3A_1081, %sub3A_1152 : i32
      %mul3A_1154 = arith.constant 8 : i32
      %mul3A_1155 = arith.muli %sub3A_1153, %mul3A_1154 : i32
      %add3A_1156 = vector.broadcast %mul3A_1155 : i32 to vector<16xi32>
      %add3A_1157 = arith.addi %add3A_1156, %gather3A_1151 : vector<16xi32>
      %sub3A_1158 = arith.constant 1 : i32
      %sub3A_1159 = arith.subi %sub3A_1153, %sub3A_1158 : i32
      %ge3A_1160 = arith.cmpi sge, %sub3A_1159, %mul3A_34 : i32
      %sub3A_1161 = arith.constant 1 : i32
      %sub3A_1162 = arith.subi %sub3A_1153, %sub3A_1161 : i32
      %add3A_1163 = arith.constant 256 : i32
      %add3A_1164 = arith.addi %mul3A_34, %add3A_1163 : i32
      %lt3A_1165 = arith.cmpi slt, %sub3A_1162, %add3A_1164 : i32
      %and3A_1166 = arith.andi %ge3A_1160, %lt3A_1165 : i1
      %sub3A_1167 = arith.constant 1 : i32
      %sub3A_1168 = arith.subi %sub3A_1153, %sub3A_1167 : i32
      %sub3A_1169 = arith.subi %sub3A_1168, %mul3A_34 : i32
      %and3A_1170 = arith.constant 255 : i32
      %and3A_1171 = arith.andi %sub3A_1169, %and3A_1170 : i32
      %add3A_1172 = vector.broadcast %and3A_1171 : i32 to vector<16xi32>
      %add3A_1173 = arith.addi %broadcast_in_dim3A_38, %add3A_1172 : vector<16xi32>
      %and3A_1174 = vector.broadcast %and3A_1166 : i1 to vector<16xi1>
      %and3A_1175 = arith.andi %eq3A_372, %and3A_1174 : vector<16xi1>
      tpu.vector_store_idx %arg13[%add3A_1173], %add3A_1157 masked %and3A_1175 : memref<256xi32, #tpu.memory_space<vmem>>[vector<16xi32>], vector<16xi32>, vector<16xi1>
      %sub3A_1176 = arith.constant 1 : i32
      %sub3A_1177 = arith.subi %sub3A_1153, %sub3A_1176 : i32
      %and3A_1178 = arith.constant 2047 : i32
      %and3A_1179 = arith.andi %sub3A_1177, %and3A_1178 : i32
      %add3A_1180 = vector.broadcast %and3A_1179 : i32 to vector<16xi32>
      %add3A_1181 = arith.addi %broadcast_in_dim3A_38, %add3A_1180 : vector<16xi32>
      %ge3A_1182 = arith.constant 1 : i32
      %ge3A_1183 = arith.cmpi sge, %sub3A_1153, %ge3A_1182 : i32
      %and3A_1184 = vector.broadcast %ge3A_1183 : i1 to vector<16xi1>
      %and3A_1185 = arith.andi %and3A_376, %and3A_1184 : vector<16xi1>
      tpu.vector_store_idx %arg14[%add3A_1181], %add3A_1157 masked %and3A_1185 : memref<2048xi32, #tpu.memory_space<vmem>>[vector<16xi32>], vector<16xi32>, vector<16xi1>
      %gather3A_1186 = tpu.vector_load_idx %arg11[%add3A_1157] : memref<16384xi32, #tpu.memory_space<vmem>>[vector<16xi32>], vector<16xi32>,
      %sub3A_1187 = arith.constant 3 : i32
      %sub3A_1188 = arith.subi %sub3A_1081, %sub3A_1187 : i32
      %mul3A_1189 = arith.constant 8 : i32
      %mul3A_1190 = arith.muli %sub3A_1188, %mul3A_1189 : i32
      %add3A_1191 = vector.broadcast %mul3A_1190 : i32 to vector<16xi32>
      %add3A_1192 = arith.addi %add3A_1191, %gather3A_1186 : vector<16xi32>
      %sub3A_1193 = arith.constant 1 : i32
      %sub3A_1194 = arith.subi %sub3A_1188, %sub3A_1193 : i32
      %ge3A_1195 = arith.cmpi sge, %sub3A_1194, %mul3A_34 : i32
      %sub3A_1196 = arith.constant 1 : i32
      %sub3A_1197 = arith.subi %sub3A_1188, %sub3A_1196 : i32
      %add3A_1198 = arith.constant 256 : i32
      %add3A_1199 = arith.addi %mul3A_34, %add3A_1198 : i32
      %lt3A_1200 = arith.cmpi slt, %sub3A_1197, %add3A_1199 : i32
      %and3A_1201 = arith.andi %ge3A_1195, %lt3A_1200 : i1
      %sub3A_1202 = arith.constant 1 : i32
      %sub3A_1203 = arith.subi %sub3A_1188, %sub3A_1202 : i32
      %sub3A_1204 = arith.subi %sub3A_1203, %mul3A_34 : i32
      %and3A_1205 = arith.constant 255 : i32
      %and3A_1206 = arith.andi %sub3A_1204, %and3A_1205 : i32
      %add3A_1207 = vector.broadcast %and3A_1206 : i32 to vector<16xi32>
      %add3A_1208 = arith.addi %broadcast_in_dim3A_38, %add3A_1207 : vector<16xi32>
      %and3A_1209 = vector.broadcast %and3A_1201 : i1 to vector<16xi1>
      %and3A_1210 = arith.andi %eq3A_372, %and3A_1209 : vector<16xi1>
      tpu.vector_store_idx %arg13[%add3A_1208], %add3A_1192 masked %and3A_1210 : memref<256xi32, #tpu.memory_space<vmem>>[vector<16xi32>], vector<16xi32>, vector<16xi1>
      %sub3A_1211 = arith.constant 1 : i32
      %sub3A_1212 = arith.subi %sub3A_1188, %sub3A_1211 : i32
      %and3A_1213 = arith.constant 2047 : i32
      %and3A_1214 = arith.andi %sub3A_1212, %and3A_1213 : i32
      %add3A_1215 = vector.broadcast %and3A_1214 : i32 to vector<16xi32>
      %add3A_1216 = arith.addi %broadcast_in_dim3A_38, %add3A_1215 : vector<16xi32>
      %ge3A_1217 = arith.constant 1 : i32
      %ge3A_1218 = arith.cmpi sge, %sub3A_1188, %ge3A_1217 : i32
      %and3A_1219 = vector.broadcast %ge3A_1218 : i1 to vector<16xi1>
      %and3A_1220 = arith.andi %and3A_376, %and3A_1219 : vector<16xi1>
      tpu.vector_store_idx %arg14[%add3A_1216], %add3A_1192 masked %and3A_1220 : memref<2048xi32, #tpu.memory_space<vmem>>[vector<16xi32>], vector<16xi32>, vector<16xi1>
      %gather3A_1221 = tpu.vector_load_idx %arg11[%add3A_1192] : memref<16384xi32, #tpu.memory_space<vmem>>[vector<16xi32>], vector<16xi32>,
      %sub3A_1222 = arith.constant 4 : i32
      %sub3A_1223 = arith.subi %sub3A_1081, %sub3A_1222 : i32
      %mul3A_1224 = arith.constant 8 : i32
      %mul3A_1225 = arith.muli %sub3A_1223, %mul3A_1224 : i32
      %add3A_1226 = vector.broadcast %mul3A_1225 : i32 to vector<16xi32>
      %add3A_1227 = arith.addi %add3A_1226, %gather3A_1221 : vector<16xi32>
      %sub3A_1228 = arith.constant 1 : i32
      %sub3A_1229 = arith.subi %sub3A_1223, %sub3A_1228 : i32
      %ge3A_1230 = arith.cmpi sge, %sub3A_1229, %mul3A_34 : i32
      %sub3A_1231 = arith.constant 1 : i32
      %sub3A_1232 = arith.subi %sub3A_1223, %sub3A_1231 : i32
      %add3A_1233 = arith.constant 256 : i32
      %add3A_1234 = arith.addi %mul3A_34, %add3A_1233 : i32
      %lt3A_1235 = arith.cmpi slt, %sub3A_1232, %add3A_1234 : i32
      %and3A_1236 = arith.andi %ge3A_1230, %lt3A_1235 : i1
      %sub3A_1237 = arith.constant 1 : i32
      %sub3A_1238 = arith.subi %sub3A_1223, %sub3A_1237 : i32
      %sub3A_1239 = arith.subi %sub3A_1238, %mul3A_34 : i32
      %and3A_1240 = arith.constant 255 : i32
      %and3A_1241 = arith.andi %sub3A_1239, %and3A_1240 : i32
      %add3A_1242 = vector.broadcast %and3A_1241 : i32 to vector<16xi32>
      %add3A_1243 = arith.addi %broadcast_in_dim3A_38, %add3A_1242 : vector<16xi32>
      %and3A_1244 = vector.broadcast %and3A_1236 : i1 to vector<16xi1>
      %and3A_1245 = arith.andi %eq3A_372, %and3A_1244 : vector<16xi1>
      tpu.vector_store_idx %arg13[%add3A_1243], %add3A_1227 masked %and3A_1245 : memref<256xi32, #tpu.memory_space<vmem>>[vector<16xi32>], vector<16xi32>, vector<16xi1>
      %sub3A_1246 = arith.constant 1 : i32
      %sub3A_1247 = arith.subi %sub3A_1223, %sub3A_1246 : i32
      %and3A_1248 = arith.constant 2047 : i32
      %and3A_1249 = arith.andi %sub3A_1247, %and3A_1248 : i32
      %add3A_1250 = vector.broadcast %and3A_1249 : i32 to vector<16xi32>
      %add3A_1251 = arith.addi %broadcast_in_dim3A_38, %add3A_1250 : vector<16xi32>
      %ge3A_1252 = arith.constant 1 : i32
      %ge3A_1253 = arith.cmpi sge, %sub3A_1223, %ge3A_1252 : i32
      %and3A_1254 = vector.broadcast %ge3A_1253 : i1 to vector<16xi1>
      %and3A_1255 = arith.andi %and3A_376, %and3A_1254 : vector<16xi1>
      tpu.vector_store_idx %arg14[%add3A_1251], %add3A_1227 masked %and3A_1255 : memref<2048xi32, #tpu.memory_space<vmem>>[vector<16xi32>], vector<16xi32>, vector<16xi1>
      %gather3A_1256 = tpu.vector_load_idx %arg11[%add3A_1227] : memref<16384xi32, #tpu.memory_space<vmem>>[vector<16xi32>], vector<16xi32>,
      %sub3A_1257 = arith.constant 5 : i32
      %sub3A_1258 = arith.subi %sub3A_1081, %sub3A_1257 : i32
      %mul3A_1259 = arith.constant 8 : i32
      %mul3A_1260 = arith.muli %sub3A_1258, %mul3A_1259 : i32
      %add3A_1261 = vector.broadcast %mul3A_1260 : i32 to vector<16xi32>
      %add3A_1262 = arith.addi %add3A_1261, %gather3A_1256 : vector<16xi32>
      %sub3A_1263 = arith.constant 1 : i32
      %sub3A_1264 = arith.subi %sub3A_1258, %sub3A_1263 : i32
      %ge3A_1265 = arith.cmpi sge, %sub3A_1264, %mul3A_34 : i32
      %sub3A_1266 = arith.constant 1 : i32
      %sub3A_1267 = arith.subi %sub3A_1258, %sub3A_1266 : i32
      %add3A_1268 = arith.constant 256 : i32
      %add3A_1269 = arith.addi %mul3A_34, %add3A_1268 : i32
      %lt3A_1270 = arith.cmpi slt, %sub3A_1267, %add3A_1269 : i32
      %and3A_1271 = arith.andi %ge3A_1265, %lt3A_1270 : i1
      %sub3A_1272 = arith.constant 1 : i32
      %sub3A_1273 = arith.subi %sub3A_1258, %sub3A_1272 : i32
      %sub3A_1274 = arith.subi %sub3A_1273, %mul3A_34 : i32
      %and3A_1275 = arith.constant 255 : i32
      %and3A_1276 = arith.andi %sub3A_1274, %and3A_1275 : i32
      %add3A_1277 = vector.broadcast %and3A_1276 : i32 to vector<16xi32>
      %add3A_1278 = arith.addi %broadcast_in_dim3A_38, %add3A_1277 : vector<16xi32>
      %and3A_1279 = vector.broadcast %and3A_1271 : i1 to vector<16xi1>
      %and3A_1280 = arith.andi %eq3A_372, %and3A_1279 : vector<16xi1>
      tpu.vector_store_idx %arg13[%add3A_1278], %add3A_1262 masked %and3A_1280 : memref<256xi32, #tpu.memory_space<vmem>>[vector<16xi32>], vector<16xi32>, vector<16xi1>
      %sub3A_1281 = arith.constant 1 : i32
      %sub3A_1282 = arith.subi %sub3A_1258, %sub3A_1281 : i32
      %and3A_1283 = arith.constant 2047 : i32
      %and3A_1284 = arith.andi %sub3A_1282, %and3A_1283 : i32
      %add3A_1285 = vector.broadcast %and3A_1284 : i32 to vector<16xi32>
      %add3A_1286 = arith.addi %broadcast_in_dim3A_38, %add3A_1285 : vector<16xi32>
      %ge3A_1287 = arith.constant 1 : i32
      %ge3A_1288 = arith.cmpi sge, %sub3A_1258, %ge3A_1287 : i32
      %and3A_1289 = vector.broadcast %ge3A_1288 : i1 to vector<16xi1>
      %and3A_1290 = arith.andi %and3A_376, %and3A_1289 : vector<16xi1>
      tpu.vector_store_idx %arg14[%add3A_1286], %add3A_1262 masked %and3A_1290 : memref<2048xi32, #tpu.memory_space<vmem>>[vector<16xi32>], vector<16xi32>, vector<16xi1>
      %gather3A_1291 = tpu.vector_load_idx %arg11[%add3A_1262] : memref<16384xi32, #tpu.memory_space<vmem>>[vector<16xi32>], vector<16xi32>,
      %sub3A_1292 = arith.constant 6 : i32
      %sub3A_1293 = arith.subi %sub3A_1081, %sub3A_1292 : i32
      %mul3A_1294 = arith.constant 8 : i32
      %mul3A_1295 = arith.muli %sub3A_1293, %mul3A_1294 : i32
      %add3A_1296 = vector.broadcast %mul3A_1295 : i32 to vector<16xi32>
      %add3A_1297 = arith.addi %add3A_1296, %gather3A_1291 : vector<16xi32>
      %sub3A_1298 = arith.constant 1 : i32
      %sub3A_1299 = arith.subi %sub3A_1293, %sub3A_1298 : i32
      %ge3A_1300 = arith.cmpi sge, %sub3A_1299, %mul3A_34 : i32
      %sub3A_1301 = arith.constant 1 : i32
      %sub3A_1302 = arith.subi %sub3A_1293, %sub3A_1301 : i32
      %add3A_1303 = arith.constant 256 : i32
      %add3A_1304 = arith.addi %mul3A_34, %add3A_1303 : i32
      %lt3A_1305 = arith.cmpi slt, %sub3A_1302, %add3A_1304 : i32
      %and3A_1306 = arith.andi %ge3A_1300, %lt3A_1305 : i1
      %sub3A_1307 = arith.constant 1 : i32
      %sub3A_1308 = arith.subi %sub3A_1293, %sub3A_1307 : i32
      %sub3A_1309 = arith.subi %sub3A_1308, %mul3A_34 : i32
      %and3A_1310 = arith.constant 255 : i32
      %and3A_1311 = arith.andi %sub3A_1309, %and3A_1310 : i32
      %add3A_1312 = vector.broadcast %and3A_1311 : i32 to vector<16xi32>
      %add3A_1313 = arith.addi %broadcast_in_dim3A_38, %add3A_1312 : vector<16xi32>
      %and3A_1314 = vector.broadcast %and3A_1306 : i1 to vector<16xi1>
      %and3A_1315 = arith.andi %eq3A_372, %and3A_1314 : vector<16xi1>
      tpu.vector_store_idx %arg13[%add3A_1313], %add3A_1297 masked %and3A_1315 : memref<256xi32, #tpu.memory_space<vmem>>[vector<16xi32>], vector<16xi32>, vector<16xi1>
      %sub3A_1316 = arith.constant 1 : i32
      %sub3A_1317 = arith.subi %sub3A_1293, %sub3A_1316 : i32
      %and3A_1318 = arith.constant 2047 : i32
      %and3A_1319 = arith.andi %sub3A_1317, %and3A_1318 : i32
      %add3A_1320 = vector.broadcast %and3A_1319 : i32 to vector<16xi32>
      %add3A_1321 = arith.addi %broadcast_in_dim3A_38, %add3A_1320 : vector<16xi32>
      %ge3A_1322 = arith.constant 1 : i32
      %ge3A_1323 = arith.cmpi sge, %sub3A_1293, %ge3A_1322 : i32
      %and3A_1324 = vector.broadcast %ge3A_1323 : i1 to vector<16xi1>
      %and3A_1325 = arith.andi %and3A_376, %and3A_1324 : vector<16xi1>
      tpu.vector_store_idx %arg14[%add3A_1321], %add3A_1297 masked %and3A_1325 : memref<2048xi32, #tpu.memory_space<vmem>>[vector<16xi32>], vector<16xi32>, vector<16xi1>
      %gather3A_1326 = tpu.vector_load_idx %arg11[%add3A_1297] : memref<16384xi32, #tpu.memory_space<vmem>>[vector<16xi32>], vector<16xi32>,
      %sub3A_1327 = arith.constant 7 : i32
      %sub3A_1328 = arith.subi %sub3A_1081, %sub3A_1327 : i32
      %mul3A_1329 = arith.constant 8 : i32
      %mul3A_1330 = arith.muli %sub3A_1328, %mul3A_1329 : i32
      %add3A_1331 = vector.broadcast %mul3A_1330 : i32 to vector<16xi32>
      %add3A_1332 = arith.addi %add3A_1331, %gather3A_1326 : vector<16xi32>
      %sub3A_1333 = arith.constant 1 : i32
      %sub3A_1334 = arith.subi %sub3A_1328, %sub3A_1333 : i32
      %ge3A_1335 = arith.cmpi sge, %sub3A_1334, %mul3A_34 : i32
      %sub3A_1336 = arith.constant 1 : i32
      %sub3A_1337 = arith.subi %sub3A_1328, %sub3A_1336 : i32
      %add3A_1338 = arith.constant 256 : i32
      %add3A_1339 = arith.addi %mul3A_34, %add3A_1338 : i32
      %lt3A_1340 = arith.cmpi slt, %sub3A_1337, %add3A_1339 : i32
      %and3A_1341 = arith.andi %ge3A_1335, %lt3A_1340 : i1
      %sub3A_1342 = arith.constant 1 : i32
      %sub3A_1343 = arith.subi %sub3A_1328, %sub3A_1342 : i32
      %sub3A_1344 = arith.subi %sub3A_1343, %mul3A_34 : i32
      %and3A_1345 = arith.constant 255 : i32
      %and3A_1346 = arith.andi %sub3A_1344, %and3A_1345 : i32
      %add3A_1347 = vector.broadcast %and3A_1346 : i32 to vector<16xi32>
      %add3A_1348 = arith.addi %broadcast_in_dim3A_38, %add3A_1347 : vector<16xi32>
      %and3A_1349 = vector.broadcast %and3A_1341 : i1 to vector<16xi1>
      %and3A_1350 = arith.andi %eq3A_372, %and3A_1349 : vector<16xi1>
      tpu.vector_store_idx %arg13[%add3A_1348], %add3A_1332 masked %and3A_1350 : memref<256xi32, #tpu.memory_space<vmem>>[vector<16xi32>], vector<16xi32>, vector<16xi1>
      %sub3A_1351 = arith.constant 1 : i32
      %sub3A_1352 = arith.subi %sub3A_1328, %sub3A_1351 : i32
      %and3A_1353 = arith.constant 2047 : i32
      %and3A_1354 = arith.andi %sub3A_1352, %and3A_1353 : i32
      %add3A_1355 = vector.broadcast %and3A_1354 : i32 to vector<16xi32>
      %add3A_1356 = arith.addi %broadcast_in_dim3A_38, %add3A_1355 : vector<16xi32>
      %ge3A_1357 = arith.constant 1 : i32
      %ge3A_1358 = arith.cmpi sge, %sub3A_1328, %ge3A_1357 : i32
      %and3A_1359 = vector.broadcast %ge3A_1358 : i1 to vector<16xi1>
      %and3A_1360 = arith.andi %and3A_376, %and3A_1359 : vector<16xi1>
      tpu.vector_store_idx %arg14[%add3A_1356], %add3A_1332 masked %and3A_1360 : memref<2048xi32, #tpu.memory_space<vmem>>[vector<16xi32>], vector<16xi32>, vector<16xi1>
      %gather3A_1361 = tpu.vector_load_idx %arg11[%add3A_1332] : memref<16384xi32, #tpu.memory_space<vmem>>[vector<16xi32>], vector<16xi32>,
      scf.yield %gather3A_1361 : vector<16xi32>
    }
    %dma_start3A = arith.constant 0 : i32
    %dma_start3A_433 = tpu.memref_slice %arg13[%dma_start3A] : memref<256xi32, #tpu.memory_space<vmem>> -> memref<8xi32, #tpu.memory_space<vmem>>
    %dma_start3A_434 = arith.constant 0 : i32
    %dma_start3A_435 = arith.constant 0 : i32
    %dma_start3A_436 = tpu.memref_slice %arg2[%dma_start3A_434, %dma_start3A_435] : memref<16384x2048xf32, #tpu.memory_space<hbm>> -> memref<16384x2048xf32, #tpu.memory_space<hbm>>
    tpu.enqueue_indirect_dma source(%dma_start3A_436 : memref<16384x2048xf32, #tpu.memory_space<hbm>>) target(%arg21 : memref<8x2048xf32, #tpu.memory_space<vmem>>) offsets(%dma_start3A_433 : memref<8xi32, #tpu.memory_space<vmem>>) semaphore(%arg25 : memref<!tpu.dma_semaphore, #tpu.memory_space<semaphore_mem>>)
    %dma_start3A_437 = arith.constant 8 : i32
    %dma_start3A_438 = tpu.memref_slice %arg13[%dma_start3A_437] : memref<256xi32, #tpu.memory_space<vmem>> -> memref<8xi32, #tpu.memory_space<vmem>>
    %dma_start3A_439 = arith.constant 0 : i32
    %dma_start3A_440 = arith.constant 0 : i32
    %dma_start3A_441 = tpu.memref_slice %arg2[%dma_start3A_439, %dma_start3A_440] : memref<16384x2048xf32, #tpu.memory_space<hbm>> -> memref<16384x2048xf32, #tpu.memory_space<hbm>>
    tpu.enqueue_indirect_dma source(%dma_start3A_441 : memref<16384x2048xf32, #tpu.memory_space<hbm>>) target(%arg22 : memref<8x2048xf32, #tpu.memory_space<vmem>>) offsets(%dma_start3A_438 : memref<8xi32, #tpu.memory_space<vmem>>) semaphore(%arg26 : memref<!tpu.dma_semaphore, #tpu.memory_space<semaphore_mem>>)
    %dma_start3A_442 = arith.constant 16 : i32
    %dma_start3A_443 = tpu.memref_slice %arg13[%dma_start3A_442] : memref<256xi32, #tpu.memory_space<vmem>> -> memref<8xi32, #tpu.memory_space<vmem>>
    %dma_start3A_444 = arith.constant 0 : i32
    %dma_start3A_445 = arith.constant 0 : i32
    %dma_start3A_446 = tpu.memref_slice %arg2[%dma_start3A_444, %dma_start3A_445] : memref<16384x2048xf32, #tpu.memory_space<hbm>> -> memref<16384x2048xf32, #tpu.memory_space<hbm>>
    tpu.enqueue_indirect_dma source(%dma_start3A_446 : memref<16384x2048xf32, #tpu.memory_space<hbm>>) target(%arg23 : memref<8x2048xf32, #tpu.memory_space<vmem>>) offsets(%dma_start3A_443 : memref<8xi32, #tpu.memory_space<vmem>>) semaphore(%arg27 : memref<!tpu.dma_semaphore, #tpu.memory_space<semaphore_mem>>)
    %eq3A_447 = arith.constant 0 : i32
    %eq3A_448 = arith.cmpi eq, %select_n3A_32, %eq3A_447 : i32
    %convert_element_type3A_449 = arith.extui %eq3A_448 : i1 to i32
    %cond3A_450 = arith.constant 0 : i32
    %cond3A_451 = arith.cmpi ne, %convert_element_type3A_449, %cond3A_450 : i32
    scf.if %cond3A_451 {
      %add3A_1076 = arith.constant 15 : i32
      %add3A_1077 = vector.broadcast %add3A_1076 : i32 to vector<16xi32>
      %add3A_1078 = arith.addi %iota3A, %add3A_1077 : vector<16xi32>
      %and3A_1079 = arith.constant 15 : i32
      %and3A_1080 = vector.broadcast %and3A_1079 : i32 to vector<16xi32>
      %and3A_1081 = arith.andi %add3A_1078, %and3A_1080 : vector<16xi32>
      %scan3A = arith.constant 0.000000e+00 : f32
      %scan3A_1082 = arith.constant 0 : i32
      %scan3A_1083 = arith.constant 128 : i32
      %scan3A_1084 = arith.addi %scan3A_1082, %scan3A_1083 : i32
      %scan3A_1085 = arith.constant 1 : i32
      %scan3A_1086 = scf.for %scan3A_1108 = %scan3A_1082 to %scan3A_1084 step %scan3A_1085 iter_args(%scan3A_1109 = %scan3A) -> (f32)  : i32 {
        %mul3A_1110 = arith.constant 16 : i32
        %mul3A_1111 = arith.muli %scan3A_1108, %mul3A_1110 : i32
        %get3A_1112 = arith.index_cast %mul3A_1111 : i32 to index
        %get3A_1113 = tpu.vector_load %arg14[%get3A_1112] {strides = array<i32>} : memref<2048xi32, #tpu.memory_space<vmem>>, vector<16xi32>,
        %gather3A_1114 = tpu.vector_load_idx %arg15[%get3A_1113] : memref<16384xi32, #tpu.memory_space<vmem>>[vector<16xi32>], vector<16xi32>,
        %swap3A = arith.index_cast %mul3A_1111 : i32 to index
        %swap3A_1115 = tpu.vector_load %arg17[%swap3A] {strides = array<i32>} : memref<2048xi32, #tpu.memory_space<vmem>>, vector<16xi32>,
        tpu.vector_store %arg17[%swap3A], %gather3A_1114 {strides = array<i32>} : memref<2048xi32, #tpu.memory_space<vmem>>, vector<16xi32>,
        %gather3A_1116 = tpu.vector_load_idx %arg16[%get3A_1113] : memref<16384xf32, #tpu.memory_space<vmem>>[vector<16xi32>], vector<16xf32>,
        %lt3A_1117 = arith.constant 0 : i32
        %lt3A_1118 = vector.broadcast %lt3A_1117 : i32 to vector<16xi32>
        %lt3A_1119 = arith.cmpi slt, %and3A_1081, %lt3A_1118 : vector<16xi32>
        %add3A_1120 = arith.constant 16 : i32
        %add3A_1121 = vector.broadcast %add3A_1120 : i32 to vector<16xi32>
        %add3A_1122 = arith.addi %and3A_1081, %add3A_1121 : vector<16xi32>
        %select_n3A_1123 = arith.select %lt3A_1119, %add3A_1122, %and3A_1081 : vector<16xi1>, vector<16xi32>
        %broadcast_in_dim3A_1124 = vector.shape_cast %select_n3A_1123 : vector<16xi32> to vector<16x1xi32>
        %gather3A_1125 = vector.shape_cast %broadcast_in_dim3A_1124 : vector<16x1xi32> to vector<16xi32>
        %gather3A_1126 = tpu.dynamic_gather %gather3A_1116[%gather3A_1125] in [0] : vector<16xf32>, vector<16xi32> -> vector<16xf32>
        %eq3A_1127 = arith.constant 0 : i32
        %eq3A_1128 = vector.broadcast %eq3A_1127 : i32 to vector<16xi32>
        %eq3A_1129 = arith.cmpi eq, %iota3A, %eq3A_1128 : vector<16xi32>
        %broadcast_in_dim3A_1130 = vector.broadcast %scan3A_1109 : f32 to vector<16xf32>
        %select_n3A_1131 = arith.select %eq3A_1129, %broadcast_in_dim3A_1130, %gather3A_1126 : vector<16xi1>, vector<16xf32>
        %sub3A_1132 = arith.subf %gather3A_1116, %select_n3A_1131 : vector<16xf32>
        %swap3A_1133 = arith.index_cast %mul3A_1111 : i32 to index
        %swap3A_1134 = tpu.vector_load %arg18[%swap3A_1133] {strides = array<i32>} : memref<2048xf32, #tpu.memory_space<vmem>>, vector<16xf32>,
        tpu.vector_store %arg18[%swap3A_1133], %sub3A_1132 {strides = array<i32>} : memref<2048xf32, #tpu.memory_space<vmem>>, vector<16xf32>,
        %slice3A = vector.extract_strided_slice %gather3A_1116 {offsets = [15], sizes = [1], strides = [1]} : vector<16xf32> to vector<1xf32>
        %squeeze3A = vector.extract %slice3A[0] : f32 from vector<1xf32>
        scf.yield %squeeze3A : f32
      }
      %scan3A_1087 = arith.constant 128 : i32
      %eq3A_1088 = arith.constant 0 : i32
      %eq3A_1089 = arith.cmpi eq, %select_n3A, %eq3A_1088 : i32
      %convert_element_type3A_1090 = arith.extui %eq3A_1089 : i1 to i32
      %cond3A_1091 = arith.constant 0 : i32
      %cond3A_1092 = arith.cmpi ne, %convert_element_type3A_1090, %cond3A_1091 : i32
      scf.if %cond3A_1092 {
        %run_scoped3A = arith.constant 0 : i32
        "tpu.region"() ({
          %run_scoped3A_1109 = tpu.sem_alloc : memref<!tpu.dma_semaphore, #tpu.memory_space<semaphore_mem>>
          %dma_start3A_1110 = arith.constant 0 : i32
          %dma_start3A_1111 = tpu.memref_slice %arg8[%run_scoped3A, %dma_start3A_1110] : memref<4x2048xi32, #tpu.memory_space<hbm>> -> memref<1x2048xi32, #tpu.memory_space<hbm>>
          %dma_start3A_1112 = tpu.memref_squeeze %dma_start3A_1111 : memref<1x2048xi32, #tpu.memory_space<hbm>> -> memref<2048xi32, #tpu.memory_space<hbm>>
          %dma_start3A_1113 = arith.constant 0 : i32
          %dma_start3A_1114 = tpu.memref_slice %arg8[%run_scoped3A, %dma_start3A_1113] : memref<4x2048xi32, #tpu.memory_space<hbm>> -> memref<1x2048xi32, #tpu.memory_space<hbm>>
          %dma_start3A_1115 = tpu.memref_squeeze %dma_start3A_1114 : memref<1x2048xi32, #tpu.memory_space<hbm>> -> memref<2048xi32, #tpu.memory_space<hbm>>
          tpu.enqueue_dma source(%arg17 : memref<2048xi32, #tpu.memory_space<vmem>>) target(%dma_start3A_1115 : memref<2048xi32, #tpu.memory_space<hbm>>) target_semaphore(%run_scoped3A_1109 : memref<!tpu.dma_semaphore, #tpu.memory_space<semaphore_mem>>)
          %dma_wait3A_1116 = arith.constant 0 : i32
          %dma_wait3A_1117 = tpu.memref_slice %arg8[%run_scoped3A, %dma_wait3A_1116] : memref<4x2048xi32, #tpu.memory_space<hbm>> -> memref<1x2048xi32, #tpu.memory_space<hbm>>
          %dma_wait3A_1118 = tpu.memref_squeeze %dma_wait3A_1117 : memref<1x2048xi32, #tpu.memory_space<hbm>> -> memref<2048xi32, #tpu.memory_space<hbm>>
          %dma_wait3A_1119 = arith.constant 0 : i32
          %dma_wait3A_1120 = tpu.memref_slice %arg8[%run_scoped3A, %dma_wait3A_1119] : memref<4x2048xi32, #tpu.memory_space<hbm>> -> memref<1x2048xi32, #tpu.memory_space<hbm>>
          %dma_wait3A_1121 = tpu.memref_squeeze %dma_wait3A_1120 : memref<1x2048xi32, #tpu.memory_space<hbm>> -> memref<2048xi32, #tpu.memory_space<hbm>>
          tpu.wait_dma2 semaphore(%run_scoped3A_1109 : memref<!tpu.dma_semaphore, #tpu.memory_space<semaphore_mem>>) src(%arg17 : memref<2048xi32, #tpu.memory_space<vmem>>) dst(%dma_wait3A_1121 : memref<2048xi32, #tpu.memory_space<hbm>>)
          tpu.yield
        }) : () -> ()
        %run_scoped3A_1108 = arith.constant 0 : i32
        "tpu.region"() ({
          %run_scoped3A_1109 = tpu.sem_alloc : memref<!tpu.dma_semaphore, #tpu.memory_space<semaphore_mem>>
          %dma_start3A_1110 = arith.constant 0 : i32
          %dma_start3A_1111 = tpu.memref_slice %arg9[%run_scoped3A_1108, %dma_start3A_1110] : memref<4x2048xf32, #tpu.memory_space<hbm>> -> memref<1x2048xf32, #tpu.memory_space<hbm>>
          %dma_start3A_1112 = tpu.memref_squeeze %dma_start3A_1111 : memref<1x2048xf32, #tpu.memory_space<hbm>> -> memref<2048xf32, #tpu.memory_space<hbm>>
          %dma_start3A_1113 = arith.constant 0 : i32
          %dma_start3A_1114 = tpu.memref_slice %arg9[%run_scoped3A_1108, %dma_start3A_1113] : memref<4x2048xf32, #tpu.memory_space<hbm>> -> memref<1x2048xf32, #tpu.memory_space<hbm>>
          %dma_start3A_1115 = tpu.memref_squeeze %dma_start3A_1114 : memref<1x2048xf32, #tpu.memory_space<hbm>> -> memref<2048xf32, #tpu.memory_space<hbm>>
          tpu.enqueue_dma source(%arg18 : memref<2048xf32, #tpu.memory_space<vmem>>) target(%dma_start3A_1115 : memref<2048xf32, #tpu.memory_space<hbm>>) target_semaphore(%run_scoped3A_1109 : memref<!tpu.dma_semaphore, #tpu.memory_space<semaphore_mem>>)
          %dma_wait3A_1116 = arith.constant 0 : i32
          %dma_wait3A_1117 = tpu.memref_slice %arg9[%run_scoped3A_1108, %dma_wait3A_1116] : memref<4x2048xf32, #tpu.memory_space<hbm>> -> memref<1x2048xf32, #tpu.memory_space<hbm>>
          %dma_wait3A_1118 = tpu.memref_squeeze %dma_wait3A_1117 : memref<1x2048xf32, #tpu.memory_space<hbm>> -> memref<2048xf32, #tpu.memory_space<hbm>>
          %dma_wait3A_1119 = arith.constant 0 : i32
          %dma_wait3A_1120 = tpu.memref_slice %arg9[%run_scoped3A_1108, %dma_wait3A_1119] : memref<4x2048xf32, #tpu.memory_space<hbm>> -> memref<1x2048xf32, #tpu.memory_space<hbm>>
          %dma_wait3A_1121 = tpu.memref_squeeze %dma_wait3A_1120 : memref<1x2048xf32, #tpu.memory_space<hbm>> -> memref<2048xf32, #tpu.memory_space<hbm>>
          tpu.wait_dma2 semaphore(%run_scoped3A_1109 : memref<!tpu.dma_semaphore, #tpu.memory_space<semaphore_mem>>) src(%arg18 : memref<2048xf32, #tpu.memory_space<vmem>>) dst(%dma_wait3A_1121 : memref<2048xf32, #tpu.memory_space<hbm>>)
          tpu.yield
        }) : () -> ()
      } else {
      }
      %eq3A_1093 = arith.constant 1 : i32
      %eq3A_1094 = arith.cmpi eq, %select_n3A, %eq3A_1093 : i32
      %convert_element_type3A_1095 = arith.extui %eq3A_1094 : i1 to i32
      %cond3A_1096 = arith.constant 0 : i32
      %cond3A_1097 = arith.cmpi ne, %convert_element_type3A_1095, %cond3A_1096 : i32
      scf.if %cond3A_1097 {
        %run_scoped3A = arith.constant 1 : i32
        "tpu.region"() ({
          %run_scoped3A_1109 = tpu.sem_alloc : memref<!tpu.dma_semaphore, #tpu.memory_space<semaphore_mem>>
          %dma_start3A_1110 = arith.constant 0 : i32
          %dma_start3A_1111 = tpu.memref_slice %arg8[%run_scoped3A, %dma_start3A_1110] : memref<4x2048xi32, #tpu.memory_space<hbm>> -> memref<1x2048xi32, #tpu.memory_space<hbm>>
          %dma_start3A_1112 = tpu.memref_squeeze %dma_start3A_1111 : memref<1x2048xi32, #tpu.memory_space<hbm>> -> memref<2048xi32, #tpu.memory_space<hbm>>
          %dma_start3A_1113 = arith.constant 0 : i32
          %dma_start3A_1114 = tpu.memref_slice %arg8[%run_scoped3A, %dma_start3A_1113] : memref<4x2048xi32, #tpu.memory_space<hbm>> -> memref<1x2048xi32, #tpu.memory_space<hbm>>
          %dma_start3A_1115 = tpu.memref_squeeze %dma_start3A_1114 : memref<1x2048xi32, #tpu.memory_space<hbm>> -> memref<2048xi32, #tpu.memory_space<hbm>>
          tpu.enqueue_dma source(%arg17 : memref<2048xi32, #tpu.memory_space<vmem>>) target(%dma_start3A_1115 : memref<2048xi32, #tpu.memory_space<hbm>>) target_semaphore(%run_scoped3A_1109 : memref<!tpu.dma_semaphore, #tpu.memory_space<semaphore_mem>>)
          %dma_wait3A_1116 = arith.constant 0 : i32
          %dma_wait3A_1117 = tpu.memref_slice %arg8[%run_scoped3A, %dma_wait3A_1116] : memref<4x2048xi32, #tpu.memory_space<hbm>> -> memref<1x2048xi32, #tpu.memory_space<hbm>>
          %dma_wait3A_1118 = tpu.memref_squeeze %dma_wait3A_1117 : memref<1x2048xi32, #tpu.memory_space<hbm>> -> memref<2048xi32, #tpu.memory_space<hbm>>
          %dma_wait3A_1119 = arith.constant 0 : i32
          %dma_wait3A_1120 = tpu.memref_slice %arg8[%run_scoped3A, %dma_wait3A_1119] : memref<4x2048xi32, #tpu.memory_space<hbm>> -> memref<1x2048xi32, #tpu.memory_space<hbm>>
          %dma_wait3A_1121 = tpu.memref_squeeze %dma_wait3A_1120 : memref<1x2048xi32, #tpu.memory_space<hbm>> -> memref<2048xi32, #tpu.memory_space<hbm>>
          tpu.wait_dma2 semaphore(%run_scoped3A_1109 : memref<!tpu.dma_semaphore, #tpu.memory_space<semaphore_mem>>) src(%arg17 : memref<2048xi32, #tpu.memory_space<vmem>>) dst(%dma_wait3A_1121 : memref<2048xi32, #tpu.memory_space<hbm>>)
          tpu.yield
        }) : () -> ()
        %run_scoped3A_1108 = arith.constant 1 : i32
        "tpu.region"() ({
          %run_scoped3A_1109 = tpu.sem_alloc : memref<!tpu.dma_semaphore, #tpu.memory_space<semaphore_mem>>
          %dma_start3A_1110 = arith.constant 0 : i32
          %dma_start3A_1111 = tpu.memref_slice %arg9[%run_scoped3A_1108, %dma_start3A_1110] : memref<4x2048xf32, #tpu.memory_space<hbm>> -> memref<1x2048xf32, #tpu.memory_space<hbm>>
          %dma_start3A_1112 = tpu.memref_squeeze %dma_start3A_1111 : memref<1x2048xf32, #tpu.memory_space<hbm>> -> memref<2048xf32, #tpu.memory_space<hbm>>
          %dma_start3A_1113 = arith.constant 0 : i32
          %dma_start3A_1114 = tpu.memref_slice %arg9[%run_scoped3A_1108, %dma_start3A_1113] : memref<4x2048xf32, #tpu.memory_space<hbm>> -> memref<1x2048xf32, #tpu.memory_space<hbm>>
          %dma_start3A_1115 = tpu.memref_squeeze %dma_start3A_1114 : memref<1x2048xf32, #tpu.memory_space<hbm>> -> memref<2048xf32, #tpu.memory_space<hbm>>
          tpu.enqueue_dma source(%arg18 : memref<2048xf32, #tpu.memory_space<vmem>>) target(%dma_start3A_1115 : memref<2048xf32, #tpu.memory_space<hbm>>) target_semaphore(%run_scoped3A_1109 : memref<!tpu.dma_semaphore, #tpu.memory_space<semaphore_mem>>)
          %dma_wait3A_1116 = arith.constant 0 : i32
          %dma_wait3A_1117 = tpu.memref_slice %arg9[%run_scoped3A_1108, %dma_wait3A_1116] : memref<4x2048xf32, #tpu.memory_space<hbm>> -> memref<1x2048xf32, #tpu.memory_space<hbm>>
          %dma_wait3A_1118 = tpu.memref_squeeze %dma_wait3A_1117 : memref<1x2048xf32, #tpu.memory_space<hbm>> -> memref<2048xf32, #tpu.memory_space<hbm>>
          %dma_wait3A_1119 = arith.constant 0 : i32
          %dma_wait3A_1120 = tpu.memref_slice %arg9[%run_scoped3A_1108, %dma_wait3A_1119] : memref<4x2048xf32, #tpu.memory_space<hbm>> -> memref<1x2048xf32, #tpu.memory_space<hbm>>
          %dma_wait3A_1121 = tpu.memref_squeeze %dma_wait3A_1120 : memref<1x2048xf32, #tpu.memory_space<hbm>> -> memref<2048xf32, #tpu.memory_space<hbm>>
          tpu.wait_dma2 semaphore(%run_scoped3A_1109 : memref<!tpu.dma_semaphore, #tpu.memory_space<semaphore_mem>>) src(%arg18 : memref<2048xf32, #tpu.memory_space<vmem>>) dst(%dma_wait3A_1121 : memref<2048xf32, #tpu.memory_space<hbm>>)
          tpu.yield
        }) : () -> ()
      } else {
      }
      %eq3A_1098 = arith.constant 2 : i32
      %eq3A_1099 = arith.cmpi eq, %select_n3A, %eq3A_1098 : i32
      %convert_element_type3A_1100 = arith.extui %eq3A_1099 : i1 to i32
      %cond3A_1101 = arith.constant 0 : i32
      %cond3A_1102 = arith.cmpi ne, %convert_element_type3A_1100, %cond3A_1101 : i32
      scf.if %cond3A_1102 {
        %run_scoped3A = arith.constant 2 : i32
        "tpu.region"() ({
          %run_scoped3A_1109 = tpu.sem_alloc : memref<!tpu.dma_semaphore, #tpu.memory_space<semaphore_mem>>
          %dma_start3A_1110 = arith.constant 0 : i32
          %dma_start3A_1111 = tpu.memref_slice %arg8[%run_scoped3A, %dma_start3A_1110] : memref<4x2048xi32, #tpu.memory_space<hbm>> -> memref<1x2048xi32, #tpu.memory_space<hbm>>
          %dma_start3A_1112 = tpu.memref_squeeze %dma_start3A_1111 : memref<1x2048xi32, #tpu.memory_space<hbm>> -> memref<2048xi32, #tpu.memory_space<hbm>>
          %dma_start3A_1113 = arith.constant 0 : i32
          %dma_start3A_1114 = tpu.memref_slice %arg8[%run_scoped3A, %dma_start3A_1113] : memref<4x2048xi32, #tpu.memory_space<hbm>> -> memref<1x2048xi32, #tpu.memory_space<hbm>>
          %dma_start3A_1115 = tpu.memref_squeeze %dma_start3A_1114 : memref<1x2048xi32, #tpu.memory_space<hbm>> -> memref<2048xi32, #tpu.memory_space<hbm>>
          tpu.enqueue_dma source(%arg17 : memref<2048xi32, #tpu.memory_space<vmem>>) target(%dma_start3A_1115 : memref<2048xi32, #tpu.memory_space<hbm>>) target_semaphore(%run_scoped3A_1109 : memref<!tpu.dma_semaphore, #tpu.memory_space<semaphore_mem>>)
          %dma_wait3A_1116 = arith.constant 0 : i32
          %dma_wait3A_1117 = tpu.memref_slice %arg8[%run_scoped3A, %dma_wait3A_1116] : memref<4x2048xi32, #tpu.memory_space<hbm>> -> memref<1x2048xi32, #tpu.memory_space<hbm>>
          %dma_wait3A_1118 = tpu.memref_squeeze %dma_wait3A_1117 : memref<1x2048xi32, #tpu.memory_space<hbm>> -> memref<2048xi32, #tpu.memory_space<hbm>>
          %dma_wait3A_1119 = arith.constant 0 : i32
          %dma_wait3A_1120 = tpu.memref_slice %arg8[%run_scoped3A, %dma_wait3A_1119] : memref<4x2048xi32, #tpu.memory_space<hbm>> -> memref<1x2048xi32, #tpu.memory_space<hbm>>
          %dma_wait3A_1121 = tpu.memref_squeeze %dma_wait3A_1120 : memref<1x2048xi32, #tpu.memory_space<hbm>> -> memref<2048xi32, #tpu.memory_space<hbm>>
          tpu.wait_dma2 semaphore(%run_scoped3A_1109 : memref<!tpu.dma_semaphore, #tpu.memory_space<semaphore_mem>>) src(%arg17 : memref<2048xi32, #tpu.memory_space<vmem>>) dst(%dma_wait3A_1121 : memref<2048xi32, #tpu.memory_space<hbm>>)
          tpu.yield
        }) : () -> ()
        %run_scoped3A_1108 = arith.constant 2 : i32
        "tpu.region"() ({
          %run_scoped3A_1109 = tpu.sem_alloc : memref<!tpu.dma_semaphore, #tpu.memory_space<semaphore_mem>>
          %dma_start3A_1110 = arith.constant 0 : i32
          %dma_start3A_1111 = tpu.memref_slice %arg9[%run_scoped3A_1108, %dma_start3A_1110] : memref<4x2048xf32, #tpu.memory_space<hbm>> -> memref<1x2048xf32, #tpu.memory_space<hbm>>
          %dma_start3A_1112 = tpu.memref_squeeze %dma_start3A_1111 : memref<1x2048xf32, #tpu.memory_space<hbm>> -> memref<2048xf32, #tpu.memory_space<hbm>>
          %dma_start3A_1113 = arith.constant 0 : i32
          %dma_start3A_1114 = tpu.memref_slice %arg9[%run_scoped3A_1108, %dma_start3A_1113] : memref<4x2048xf32, #tpu.memory_space<hbm>> -> memref<1x2048xf32, #tpu.memory_space<hbm>>
          %dma_start3A_1115 = tpu.memref_squeeze %dma_start3A_1114 : memref<1x2048xf32, #tpu.memory_space<hbm>> -> memref<2048xf32, #tpu.memory_space<hbm>>
          tpu.enqueue_dma source(%arg18 : memref<2048xf32, #tpu.memory_space<vmem>>) target(%dma_start3A_1115 : memref<2048xf32, #tpu.memory_space<hbm>>) target_semaphore(%run_scoped3A_1109 : memref<!tpu.dma_semaphore, #tpu.memory_space<semaphore_mem>>)
          %dma_wait3A_1116 = arith.constant 0 : i32
          %dma_wait3A_1117 = tpu.memref_slice %arg9[%run_scoped3A_1108, %dma_wait3A_1116] : memref<4x2048xf32, #tpu.memory_space<hbm>> -> memref<1x2048xf32, #tpu.memory_space<hbm>>
          %dma_wait3A_1118 = tpu.memref_squeeze %dma_wait3A_1117 : memref<1x2048xf32, #tpu.memory_space<hbm>> -> memref<2048xf32, #tpu.memory_space<hbm>>
          %dma_wait3A_1119 = arith.constant 0 : i32
          %dma_wait3A_1120 = tpu.memref_slice %arg9[%run_scoped3A_1108, %dma_wait3A_1119] : memref<4x2048xf32, #tpu.memory_space<hbm>> -> memref<1x2048xf32, #tpu.memory_space<hbm>>
          %dma_wait3A_1121 = tpu.memref_squeeze %dma_wait3A_1120 : memref<1x2048xf32, #tpu.memory_space<hbm>> -> memref<2048xf32, #tpu.memory_space<hbm>>
          tpu.wait_dma2 semaphore(%run_scoped3A_1109 : memref<!tpu.dma_semaphore, #tpu.memory_space<semaphore_mem>>) src(%arg18 : memref<2048xf32, #tpu.memory_space<vmem>>) dst(%dma_wait3A_1121 : memref<2048xf32, #tpu.memory_space<hbm>>)
          tpu.yield
        }) : () -> ()
      } else {
      }
      %eq3A_1103 = arith.constant 3 : i32
      %eq3A_1104 = arith.cmpi eq, %select_n3A, %eq3A_1103 : i32
      %convert_element_type3A_1105 = arith.extui %eq3A_1104 : i1 to i32
      %cond3A_1106 = arith.constant 0 : i32
      %cond3A_1107 = arith.cmpi ne, %convert_element_type3A_1105, %cond3A_1106 : i32
      scf.if %cond3A_1107 {
        %run_scoped3A = arith.constant 3 : i32
        "tpu.region"() ({
          %run_scoped3A_1109 = tpu.sem_alloc : memref<!tpu.dma_semaphore, #tpu.memory_space<semaphore_mem>>
          %dma_start3A_1110 = arith.constant 0 : i32
          %dma_start3A_1111 = tpu.memref_slice %arg8[%run_scoped3A, %dma_start3A_1110] : memref<4x2048xi32, #tpu.memory_space<hbm>> -> memref<1x2048xi32, #tpu.memory_space<hbm>>
          %dma_start3A_1112 = tpu.memref_squeeze %dma_start3A_1111 : memref<1x2048xi32, #tpu.memory_space<hbm>> -> memref<2048xi32, #tpu.memory_space<hbm>>
          %dma_start3A_1113 = arith.constant 0 : i32
          %dma_start3A_1114 = tpu.memref_slice %arg8[%run_scoped3A, %dma_start3A_1113] : memref<4x2048xi32, #tpu.memory_space<hbm>> -> memref<1x2048xi32, #tpu.memory_space<hbm>>
          %dma_start3A_1115 = tpu.memref_squeeze %dma_start3A_1114 : memref<1x2048xi32, #tpu.memory_space<hbm>> -> memref<2048xi32, #tpu.memory_space<hbm>>
          tpu.enqueue_dma source(%arg17 : memref<2048xi32, #tpu.memory_space<vmem>>) target(%dma_start3A_1115 : memref<2048xi32, #tpu.memory_space<hbm>>) target_semaphore(%run_scoped3A_1109 : memref<!tpu.dma_semaphore, #tpu.memory_space<semaphore_mem>>)
          %dma_wait3A_1116 = arith.constant 0 : i32
          %dma_wait3A_1117 = tpu.memref_slice %arg8[%run_scoped3A, %dma_wait3A_1116] : memref<4x2048xi32, #tpu.memory_space<hbm>> -> memref<1x2048xi32, #tpu.memory_space<hbm>>
          %dma_wait3A_1118 = tpu.memref_squeeze %dma_wait3A_1117 : memref<1x2048xi32, #tpu.memory_space<hbm>> -> memref<2048xi32, #tpu.memory_space<hbm>>
          %dma_wait3A_1119 = arith.constant 0 : i32
          %dma_wait3A_1120 = tpu.memref_slice %arg8[%run_scoped3A, %dma_wait3A_1119] : memref<4x2048xi32, #tpu.memory_space<hbm>> -> memref<1x2048xi32, #tpu.memory_space<hbm>>
          %dma_wait3A_1121 = tpu.memref_squeeze %dma_wait3A_1120 : memref<1x2048xi32, #tpu.memory_space<hbm>> -> memref<2048xi32, #tpu.memory_space<hbm>>
          tpu.wait_dma2 semaphore(%run_scoped3A_1109 : memref<!tpu.dma_semaphore, #tpu.memory_space<semaphore_mem>>) src(%arg17 : memref<2048xi32, #tpu.memory_space<vmem>>) dst(%dma_wait3A_1121 : memref<2048xi32, #tpu.memory_space<hbm>>)
          tpu.yield
        }) : () -> ()
        %run_scoped3A_1108 = arith.constant 3 : i32
        "tpu.region"() ({
          %run_scoped3A_1109 = tpu.sem_alloc : memref<!tpu.dma_semaphore, #tpu.memory_space<semaphore_mem>>
          %dma_start3A_1110 = arith.constant 0 : i32
          %dma_start3A_1111 = tpu.memref_slice %arg9[%run_scoped3A_1108, %dma_start3A_1110] : memref<4x2048xf32, #tpu.memory_space<hbm>> -> memref<1x2048xf32, #tpu.memory_space<hbm>>
          %dma_start3A_1112 = tpu.memref_squeeze %dma_start3A_1111 : memref<1x2048xf32, #tpu.memory_space<hbm>> -> memref<2048xf32, #tpu.memory_space<hbm>>
          %dma_start3A_1113 = arith.constant 0 : i32
          %dma_start3A_1114 = tpu.memref_slice %arg9[%run_scoped3A_1108, %dma_start3A_1113] : memref<4x2048xf32, #tpu.memory_space<hbm>> -> memref<1x2048xf32, #tpu.memory_space<hbm>>
          %dma_start3A_1115 = tpu.memref_squeeze %dma_start3A_1114 : memref<1x2048xf32, #tpu.memory_space<hbm>> -> memref<2048xf32, #tpu.memory_space<hbm>>
          tpu.enqueue_dma source(%arg18 : memref<2048xf32, #tpu.memory_space<vmem>>) target(%dma_start3A_1115 : memref<2048xf32, #tpu.memory_space<hbm>>) target_semaphore(%run_scoped3A_1109 : memref<!tpu.dma_semaphore, #tpu.memory_space<semaphore_mem>>)
          %dma_wait3A_1116 = arith.constant 0 : i32
          %dma_wait3A_1117 = tpu.memref_slice %arg9[%run_scoped3A_1108, %dma_wait3A_1116] : memref<4x2048xf32, #tpu.memory_space<hbm>> -> memref<1x2048xf32, #tpu.memory_space<hbm>>
          %dma_wait3A_1118 = tpu.memref_squeeze %dma_wait3A_1117 : memref<1x2048xf32, #tpu.memory_space<hbm>> -> memref<2048xf32, #tpu.memory_space<hbm>>
          %dma_wait3A_1119 = arith.constant 0 : i32
          %dma_wait3A_1120 = tpu.memref_slice %arg9[%run_scoped3A_1108, %dma_wait3A_1119] : memref<4x2048xf32, #tpu.memory_space<hbm>> -> memref<1x2048xf32, #tpu.memory_space<hbm>>
          %dma_wait3A_1121 = tpu.memref_squeeze %dma_wait3A_1120 : memref<1x2048xf32, #tpu.memory_space<hbm>> -> memref<2048xf32, #tpu.memory_space<hbm>>
          tpu.wait_dma2 semaphore(%run_scoped3A_1109 : memref<!tpu.dma_semaphore, #tpu.memory_space<semaphore_mem>>) src(%arg18 : memref<2048xf32, #tpu.memory_space<vmem>>) dst(%dma_wait3A_1121 : memref<2048xf32, #tpu.memory_space<hbm>>)
          tpu.yield
        }) : () -> ()
      } else {
      }
    } else {
    }
    %dma_start3A_452 = arith.constant 24 : i32
    %dma_start3A_453 = tpu.memref_slice %arg13[%dma_start3A_452] : memref<256xi32, #tpu.memory_space<vmem>> -> memref<8xi32, #tpu.memory_space<vmem>>
    %dma_start3A_454 = arith.constant 0 : i32
    %dma_start3A_455 = arith.constant 0 : i32
    %dma_start3A_456 = tpu.memref_slice %arg2[%dma_start3A_454, %dma_start3A_455] : memref<16384x2048xf32, #tpu.memory_space<hbm>> -> memref<16384x2048xf32, #tpu.memory_space<hbm>>
    tpu.enqueue_indirect_dma source(%dma_start3A_456 : memref<16384x2048xf32, #tpu.memory_space<hbm>>) target(%arg24 : memref<8x2048xf32, #tpu.memory_space<vmem>>) offsets(%dma_start3A_453 : memref<8xi32, #tpu.memory_space<vmem>>) semaphore(%arg28 : memref<!tpu.dma_semaphore, #tpu.memory_space<semaphore_mem>>)
    %dma_wait3A = arith.constant 0 : i32
    %dma_wait3A_457 = tpu.memref_slice %arg13[%dma_wait3A] : memref<256xi32, #tpu.memory_space<vmem>> -> memref<8xi32, #tpu.memory_space<vmem>>
    %dma_wait3A_458 = arith.constant 0 : i32
    %dma_wait3A_459 = arith.constant 0 : i32
    %dma_wait3A_460 = tpu.memref_slice %arg2[%dma_wait3A_458, %dma_wait3A_459] : memref<16384x2048xf32, #tpu.memory_space<hbm>> -> memref<16384x2048xf32, #tpu.memory_space<hbm>>
    tpu.wait_indirect_dma semaphore(%arg25 : memref<!tpu.dma_semaphore, #tpu.memory_space<semaphore_mem>>) src(%dma_wait3A_460 : memref<16384x2048xf32, #tpu.memory_space<hbm>>) dst(%arg21 : memref<8x2048xf32, #tpu.memory_space<vmem>>)
    %add3A_461 = arith.constant 0 : i32
    %add3A_462 = arith.addi %mul3A_2, %add3A_461 : i32
    %dma_start3A_463 = arith.constant 0 : i32
    %dma_start3A_464 = tpu.memref_slice %arg10[%add3A_462, %dma_start3A_463] : memref<8192x2048xf32, #tpu.memory_space<hbm>> -> memref<8x2048xf32, #tpu.memory_space<hbm>>
    %dma_start3A_465 = arith.constant 0 : i32
    %dma_start3A_466 = tpu.memref_slice %arg10[%add3A_462, %dma_start3A_465] : memref<8192x2048xf32, #tpu.memory_space<hbm>> -> memref<8x2048xf32, #tpu.memory_space<hbm>>
    tpu.enqueue_dma source(%arg21 : memref<8x2048xf32, #tpu.memory_space<vmem>>) target(%dma_start3A_466 : memref<8x2048xf32, #tpu.memory_space<hbm>>) target_semaphore(%arg29 : memref<!tpu.dma_semaphore, #tpu.memory_space<semaphore_mem>>)
    %dma_wait3A_467 = arith.constant 0 : i32
    %dma_wait3A_468 = tpu.memref_slice %arg10[%add3A_462, %dma_wait3A_467] : memref<8192x2048xf32, #tpu.memory_space<hbm>> -> memref<8x2048xf32, #tpu.memory_space<hbm>>
    %dma_wait3A_469 = arith.constant 0 : i32
    %dma_wait3A_470 = tpu.memref_slice %arg10[%add3A_462, %dma_wait3A_469] : memref<8192x2048xf32, #tpu.memory_space<hbm>> -> memref<8x2048xf32, #tpu.memory_space<hbm>>
    tpu.wait_dma2 semaphore(%arg29 : memref<!tpu.dma_semaphore, #tpu.memory_space<semaphore_mem>>) src(%arg21 : memref<8x2048xf32, #tpu.memory_space<vmem>>) dst(%dma_wait3A_470 : memref<8x2048xf32, #tpu.memory_space<hbm>>)
    %dma_start3A_471 = arith.constant 32 : i32
    %dma_start3A_472 = tpu.memref_slice %arg13[%dma_start3A_471] : memref<256xi32, #tpu.memory_space<vmem>> -> memref<8xi32, #tpu.memory_space<vmem>>
    %dma_start3A_473 = arith.constant 0 : i32
    %dma_start3A_474 = arith.constant 0 : i32
    %dma_start3A_475 = tpu.memref_slice %arg2[%dma_start3A_473, %dma_start3A_474] : memref<16384x2048xf32, #tpu.memory_space<hbm>> -> memref<16384x2048xf32, #tpu.memory_space<hbm>>
    tpu.enqueue_indirect_dma source(%dma_start3A_475 : memref<16384x2048xf32, #tpu.memory_space<hbm>>) target(%arg21 : memref<8x2048xf32, #tpu.memory_space<vmem>>) offsets(%dma_start3A_472 : memref<8xi32, #tpu.memory_space<vmem>>) semaphore(%arg25 : memref<!tpu.dma_semaphore, #tpu.memory_space<semaphore_mem>>)
    %dma_wait3A_476 = arith.constant 8 : i32
    %dma_wait3A_477 = tpu.memref_slice %arg13[%dma_wait3A_476] : memref<256xi32, #tpu.memory_space<vmem>> -> memref<8xi32, #tpu.memory_space<vmem>>
    %dma_wait3A_478 = arith.constant 0 : i32
    %dma_wait3A_479 = arith.constant 0 : i32
    %dma_wait3A_480 = tpu.memref_slice %arg2[%dma_wait3A_478, %dma_wait3A_479] : memref<16384x2048xf32, #tpu.memory_space<hbm>> -> memref<16384x2048xf32, #tpu.memory_space<hbm>>
    tpu.wait_indirect_dma semaphore(%arg26 : memref<!tpu.dma_semaphore, #tpu.memory_space<semaphore_mem>>) src(%dma_wait3A_480 : memref<16384x2048xf32, #tpu.memory_space<hbm>>) dst(%arg22 : memref<8x2048xf32, #tpu.memory_space<vmem>>)
    %add3A_481 = arith.constant 8 : i32
    %add3A_482 = arith.addi %mul3A_2, %add3A_481 : i32
    %dma_start3A_483 = arith.constant 0 : i32
    %dma_start3A_484 = tpu.memref_slice %arg10[%add3A_482, %dma_start3A_483] : memref<8192x2048xf32, #tpu.memory_space<hbm>> -> memref<8x2048xf32, #tpu.memory_space<hbm>>
    %dma_start3A_485 = arith.constant 0 : i32
    %dma_start3A_486 = tpu.memref_slice %arg10[%add3A_482, %dma_start3A_485] : memref<8192x2048xf32, #tpu.memory_space<hbm>> -> memref<8x2048xf32, #tpu.memory_space<hbm>>
    tpu.enqueue_dma source(%arg22 : memref<8x2048xf32, #tpu.memory_space<vmem>>) target(%dma_start3A_486 : memref<8x2048xf32, #tpu.memory_space<hbm>>) target_semaphore(%arg30 : memref<!tpu.dma_semaphore, #tpu.memory_space<semaphore_mem>>)
    %dma_wait3A_487 = arith.constant 0 : i32
    %dma_wait3A_488 = tpu.memref_slice %arg10[%add3A_482, %dma_wait3A_487] : memref<8192x2048xf32, #tpu.memory_space<hbm>> -> memref<8x2048xf32, #tpu.memory_space<hbm>>
    %dma_wait3A_489 = arith.constant 0 : i32
    %dma_wait3A_490 = tpu.memref_slice %arg10[%add3A_482, %dma_wait3A_489] : memref<8192x2048xf32, #tpu.memory_space<hbm>> -> memref<8x2048xf32, #tpu.memory_space<hbm>>
    tpu.wait_dma2 semaphore(%arg30 : memref<!tpu.dma_semaphore, #tpu.memory_space<semaphore_mem>>) src(%arg22 : memref<8x2048xf32, #tpu.memory_space<vmem>>) dst(%dma_wait3A_490 : memref<8x2048xf32, #tpu.memory_space<hbm>>)
    %dma_start3A_491 = arith.constant 40 : i32
    %dma_start3A_492 = tpu.memref_slice %arg13[%dma_start3A_491] : memref<256xi32, #tpu.memory_space<vmem>> -> memref<8xi32, #tpu.memory_space<vmem>>
    %dma_start3A_493 = arith.constant 0 : i32
    %dma_start3A_494 = arith.constant 0 : i32
    %dma_start3A_495 = tpu.memref_slice %arg2[%dma_start3A_493, %dma_start3A_494] : memref<16384x2048xf32, #tpu.memory_space<hbm>> -> memref<16384x2048xf32, #tpu.memory_space<hbm>>
    tpu.enqueue_indirect_dma source(%dma_start3A_495 : memref<16384x2048xf32, #tpu.memory_space<hbm>>) target(%arg22 : memref<8x2048xf32, #tpu.memory_space<vmem>>) offsets(%dma_start3A_492 : memref<8xi32, #tpu.memory_space<vmem>>) semaphore(%arg26 : memref<!tpu.dma_semaphore, #tpu.memory_space<semaphore_mem>>)
    %dma_wait3A_496 = arith.constant 16 : i32
    %dma_wait3A_497 = tpu.memref_slice %arg13[%dma_wait3A_496] : memref<256xi32, #tpu.memory_space<vmem>> -> memref<8xi32, #tpu.memory_space<vmem>>
    %dma_wait3A_498 = arith.constant 0 : i32
    %dma_wait3A_499 = arith.constant 0 : i32
    %dma_wait3A_500 = tpu.memref_slice %arg2[%dma_wait3A_498, %dma_wait3A_499] : memref<16384x2048xf32, #tpu.memory_space<hbm>> -> memref<16384x2048xf32, #tpu.memory_space<hbm>>
    tpu.wait_indirect_dma semaphore(%arg27 : memref<!tpu.dma_semaphore, #tpu.memory_space<semaphore_mem>>) src(%dma_wait3A_500 : memref<16384x2048xf32, #tpu.memory_space<hbm>>) dst(%arg23 : memref<8x2048xf32, #tpu.memory_space<vmem>>)
    %add3A_501 = arith.constant 16 : i32
    %add3A_502 = arith.addi %mul3A_2, %add3A_501 : i32
    %dma_start3A_503 = arith.constant 0 : i32
    %dma_start3A_504 = tpu.memref_slice %arg10[%add3A_502, %dma_start3A_503] : memref<8192x2048xf32, #tpu.memory_space<hbm>> -> memref<8x2048xf32, #tpu.memory_space<hbm>>
    %dma_start3A_505 = arith.constant 0 : i32
    %dma_start3A_506 = tpu.memref_slice %arg10[%add3A_502, %dma_start3A_505] : memref<8192x2048xf32, #tpu.memory_space<hbm>> -> memref<8x2048xf32, #tpu.memory_space<hbm>>
    tpu.enqueue_dma source(%arg23 : memref<8x2048xf32, #tpu.memory_space<vmem>>) target(%dma_start3A_506 : memref<8x2048xf32, #tpu.memory_space<hbm>>) target_semaphore(%arg31 : memref<!tpu.dma_semaphore, #tpu.memory_space<semaphore_mem>>)
    %dma_wait3A_507 = arith.constant 0 : i32
    %dma_wait3A_508 = tpu.memref_slice %arg10[%add3A_502, %dma_wait3A_507] : memref<8192x2048xf32, #tpu.memory_space<hbm>> -> memref<8x2048xf32, #tpu.memory_space<hbm>>
    %dma_wait3A_509 = arith.constant 0 : i32
    %dma_wait3A_510 = tpu.memref_slice %arg10[%add3A_502, %dma_wait3A_509] : memref<8192x2048xf32, #tpu.memory_space<hbm>> -> memref<8x2048xf32, #tpu.memory_space<hbm>>
    tpu.wait_dma2 semaphore(%arg31 : memref<!tpu.dma_semaphore, #tpu.memory_space<semaphore_mem>>) src(%arg23 : memref<8x2048xf32, #tpu.memory_space<vmem>>) dst(%dma_wait3A_510 : memref<8x2048xf32, #tpu.memory_space<hbm>>)
    %dma_start3A_511 = arith.constant 48 : i32
    %dma_start3A_512 = tpu.memref_slice %arg13[%dma_start3A_511] : memref<256xi32, #tpu.memory_space<vmem>> -> memref<8xi32, #tpu.memory_space<vmem>>
    %dma_start3A_513 = arith.constant 0 : i32
    %dma_start3A_514 = arith.constant 0 : i32
    %dma_start3A_515 = tpu.memref_slice %arg2[%dma_start3A_513, %dma_start3A_514] : memref<16384x2048xf32, #tpu.memory_space<hbm>> -> memref<16384x2048xf32, #tpu.memory_space<hbm>>
    tpu.enqueue_indirect_dma source(%dma_start3A_515 : memref<16384x2048xf32, #tpu.memory_space<hbm>>) target(%arg23 : memref<8x2048xf32, #tpu.memory_space<vmem>>) offsets(%dma_start3A_512 : memref<8xi32, #tpu.memory_space<vmem>>) semaphore(%arg27 : memref<!tpu.dma_semaphore, #tpu.memory_space<semaphore_mem>>)
    %dma_wait3A_516 = arith.constant 24 : i32
    %dma_wait3A_517 = tpu.memref_slice %arg13[%dma_wait3A_516] : memref<256xi32, #tpu.memory_space<vmem>> -> memref<8xi32, #tpu.memory_space<vmem>>
    %dma_wait3A_518 = arith.constant 0 : i32
    %dma_wait3A_519 = arith.constant 0 : i32
    %dma_wait3A_520 = tpu.memref_slice %arg2[%dma_wait3A_518, %dma_wait3A_519] : memref<16384x2048xf32, #tpu.memory_space<hbm>> -> memref<16384x2048xf32, #tpu.memory_space<hbm>>
    tpu.wait_indirect_dma semaphore(%arg28 : memref<!tpu.dma_semaphore, #tpu.memory_space<semaphore_mem>>) src(%dma_wait3A_520 : memref<16384x2048xf32, #tpu.memory_space<hbm>>) dst(%arg24 : memref<8x2048xf32, #tpu.memory_space<vmem>>)
    %add3A_521 = arith.constant 24 : i32
    %add3A_522 = arith.addi %mul3A_2, %add3A_521 : i32
    %dma_start3A_523 = arith.constant 0 : i32
    %dma_start3A_524 = tpu.memref_slice %arg10[%add3A_522, %dma_start3A_523] : memref<8192x2048xf32, #tpu.memory_space<hbm>> -> memref<8x2048xf32, #tpu.memory_space<hbm>>
    %dma_start3A_525 = arith.constant 0 : i32
    %dma_start3A_526 = tpu.memref_slice %arg10[%add3A_522, %dma_start3A_525] : memref<8192x2048xf32, #tpu.memory_space<hbm>> -> memref<8x2048xf32, #tpu.memory_space<hbm>>
    tpu.enqueue_dma source(%arg24 : memref<8x2048xf32, #tpu.memory_space<vmem>>) target(%dma_start3A_526 : memref<8x2048xf32, #tpu.memory_space<hbm>>) target_semaphore(%arg32 : memref<!tpu.dma_semaphore, #tpu.memory_space<semaphore_mem>>)
    %dma_wait3A_527 = arith.constant 0 : i32
    %dma_wait3A_528 = tpu.memref_slice %arg10[%add3A_522, %dma_wait3A_527] : memref<8192x2048xf32, #tpu.memory_space<hbm>> -> memref<8x2048xf32, #tpu.memory_space<hbm>>
    %dma_wait3A_529 = arith.constant 0 : i32
    %dma_wait3A_530 = tpu.memref_slice %arg10[%add3A_522, %dma_wait3A_529] : memref<8192x2048xf32, #tpu.memory_space<hbm>> -> memref<8x2048xf32, #tpu.memory_space<hbm>>
    tpu.wait_dma2 semaphore(%arg32 : memref<!tpu.dma_semaphore, #tpu.memory_space<semaphore_mem>>) src(%arg24 : memref<8x2048xf32, #tpu.memory_space<vmem>>) dst(%dma_wait3A_530 : memref<8x2048xf32, #tpu.memory_space<hbm>>)
    %dma_start3A_531 = arith.constant 56 : i32
    %dma_start3A_532 = tpu.memref_slice %arg13[%dma_start3A_531] : memref<256xi32, #tpu.memory_space<vmem>> -> memref<8xi32, #tpu.memory_space<vmem>>
    %dma_start3A_533 = arith.constant 0 : i32
    %dma_start3A_534 = arith.constant 0 : i32
    %dma_start3A_535 = tpu.memref_slice %arg2[%dma_start3A_533, %dma_start3A_534] : memref<16384x2048xf32, #tpu.memory_space<hbm>> -> memref<16384x2048xf32, #tpu.memory_space<hbm>>
    tpu.enqueue_indirect_dma source(%dma_start3A_535 : memref<16384x2048xf32, #tpu.memory_space<hbm>>) target(%arg24 : memref<8x2048xf32, #tpu.memory_space<vmem>>) offsets(%dma_start3A_532 : memref<8xi32, #tpu.memory_space<vmem>>) semaphore(%arg28 : memref<!tpu.dma_semaphore, #tpu.memory_space<semaphore_mem>>)
    %dma_wait3A_536 = arith.constant 32 : i32
    %dma_wait3A_537 = tpu.memref_slice %arg13[%dma_wait3A_536] : memref<256xi32, #tpu.memory_space<vmem>> -> memref<8xi32, #tpu.memory_space<vmem>>
    %dma_wait3A_538 = arith.constant 0 : i32
    %dma_wait3A_539 = arith.constant 0 : i32
    %dma_wait3A_540 = tpu.memref_slice %arg2[%dma_wait3A_538, %dma_wait3A_539] : memref<16384x2048xf32, #tpu.memory_space<hbm>> -> memref<16384x2048xf32, #tpu.memory_space<hbm>>
    tpu.wait_indirect_dma semaphore(%arg25 : memref<!tpu.dma_semaphore, #tpu.memory_space<semaphore_mem>>) src(%dma_wait3A_540 : memref<16384x2048xf32, #tpu.memory_space<hbm>>) dst(%arg21 : memref<8x2048xf32, #tpu.memory_space<vmem>>)
    %add3A_541 = arith.constant 32 : i32
    %add3A_542 = arith.addi %mul3A_2, %add3A_541 : i32
    %dma_start3A_543 = arith.constant 0 : i32
    %dma_start3A_544 = tpu.memref_slice %arg10[%add3A_542, %dma_start3A_543] : memref<8192x2048xf32, #tpu.memory_space<hbm>> -> memref<8x2048xf32, #tpu.memory_space<hbm>>
    %dma_start3A_545 = arith.constant 0 : i32
    %dma_start3A_546 = tpu.memref_slice %arg10[%add3A_542, %dma_start3A_545] : memref<8192x2048xf32, #tpu.memory_space<hbm>> -> memref<8x2048xf32, #tpu.memory_space<hbm>>
    tpu.enqueue_dma source(%arg21 : memref<8x2048xf32, #tpu.memory_space<vmem>>) target(%dma_start3A_546 : memref<8x2048xf32, #tpu.memory_space<hbm>>) target_semaphore(%arg29 : memref<!tpu.dma_semaphore, #tpu.memory_space<semaphore_mem>>)
    %dma_wait3A_547 = arith.constant 0 : i32
    %dma_wait3A_548 = tpu.memref_slice %arg10[%add3A_542, %dma_wait3A_547] : memref<8192x2048xf32, #tpu.memory_space<hbm>> -> memref<8x2048xf32, #tpu.memory_space<hbm>>
    %dma_wait3A_549 = arith.constant 0 : i32
    %dma_wait3A_550 = tpu.memref_slice %arg10[%add3A_542, %dma_wait3A_549] : memref<8192x2048xf32, #tpu.memory_space<hbm>> -> memref<8x2048xf32, #tpu.memory_space<hbm>>
    tpu.wait_dma2 semaphore(%arg29 : memref<!tpu.dma_semaphore, #tpu.memory_space<semaphore_mem>>) src(%arg21 : memref<8x2048xf32, #tpu.memory_space<vmem>>) dst(%dma_wait3A_550 : memref<8x2048xf32, #tpu.memory_space<hbm>>)
    %dma_start3A_551 = arith.constant 64 : i32
    %dma_start3A_552 = tpu.memref_slice %arg13[%dma_start3A_551] : memref<256xi32, #tpu.memory_space<vmem>> -> memref<8xi32, #tpu.memory_space<vmem>>
    %dma_start3A_553 = arith.constant 0 : i32
    %dma_start3A_554 = arith.constant 0 : i32
    %dma_start3A_555 = tpu.memref_slice %arg2[%dma_start3A_553, %dma_start3A_554] : memref<16384x2048xf32, #tpu.memory_space<hbm>> -> memref<16384x2048xf32, #tpu.memory_space<hbm>>
    tpu.enqueue_indirect_dma source(%dma_start3A_555 : memref<16384x2048xf32, #tpu.memory_space<hbm>>) target(%arg21 : memref<8x2048xf32, #tpu.memory_space<vmem>>) offsets(%dma_start3A_552 : memref<8xi32, #tpu.memory_space<vmem>>) semaphore(%arg25 : memref<!tpu.dma_semaphore, #tpu.memory_space<semaphore_mem>>)
    %dma_wait3A_556 = arith.constant 40 : i32
    %dma_wait3A_557 = tpu.memref_slice %arg13[%dma_wait3A_556] : memref<256xi32, #tpu.memory_space<vmem>> -> memref<8xi32, #tpu.memory_space<vmem>>
    %dma_wait3A_558 = arith.constant 0 : i32
    %dma_wait3A_559 = arith.constant 0 : i32
    %dma_wait3A_560 = tpu.memref_slice %arg2[%dma_wait3A_558, %dma_wait3A_559] : memref<16384x2048xf32, #tpu.memory_space<hbm>> -> memref<16384x2048xf32, #tpu.memory_space<hbm>>
    tpu.wait_indirect_dma semaphore(%arg26 : memref<!tpu.dma_semaphore, #tpu.memory_space<semaphore_mem>>) src(%dma_wait3A_560 : memref<16384x2048xf32, #tpu.memory_space<hbm>>) dst(%arg22 : memref<8x2048xf32, #tpu.memory_space<vmem>>)
    %add3A_561 = arith.constant 40 : i32
    %add3A_562 = arith.addi %mul3A_2, %add3A_561 : i32
    %dma_start3A_563 = arith.constant 0 : i32
    %dma_start3A_564 = tpu.memref_slice %arg10[%add3A_562, %dma_start3A_563] : memref<8192x2048xf32, #tpu.memory_space<hbm>> -> memref<8x2048xf32, #tpu.memory_space<hbm>>
    %dma_start3A_565 = arith.constant 0 : i32
    %dma_start3A_566 = tpu.memref_slice %arg10[%add3A_562, %dma_start3A_565] : memref<8192x2048xf32, #tpu.memory_space<hbm>> -> memref<8x2048xf32, #tpu.memory_space<hbm>>
    tpu.enqueue_dma source(%arg22 : memref<8x2048xf32, #tpu.memory_space<vmem>>) target(%dma_start3A_566 : memref<8x2048xf32, #tpu.memory_space<hbm>>) target_semaphore(%arg30 : memref<!tpu.dma_semaphore, #tpu.memory_space<semaphore_mem>>)
    %dma_wait3A_567 = arith.constant 0 : i32
    %dma_wait3A_568 = tpu.memref_slice %arg10[%add3A_562, %dma_wait3A_567] : memref<8192x2048xf32, #tpu.memory_space<hbm>> -> memref<8x2048xf32, #tpu.memory_space<hbm>>
    %dma_wait3A_569 = arith.constant 0 : i32
    %dma_wait3A_570 = tpu.memref_slice %arg10[%add3A_562, %dma_wait3A_569] : memref<8192x2048xf32, #tpu.memory_space<hbm>> -> memref<8x2048xf32, #tpu.memory_space<hbm>>
    tpu.wait_dma2 semaphore(%arg30 : memref<!tpu.dma_semaphore, #tpu.memory_space<semaphore_mem>>) src(%arg22 : memref<8x2048xf32, #tpu.memory_space<vmem>>) dst(%dma_wait3A_570 : memref<8x2048xf32, #tpu.memory_space<hbm>>)
    %dma_start3A_571 = arith.constant 72 : i32
    %dma_start3A_572 = tpu.memref_slice %arg13[%dma_start3A_571] : memref<256xi32, #tpu.memory_space<vmem>> -> memref<8xi32, #tpu.memory_space<vmem>>
    %dma_start3A_573 = arith.constant 0 : i32
    %dma_start3A_574 = arith.constant 0 : i32
    %dma_start3A_575 = tpu.memref_slice %arg2[%dma_start3A_573, %dma_start3A_574] : memref<16384x2048xf32, #tpu.memory_space<hbm>> -> memref<16384x2048xf32, #tpu.memory_space<hbm>>
    tpu.enqueue_indirect_dma source(%dma_start3A_575 : memref<16384x2048xf32, #tpu.memory_space<hbm>>) target(%arg22 : memref<8x2048xf32, #tpu.memory_space<vmem>>) offsets(%dma_start3A_572 : memref<8xi32, #tpu.memory_space<vmem>>) semaphore(%arg26 : memref<!tpu.dma_semaphore, #tpu.memory_space<semaphore_mem>>)
    %dma_wait3A_576 = arith.constant 48 : i32
    %dma_wait3A_577 = tpu.memref_slice %arg13[%dma_wait3A_576] : memref<256xi32, #tpu.memory_space<vmem>> -> memref<8xi32, #tpu.memory_space<vmem>>
    %dma_wait3A_578 = arith.constant 0 : i32
    %dma_wait3A_579 = arith.constant 0 : i32
    %dma_wait3A_580 = tpu.memref_slice %arg2[%dma_wait3A_578, %dma_wait3A_579] : memref<16384x2048xf32, #tpu.memory_space<hbm>> -> memref<16384x2048xf32, #tpu.memory_space<hbm>>
    tpu.wait_indirect_dma semaphore(%arg27 : memref<!tpu.dma_semaphore, #tpu.memory_space<semaphore_mem>>) src(%dma_wait3A_580 : memref<16384x2048xf32, #tpu.memory_space<hbm>>) dst(%arg23 : memref<8x2048xf32, #tpu.memory_space<vmem>>)
    %add3A_581 = arith.constant 48 : i32
    %add3A_582 = arith.addi %mul3A_2, %add3A_581 : i32
    %dma_start3A_583 = arith.constant 0 : i32
    %dma_start3A_584 = tpu.memref_slice %arg10[%add3A_582, %dma_start3A_583] : memref<8192x2048xf32, #tpu.memory_space<hbm>> -> memref<8x2048xf32, #tpu.memory_space<hbm>>
    %dma_start3A_585 = arith.constant 0 : i32
    %dma_start3A_586 = tpu.memref_slice %arg10[%add3A_582, %dma_start3A_585] : memref<8192x2048xf32, #tpu.memory_space<hbm>> -> memref<8x2048xf32, #tpu.memory_space<hbm>>
    tpu.enqueue_dma source(%arg23 : memref<8x2048xf32, #tpu.memory_space<vmem>>) target(%dma_start3A_586 : memref<8x2048xf32, #tpu.memory_space<hbm>>) target_semaphore(%arg31 : memref<!tpu.dma_semaphore, #tpu.memory_space<semaphore_mem>>)
    %dma_wait3A_587 = arith.constant 0 : i32
    %dma_wait3A_588 = tpu.memref_slice %arg10[%add3A_582, %dma_wait3A_587] : memref<8192x2048xf32, #tpu.memory_space<hbm>> -> memref<8x2048xf32, #tpu.memory_space<hbm>>
    %dma_wait3A_589 = arith.constant 0 : i32
    %dma_wait3A_590 = tpu.memref_slice %arg10[%add3A_582, %dma_wait3A_589] : memref<8192x2048xf32, #tpu.memory_space<hbm>> -> memref<8x2048xf32, #tpu.memory_space<hbm>>
    tpu.wait_dma2 semaphore(%arg31 : memref<!tpu.dma_semaphore, #tpu.memory_space<semaphore_mem>>) src(%arg23 : memref<8x2048xf32, #tpu.memory_space<vmem>>) dst(%dma_wait3A_590 : memref<8x2048xf32, #tpu.memory_space<hbm>>)
    %dma_start3A_591 = arith.constant 80 : i32
    %dma_start3A_592 = tpu.memref_slice %arg13[%dma_start3A_591] : memref<256xi32, #tpu.memory_space<vmem>> -> memref<8xi32, #tpu.memory_space<vmem>>
    %dma_start3A_593 = arith.constant 0 : i32
    %dma_start3A_594 = arith.constant 0 : i32
    %dma_start3A_595 = tpu.memref_slice %arg2[%dma_start3A_593, %dma_start3A_594] : memref<16384x2048xf32, #tpu.memory_space<hbm>> -> memref<16384x2048xf32, #tpu.memory_space<hbm>>
    tpu.enqueue_indirect_dma source(%dma_start3A_595 : memref<16384x2048xf32, #tpu.memory_space<hbm>>) target(%arg23 : memref<8x2048xf32, #tpu.memory_space<vmem>>) offsets(%dma_start3A_592 : memref<8xi32, #tpu.memory_space<vmem>>) semaphore(%arg27 : memref<!tpu.dma_semaphore, #tpu.memory_space<semaphore_mem>>)
    %dma_wait3A_596 = arith.constant 56 : i32
    %dma_wait3A_597 = tpu.memref_slice %arg13[%dma_wait3A_596] : memref<256xi32, #tpu.memory_space<vmem>> -> memref<8xi32, #tpu.memory_space<vmem>>
    %dma_wait3A_598 = arith.constant 0 : i32
    %dma_wait3A_599 = arith.constant 0 : i32
    %dma_wait3A_600 = tpu.memref_slice %arg2[%dma_wait3A_598, %dma_wait3A_599] : memref<16384x2048xf32, #tpu.memory_space<hbm>> -> memref<16384x2048xf32, #tpu.memory_space<hbm>>
    tpu.wait_indirect_dma semaphore(%arg28 : memref<!tpu.dma_semaphore, #tpu.memory_space<semaphore_mem>>) src(%dma_wait3A_600 : memref<16384x2048xf32, #tpu.memory_space<hbm>>) dst(%arg24 : memref<8x2048xf32, #tpu.memory_space<vmem>>)
    %add3A_601 = arith.constant 56 : i32
    %add3A_602 = arith.addi %mul3A_2, %add3A_601 : i32
    %dma_start3A_603 = arith.constant 0 : i32
    %dma_start3A_604 = tpu.memref_slice %arg10[%add3A_602, %dma_start3A_603] : memref<8192x2048xf32, #tpu.memory_space<hbm>> -> memref<8x2048xf32, #tpu.memory_space<hbm>>
    %dma_start3A_605 = arith.constant 0 : i32
    %dma_start3A_606 = tpu.memref_slice %arg10[%add3A_602, %dma_start3A_605] : memref<8192x2048xf32, #tpu.memory_space<hbm>> -> memref<8x2048xf32, #tpu.memory_space<hbm>>
    tpu.enqueue_dma source(%arg24 : memref<8x2048xf32, #tpu.memory_space<vmem>>) target(%dma_start3A_606 : memref<8x2048xf32, #tpu.memory_space<hbm>>) target_semaphore(%arg32 : memref<!tpu.dma_semaphore, #tpu.memory_space<semaphore_mem>>)
    %dma_wait3A_607 = arith.constant 0 : i32
    %dma_wait3A_608 = tpu.memref_slice %arg10[%add3A_602, %dma_wait3A_607] : memref<8192x2048xf32, #tpu.memory_space<hbm>> -> memref<8x2048xf32, #tpu.memory_space<hbm>>
    %dma_wait3A_609 = arith.constant 0 : i32
    %dma_wait3A_610 = tpu.memref_slice %arg10[%add3A_602, %dma_wait3A_609] : memref<8192x2048xf32, #tpu.memory_space<hbm>> -> memref<8x2048xf32, #tpu.memory_space<hbm>>
    tpu.wait_dma2 semaphore(%arg32 : memref<!tpu.dma_semaphore, #tpu.memory_space<semaphore_mem>>) src(%arg24 : memref<8x2048xf32, #tpu.memory_space<vmem>>) dst(%dma_wait3A_610 : memref<8x2048xf32, #tpu.memory_space<hbm>>)
    %dma_start3A_611 = arith.constant 88 : i32
    %dma_start3A_612 = tpu.memref_slice %arg13[%dma_start3A_611] : memref<256xi32, #tpu.memory_space<vmem>> -> memref<8xi32, #tpu.memory_space<vmem>>
    %dma_start3A_613 = arith.constant 0 : i32
    %dma_start3A_614 = arith.constant 0 : i32
    %dma_start3A_615 = tpu.memref_slice %arg2[%dma_start3A_613, %dma_start3A_614] : memref<16384x2048xf32, #tpu.memory_space<hbm>> -> memref<16384x2048xf32, #tpu.memory_space<hbm>>
    tpu.enqueue_indirect_dma source(%dma_start3A_615 : memref<16384x2048xf32, #tpu.memory_space<hbm>>) target(%arg24 : memref<8x2048xf32, #tpu.memory_space<vmem>>) offsets(%dma_start3A_612 : memref<8xi32, #tpu.memory_space<vmem>>) semaphore(%arg28 : memref<!tpu.dma_semaphore, #tpu.memory_space<semaphore_mem>>)
    %dma_wait3A_616 = arith.constant 64 : i32
    %dma_wait3A_617 = tpu.memref_slice %arg13[%dma_wait3A_616] : memref<256xi32, #tpu.memory_space<vmem>> -> memref<8xi32, #tpu.memory_space<vmem>>
    %dma_wait3A_618 = arith.constant 0 : i32
    %dma_wait3A_619 = arith.constant 0 : i32
    %dma_wait3A_620 = tpu.memref_slice %arg2[%dma_wait3A_618, %dma_wait3A_619] : memref<16384x2048xf32, #tpu.memory_space<hbm>> -> memref<16384x2048xf32, #tpu.memory_space<hbm>>
    tpu.wait_indirect_dma semaphore(%arg25 : memref<!tpu.dma_semaphore, #tpu.memory_space<semaphore_mem>>) src(%dma_wait3A_620 : memref<16384x2048xf32, #tpu.memory_space<hbm>>) dst(%arg21 : memref<8x2048xf32, #tpu.memory_space<vmem>>)
    %add3A_621 = arith.constant 64 : i32
    %add3A_622 = arith.addi %mul3A_2, %add3A_621 : i32
    %dma_start3A_623 = arith.constant 0 : i32
    %dma_start3A_624 = tpu.memref_slice %arg10[%add3A_622, %dma_start3A_623] : memref<8192x2048xf32, #tpu.memory_space<hbm>> -> memref<8x2048xf32, #tpu.memory_space<hbm>>
    %dma_start3A_625 = arith.constant 0 : i32
    %dma_start3A_626 = tpu.memref_slice %arg10[%add3A_622, %dma_start3A_625] : memref<8192x2048xf32, #tpu.memory_space<hbm>> -> memref<8x2048xf32, #tpu.memory_space<hbm>>
    tpu.enqueue_dma source(%arg21 : memref<8x2048xf32, #tpu.memory_space<vmem>>) target(%dma_start3A_626 : memref<8x2048xf32, #tpu.memory_space<hbm>>) target_semaphore(%arg29 : memref<!tpu.dma_semaphore, #tpu.memory_space<semaphore_mem>>)
    %dma_wait3A_627 = arith.constant 0 : i32
    %dma_wait3A_628 = tpu.memref_slice %arg10[%add3A_622, %dma_wait3A_627] : memref<8192x2048xf32, #tpu.memory_space<hbm>> -> memref<8x2048xf32, #tpu.memory_space<hbm>>
    %dma_wait3A_629 = arith.constant 0 : i32
    %dma_wait3A_630 = tpu.memref_slice %arg10[%add3A_622, %dma_wait3A_629] : memref<8192x2048xf32, #tpu.memory_space<hbm>> -> memref<8x2048xf32, #tpu.memory_space<hbm>>
    tpu.wait_dma2 semaphore(%arg29 : memref<!tpu.dma_semaphore, #tpu.memory_space<semaphore_mem>>) src(%arg21 : memref<8x2048xf32, #tpu.memory_space<vmem>>) dst(%dma_wait3A_630 : memref<8x2048xf32, #tpu.memory_space<hbm>>)
    %dma_start3A_631 = arith.constant 96 : i32
    %dma_start3A_632 = tpu.memref_slice %arg13[%dma_start3A_631] : memref<256xi32, #tpu.memory_space<vmem>> -> memref<8xi32, #tpu.memory_space<vmem>>
    %dma_start3A_633 = arith.constant 0 : i32
    %dma_start3A_634 = arith.constant 0 : i32
    %dma_start3A_635 = tpu.memref_slice %arg2[%dma_start3A_633, %dma_start3A_634] : memref<16384x2048xf32, #tpu.memory_space<hbm>> -> memref<16384x2048xf32, #tpu.memory_space<hbm>>
    tpu.enqueue_indirect_dma source(%dma_start3A_635 : memref<16384x2048xf32, #tpu.memory_space<hbm>>) target(%arg21 : memref<8x2048xf32, #tpu.memory_space<vmem>>) offsets(%dma_start3A_632 : memref<8xi32, #tpu.memory_space<vmem>>) semaphore(%arg25 : memref<!tpu.dma_semaphore, #tpu.memory_space<semaphore_mem>>)
    %dma_wait3A_636 = arith.constant 72 : i32
    %dma_wait3A_637 = tpu.memref_slice %arg13[%dma_wait3A_636] : memref<256xi32, #tpu.memory_space<vmem>> -> memref<8xi32, #tpu.memory_space<vmem>>
    %dma_wait3A_638 = arith.constant 0 : i32
    %dma_wait3A_639 = arith.constant 0 : i32
    %dma_wait3A_640 = tpu.memref_slice %arg2[%dma_wait3A_638, %dma_wait3A_639] : memref<16384x2048xf32, #tpu.memory_space<hbm>> -> memref<16384x2048xf32, #tpu.memory_space<hbm>>
    tpu.wait_indirect_dma semaphore(%arg26 : memref<!tpu.dma_semaphore, #tpu.memory_space<semaphore_mem>>) src(%dma_wait3A_640 : memref<16384x2048xf32, #tpu.memory_space<hbm>>) dst(%arg22 : memref<8x2048xf32, #tpu.memory_space<vmem>>)
    %add3A_641 = arith.constant 72 : i32
    %add3A_642 = arith.addi %mul3A_2, %add3A_641 : i32
    %dma_start3A_643 = arith.constant 0 : i32
    %dma_start3A_644 = tpu.memref_slice %arg10[%add3A_642, %dma_start3A_643] : memref<8192x2048xf32, #tpu.memory_space<hbm>> -> memref<8x2048xf32, #tpu.memory_space<hbm>>
    %dma_start3A_645 = arith.constant 0 : i32
    %dma_start3A_646 = tpu.memref_slice %arg10[%add3A_642, %dma_start3A_645] : memref<8192x2048xf32, #tpu.memory_space<hbm>> -> memref<8x2048xf32, #tpu.memory_space<hbm>>
    tpu.enqueue_dma source(%arg22 : memref<8x2048xf32, #tpu.memory_space<vmem>>) target(%dma_start3A_646 : memref<8x2048xf32, #tpu.memory_space<hbm>>) target_semaphore(%arg30 : memref<!tpu.dma_semaphore, #tpu.memory_space<semaphore_mem>>)
    %dma_wait3A_647 = arith.constant 0 : i32
    %dma_wait3A_648 = tpu.memref_slice %arg10[%add3A_642, %dma_wait3A_647] : memref<8192x2048xf32, #tpu.memory_space<hbm>> -> memref<8x2048xf32, #tpu.memory_space<hbm>>
    %dma_wait3A_649 = arith.constant 0 : i32
    %dma_wait3A_650 = tpu.memref_slice %arg10[%add3A_642, %dma_wait3A_649] : memref<8192x2048xf32, #tpu.memory_space<hbm>> -> memref<8x2048xf32, #tpu.memory_space<hbm>>
    tpu.wait_dma2 semaphore(%arg30 : memref<!tpu.dma_semaphore, #tpu.memory_space<semaphore_mem>>) src(%arg22 : memref<8x2048xf32, #tpu.memory_space<vmem>>) dst(%dma_wait3A_650 : memref<8x2048xf32, #tpu.memory_space<hbm>>)
    %dma_start3A_651 = arith.constant 104 : i32
    %dma_start3A_652 = tpu.memref_slice %arg13[%dma_start3A_651] : memref<256xi32, #tpu.memory_space<vmem>> -> memref<8xi32, #tpu.memory_space<vmem>>
    %dma_start3A_653 = arith.constant 0 : i32
    %dma_start3A_654 = arith.constant 0 : i32
    %dma_start3A_655 = tpu.memref_slice %arg2[%dma_start3A_653, %dma_start3A_654] : memref<16384x2048xf32, #tpu.memory_space<hbm>> -> memref<16384x2048xf32, #tpu.memory_space<hbm>>
    tpu.enqueue_indirect_dma source(%dma_start3A_655 : memref<16384x2048xf32, #tpu.memory_space<hbm>>) target(%arg22 : memref<8x2048xf32, #tpu.memory_space<vmem>>) offsets(%dma_start3A_652 : memref<8xi32, #tpu.memory_space<vmem>>) semaphore(%arg26 : memref<!tpu.dma_semaphore, #tpu.memory_space<semaphore_mem>>)
    %dma_wait3A_656 = arith.constant 80 : i32
    %dma_wait3A_657 = tpu.memref_slice %arg13[%dma_wait3A_656] : memref<256xi32, #tpu.memory_space<vmem>> -> memref<8xi32, #tpu.memory_space<vmem>>
    %dma_wait3A_658 = arith.constant 0 : i32
    %dma_wait3A_659 = arith.constant 0 : i32
    %dma_wait3A_660 = tpu.memref_slice %arg2[%dma_wait3A_658, %dma_wait3A_659] : memref<16384x2048xf32, #tpu.memory_space<hbm>> -> memref<16384x2048xf32, #tpu.memory_space<hbm>>
    tpu.wait_indirect_dma semaphore(%arg27 : memref<!tpu.dma_semaphore, #tpu.memory_space<semaphore_mem>>) src(%dma_wait3A_660 : memref<16384x2048xf32, #tpu.memory_space<hbm>>) dst(%arg23 : memref<8x2048xf32, #tpu.memory_space<vmem>>)
    %add3A_661 = arith.constant 80 : i32
    %add3A_662 = arith.addi %mul3A_2, %add3A_661 : i32
    %dma_start3A_663 = arith.constant 0 : i32
    %dma_start3A_664 = tpu.memref_slice %arg10[%add3A_662, %dma_start3A_663] : memref<8192x2048xf32, #tpu.memory_space<hbm>> -> memref<8x2048xf32, #tpu.memory_space<hbm>>
    %dma_start3A_665 = arith.constant 0 : i32
    %dma_start3A_666 = tpu.memref_slice %arg10[%add3A_662, %dma_start3A_665] : memref<8192x2048xf32, #tpu.memory_space<hbm>> -> memref<8x2048xf32, #tpu.memory_space<hbm>>
    tpu.enqueue_dma source(%arg23 : memref<8x2048xf32, #tpu.memory_space<vmem>>) target(%dma_start3A_666 : memref<8x2048xf32, #tpu.memory_space<hbm>>) target_semaphore(%arg31 : memref<!tpu.dma_semaphore, #tpu.memory_space<semaphore_mem>>)
    %dma_wait3A_667 = arith.constant 0 : i32
    %dma_wait3A_668 = tpu.memref_slice %arg10[%add3A_662, %dma_wait3A_667] : memref<8192x2048xf32, #tpu.memory_space<hbm>> -> memref<8x2048xf32, #tpu.memory_space<hbm>>
    %dma_wait3A_669 = arith.constant 0 : i32
    %dma_wait3A_670 = tpu.memref_slice %arg10[%add3A_662, %dma_wait3A_669] : memref<8192x2048xf32, #tpu.memory_space<hbm>> -> memref<8x2048xf32, #tpu.memory_space<hbm>>
    tpu.wait_dma2 semaphore(%arg31 : memref<!tpu.dma_semaphore, #tpu.memory_space<semaphore_mem>>) src(%arg23 : memref<8x2048xf32, #tpu.memory_space<vmem>>) dst(%dma_wait3A_670 : memref<8x2048xf32, #tpu.memory_space<hbm>>)
    %dma_start3A_671 = arith.constant 112 : i32
    %dma_start3A_672 = tpu.memref_slice %arg13[%dma_start3A_671] : memref<256xi32, #tpu.memory_space<vmem>> -> memref<8xi32, #tpu.memory_space<vmem>>
    %dma_start3A_673 = arith.constant 0 : i32
    %dma_start3A_674 = arith.constant 0 : i32
    %dma_start3A_675 = tpu.memref_slice %arg2[%dma_start3A_673, %dma_start3A_674] : memref<16384x2048xf32, #tpu.memory_space<hbm>> -> memref<16384x2048xf32, #tpu.memory_space<hbm>>
    tpu.enqueue_indirect_dma source(%dma_start3A_675 : memref<16384x2048xf32, #tpu.memory_space<hbm>>) target(%arg23 : memref<8x2048xf32, #tpu.memory_space<vmem>>) offsets(%dma_start3A_672 : memref<8xi32, #tpu.memory_space<vmem>>) semaphore(%arg27 : memref<!tpu.dma_semaphore, #tpu.memory_space<semaphore_mem>>)
    %dma_wait3A_676 = arith.constant 88 : i32
    %dma_wait3A_677 = tpu.memref_slice %arg13[%dma_wait3A_676] : memref<256xi32, #tpu.memory_space<vmem>> -> memref<8xi32, #tpu.memory_space<vmem>>
    %dma_wait3A_678 = arith.constant 0 : i32
    %dma_wait3A_679 = arith.constant 0 : i32
    %dma_wait3A_680 = tpu.memref_slice %arg2[%dma_wait3A_678, %dma_wait3A_679] : memref<16384x2048xf32, #tpu.memory_space<hbm>> -> memref<16384x2048xf32, #tpu.memory_space<hbm>>
    tpu.wait_indirect_dma semaphore(%arg28 : memref<!tpu.dma_semaphore, #tpu.memory_space<semaphore_mem>>) src(%dma_wait3A_680 : memref<16384x2048xf32, #tpu.memory_space<hbm>>) dst(%arg24 : memref<8x2048xf32, #tpu.memory_space<vmem>>)
    %add3A_681 = arith.constant 88 : i32
    %add3A_682 = arith.addi %mul3A_2, %add3A_681 : i32
    %dma_start3A_683 = arith.constant 0 : i32
    %dma_start3A_684 = tpu.memref_slice %arg10[%add3A_682, %dma_start3A_683] : memref<8192x2048xf32, #tpu.memory_space<hbm>> -> memref<8x2048xf32, #tpu.memory_space<hbm>>
    %dma_start3A_685 = arith.constant 0 : i32
    %dma_start3A_686 = tpu.memref_slice %arg10[%add3A_682, %dma_start3A_685] : memref<8192x2048xf32, #tpu.memory_space<hbm>> -> memref<8x2048xf32, #tpu.memory_space<hbm>>
    tpu.enqueue_dma source(%arg24 : memref<8x2048xf32, #tpu.memory_space<vmem>>) target(%dma_start3A_686 : memref<8x2048xf32, #tpu.memory_space<hbm>>) target_semaphore(%arg32 : memref<!tpu.dma_semaphore, #tpu.memory_space<semaphore_mem>>)
    %dma_wait3A_687 = arith.constant 0 : i32
    %dma_wait3A_688 = tpu.memref_slice %arg10[%add3A_682, %dma_wait3A_687] : memref<8192x2048xf32, #tpu.memory_space<hbm>> -> memref<8x2048xf32, #tpu.memory_space<hbm>>
    %dma_wait3A_689 = arith.constant 0 : i32
    %dma_wait3A_690 = tpu.memref_slice %arg10[%add3A_682, %dma_wait3A_689] : memref<8192x2048xf32, #tpu.memory_space<hbm>> -> memref<8x2048xf32, #tpu.memory_space<hbm>>
    tpu.wait_dma2 semaphore(%arg32 : memref<!tpu.dma_semaphore, #tpu.memory_space<semaphore_mem>>) src(%arg24 : memref<8x2048xf32, #tpu.memory_space<vmem>>) dst(%dma_wait3A_690 : memref<8x2048xf32, #tpu.memory_space<hbm>>)
    %dma_start3A_691 = arith.constant 120 : i32
    %dma_start3A_692 = tpu.memref_slice %arg13[%dma_start3A_691] : memref<256xi32, #tpu.memory_space<vmem>> -> memref<8xi32, #tpu.memory_space<vmem>>
    %dma_start3A_693 = arith.constant 0 : i32
    %dma_start3A_694 = arith.constant 0 : i32
    %dma_start3A_695 = tpu.memref_slice %arg2[%dma_start3A_693, %dma_start3A_694] : memref<16384x2048xf32, #tpu.memory_space<hbm>> -> memref<16384x2048xf32, #tpu.memory_space<hbm>>
    tpu.enqueue_indirect_dma source(%dma_start3A_695 : memref<16384x2048xf32, #tpu.memory_space<hbm>>) target(%arg24 : memref<8x2048xf32, #tpu.memory_space<vmem>>) offsets(%dma_start3A_692 : memref<8xi32, #tpu.memory_space<vmem>>) semaphore(%arg28 : memref<!tpu.dma_semaphore, #tpu.memory_space<semaphore_mem>>)
    %dma_wait3A_696 = arith.constant 96 : i32
    %dma_wait3A_697 = tpu.memref_slice %arg13[%dma_wait3A_696] : memref<256xi32, #tpu.memory_space<vmem>> -> memref<8xi32, #tpu.memory_space<vmem>>
    %dma_wait3A_698 = arith.constant 0 : i32
    %dma_wait3A_699 = arith.constant 0 : i32
    %dma_wait3A_700 = tpu.memref_slice %arg2[%dma_wait3A_698, %dma_wait3A_699] : memref<16384x2048xf32, #tpu.memory_space<hbm>> -> memref<16384x2048xf32, #tpu.memory_space<hbm>>
    tpu.wait_indirect_dma semaphore(%arg25 : memref<!tpu.dma_semaphore, #tpu.memory_space<semaphore_mem>>) src(%dma_wait3A_700 : memref<16384x2048xf32, #tpu.memory_space<hbm>>) dst(%arg21 : memref<8x2048xf32, #tpu.memory_space<vmem>>)
    %add3A_701 = arith.constant 96 : i32
    %add3A_702 = arith.addi %mul3A_2, %add3A_701 : i32
    %dma_start3A_703 = arith.constant 0 : i32
    %dma_start3A_704 = tpu.memref_slice %arg10[%add3A_702, %dma_start3A_703] : memref<8192x2048xf32, #tpu.memory_space<hbm>> -> memref<8x2048xf32, #tpu.memory_space<hbm>>
    %dma_start3A_705 = arith.constant 0 : i32
    %dma_start3A_706 = tpu.memref_slice %arg10[%add3A_702, %dma_start3A_705] : memref<8192x2048xf32, #tpu.memory_space<hbm>> -> memref<8x2048xf32, #tpu.memory_space<hbm>>
    tpu.enqueue_dma source(%arg21 : memref<8x2048xf32, #tpu.memory_space<vmem>>) target(%dma_start3A_706 : memref<8x2048xf32, #tpu.memory_space<hbm>>) target_semaphore(%arg29 : memref<!tpu.dma_semaphore, #tpu.memory_space<semaphore_mem>>)
    %dma_wait3A_707 = arith.constant 0 : i32
    %dma_wait3A_708 = tpu.memref_slice %arg10[%add3A_702, %dma_wait3A_707] : memref<8192x2048xf32, #tpu.memory_space<hbm>> -> memref<8x2048xf32, #tpu.memory_space<hbm>>
    %dma_wait3A_709 = arith.constant 0 : i32
    %dma_wait3A_710 = tpu.memref_slice %arg10[%add3A_702, %dma_wait3A_709] : memref<8192x2048xf32, #tpu.memory_space<hbm>> -> memref<8x2048xf32, #tpu.memory_space<hbm>>
    tpu.wait_dma2 semaphore(%arg29 : memref<!tpu.dma_semaphore, #tpu.memory_space<semaphore_mem>>) src(%arg21 : memref<8x2048xf32, #tpu.memory_space<vmem>>) dst(%dma_wait3A_710 : memref<8x2048xf32, #tpu.memory_space<hbm>>)
    %dma_start3A_711 = arith.constant 128 : i32
    %dma_start3A_712 = tpu.memref_slice %arg13[%dma_start3A_711] : memref<256xi32, #tpu.memory_space<vmem>> -> memref<8xi32, #tpu.memory_space<vmem>>
    %dma_start3A_713 = arith.constant 0 : i32
    %dma_start3A_714 = arith.constant 0 : i32
    %dma_start3A_715 = tpu.memref_slice %arg2[%dma_start3A_713, %dma_start3A_714] : memref<16384x2048xf32, #tpu.memory_space<hbm>> -> memref<16384x2048xf32, #tpu.memory_space<hbm>>
    tpu.enqueue_indirect_dma source(%dma_start3A_715 : memref<16384x2048xf32, #tpu.memory_space<hbm>>) target(%arg21 : memref<8x2048xf32, #tpu.memory_space<vmem>>) offsets(%dma_start3A_712 : memref<8xi32, #tpu.memory_space<vmem>>) semaphore(%arg25 : memref<!tpu.dma_semaphore, #tpu.memory_space<semaphore_mem>>)
    %dma_wait3A_716 = arith.constant 104 : i32
    %dma_wait3A_717 = tpu.memref_slice %arg13[%dma_wait3A_716] : memref<256xi32, #tpu.memory_space<vmem>> -> memref<8xi32, #tpu.memory_space<vmem>>
    %dma_wait3A_718 = arith.constant 0 : i32
    %dma_wait3A_719 = arith.constant 0 : i32
    %dma_wait3A_720 = tpu.memref_slice %arg2[%dma_wait3A_718, %dma_wait3A_719] : memref<16384x2048xf32, #tpu.memory_space<hbm>> -> memref<16384x2048xf32, #tpu.memory_space<hbm>>
    tpu.wait_indirect_dma semaphore(%arg26 : memref<!tpu.dma_semaphore, #tpu.memory_space<semaphore_mem>>) src(%dma_wait3A_720 : memref<16384x2048xf32, #tpu.memory_space<hbm>>) dst(%arg22 : memref<8x2048xf32, #tpu.memory_space<vmem>>)
    %add3A_721 = arith.constant 104 : i32
    %add3A_722 = arith.addi %mul3A_2, %add3A_721 : i32
    %dma_start3A_723 = arith.constant 0 : i32
    %dma_start3A_724 = tpu.memref_slice %arg10[%add3A_722, %dma_start3A_723] : memref<8192x2048xf32, #tpu.memory_space<hbm>> -> memref<8x2048xf32, #tpu.memory_space<hbm>>
    %dma_start3A_725 = arith.constant 0 : i32
    %dma_start3A_726 = tpu.memref_slice %arg10[%add3A_722, %dma_start3A_725] : memref<8192x2048xf32, #tpu.memory_space<hbm>> -> memref<8x2048xf32, #tpu.memory_space<hbm>>
    tpu.enqueue_dma source(%arg22 : memref<8x2048xf32, #tpu.memory_space<vmem>>) target(%dma_start3A_726 : memref<8x2048xf32, #tpu.memory_space<hbm>>) target_semaphore(%arg30 : memref<!tpu.dma_semaphore, #tpu.memory_space<semaphore_mem>>)
    %dma_wait3A_727 = arith.constant 0 : i32
    %dma_wait3A_728 = tpu.memref_slice %arg10[%add3A_722, %dma_wait3A_727] : memref<8192x2048xf32, #tpu.memory_space<hbm>> -> memref<8x2048xf32, #tpu.memory_space<hbm>>
    %dma_wait3A_729 = arith.constant 0 : i32
    %dma_wait3A_730 = tpu.memref_slice %arg10[%add3A_722, %dma_wait3A_729] : memref<8192x2048xf32, #tpu.memory_space<hbm>> -> memref<8x2048xf32, #tpu.memory_space<hbm>>
    tpu.wait_dma2 semaphore(%arg30 : memref<!tpu.dma_semaphore, #tpu.memory_space<semaphore_mem>>) src(%arg22 : memref<8x2048xf32, #tpu.memory_space<vmem>>) dst(%dma_wait3A_730 : memref<8x2048xf32, #tpu.memory_space<hbm>>)
    %dma_start3A_731 = arith.constant 136 : i32
    %dma_start3A_732 = tpu.memref_slice %arg13[%dma_start3A_731] : memref<256xi32, #tpu.memory_space<vmem>> -> memref<8xi32, #tpu.memory_space<vmem>>
    %dma_start3A_733 = arith.constant 0 : i32
    %dma_start3A_734 = arith.constant 0 : i32
    %dma_start3A_735 = tpu.memref_slice %arg2[%dma_start3A_733, %dma_start3A_734] : memref<16384x2048xf32, #tpu.memory_space<hbm>> -> memref<16384x2048xf32, #tpu.memory_space<hbm>>
    tpu.enqueue_indirect_dma source(%dma_start3A_735 : memref<16384x2048xf32, #tpu.memory_space<hbm>>) target(%arg22 : memref<8x2048xf32, #tpu.memory_space<vmem>>) offsets(%dma_start3A_732 : memref<8xi32, #tpu.memory_space<vmem>>) semaphore(%arg26 : memref<!tpu.dma_semaphore, #tpu.memory_space<semaphore_mem>>)
    %dma_wait3A_736 = arith.constant 112 : i32
    %dma_wait3A_737 = tpu.memref_slice %arg13[%dma_wait3A_736] : memref<256xi32, #tpu.memory_space<vmem>> -> memref<8xi32, #tpu.memory_space<vmem>>
    %dma_wait3A_738 = arith.constant 0 : i32
    %dma_wait3A_739 = arith.constant 0 : i32
    %dma_wait3A_740 = tpu.memref_slice %arg2[%dma_wait3A_738, %dma_wait3A_739] : memref<16384x2048xf32, #tpu.memory_space<hbm>> -> memref<16384x2048xf32, #tpu.memory_space<hbm>>
    tpu.wait_indirect_dma semaphore(%arg27 : memref<!tpu.dma_semaphore, #tpu.memory_space<semaphore_mem>>) src(%dma_wait3A_740 : memref<16384x2048xf32, #tpu.memory_space<hbm>>) dst(%arg23 : memref<8x2048xf32, #tpu.memory_space<vmem>>)
    %add3A_741 = arith.constant 112 : i32
    %add3A_742 = arith.addi %mul3A_2, %add3A_741 : i32
    %dma_start3A_743 = arith.constant 0 : i32
    %dma_start3A_744 = tpu.memref_slice %arg10[%add3A_742, %dma_start3A_743] : memref<8192x2048xf32, #tpu.memory_space<hbm>> -> memref<8x2048xf32, #tpu.memory_space<hbm>>
    %dma_start3A_745 = arith.constant 0 : i32
    %dma_start3A_746 = tpu.memref_slice %arg10[%add3A_742, %dma_start3A_745] : memref<8192x2048xf32, #tpu.memory_space<hbm>> -> memref<8x2048xf32, #tpu.memory_space<hbm>>
    tpu.enqueue_dma source(%arg23 : memref<8x2048xf32, #tpu.memory_space<vmem>>) target(%dma_start3A_746 : memref<8x2048xf32, #tpu.memory_space<hbm>>) target_semaphore(%arg31 : memref<!tpu.dma_semaphore, #tpu.memory_space<semaphore_mem>>)
    %dma_wait3A_747 = arith.constant 0 : i32
    %dma_wait3A_748 = tpu.memref_slice %arg10[%add3A_742, %dma_wait3A_747] : memref<8192x2048xf32, #tpu.memory_space<hbm>> -> memref<8x2048xf32, #tpu.memory_space<hbm>>
    %dma_wait3A_749 = arith.constant 0 : i32
    %dma_wait3A_750 = tpu.memref_slice %arg10[%add3A_742, %dma_wait3A_749] : memref<8192x2048xf32, #tpu.memory_space<hbm>> -> memref<8x2048xf32, #tpu.memory_space<hbm>>
    tpu.wait_dma2 semaphore(%arg31 : memref<!tpu.dma_semaphore, #tpu.memory_space<semaphore_mem>>) src(%arg23 : memref<8x2048xf32, #tpu.memory_space<vmem>>) dst(%dma_wait3A_750 : memref<8x2048xf32, #tpu.memory_space<hbm>>)
    %dma_start3A_751 = arith.constant 144 : i32
    %dma_start3A_752 = tpu.memref_slice %arg13[%dma_start3A_751] : memref<256xi32, #tpu.memory_space<vmem>> -> memref<8xi32, #tpu.memory_space<vmem>>
    %dma_start3A_753 = arith.constant 0 : i32
    %dma_start3A_754 = arith.constant 0 : i32
    %dma_start3A_755 = tpu.memref_slice %arg2[%dma_start3A_753, %dma_start3A_754] : memref<16384x2048xf32, #tpu.memory_space<hbm>> -> memref<16384x2048xf32, #tpu.memory_space<hbm>>
    tpu.enqueue_indirect_dma source(%dma_start3A_755 : memref<16384x2048xf32, #tpu.memory_space<hbm>>) target(%arg23 : memref<8x2048xf32, #tpu.memory_space<vmem>>) offsets(%dma_start3A_752 : memref<8xi32, #tpu.memory_space<vmem>>) semaphore(%arg27 : memref<!tpu.dma_semaphore, #tpu.memory_space<semaphore_mem>>)
    %dma_wait3A_756 = arith.constant 120 : i32
    %dma_wait3A_757 = tpu.memref_slice %arg13[%dma_wait3A_756] : memref<256xi32, #tpu.memory_space<vmem>> -> memref<8xi32, #tpu.memory_space<vmem>>
    %dma_wait3A_758 = arith.constant 0 : i32
    %dma_wait3A_759 = arith.constant 0 : i32
    %dma_wait3A_760 = tpu.memref_slice %arg2[%dma_wait3A_758, %dma_wait3A_759] : memref<16384x2048xf32, #tpu.memory_space<hbm>> -> memref<16384x2048xf32, #tpu.memory_space<hbm>>
    tpu.wait_indirect_dma semaphore(%arg28 : memref<!tpu.dma_semaphore, #tpu.memory_space<semaphore_mem>>) src(%dma_wait3A_760 : memref<16384x2048xf32, #tpu.memory_space<hbm>>) dst(%arg24 : memref<8x2048xf32, #tpu.memory_space<vmem>>)
    %add3A_761 = arith.constant 120 : i32
    %add3A_762 = arith.addi %mul3A_2, %add3A_761 : i32
    %dma_start3A_763 = arith.constant 0 : i32
    %dma_start3A_764 = tpu.memref_slice %arg10[%add3A_762, %dma_start3A_763] : memref<8192x2048xf32, #tpu.memory_space<hbm>> -> memref<8x2048xf32, #tpu.memory_space<hbm>>
    %dma_start3A_765 = arith.constant 0 : i32
    %dma_start3A_766 = tpu.memref_slice %arg10[%add3A_762, %dma_start3A_765] : memref<8192x2048xf32, #tpu.memory_space<hbm>> -> memref<8x2048xf32, #tpu.memory_space<hbm>>
    tpu.enqueue_dma source(%arg24 : memref<8x2048xf32, #tpu.memory_space<vmem>>) target(%dma_start3A_766 : memref<8x2048xf32, #tpu.memory_space<hbm>>) target_semaphore(%arg32 : memref<!tpu.dma_semaphore, #tpu.memory_space<semaphore_mem>>)
    %dma_wait3A_767 = arith.constant 0 : i32
    %dma_wait3A_768 = tpu.memref_slice %arg10[%add3A_762, %dma_wait3A_767] : memref<8192x2048xf32, #tpu.memory_space<hbm>> -> memref<8x2048xf32, #tpu.memory_space<hbm>>
    %dma_wait3A_769 = arith.constant 0 : i32
    %dma_wait3A_770 = tpu.memref_slice %arg10[%add3A_762, %dma_wait3A_769] : memref<8192x2048xf32, #tpu.memory_space<hbm>> -> memref<8x2048xf32, #tpu.memory_space<hbm>>
    tpu.wait_dma2 semaphore(%arg32 : memref<!tpu.dma_semaphore, #tpu.memory_space<semaphore_mem>>) src(%arg24 : memref<8x2048xf32, #tpu.memory_space<vmem>>) dst(%dma_wait3A_770 : memref<8x2048xf32, #tpu.memory_space<hbm>>)
    %dma_start3A_771 = arith.constant 152 : i32
    %dma_start3A_772 = tpu.memref_slice %arg13[%dma_start3A_771] : memref<256xi32, #tpu.memory_space<vmem>> -> memref<8xi32, #tpu.memory_space<vmem>>
    %dma_start3A_773 = arith.constant 0 : i32
    %dma_start3A_774 = arith.constant 0 : i32
    %dma_start3A_775 = tpu.memref_slice %arg2[%dma_start3A_773, %dma_start3A_774] : memref<16384x2048xf32, #tpu.memory_space<hbm>> -> memref<16384x2048xf32, #tpu.memory_space<hbm>>
    tpu.enqueue_indirect_dma source(%dma_start3A_775 : memref<16384x2048xf32, #tpu.memory_space<hbm>>) target(%arg24 : memref<8x2048xf32, #tpu.memory_space<vmem>>) offsets(%dma_start3A_772 : memref<8xi32, #tpu.memory_space<vmem>>) semaphore(%arg28 : memref<!tpu.dma_semaphore, #tpu.memory_space<semaphore_mem>>)
    %dma_wait3A_776 = arith.constant 128 : i32
    %dma_wait3A_777 = tpu.memref_slice %arg13[%dma_wait3A_776] : memref<256xi32, #tpu.memory_space<vmem>> -> memref<8xi32, #tpu.memory_space<vmem>>
    %dma_wait3A_778 = arith.constant 0 : i32
    %dma_wait3A_779 = arith.constant 0 : i32
    %dma_wait3A_780 = tpu.memref_slice %arg2[%dma_wait3A_778, %dma_wait3A_779] : memref<16384x2048xf32, #tpu.memory_space<hbm>> -> memref<16384x2048xf32, #tpu.memory_space<hbm>>
    tpu.wait_indirect_dma semaphore(%arg25 : memref<!tpu.dma_semaphore, #tpu.memory_space<semaphore_mem>>) src(%dma_wait3A_780 : memref<16384x2048xf32, #tpu.memory_space<hbm>>) dst(%arg21 : memref<8x2048xf32, #tpu.memory_space<vmem>>)
    %add3A_781 = arith.constant 128 : i32
    %add3A_782 = arith.addi %mul3A_2, %add3A_781 : i32
    %dma_start3A_783 = arith.constant 0 : i32
    %dma_start3A_784 = tpu.memref_slice %arg10[%add3A_782, %dma_start3A_783] : memref<8192x2048xf32, #tpu.memory_space<hbm>> -> memref<8x2048xf32, #tpu.memory_space<hbm>>
    %dma_start3A_785 = arith.constant 0 : i32
    %dma_start3A_786 = tpu.memref_slice %arg10[%add3A_782, %dma_start3A_785] : memref<8192x2048xf32, #tpu.memory_space<hbm>> -> memref<8x2048xf32, #tpu.memory_space<hbm>>
    tpu.enqueue_dma source(%arg21 : memref<8x2048xf32, #tpu.memory_space<vmem>>) target(%dma_start3A_786 : memref<8x2048xf32, #tpu.memory_space<hbm>>) target_semaphore(%arg29 : memref<!tpu.dma_semaphore, #tpu.memory_space<semaphore_mem>>)
    %dma_wait3A_787 = arith.constant 0 : i32
    %dma_wait3A_788 = tpu.memref_slice %arg10[%add3A_782, %dma_wait3A_787] : memref<8192x2048xf32, #tpu.memory_space<hbm>> -> memref<8x2048xf32, #tpu.memory_space<hbm>>
    %dma_wait3A_789 = arith.constant 0 : i32
    %dma_wait3A_790 = tpu.memref_slice %arg10[%add3A_782, %dma_wait3A_789] : memref<8192x2048xf32, #tpu.memory_space<hbm>> -> memref<8x2048xf32, #tpu.memory_space<hbm>>
    tpu.wait_dma2 semaphore(%arg29 : memref<!tpu.dma_semaphore, #tpu.memory_space<semaphore_mem>>) src(%arg21 : memref<8x2048xf32, #tpu.memory_space<vmem>>) dst(%dma_wait3A_790 : memref<8x2048xf32, #tpu.memory_space<hbm>>)
    %dma_start3A_791 = arith.constant 160 : i32
    %dma_start3A_792 = tpu.memref_slice %arg13[%dma_start3A_791] : memref<256xi32, #tpu.memory_space<vmem>> -> memref<8xi32, #tpu.memory_space<vmem>>
    %dma_start3A_793 = arith.constant 0 : i32
    %dma_start3A_794 = arith.constant 0 : i32
    %dma_start3A_795 = tpu.memref_slice %arg2[%dma_start3A_793, %dma_start3A_794] : memref<16384x2048xf32, #tpu.memory_space<hbm>> -> memref<16384x2048xf32, #tpu.memory_space<hbm>>
    tpu.enqueue_indirect_dma source(%dma_start3A_795 : memref<16384x2048xf32, #tpu.memory_space<hbm>>) target(%arg21 : memref<8x2048xf32, #tpu.memory_space<vmem>>) offsets(%dma_start3A_792 : memref<8xi32, #tpu.memory_space<vmem>>) semaphore(%arg25 : memref<!tpu.dma_semaphore, #tpu.memory_space<semaphore_mem>>)
    %dma_wait3A_796 = arith.constant 136 : i32
    %dma_wait3A_797 = tpu.memref_slice %arg13[%dma_wait3A_796] : memref<256xi32, #tpu.memory_space<vmem>> -> memref<8xi32, #tpu.memory_space<vmem>>
    %dma_wait3A_798 = arith.constant 0 : i32
    %dma_wait3A_799 = arith.constant 0 : i32
    %dma_wait3A_800 = tpu.memref_slice %arg2[%dma_wait3A_798, %dma_wait3A_799] : memref<16384x2048xf32, #tpu.memory_space<hbm>> -> memref<16384x2048xf32, #tpu.memory_space<hbm>>
    tpu.wait_indirect_dma semaphore(%arg26 : memref<!tpu.dma_semaphore, #tpu.memory_space<semaphore_mem>>) src(%dma_wait3A_800 : memref<16384x2048xf32, #tpu.memory_space<hbm>>) dst(%arg22 : memref<8x2048xf32, #tpu.memory_space<vmem>>)
    %add3A_801 = arith.constant 136 : i32
    %add3A_802 = arith.addi %mul3A_2, %add3A_801 : i32
    %dma_start3A_803 = arith.constant 0 : i32
    %dma_start3A_804 = tpu.memref_slice %arg10[%add3A_802, %dma_start3A_803] : memref<8192x2048xf32, #tpu.memory_space<hbm>> -> memref<8x2048xf32, #tpu.memory_space<hbm>>
    %dma_start3A_805 = arith.constant 0 : i32
    %dma_start3A_806 = tpu.memref_slice %arg10[%add3A_802, %dma_start3A_805] : memref<8192x2048xf32, #tpu.memory_space<hbm>> -> memref<8x2048xf32, #tpu.memory_space<hbm>>
    tpu.enqueue_dma source(%arg22 : memref<8x2048xf32, #tpu.memory_space<vmem>>) target(%dma_start3A_806 : memref<8x2048xf32, #tpu.memory_space<hbm>>) target_semaphore(%arg30 : memref<!tpu.dma_semaphore, #tpu.memory_space<semaphore_mem>>)
    %dma_wait3A_807 = arith.constant 0 : i32
    %dma_wait3A_808 = tpu.memref_slice %arg10[%add3A_802, %dma_wait3A_807] : memref<8192x2048xf32, #tpu.memory_space<hbm>> -> memref<8x2048xf32, #tpu.memory_space<hbm>>
    %dma_wait3A_809 = arith.constant 0 : i32
    %dma_wait3A_810 = tpu.memref_slice %arg10[%add3A_802, %dma_wait3A_809] : memref<8192x2048xf32, #tpu.memory_space<hbm>> -> memref<8x2048xf32, #tpu.memory_space<hbm>>
    tpu.wait_dma2 semaphore(%arg30 : memref<!tpu.dma_semaphore, #tpu.memory_space<semaphore_mem>>) src(%arg22 : memref<8x2048xf32, #tpu.memory_space<vmem>>) dst(%dma_wait3A_810 : memref<8x2048xf32, #tpu.memory_space<hbm>>)
    %dma_start3A_811 = arith.constant 168 : i32
    %dma_start3A_812 = tpu.memref_slice %arg13[%dma_start3A_811] : memref<256xi32, #tpu.memory_space<vmem>> -> memref<8xi32, #tpu.memory_space<vmem>>
    %dma_start3A_813 = arith.constant 0 : i32
    %dma_start3A_814 = arith.constant 0 : i32
    %dma_start3A_815 = tpu.memref_slice %arg2[%dma_start3A_813, %dma_start3A_814] : memref<16384x2048xf32, #tpu.memory_space<hbm>> -> memref<16384x2048xf32, #tpu.memory_space<hbm>>
    tpu.enqueue_indirect_dma source(%dma_start3A_815 : memref<16384x2048xf32, #tpu.memory_space<hbm>>) target(%arg22 : memref<8x2048xf32, #tpu.memory_space<vmem>>) offsets(%dma_start3A_812 : memref<8xi32, #tpu.memory_space<vmem>>) semaphore(%arg26 : memref<!tpu.dma_semaphore, #tpu.memory_space<semaphore_mem>>)
    %dma_wait3A_816 = arith.constant 144 : i32
    %dma_wait3A_817 = tpu.memref_slice %arg13[%dma_wait3A_816] : memref<256xi32, #tpu.memory_space<vmem>> -> memref<8xi32, #tpu.memory_space<vmem>>
    %dma_wait3A_818 = arith.constant 0 : i32
    %dma_wait3A_819 = arith.constant 0 : i32
    %dma_wait3A_820 = tpu.memref_slice %arg2[%dma_wait3A_818, %dma_wait3A_819] : memref<16384x2048xf32, #tpu.memory_space<hbm>> -> memref<16384x2048xf32, #tpu.memory_space<hbm>>
    tpu.wait_indirect_dma semaphore(%arg27 : memref<!tpu.dma_semaphore, #tpu.memory_space<semaphore_mem>>) src(%dma_wait3A_820 : memref<16384x2048xf32, #tpu.memory_space<hbm>>) dst(%arg23 : memref<8x2048xf32, #tpu.memory_space<vmem>>)
    %add3A_821 = arith.constant 144 : i32
    %add3A_822 = arith.addi %mul3A_2, %add3A_821 : i32
    %dma_start3A_823 = arith.constant 0 : i32
    %dma_start3A_824 = tpu.memref_slice %arg10[%add3A_822, %dma_start3A_823] : memref<8192x2048xf32, #tpu.memory_space<hbm>> -> memref<8x2048xf32, #tpu.memory_space<hbm>>
    %dma_start3A_825 = arith.constant 0 : i32
    %dma_start3A_826 = tpu.memref_slice %arg10[%add3A_822, %dma_start3A_825] : memref<8192x2048xf32, #tpu.memory_space<hbm>> -> memref<8x2048xf32, #tpu.memory_space<hbm>>
    tpu.enqueue_dma source(%arg23 : memref<8x2048xf32, #tpu.memory_space<vmem>>) target(%dma_start3A_826 : memref<8x2048xf32, #tpu.memory_space<hbm>>) target_semaphore(%arg31 : memref<!tpu.dma_semaphore, #tpu.memory_space<semaphore_mem>>)
    %dma_wait3A_827 = arith.constant 0 : i32
    %dma_wait3A_828 = tpu.memref_slice %arg10[%add3A_822, %dma_wait3A_827] : memref<8192x2048xf32, #tpu.memory_space<hbm>> -> memref<8x2048xf32, #tpu.memory_space<hbm>>
    %dma_wait3A_829 = arith.constant 0 : i32
    %dma_wait3A_830 = tpu.memref_slice %arg10[%add3A_822, %dma_wait3A_829] : memref<8192x2048xf32, #tpu.memory_space<hbm>> -> memref<8x2048xf32, #tpu.memory_space<hbm>>
    tpu.wait_dma2 semaphore(%arg31 : memref<!tpu.dma_semaphore, #tpu.memory_space<semaphore_mem>>) src(%arg23 : memref<8x2048xf32, #tpu.memory_space<vmem>>) dst(%dma_wait3A_830 : memref<8x2048xf32, #tpu.memory_space<hbm>>)
    %dma_start3A_831 = arith.constant 176 : i32
    %dma_start3A_832 = tpu.memref_slice %arg13[%dma_start3A_831] : memref<256xi32, #tpu.memory_space<vmem>> -> memref<8xi32, #tpu.memory_space<vmem>>
    %dma_start3A_833 = arith.constant 0 : i32
    %dma_start3A_834 = arith.constant 0 : i32
    %dma_start3A_835 = tpu.memref_slice %arg2[%dma_start3A_833, %dma_start3A_834] : memref<16384x2048xf32, #tpu.memory_space<hbm>> -> memref<16384x2048xf32, #tpu.memory_space<hbm>>
    tpu.enqueue_indirect_dma source(%dma_start3A_835 : memref<16384x2048xf32, #tpu.memory_space<hbm>>) target(%arg23 : memref<8x2048xf32, #tpu.memory_space<vmem>>) offsets(%dma_start3A_832 : memref<8xi32, #tpu.memory_space<vmem>>) semaphore(%arg27 : memref<!tpu.dma_semaphore, #tpu.memory_space<semaphore_mem>>)
    %dma_wait3A_836 = arith.constant 152 : i32
    %dma_wait3A_837 = tpu.memref_slice %arg13[%dma_wait3A_836] : memref<256xi32, #tpu.memory_space<vmem>> -> memref<8xi32, #tpu.memory_space<vmem>>
    %dma_wait3A_838 = arith.constant 0 : i32
    %dma_wait3A_839 = arith.constant 0 : i32
    %dma_wait3A_840 = tpu.memref_slice %arg2[%dma_wait3A_838, %dma_wait3A_839] : memref<16384x2048xf32, #tpu.memory_space<hbm>> -> memref<16384x2048xf32, #tpu.memory_space<hbm>>
    tpu.wait_indirect_dma semaphore(%arg28 : memref<!tpu.dma_semaphore, #tpu.memory_space<semaphore_mem>>) src(%dma_wait3A_840 : memref<16384x2048xf32, #tpu.memory_space<hbm>>) dst(%arg24 : memref<8x2048xf32, #tpu.memory_space<vmem>>)
    %add3A_841 = arith.constant 152 : i32
    %add3A_842 = arith.addi %mul3A_2, %add3A_841 : i32
    %dma_start3A_843 = arith.constant 0 : i32
    %dma_start3A_844 = tpu.memref_slice %arg10[%add3A_842, %dma_start3A_843] : memref<8192x2048xf32, #tpu.memory_space<hbm>> -> memref<8x2048xf32, #tpu.memory_space<hbm>>
    %dma_start3A_845 = arith.constant 0 : i32
    %dma_start3A_846 = tpu.memref_slice %arg10[%add3A_842, %dma_start3A_845] : memref<8192x2048xf32, #tpu.memory_space<hbm>> -> memref<8x2048xf32, #tpu.memory_space<hbm>>
    tpu.enqueue_dma source(%arg24 : memref<8x2048xf32, #tpu.memory_space<vmem>>) target(%dma_start3A_846 : memref<8x2048xf32, #tpu.memory_space<hbm>>) target_semaphore(%arg32 : memref<!tpu.dma_semaphore, #tpu.memory_space<semaphore_mem>>)
    %dma_wait3A_847 = arith.constant 0 : i32
    %dma_wait3A_848 = tpu.memref_slice %arg10[%add3A_842, %dma_wait3A_847] : memref<8192x2048xf32, #tpu.memory_space<hbm>> -> memref<8x2048xf32, #tpu.memory_space<hbm>>
    %dma_wait3A_849 = arith.constant 0 : i32
    %dma_wait3A_850 = tpu.memref_slice %arg10[%add3A_842, %dma_wait3A_849] : memref<8192x2048xf32, #tpu.memory_space<hbm>> -> memref<8x2048xf32, #tpu.memory_space<hbm>>
    tpu.wait_dma2 semaphore(%arg32 : memref<!tpu.dma_semaphore, #tpu.memory_space<semaphore_mem>>) src(%arg24 : memref<8x2048xf32, #tpu.memory_space<vmem>>) dst(%dma_wait3A_850 : memref<8x2048xf32, #tpu.memory_space<hbm>>)
    %dma_start3A_851 = arith.constant 184 : i32
    %dma_start3A_852 = tpu.memref_slice %arg13[%dma_start3A_851] : memref<256xi32, #tpu.memory_space<vmem>> -> memref<8xi32, #tpu.memory_space<vmem>>
    %dma_start3A_853 = arith.constant 0 : i32
    %dma_start3A_854 = arith.constant 0 : i32
    %dma_start3A_855 = tpu.memref_slice %arg2[%dma_start3A_853, %dma_start3A_854] : memref<16384x2048xf32, #tpu.memory_space<hbm>> -> memref<16384x2048xf32, #tpu.memory_space<hbm>>
    tpu.enqueue_indirect_dma source(%dma_start3A_855 : memref<16384x2048xf32, #tpu.memory_space<hbm>>) target(%arg24 : memref<8x2048xf32, #tpu.memory_space<vmem>>) offsets(%dma_start3A_852 : memref<8xi32, #tpu.memory_space<vmem>>) semaphore(%arg28 : memref<!tpu.dma_semaphore, #tpu.memory_space<semaphore_mem>>)
    %dma_wait3A_856 = arith.constant 160 : i32
    %dma_wait3A_857 = tpu.memref_slice %arg13[%dma_wait3A_856] : memref<256xi32, #tpu.memory_space<vmem>> -> memref<8xi32, #tpu.memory_space<vmem>>
    %dma_wait3A_858 = arith.constant 0 : i32
    %dma_wait3A_859 = arith.constant 0 : i32
    %dma_wait3A_860 = tpu.memref_slice %arg2[%dma_wait3A_858, %dma_wait3A_859] : memref<16384x2048xf32, #tpu.memory_space<hbm>> -> memref<16384x2048xf32, #tpu.memory_space<hbm>>
    tpu.wait_indirect_dma semaphore(%arg25 : memref<!tpu.dma_semaphore, #tpu.memory_space<semaphore_mem>>) src(%dma_wait3A_860 : memref<16384x2048xf32, #tpu.memory_space<hbm>>) dst(%arg21 : memref<8x2048xf32, #tpu.memory_space<vmem>>)
    %add3A_861 = arith.constant 160 : i32
    %add3A_862 = arith.addi %mul3A_2, %add3A_861 : i32
    %dma_start3A_863 = arith.constant 0 : i32
    %dma_start3A_864 = tpu.memref_slice %arg10[%add3A_862, %dma_start3A_863] : memref<8192x2048xf32, #tpu.memory_space<hbm>> -> memref<8x2048xf32, #tpu.memory_space<hbm>>
    %dma_start3A_865 = arith.constant 0 : i32
    %dma_start3A_866 = tpu.memref_slice %arg10[%add3A_862, %dma_start3A_865] : memref<8192x2048xf32, #tpu.memory_space<hbm>> -> memref<8x2048xf32, #tpu.memory_space<hbm>>
    tpu.enqueue_dma source(%arg21 : memref<8x2048xf32, #tpu.memory_space<vmem>>) target(%dma_start3A_866 : memref<8x2048xf32, #tpu.memory_space<hbm>>) target_semaphore(%arg29 : memref<!tpu.dma_semaphore, #tpu.memory_space<semaphore_mem>>)
    %dma_wait3A_867 = arith.constant 0 : i32
    %dma_wait3A_868 = tpu.memref_slice %arg10[%add3A_862, %dma_wait3A_867] : memref<8192x2048xf32, #tpu.memory_space<hbm>> -> memref<8x2048xf32, #tpu.memory_space<hbm>>
    %dma_wait3A_869 = arith.constant 0 : i32
    %dma_wait3A_870 = tpu.memref_slice %arg10[%add3A_862, %dma_wait3A_869] : memref<8192x2048xf32, #tpu.memory_space<hbm>> -> memref<8x2048xf32, #tpu.memory_space<hbm>>
    tpu.wait_dma2 semaphore(%arg29 : memref<!tpu.dma_semaphore, #tpu.memory_space<semaphore_mem>>) src(%arg21 : memref<8x2048xf32, #tpu.memory_space<vmem>>) dst(%dma_wait3A_870 : memref<8x2048xf32, #tpu.memory_space<hbm>>)
    %dma_start3A_871 = arith.constant 192 : i32
    %dma_start3A_872 = tpu.memref_slice %arg13[%dma_start3A_871] : memref<256xi32, #tpu.memory_space<vmem>> -> memref<8xi32, #tpu.memory_space<vmem>>
    %dma_start3A_873 = arith.constant 0 : i32
    %dma_start3A_874 = arith.constant 0 : i32
    %dma_start3A_875 = tpu.memref_slice %arg2[%dma_start3A_873, %dma_start3A_874] : memref<16384x2048xf32, #tpu.memory_space<hbm>> -> memref<16384x2048xf32, #tpu.memory_space<hbm>>
    tpu.enqueue_indirect_dma source(%dma_start3A_875 : memref<16384x2048xf32, #tpu.memory_space<hbm>>) target(%arg21 : memref<8x2048xf32, #tpu.memory_space<vmem>>) offsets(%dma_start3A_872 : memref<8xi32, #tpu.memory_space<vmem>>) semaphore(%arg25 : memref<!tpu.dma_semaphore, #tpu.memory_space<semaphore_mem>>)
    %dma_wait3A_876 = arith.constant 168 : i32
    %dma_wait3A_877 = tpu.memref_slice %arg13[%dma_wait3A_876] : memref<256xi32, #tpu.memory_space<vmem>> -> memref<8xi32, #tpu.memory_space<vmem>>
    %dma_wait3A_878 = arith.constant 0 : i32
    %dma_wait3A_879 = arith.constant 0 : i32
    %dma_wait3A_880 = tpu.memref_slice %arg2[%dma_wait3A_878, %dma_wait3A_879] : memref<16384x2048xf32, #tpu.memory_space<hbm>> -> memref<16384x2048xf32, #tpu.memory_space<hbm>>
    tpu.wait_indirect_dma semaphore(%arg26 : memref<!tpu.dma_semaphore, #tpu.memory_space<semaphore_mem>>) src(%dma_wait3A_880 : memref<16384x2048xf32, #tpu.memory_space<hbm>>) dst(%arg22 : memref<8x2048xf32, #tpu.memory_space<vmem>>)
    %add3A_881 = arith.constant 168 : i32
    %add3A_882 = arith.addi %mul3A_2, %add3A_881 : i32
    %dma_start3A_883 = arith.constant 0 : i32
    %dma_start3A_884 = tpu.memref_slice %arg10[%add3A_882, %dma_start3A_883] : memref<8192x2048xf32, #tpu.memory_space<hbm>> -> memref<8x2048xf32, #tpu.memory_space<hbm>>
    %dma_start3A_885 = arith.constant 0 : i32
    %dma_start3A_886 = tpu.memref_slice %arg10[%add3A_882, %dma_start3A_885] : memref<8192x2048xf32, #tpu.memory_space<hbm>> -> memref<8x2048xf32, #tpu.memory_space<hbm>>
    tpu.enqueue_dma source(%arg22 : memref<8x2048xf32, #tpu.memory_space<vmem>>) target(%dma_start3A_886 : memref<8x2048xf32, #tpu.memory_space<hbm>>) target_semaphore(%arg30 : memref<!tpu.dma_semaphore, #tpu.memory_space<semaphore_mem>>)
    %dma_wait3A_887 = arith.constant 0 : i32
    %dma_wait3A_888 = tpu.memref_slice %arg10[%add3A_882, %dma_wait3A_887] : memref<8192x2048xf32, #tpu.memory_space<hbm>> -> memref<8x2048xf32, #tpu.memory_space<hbm>>
    %dma_wait3A_889 = arith.constant 0 : i32
    %dma_wait3A_890 = tpu.memref_slice %arg10[%add3A_882, %dma_wait3A_889] : memref<8192x2048xf32, #tpu.memory_space<hbm>> -> memref<8x2048xf32, #tpu.memory_space<hbm>>
    tpu.wait_dma2 semaphore(%arg30 : memref<!tpu.dma_semaphore, #tpu.memory_space<semaphore_mem>>) src(%arg22 : memref<8x2048xf32, #tpu.memory_space<vmem>>) dst(%dma_wait3A_890 : memref<8x2048xf32, #tpu.memory_space<hbm>>)
    %dma_start3A_891 = arith.constant 200 : i32
    %dma_start3A_892 = tpu.memref_slice %arg13[%dma_start3A_891] : memref<256xi32, #tpu.memory_space<vmem>> -> memref<8xi32, #tpu.memory_space<vmem>>
    %dma_start3A_893 = arith.constant 0 : i32
    %dma_start3A_894 = arith.constant 0 : i32
    %dma_start3A_895 = tpu.memref_slice %arg2[%dma_start3A_893, %dma_start3A_894] : memref<16384x2048xf32, #tpu.memory_space<hbm>> -> memref<16384x2048xf32, #tpu.memory_space<hbm>>
    tpu.enqueue_indirect_dma source(%dma_start3A_895 : memref<16384x2048xf32, #tpu.memory_space<hbm>>) target(%arg22 : memref<8x2048xf32, #tpu.memory_space<vmem>>) offsets(%dma_start3A_892 : memref<8xi32, #tpu.memory_space<vmem>>) semaphore(%arg26 : memref<!tpu.dma_semaphore, #tpu.memory_space<semaphore_mem>>)
    %dma_wait3A_896 = arith.constant 176 : i32
    %dma_wait3A_897 = tpu.memref_slice %arg13[%dma_wait3A_896] : memref<256xi32, #tpu.memory_space<vmem>> -> memref<8xi32, #tpu.memory_space<vmem>>
    %dma_wait3A_898 = arith.constant 0 : i32
    %dma_wait3A_899 = arith.constant 0 : i32
    %dma_wait3A_900 = tpu.memref_slice %arg2[%dma_wait3A_898, %dma_wait3A_899] : memref<16384x2048xf32, #tpu.memory_space<hbm>> -> memref<16384x2048xf32, #tpu.memory_space<hbm>>
    tpu.wait_indirect_dma semaphore(%arg27 : memref<!tpu.dma_semaphore, #tpu.memory_space<semaphore_mem>>) src(%dma_wait3A_900 : memref<16384x2048xf32, #tpu.memory_space<hbm>>) dst(%arg23 : memref<8x2048xf32, #tpu.memory_space<vmem>>)
    %add3A_901 = arith.constant 176 : i32
    %add3A_902 = arith.addi %mul3A_2, %add3A_901 : i32
    %dma_start3A_903 = arith.constant 0 : i32
    %dma_start3A_904 = tpu.memref_slice %arg10[%add3A_902, %dma_start3A_903] : memref<8192x2048xf32, #tpu.memory_space<hbm>> -> memref<8x2048xf32, #tpu.memory_space<hbm>>
    %dma_start3A_905 = arith.constant 0 : i32
    %dma_start3A_906 = tpu.memref_slice %arg10[%add3A_902, %dma_start3A_905] : memref<8192x2048xf32, #tpu.memory_space<hbm>> -> memref<8x2048xf32, #tpu.memory_space<hbm>>
    tpu.enqueue_dma source(%arg23 : memref<8x2048xf32, #tpu.memory_space<vmem>>) target(%dma_start3A_906 : memref<8x2048xf32, #tpu.memory_space<hbm>>) target_semaphore(%arg31 : memref<!tpu.dma_semaphore, #tpu.memory_space<semaphore_mem>>)
    %dma_wait3A_907 = arith.constant 0 : i32
    %dma_wait3A_908 = tpu.memref_slice %arg10[%add3A_902, %dma_wait3A_907] : memref<8192x2048xf32, #tpu.memory_space<hbm>> -> memref<8x2048xf32, #tpu.memory_space<hbm>>
    %dma_wait3A_909 = arith.constant 0 : i32
    %dma_wait3A_910 = tpu.memref_slice %arg10[%add3A_902, %dma_wait3A_909] : memref<8192x2048xf32, #tpu.memory_space<hbm>> -> memref<8x2048xf32, #tpu.memory_space<hbm>>
    tpu.wait_dma2 semaphore(%arg31 : memref<!tpu.dma_semaphore, #tpu.memory_space<semaphore_mem>>) src(%arg23 : memref<8x2048xf32, #tpu.memory_space<vmem>>) dst(%dma_wait3A_910 : memref<8x2048xf32, #tpu.memory_space<hbm>>)
    %dma_start3A_911 = arith.constant 208 : i32
    %dma_start3A_912 = tpu.memref_slice %arg13[%dma_start3A_911] : memref<256xi32, #tpu.memory_space<vmem>> -> memref<8xi32, #tpu.memory_space<vmem>>
    %dma_start3A_913 = arith.constant 0 : i32
    %dma_start3A_914 = arith.constant 0 : i32
    %dma_start3A_915 = tpu.memref_slice %arg2[%dma_start3A_913, %dma_start3A_914] : memref<16384x2048xf32, #tpu.memory_space<hbm>> -> memref<16384x2048xf32, #tpu.memory_space<hbm>>
    tpu.enqueue_indirect_dma source(%dma_start3A_915 : memref<16384x2048xf32, #tpu.memory_space<hbm>>) target(%arg23 : memref<8x2048xf32, #tpu.memory_space<vmem>>) offsets(%dma_start3A_912 : memref<8xi32, #tpu.memory_space<vmem>>) semaphore(%arg27 : memref<!tpu.dma_semaphore, #tpu.memory_space<semaphore_mem>>)
    %dma_wait3A_916 = arith.constant 184 : i32
    %dma_wait3A_917 = tpu.memref_slice %arg13[%dma_wait3A_916] : memref<256xi32, #tpu.memory_space<vmem>> -> memref<8xi32, #tpu.memory_space<vmem>>
    %dma_wait3A_918 = arith.constant 0 : i32
    %dma_wait3A_919 = arith.constant 0 : i32
    %dma_wait3A_920 = tpu.memref_slice %arg2[%dma_wait3A_918, %dma_wait3A_919] : memref<16384x2048xf32, #tpu.memory_space<hbm>> -> memref<16384x2048xf32, #tpu.memory_space<hbm>>
    tpu.wait_indirect_dma semaphore(%arg28 : memref<!tpu.dma_semaphore, #tpu.memory_space<semaphore_mem>>) src(%dma_wait3A_920 : memref<16384x2048xf32, #tpu.memory_space<hbm>>) dst(%arg24 : memref<8x2048xf32, #tpu.memory_space<vmem>>)
    %add3A_921 = arith.constant 184 : i32
    %add3A_922 = arith.addi %mul3A_2, %add3A_921 : i32
    %dma_start3A_923 = arith.constant 0 : i32
    %dma_start3A_924 = tpu.memref_slice %arg10[%add3A_922, %dma_start3A_923] : memref<8192x2048xf32, #tpu.memory_space<hbm>> -> memref<8x2048xf32, #tpu.memory_space<hbm>>
    %dma_start3A_925 = arith.constant 0 : i32
    %dma_start3A_926 = tpu.memref_slice %arg10[%add3A_922, %dma_start3A_925] : memref<8192x2048xf32, #tpu.memory_space<hbm>> -> memref<8x2048xf32, #tpu.memory_space<hbm>>
    tpu.enqueue_dma source(%arg24 : memref<8x2048xf32, #tpu.memory_space<vmem>>) target(%dma_start3A_926 : memref<8x2048xf32, #tpu.memory_space<hbm>>) target_semaphore(%arg32 : memref<!tpu.dma_semaphore, #tpu.memory_space<semaphore_mem>>)
    %dma_wait3A_927 = arith.constant 0 : i32
    %dma_wait3A_928 = tpu.memref_slice %arg10[%add3A_922, %dma_wait3A_927] : memref<8192x2048xf32, #tpu.memory_space<hbm>> -> memref<8x2048xf32, #tpu.memory_space<hbm>>
    %dma_wait3A_929 = arith.constant 0 : i32
    %dma_wait3A_930 = tpu.memref_slice %arg10[%add3A_922, %dma_wait3A_929] : memref<8192x2048xf32, #tpu.memory_space<hbm>> -> memref<8x2048xf32, #tpu.memory_space<hbm>>
    tpu.wait_dma2 semaphore(%arg32 : memref<!tpu.dma_semaphore, #tpu.memory_space<semaphore_mem>>) src(%arg24 : memref<8x2048xf32, #tpu.memory_space<vmem>>) dst(%dma_wait3A_930 : memref<8x2048xf32, #tpu.memory_space<hbm>>)
    %dma_start3A_931 = arith.constant 216 : i32
    %dma_start3A_932 = tpu.memref_slice %arg13[%dma_start3A_931] : memref<256xi32, #tpu.memory_space<vmem>> -> memref<8xi32, #tpu.memory_space<vmem>>
    %dma_start3A_933 = arith.constant 0 : i32
    %dma_start3A_934 = arith.constant 0 : i32
    %dma_start3A_935 = tpu.memref_slice %arg2[%dma_start3A_933, %dma_start3A_934] : memref<16384x2048xf32, #tpu.memory_space<hbm>> -> memref<16384x2048xf32, #tpu.memory_space<hbm>>
    tpu.enqueue_indirect_dma source(%dma_start3A_935 : memref<16384x2048xf32, #tpu.memory_space<hbm>>) target(%arg24 : memref<8x2048xf32, #tpu.memory_space<vmem>>) offsets(%dma_start3A_932 : memref<8xi32, #tpu.memory_space<vmem>>) semaphore(%arg28 : memref<!tpu.dma_semaphore, #tpu.memory_space<semaphore_mem>>)
    %dma_wait3A_936 = arith.constant 192 : i32
    %dma_wait3A_937 = tpu.memref_slice %arg13[%dma_wait3A_936] : memref<256xi32, #tpu.memory_space<vmem>> -> memref<8xi32, #tpu.memory_space<vmem>>
    %dma_wait3A_938 = arith.constant 0 : i32
    %dma_wait3A_939 = arith.constant 0 : i32
    %dma_wait3A_940 = tpu.memref_slice %arg2[%dma_wait3A_938, %dma_wait3A_939] : memref<16384x2048xf32, #tpu.memory_space<hbm>> -> memref<16384x2048xf32, #tpu.memory_space<hbm>>
    tpu.wait_indirect_dma semaphore(%arg25 : memref<!tpu.dma_semaphore, #tpu.memory_space<semaphore_mem>>) src(%dma_wait3A_940 : memref<16384x2048xf32, #tpu.memory_space<hbm>>) dst(%arg21 : memref<8x2048xf32, #tpu.memory_space<vmem>>)
    %add3A_941 = arith.constant 192 : i32
    %add3A_942 = arith.addi %mul3A_2, %add3A_941 : i32
    %dma_start3A_943 = arith.constant 0 : i32
    %dma_start3A_944 = tpu.memref_slice %arg10[%add3A_942, %dma_start3A_943] : memref<8192x2048xf32, #tpu.memory_space<hbm>> -> memref<8x2048xf32, #tpu.memory_space<hbm>>
    %dma_start3A_945 = arith.constant 0 : i32
    %dma_start3A_946 = tpu.memref_slice %arg10[%add3A_942, %dma_start3A_945] : memref<8192x2048xf32, #tpu.memory_space<hbm>> -> memref<8x2048xf32, #tpu.memory_space<hbm>>
    tpu.enqueue_dma source(%arg21 : memref<8x2048xf32, #tpu.memory_space<vmem>>) target(%dma_start3A_946 : memref<8x2048xf32, #tpu.memory_space<hbm>>) target_semaphore(%arg29 : memref<!tpu.dma_semaphore, #tpu.memory_space<semaphore_mem>>)
    %dma_wait3A_947 = arith.constant 0 : i32
    %dma_wait3A_948 = tpu.memref_slice %arg10[%add3A_942, %dma_wait3A_947] : memref<8192x2048xf32, #tpu.memory_space<hbm>> -> memref<8x2048xf32, #tpu.memory_space<hbm>>
    %dma_wait3A_949 = arith.constant 0 : i32
    %dma_wait3A_950 = tpu.memref_slice %arg10[%add3A_942, %dma_wait3A_949] : memref<8192x2048xf32, #tpu.memory_space<hbm>> -> memref<8x2048xf32, #tpu.memory_space<hbm>>
    tpu.wait_dma2 semaphore(%arg29 : memref<!tpu.dma_semaphore, #tpu.memory_space<semaphore_mem>>) src(%arg21 : memref<8x2048xf32, #tpu.memory_space<vmem>>) dst(%dma_wait3A_950 : memref<8x2048xf32, #tpu.memory_space<hbm>>)
    %dma_start3A_951 = arith.constant 224 : i32
    %dma_start3A_952 = tpu.memref_slice %arg13[%dma_start3A_951] : memref<256xi32, #tpu.memory_space<vmem>> -> memref<8xi32, #tpu.memory_space<vmem>>
    %dma_start3A_953 = arith.constant 0 : i32
    %dma_start3A_954 = arith.constant 0 : i32
    %dma_start3A_955 = tpu.memref_slice %arg2[%dma_start3A_953, %dma_start3A_954] : memref<16384x2048xf32, #tpu.memory_space<hbm>> -> memref<16384x2048xf32, #tpu.memory_space<hbm>>
    tpu.enqueue_indirect_dma source(%dma_start3A_955 : memref<16384x2048xf32, #tpu.memory_space<hbm>>) target(%arg21 : memref<8x2048xf32, #tpu.memory_space<vmem>>) offsets(%dma_start3A_952 : memref<8xi32, #tpu.memory_space<vmem>>) semaphore(%arg25 : memref<!tpu.dma_semaphore, #tpu.memory_space<semaphore_mem>>)
    %dma_wait3A_956 = arith.constant 200 : i32
    %dma_wait3A_957 = tpu.memref_slice %arg13[%dma_wait3A_956] : memref<256xi32, #tpu.memory_space<vmem>> -> memref<8xi32, #tpu.memory_space<vmem>>
    %dma_wait3A_958 = arith.constant 0 : i32
    %dma_wait3A_959 = arith.constant 0 : i32
    %dma_wait3A_960 = tpu.memref_slice %arg2[%dma_wait3A_958, %dma_wait3A_959] : memref<16384x2048xf32, #tpu.memory_space<hbm>> -> memref<16384x2048xf32, #tpu.memory_space<hbm>>
    tpu.wait_indirect_dma semaphore(%arg26 : memref<!tpu.dma_semaphore, #tpu.memory_space<semaphore_mem>>) src(%dma_wait3A_960 : memref<16384x2048xf32, #tpu.memory_space<hbm>>) dst(%arg22 : memref<8x2048xf32, #tpu.memory_space<vmem>>)
    %add3A_961 = arith.constant 200 : i32
    %add3A_962 = arith.addi %mul3A_2, %add3A_961 : i32
    %dma_start3A_963 = arith.constant 0 : i32
    %dma_start3A_964 = tpu.memref_slice %arg10[%add3A_962, %dma_start3A_963] : memref<8192x2048xf32, #tpu.memory_space<hbm>> -> memref<8x2048xf32, #tpu.memory_space<hbm>>
    %dma_start3A_965 = arith.constant 0 : i32
    %dma_start3A_966 = tpu.memref_slice %arg10[%add3A_962, %dma_start3A_965] : memref<8192x2048xf32, #tpu.memory_space<hbm>> -> memref<8x2048xf32, #tpu.memory_space<hbm>>
    tpu.enqueue_dma source(%arg22 : memref<8x2048xf32, #tpu.memory_space<vmem>>) target(%dma_start3A_966 : memref<8x2048xf32, #tpu.memory_space<hbm>>) target_semaphore(%arg30 : memref<!tpu.dma_semaphore, #tpu.memory_space<semaphore_mem>>)
    %dma_wait3A_967 = arith.constant 0 : i32
    %dma_wait3A_968 = tpu.memref_slice %arg10[%add3A_962, %dma_wait3A_967] : memref<8192x2048xf32, #tpu.memory_space<hbm>> -> memref<8x2048xf32, #tpu.memory_space<hbm>>
    %dma_wait3A_969 = arith.constant 0 : i32
    %dma_wait3A_970 = tpu.memref_slice %arg10[%add3A_962, %dma_wait3A_969] : memref<8192x2048xf32, #tpu.memory_space<hbm>> -> memref<8x2048xf32, #tpu.memory_space<hbm>>
    tpu.wait_dma2 semaphore(%arg30 : memref<!tpu.dma_semaphore, #tpu.memory_space<semaphore_mem>>) src(%arg22 : memref<8x2048xf32, #tpu.memory_space<vmem>>) dst(%dma_wait3A_970 : memref<8x2048xf32, #tpu.memory_space<hbm>>)
    %dma_start3A_971 = arith.constant 232 : i32
    %dma_start3A_972 = tpu.memref_slice %arg13[%dma_start3A_971] : memref<256xi32, #tpu.memory_space<vmem>> -> memref<8xi32, #tpu.memory_space<vmem>>
    %dma_start3A_973 = arith.constant 0 : i32
    %dma_start3A_974 = arith.constant 0 : i32
    %dma_start3A_975 = tpu.memref_slice %arg2[%dma_start3A_973, %dma_start3A_974] : memref<16384x2048xf32, #tpu.memory_space<hbm>> -> memref<16384x2048xf32, #tpu.memory_space<hbm>>
    tpu.enqueue_indirect_dma source(%dma_start3A_975 : memref<16384x2048xf32, #tpu.memory_space<hbm>>) target(%arg22 : memref<8x2048xf32, #tpu.memory_space<vmem>>) offsets(%dma_start3A_972 : memref<8xi32, #tpu.memory_space<vmem>>) semaphore(%arg26 : memref<!tpu.dma_semaphore, #tpu.memory_space<semaphore_mem>>)
    %dma_wait3A_976 = arith.constant 208 : i32
    %dma_wait3A_977 = tpu.memref_slice %arg13[%dma_wait3A_976] : memref<256xi32, #tpu.memory_space<vmem>> -> memref<8xi32, #tpu.memory_space<vmem>>
    %dma_wait3A_978 = arith.constant 0 : i32
    %dma_wait3A_979 = arith.constant 0 : i32
    %dma_wait3A_980 = tpu.memref_slice %arg2[%dma_wait3A_978, %dma_wait3A_979] : memref<16384x2048xf32, #tpu.memory_space<hbm>> -> memref<16384x2048xf32, #tpu.memory_space<hbm>>
    tpu.wait_indirect_dma semaphore(%arg27 : memref<!tpu.dma_semaphore, #tpu.memory_space<semaphore_mem>>) src(%dma_wait3A_980 : memref<16384x2048xf32, #tpu.memory_space<hbm>>) dst(%arg23 : memref<8x2048xf32, #tpu.memory_space<vmem>>)
    %add3A_981 = arith.constant 208 : i32
    %add3A_982 = arith.addi %mul3A_2, %add3A_981 : i32
    %dma_start3A_983 = arith.constant 0 : i32
    %dma_start3A_984 = tpu.memref_slice %arg10[%add3A_982, %dma_start3A_983] : memref<8192x2048xf32, #tpu.memory_space<hbm>> -> memref<8x2048xf32, #tpu.memory_space<hbm>>
    %dma_start3A_985 = arith.constant 0 : i32
    %dma_start3A_986 = tpu.memref_slice %arg10[%add3A_982, %dma_start3A_985] : memref<8192x2048xf32, #tpu.memory_space<hbm>> -> memref<8x2048xf32, #tpu.memory_space<hbm>>
    tpu.enqueue_dma source(%arg23 : memref<8x2048xf32, #tpu.memory_space<vmem>>) target(%dma_start3A_986 : memref<8x2048xf32, #tpu.memory_space<hbm>>) target_semaphore(%arg31 : memref<!tpu.dma_semaphore, #tpu.memory_space<semaphore_mem>>)
    %dma_wait3A_987 = arith.constant 0 : i32
    %dma_wait3A_988 = tpu.memref_slice %arg10[%add3A_982, %dma_wait3A_987] : memref<8192x2048xf32, #tpu.memory_space<hbm>> -> memref<8x2048xf32, #tpu.memory_space<hbm>>
    %dma_wait3A_989 = arith.constant 0 : i32
    %dma_wait3A_990 = tpu.memref_slice %arg10[%add3A_982, %dma_wait3A_989] : memref<8192x2048xf32, #tpu.memory_space<hbm>> -> memref<8x2048xf32, #tpu.memory_space<hbm>>
    tpu.wait_dma2 semaphore(%arg31 : memref<!tpu.dma_semaphore, #tpu.memory_space<semaphore_mem>>) src(%arg23 : memref<8x2048xf32, #tpu.memory_space<vmem>>) dst(%dma_wait3A_990 : memref<8x2048xf32, #tpu.memory_space<hbm>>)
    %dma_start3A_991 = arith.constant 240 : i32
    %dma_start3A_992 = tpu.memref_slice %arg13[%dma_start3A_991] : memref<256xi32, #tpu.memory_space<vmem>> -> memref<8xi32, #tpu.memory_space<vmem>>
    %dma_start3A_993 = arith.constant 0 : i32
    %dma_start3A_994 = arith.constant 0 : i32
    %dma_start3A_995 = tpu.memref_slice %arg2[%dma_start3A_993, %dma_start3A_994] : memref<16384x2048xf32, #tpu.memory_space<hbm>> -> memref<16384x2048xf32, #tpu.memory_space<hbm>>
    tpu.enqueue_indirect_dma source(%dma_start3A_995 : memref<16384x2048xf32, #tpu.memory_space<hbm>>) target(%arg23 : memref<8x2048xf32, #tpu.memory_space<vmem>>) offsets(%dma_start3A_992 : memref<8xi32, #tpu.memory_space<vmem>>) semaphore(%arg27 : memref<!tpu.dma_semaphore, #tpu.memory_space<semaphore_mem>>)
    %dma_wait3A_996 = arith.constant 216 : i32
    %dma_wait3A_997 = tpu.memref_slice %arg13[%dma_wait3A_996] : memref<256xi32, #tpu.memory_space<vmem>> -> memref<8xi32, #tpu.memory_space<vmem>>
    %dma_wait3A_998 = arith.constant 0 : i32
    %dma_wait3A_999 = arith.constant 0 : i32
    %dma_wait3A_1000 = tpu.memref_slice %arg2[%dma_wait3A_998, %dma_wait3A_999] : memref<16384x2048xf32, #tpu.memory_space<hbm>> -> memref<16384x2048xf32, #tpu.memory_space<hbm>>
    tpu.wait_indirect_dma semaphore(%arg28 : memref<!tpu.dma_semaphore, #tpu.memory_space<semaphore_mem>>) src(%dma_wait3A_1000 : memref<16384x2048xf32, #tpu.memory_space<hbm>>) dst(%arg24 : memref<8x2048xf32, #tpu.memory_space<vmem>>)
    %add3A_1001 = arith.constant 216 : i32
    %add3A_1002 = arith.addi %mul3A_2, %add3A_1001 : i32
    %dma_start3A_1003 = arith.constant 0 : i32
    %dma_start3A_1004 = tpu.memref_slice %arg10[%add3A_1002, %dma_start3A_1003] : memref<8192x2048xf32, #tpu.memory_space<hbm>> -> memref<8x2048xf32, #tpu.memory_space<hbm>>
    %dma_start3A_1005 = arith.constant 0 : i32
    %dma_start3A_1006 = tpu.memref_slice %arg10[%add3A_1002, %dma_start3A_1005] : memref<8192x2048xf32, #tpu.memory_space<hbm>> -> memref<8x2048xf32, #tpu.memory_space<hbm>>
    tpu.enqueue_dma source(%arg24 : memref<8x2048xf32, #tpu.memory_space<vmem>>) target(%dma_start3A_1006 : memref<8x2048xf32, #tpu.memory_space<hbm>>) target_semaphore(%arg32 : memref<!tpu.dma_semaphore, #tpu.memory_space<semaphore_mem>>)
    %dma_wait3A_1007 = arith.constant 0 : i32
    %dma_wait3A_1008 = tpu.memref_slice %arg10[%add3A_1002, %dma_wait3A_1007] : memref<8192x2048xf32, #tpu.memory_space<hbm>> -> memref<8x2048xf32, #tpu.memory_space<hbm>>
    %dma_wait3A_1009 = arith.constant 0 : i32
    %dma_wait3A_1010 = tpu.memref_slice %arg10[%add3A_1002, %dma_wait3A_1009] : memref<8192x2048xf32, #tpu.memory_space<hbm>> -> memref<8x2048xf32, #tpu.memory_space<hbm>>
    tpu.wait_dma2 semaphore(%arg32 : memref<!tpu.dma_semaphore, #tpu.memory_space<semaphore_mem>>) src(%arg24 : memref<8x2048xf32, #tpu.memory_space<vmem>>) dst(%dma_wait3A_1010 : memref<8x2048xf32, #tpu.memory_space<hbm>>)
    %dma_start3A_1011 = arith.constant 248 : i32
    %dma_start3A_1012 = tpu.memref_slice %arg13[%dma_start3A_1011] : memref<256xi32, #tpu.memory_space<vmem>> -> memref<8xi32, #tpu.memory_space<vmem>>
    %dma_start3A_1013 = arith.constant 0 : i32
    %dma_start3A_1014 = arith.constant 0 : i32
    %dma_start3A_1015 = tpu.memref_slice %arg2[%dma_start3A_1013, %dma_start3A_1014] : memref<16384x2048xf32, #tpu.memory_space<hbm>> -> memref<16384x2048xf32, #tpu.memory_space<hbm>>
    tpu.enqueue_indirect_dma source(%dma_start3A_1015 : memref<16384x2048xf32, #tpu.memory_space<hbm>>) target(%arg24 : memref<8x2048xf32, #tpu.memory_space<vmem>>) offsets(%dma_start3A_1012 : memref<8xi32, #tpu.memory_space<vmem>>) semaphore(%arg28 : memref<!tpu.dma_semaphore, #tpu.memory_space<semaphore_mem>>)
    %dma_wait3A_1016 = arith.constant 224 : i32
    %dma_wait3A_1017 = tpu.memref_slice %arg13[%dma_wait3A_1016] : memref<256xi32, #tpu.memory_space<vmem>> -> memref<8xi32, #tpu.memory_space<vmem>>
    %dma_wait3A_1018 = arith.constant 0 : i32
    %dma_wait3A_1019 = arith.constant 0 : i32
    %dma_wait3A_1020 = tpu.memref_slice %arg2[%dma_wait3A_1018, %dma_wait3A_1019] : memref<16384x2048xf32, #tpu.memory_space<hbm>> -> memref<16384x2048xf32, #tpu.memory_space<hbm>>
    tpu.wait_indirect_dma semaphore(%arg25 : memref<!tpu.dma_semaphore, #tpu.memory_space<semaphore_mem>>) src(%dma_wait3A_1020 : memref<16384x2048xf32, #tpu.memory_space<hbm>>) dst(%arg21 : memref<8x2048xf32, #tpu.memory_space<vmem>>)
    %add3A_1021 = arith.constant 224 : i32
    %add3A_1022 = arith.addi %mul3A_2, %add3A_1021 : i32
    %dma_start3A_1023 = arith.constant 0 : i32
    %dma_start3A_1024 = tpu.memref_slice %arg10[%add3A_1022, %dma_start3A_1023] : memref<8192x2048xf32, #tpu.memory_space<hbm>> -> memref<8x2048xf32, #tpu.memory_space<hbm>>
    %dma_start3A_1025 = arith.constant 0 : i32
    %dma_start3A_1026 = tpu.memref_slice %arg10[%add3A_1022, %dma_start3A_1025] : memref<8192x2048xf32, #tpu.memory_space<hbm>> -> memref<8x2048xf32, #tpu.memory_space<hbm>>
    tpu.enqueue_dma source(%arg21 : memref<8x2048xf32, #tpu.memory_space<vmem>>) target(%dma_start3A_1026 : memref<8x2048xf32, #tpu.memory_space<hbm>>) target_semaphore(%arg29 : memref<!tpu.dma_semaphore, #tpu.memory_space<semaphore_mem>>)
    %dma_wait3A_1027 = arith.constant 232 : i32
    %dma_wait3A_1028 = tpu.memref_slice %arg13[%dma_wait3A_1027] : memref<256xi32, #tpu.memory_space<vmem>> -> memref<8xi32, #tpu.memory_space<vmem>>
    %dma_wait3A_1029 = arith.constant 0 : i32
    %dma_wait3A_1030 = arith.constant 0 : i32
    %dma_wait3A_1031 = tpu.memref_slice %arg2[%dma_wait3A_1029, %dma_wait3A_1030] : memref<16384x2048xf32, #tpu.memory_space<hbm>> -> memref<16384x2048xf32, #tpu.memory_space<hbm>>
    tpu.wait_indirect_dma semaphore(%arg26 : memref<!tpu.dma_semaphore, #tpu.memory_space<semaphore_mem>>) src(%dma_wait3A_1031 : memref<16384x2048xf32, #tpu.memory_space<hbm>>) dst(%arg22 : memref<8x2048xf32, #tpu.memory_space<vmem>>)
    %add3A_1032 = arith.constant 232 : i32
    %add3A_1033 = arith.addi %mul3A_2, %add3A_1032 : i32
    %dma_start3A_1034 = arith.constant 0 : i32
    %dma_start3A_1035 = tpu.memref_slice %arg10[%add3A_1033, %dma_start3A_1034] : memref<8192x2048xf32, #tpu.memory_space<hbm>> -> memref<8x2048xf32, #tpu.memory_space<hbm>>
    %dma_start3A_1036 = arith.constant 0 : i32
    %dma_start3A_1037 = tpu.memref_slice %arg10[%add3A_1033, %dma_start3A_1036] : memref<8192x2048xf32, #tpu.memory_space<hbm>> -> memref<8x2048xf32, #tpu.memory_space<hbm>>
    tpu.enqueue_dma source(%arg22 : memref<8x2048xf32, #tpu.memory_space<vmem>>) target(%dma_start3A_1037 : memref<8x2048xf32, #tpu.memory_space<hbm>>) target_semaphore(%arg30 : memref<!tpu.dma_semaphore, #tpu.memory_space<semaphore_mem>>)
    %dma_wait3A_1038 = arith.constant 240 : i32
    %dma_wait3A_1039 = tpu.memref_slice %arg13[%dma_wait3A_1038] : memref<256xi32, #tpu.memory_space<vmem>> -> memref<8xi32, #tpu.memory_space<vmem>>
    %dma_wait3A_1040 = arith.constant 0 : i32
    %dma_wait3A_1041 = arith.constant 0 : i32
    %dma_wait3A_1042 = tpu.memref_slice %arg2[%dma_wait3A_1040, %dma_wait3A_1041] : memref<16384x2048xf32, #tpu.memory_space<hbm>> -> memref<16384x2048xf32, #tpu.memory_space<hbm>>
    tpu.wait_indirect_dma semaphore(%arg27 : memref<!tpu.dma_semaphore, #tpu.memory_space<semaphore_mem>>) src(%dma_wait3A_1042 : memref<16384x2048xf32, #tpu.memory_space<hbm>>) dst(%arg23 : memref<8x2048xf32, #tpu.memory_space<vmem>>)
    %add3A_1043 = arith.constant 240 : i32
    %add3A_1044 = arith.addi %mul3A_2, %add3A_1043 : i32
    %dma_start3A_1045 = arith.constant 0 : i32
    %dma_start3A_1046 = tpu.memref_slice %arg10[%add3A_1044, %dma_start3A_1045] : memref<8192x2048xf32, #tpu.memory_space<hbm>> -> memref<8x2048xf32, #tpu.memory_space<hbm>>
    %dma_start3A_1047 = arith.constant 0 : i32
    %dma_start3A_1048 = tpu.memref_slice %arg10[%add3A_1044, %dma_start3A_1047] : memref<8192x2048xf32, #tpu.memory_space<hbm>> -> memref<8x2048xf32, #tpu.memory_space<hbm>>
    tpu.enqueue_dma source(%arg23 : memref<8x2048xf32, #tpu.memory_space<vmem>>) target(%dma_start3A_1048 : memref<8x2048xf32, #tpu.memory_space<hbm>>) target_semaphore(%arg31 : memref<!tpu.dma_semaphore, #tpu.memory_space<semaphore_mem>>)
    %dma_wait3A_1049 = arith.constant 248 : i32
    %dma_wait3A_1050 = tpu.memref_slice %arg13[%dma_wait3A_1049] : memref<256xi32, #tpu.memory_space<vmem>> -> memref<8xi32, #tpu.memory_space<vmem>>
    %dma_wait3A_1051 = arith.constant 0 : i32
    %dma_wait3A_1052 = arith.constant 0 : i32
    %dma_wait3A_1053 = tpu.memref_slice %arg2[%dma_wait3A_1051, %dma_wait3A_1052] : memref<16384x2048xf32, #tpu.memory_space<hbm>> -> memref<16384x2048xf32, #tpu.memory_space<hbm>>
    tpu.wait_indirect_dma semaphore(%arg28 : memref<!tpu.dma_semaphore, #tpu.memory_space<semaphore_mem>>) src(%dma_wait3A_1053 : memref<16384x2048xf32, #tpu.memory_space<hbm>>) dst(%arg24 : memref<8x2048xf32, #tpu.memory_space<vmem>>)
    %add3A_1054 = arith.constant 248 : i32
    %add3A_1055 = arith.addi %mul3A_2, %add3A_1054 : i32
    %dma_start3A_1056 = arith.constant 0 : i32
    %dma_start3A_1057 = tpu.memref_slice %arg10[%add3A_1055, %dma_start3A_1056] : memref<8192x2048xf32, #tpu.memory_space<hbm>> -> memref<8x2048xf32, #tpu.memory_space<hbm>>
    %dma_start3A_1058 = arith.constant 0 : i32
    %dma_start3A_1059 = tpu.memref_slice %arg10[%add3A_1055, %dma_start3A_1058] : memref<8192x2048xf32, #tpu.memory_space<hbm>> -> memref<8x2048xf32, #tpu.memory_space<hbm>>
    tpu.enqueue_dma source(%arg24 : memref<8x2048xf32, #tpu.memory_space<vmem>>) target(%dma_start3A_1059 : memref<8x2048xf32, #tpu.memory_space<hbm>>) target_semaphore(%arg32 : memref<!tpu.dma_semaphore, #tpu.memory_space<semaphore_mem>>)
    %dma_wait3A_1060 = arith.constant 0 : i32
    %dma_wait3A_1061 = tpu.memref_slice %arg10[%add3A_1022, %dma_wait3A_1060] : memref<8192x2048xf32, #tpu.memory_space<hbm>> -> memref<8x2048xf32, #tpu.memory_space<hbm>>
    %dma_wait3A_1062 = arith.constant 0 : i32
    %dma_wait3A_1063 = tpu.memref_slice %arg10[%add3A_1022, %dma_wait3A_1062] : memref<8192x2048xf32, #tpu.memory_space<hbm>> -> memref<8x2048xf32, #tpu.memory_space<hbm>>
    tpu.wait_dma2 semaphore(%arg29 : memref<!tpu.dma_semaphore, #tpu.memory_space<semaphore_mem>>) src(%arg21 : memref<8x2048xf32, #tpu.memory_space<vmem>>) dst(%dma_wait3A_1063 : memref<8x2048xf32, #tpu.memory_space<hbm>>)
    %dma_wait3A_1064 = arith.constant 0 : i32
    %dma_wait3A_1065 = tpu.memref_slice %arg10[%add3A_1033, %dma_wait3A_1064] : memref<8192x2048xf32, #tpu.memory_space<hbm>> -> memref<8x2048xf32, #tpu.memory_space<hbm>>
    %dma_wait3A_1066 = arith.constant 0 : i32
    %dma_wait3A_1067 = tpu.memref_slice %arg10[%add3A_1033, %dma_wait3A_1066] : memref<8192x2048xf32, #tpu.memory_space<hbm>> -> memref<8x2048xf32, #tpu.memory_space<hbm>>
    tpu.wait_dma2 semaphore(%arg30 : memref<!tpu.dma_semaphore, #tpu.memory_space<semaphore_mem>>) src(%arg22 : memref<8x2048xf32, #tpu.memory_space<vmem>>) dst(%dma_wait3A_1067 : memref<8x2048xf32, #tpu.memory_space<hbm>>)
    %dma_wait3A_1068 = arith.constant 0 : i32
    %dma_wait3A_1069 = tpu.memref_slice %arg10[%add3A_1044, %dma_wait3A_1068] : memref<8192x2048xf32, #tpu.memory_space<hbm>> -> memref<8x2048xf32, #tpu.memory_space<hbm>>
    %dma_wait3A_1070 = arith.constant 0 : i32
    %dma_wait3A_1071 = tpu.memref_slice %arg10[%add3A_1044, %dma_wait3A_1070] : memref<8192x2048xf32, #tpu.memory_space<hbm>> -> memref<8x2048xf32, #tpu.memory_space<hbm>>
    tpu.wait_dma2 semaphore(%arg31 : memref<!tpu.dma_semaphore, #tpu.memory_space<semaphore_mem>>) src(%arg23 : memref<8x2048xf32, #tpu.memory_space<vmem>>) dst(%dma_wait3A_1071 : memref<8x2048xf32, #tpu.memory_space<hbm>>)
    %dma_wait3A_1072 = arith.constant 0 : i32
    %dma_wait3A_1073 = tpu.memref_slice %arg10[%add3A_1055, %dma_wait3A_1072] : memref<8192x2048xf32, #tpu.memory_space<hbm>> -> memref<8x2048xf32, #tpu.memory_space<hbm>>
    %dma_wait3A_1074 = arith.constant 0 : i32
    %dma_wait3A_1075 = tpu.memref_slice %arg10[%add3A_1055, %dma_wait3A_1074] : memref<8192x2048xf32, #tpu.memory_space<hbm>> -> memref<8x2048xf32, #tpu.memory_space<hbm>>
    tpu.wait_dma2 semaphore(%arg32 : memref<!tpu.dma_semaphore, #tpu.memory_space<semaphore_mem>>) src(%arg24 : memref<8x2048xf32, #tpu.memory_space<vmem>>) dst(%dma_wait3A_1075 : memref<8x2048xf32, #tpu.memory_space<hbm>>)
    return
  }
}

module attributes {stable_mosaic.version = 14 : i64} {
  func.func @_tr_body(%arg0: i32, %arg1: memref<1x256x2048xf32, #tpu.memory_space<vmem>>, %arg2: memref<1x256x2048xf32, #tpu.memory_space<vmem>>, %arg3: memref<1x256x2048xf32, #tpu.memory_space<vmem>>, %arg4: memref<1x256x2048xf32, #tpu.memory_space<vmem>>, %arg5: memref<2048x256xf32, #tpu.memory_space<vmem>>, %arg6: memref<2048x256xf32, #tpu.memory_space<vmem>>, %arg7: memref<2048x256xf32, #tpu.memory_space<vmem>>, %arg8: memref<2048x256xf32, #tpu.memory_space<vmem>>) attributes {dimension_semantics = [#tpu.dimension_semantics<arbitrary>], iteration_bounds = array<i64: 8>, scalar_prefetch = 0 : i64, scratch_operands = 0 : i64, tpu.core_type = #tpu.core_type<tc>, window_params = [{transform_indices = @transform_0, window_bounds = array<i64: 1, 256, 2048>}, {transform_indices = @transform_1, window_bounds = array<i64: 1, 256, 2048>}, {transform_indices = @transform_2, window_bounds = array<i64: 1, 256, 2048>}, {transform_indices = @transform_3, window_bounds = array<i64: 1, 256, 2048>}, {transform_indices = @transform_4, window_bounds = array<i64: 2048, 256>}, {transform_indices = @transform_5, window_bounds = array<i64: 2048, 256>}, {transform_indices = @transform_6, window_bounds = array<i64: 2048, 256>}, {transform_indices = @transform_7, window_bounds = array<i64: 2048, 256>}]} {
    %get3A = arith.constant 0 : index
    %get3A_0 = arith.constant 0 : index
    %get3A_1 = arith.constant 0 : index
    %get3A_2 = vector.load %arg1[%get3A, %get3A_0, %get3A_1] : memref<1x256x2048xf32, #tpu.memory_space<vmem>>, vector<1x256x2048xf32>
    %get3A_3 = vector.shape_cast %get3A_2 : vector<1x256x2048xf32> to vector<256x2048xf32>
    %transpose3A = tpu.transpose %get3A_3, [1, 0] : vector<256x2048xf32> -> vector<2048x256xf32>
    %swap3A = arith.constant 0 : index
    %swap3A_4 = arith.constant 0 : index
    %swap3A_5 = vector.load %arg5[%swap3A, %swap3A_4] : memref<2048x256xf32, #tpu.memory_space<vmem>>, vector<2048x256xf32>
    tpu.vector_store %arg5[%swap3A, %swap3A_4], %transpose3A {strides = array<i32>} : memref<2048x256xf32, #tpu.memory_space<vmem>>, vector<2048x256xf32>,
    %get3A_6 = arith.constant 0 : index
    %get3A_7 = arith.constant 0 : index
    %get3A_8 = arith.constant 0 : index
    %get3A_9 = vector.load %arg2[%get3A_6, %get3A_7, %get3A_8] : memref<1x256x2048xf32, #tpu.memory_space<vmem>>, vector<1x256x2048xf32>
    %get3A_10 = vector.shape_cast %get3A_9 : vector<1x256x2048xf32> to vector<256x2048xf32>
    %transpose3A_11 = tpu.transpose %get3A_10, [1, 0] : vector<256x2048xf32> -> vector<2048x256xf32>
    %swap3A_12 = arith.constant 0 : index
    %swap3A_13 = arith.constant 0 : index
    %swap3A_14 = vector.load %arg6[%swap3A_12, %swap3A_13] : memref<2048x256xf32, #tpu.memory_space<vmem>>, vector<2048x256xf32>
    tpu.vector_store %arg6[%swap3A_12, %swap3A_13], %transpose3A_11 {strides = array<i32>} : memref<2048x256xf32, #tpu.memory_space<vmem>>, vector<2048x256xf32>,
    %get3A_15 = arith.constant 0 : index
    %get3A_16 = arith.constant 0 : index
    %get3A_17 = arith.constant 0 : index
    %get3A_18 = vector.load %arg3[%get3A_15, %get3A_16, %get3A_17] : memref<1x256x2048xf32, #tpu.memory_space<vmem>>, vector<1x256x2048xf32>
    %get3A_19 = vector.shape_cast %get3A_18 : vector<1x256x2048xf32> to vector<256x2048xf32>
    %transpose3A_20 = tpu.transpose %get3A_19, [1, 0] : vector<256x2048xf32> -> vector<2048x256xf32>
    %swap3A_21 = arith.constant 0 : index
    %swap3A_22 = arith.constant 0 : index
    %swap3A_23 = vector.load %arg7[%swap3A_21, %swap3A_22] : memref<2048x256xf32, #tpu.memory_space<vmem>>, vector<2048x256xf32>
    tpu.vector_store %arg7[%swap3A_21, %swap3A_22], %transpose3A_20 {strides = array<i32>} : memref<2048x256xf32, #tpu.memory_space<vmem>>, vector<2048x256xf32>,
    %get3A_24 = arith.constant 0 : index
    %get3A_25 = arith.constant 0 : index
    %get3A_26 = arith.constant 0 : index
    %get3A_27 = vector.load %arg4[%get3A_24, %get3A_25, %get3A_26] : memref<1x256x2048xf32, #tpu.memory_space<vmem>>, vector<1x256x2048xf32>
    %get3A_28 = vector.shape_cast %get3A_27 : vector<1x256x2048xf32> to vector<256x2048xf32>
    %transpose3A_29 = tpu.transpose %get3A_28, [1, 0] : vector<256x2048xf32> -> vector<2048x256xf32>
    %swap3A_30 = arith.constant 0 : index
    %swap3A_31 = arith.constant 0 : index
    %swap3A_32 = vector.load %arg8[%swap3A_30, %swap3A_31] : memref<2048x256xf32, #tpu.memory_space<vmem>>, vector<2048x256xf32>
    tpu.vector_store %arg8[%swap3A_30, %swap3A_31], %transpose3A_29 {strides = array<i32>} : memref<2048x256xf32, #tpu.memory_space<vmem>>, vector<2048x256xf32>,
    return
  }
  func.func @transform_0(%arg0: i32) -> (i32, i32, i32) {
    %c0_i32 = arith.constant 0 : i32
    %c0_i32_0 = arith.constant 0 : i32
    %c0_i32_1 = arith.constant 0 : i32
    return %c0_i32, %arg0, %c0_i32_0 : i32, i32, i32
  }
  func.func @transform_1(%arg0: i32) -> (i32, i32, i32) {
    %c1_i32 = arith.constant 1 : i32
    %c0_i32 = arith.constant 0 : i32
    %c0_i32_0 = arith.constant 0 : i32
    return %c1_i32, %arg0, %c0_i32 : i32, i32, i32
  }
  func.func @transform_2(%arg0: i32) -> (i32, i32, i32) {
    %c2_i32 = arith.constant 2 : i32
    %c0_i32 = arith.constant 0 : i32
    %c0_i32_0 = arith.constant 0 : i32
    return %c2_i32, %arg0, %c0_i32 : i32, i32, i32
  }
  func.func @transform_3(%arg0: i32) -> (i32, i32, i32) {
    %c3_i32 = arith.constant 3 : i32
    %c0_i32 = arith.constant 0 : i32
    %c0_i32_0 = arith.constant 0 : i32
    return %c3_i32, %arg0, %c0_i32 : i32, i32, i32
  }
  func.func @transform_4(%arg0: i32) -> (i32, i32) {
    %c0_i32 = arith.constant 0 : i32
    %c0_i32_0 = arith.constant 0 : i32
    return %c0_i32, %arg0 : i32, i32
  }
  func.func @transform_5(%arg0: i32) -> (i32, i32) {
    %c0_i32 = arith.constant 0 : i32
    %c0_i32_0 = arith.constant 0 : i32
    return %c0_i32, %arg0 : i32, i32
  }
  func.func @transform_6(%arg0: i32) -> (i32, i32) {
    %c0_i32 = arith.constant 0 : i32
    %c0_i32_0 = arith.constant 0 : i32
    return %c0_i32, %arg0 : i32, i32
  }
  func.func @transform_7(%arg0: i32) -> (i32, i32) {
    %c0_i32 = arith.constant 0 : i32
    %c0_i32_0 = arith.constant 0 : i32
    return %c0_i32, %arg0 : i32, i32
  }
}

</mosaic_0001>

<sc_bundles>
// kernel: kernel.4.cloned.1.call-start
scs
__scs_entry_jumppad:
0x0: {  	(pc) =	sbr.rel $0x88, $3  }
0x1: {  	(tag) =	ssettag $0x0;
	lr =	simm.s32 $0x1  }
0x2: {  	[smem:$0x3F9C] =	sst lr;
	_ =	strace $0xD0000000  }
0x3: {  	_ = 	snop  }
0x4: {  	_ = 	snop  }
0x5: {  	_ = 	snop  }
0x6: {  	_ = 	snop  }
0x7: {  	_ = 	snop  }
__scs_overlays_trampoline_lowered:
0x8: {  	[smem:$0x3FAB] =	sst s0  }
0x9: {  	[smem:$0x3FAC] =	sst s1  }
0xa: {  	[smem:$0x3FAD] =	sst s2  }
0xb: {  	[smem:$0x3FAE] =	sst s3  }
0xc: {  	[smem:$0x3FAF] =	sst s4  }
0xd: {  	[smem:$0x3FB0] =	sst s5  }
0xe: {  	[smem:$0x3FB1] =	sst s6  }
0xf: {  	[smem:$0x3FB2] =	sst s7  }
0x10: {  	[smem:$0x3FB3] =	sst s8  }
0x11: {  	[smem:$0x3FB4] =	sst s9;
	s0 =	simm.s32 @!p0 $0x0  }
0x12: {  	s1 =	sld [smem:$0x3F9A];
	s0 =	simm.s32 @p0 $0x1  }
0x13: {  	[smem:$0x3FB5] =	sst s0;
	s0 =	simm.s32 @!p1 $0x0  }
0x14: {  	s2 =	sld [smem:$0x3F99];
	s0 =	simm.s32 @p1 $0x1  }
0x15: {  	[smem:$0x3FB6] =	sst s0;
	s0 =	simm.s32 @!p2 $0x0  }
0x16: {  	s3 =	sld [smem:$0x3FDB];
	s0 =	simm.s32 @p2 $0x1  }
0x17: {  	s4 =	simm.s32 $0x1BF5;
	[smem:$0x3FB8] =	sst s0  }
0x18: {  	s0 =	sld [smem:$0x3F9B];
	_ =	swait.ge [sflag:s4], $0x0  }
0x19: {  	s7 =	sld [smem:$0x3F9C]  }
0x1a: {  	s8 =	sadd.s32 $0xFFFFE003, lr  }
0x1b: {  	s9 =	sadd.s32 $0xFFFFFEF7, lr;
	s5 =	simm.s32 $0xFFFFFFFF;
	p2 =	slt.u32 s8, $0xFFFFF086  }
0x1c: {  	p1 =	slt.u32 s9, $0xF7A;
	s5 =	simm.s32 @!p2 $0x0  }
0x1d: {  	s5 =	simm.s32 @p1 $0x1;
	p0 =	seq.s32 s7, s2  }
0x1e: {  	s7 =	smul.u32 @!p0 $0xF7A, s2;
	p2 =	seq.s32 @!p0 s5, $0x0  }
0x1f: {  	s9 =	smul.u32 $0xF7A, s1;
	s8 =	simm.s32 @!p0 $0x1BF5;
	p2 =	por !p2, p0  }
0x20: {  	[sflag:s8] =	ssyncset.s32 @!p0 $0xFFFFF086;
	s6 =	sadd.s32 @!p0 s3, s7;
	s7 =	simm.s32 @!p0 $0x108  }
0x21: {  	s3 =	sadd.s32 s3, s9;
	s6 =	sadd.s32 @!p0 $0x88, s6;
	s7 =	simm.s32 @p2 $0x1082  }
0x22: {  	[simem:s7], [sflag:s8] =	dma.local @!p0 [hbm:s6], $0xF7A  }
0x23: {  	s9 =	sor.u32 $0xD0000000, s2;
	s6 =	simm.s32 $0x108;
	_ =	swait.ge @!p0 [sflag:s8], $0x0  }
0x24: {  	s3 =	sadd.s32 $0x88, s3;
	s6 =	simm.s32 @!p1 $0x1082;
	[sflag:s4] =	ssyncset.s32 $0xFFFFF086  }
0x25: {  	[simem:s6], [sflag:s4] =	dma.local [hbm:s3], $0xF7A  }
0x26: {  	[smem:$0x3F9C] =	sst s1;
	(tag) =	ssettag s2;
	_ =	strace s9  }
0x27: {  	s1 =	sld [smem:$0x3FAC]  }
0x28: {  	s2 =	sld [smem:$0x3FAD]  }
0x29: {  	s4 =	sld [smem:$0x3FAF]  }
0x2a: {  	p0 =	seq.s32 s5, $0x0;
	s5 =	sld [smem:$0x3FB0]  }
0x2b: {  	s6 =	sld [smem:$0x3FB1]  }
0x2c: {  	s7 =	sld [smem:$0x3FB2]  }
0x2d: {  	s3 =	simm.s32 $0x108;
	s8 =	sld [smem:$0x3FB3]  }
0x2e: {  	s3 =	simm.s32 @!p0 $0x1082;
	s9 =	sld [smem:$0x3FB4]  }
0x2f: {  	lr =	sadd.s32 s0, s3;
	s0 =	sld [smem:$0x3FAB]  }
0x30: {  	s3 =	sld [smem:$0x3FAE]  }
0x31: {  	[smem:$0x3FB7] =	sst s10  }
0x32: {  	s10 =	sld [smem:$0x3FB5];
	_ =	sdelay $0x3  }
0x33: {  	p0 =	seq.s32 s10, $0x1;
	s10 =	sld [smem:$0x3FB7];
	_ =	sdelay $0x3  }
0x34: {  	[smem:$0x3FB7] =	sst s10  }
0x35: {  	s10 =	sld [smem:$0x3FB6];
	_ =	sdelay $0x3  }
0x36: {  	p1 =	seq.s32 s10, $0x1;
	s10 =	sld [smem:$0x3FB7];
	_ =	sdelay $0x3  }
0x37: {  	[smem:$0x3FB7] =	sst s10  }
0x38: {  	s10 =	sld [smem:$0x3FB8]  }
0x39: {  	_ = 	snop;
	(pc) =	sbr.ind lr, $3  }
0x3a: {  	_ = 	snop  }
0x3b: {  	_ = 	snop  }
0x3c: {  	p2 =	seq.s32 s10, $0x1;
	s10 =	sld [smem:$0x3FB7]  }
0x3d: {  	_ =	shalt  }
0x3e: {  	_ =	shalt  }
0x3f: {  	_ =	shalt  }
0x40: {  	_ =	shalt  }
0x41: {  	_ =	shalt  }
0x42: {  	_ =	shalt  }
0x43: {  	_ =	shalt  }
0x44: {  	_ =	shalt  }
0x45: {  	_ =	shalt  }
0x46: {  	_ =	shalt  }
0x47: {  	_ =	shalt  }
0x48: {  	_ =	shalt  }
0x49: {  	_ =	shalt  }
0x4a: {  	_ =	shalt  }
0x4b: {  	_ =	shalt  }
0x4c: {  	_ =	shalt  }
0x4d: {  	_ =	shalt  }
0x4e: {  	_ =	shalt  }
0x4f: {  	_ =	shalt  }
0x50: {  	_ =	shalt  }
0x51: {  	_ =	shalt  }
0x52: {  	_ =	shalt  }
0x53: {  	_ =	shalt  }
0x54: {  	_ =	shalt  }
0x55: {  	_ =	shalt  }
0x56: {  	_ =	shalt  }
0x57: {  	_ =	shalt  }
0x58: {  	_ =	shalt  }
0x59: {  	_ =	shalt  }
0x5a: {  	_ =	shalt  }
0x5b: {  	_ =	shalt  }
0x5c: {  	_ =	shalt  }
0x5d: {  	_ =	shalt  }
0x5e: {  	_ =	shalt  }
0x5f: {  	_ =	shalt  }
0x60: {  	_ =	shalt  }
0x61: {  	_ =	shalt  }
0x62: {  	_ =	shalt  }
0x63: {  	_ =	shalt  }
0x64: {  	_ =	shalt  }
0x65: {  	_ =	shalt  }
0x66: {  	_ =	shalt  }
0x67: {  	_ =	shalt  }
0x68: {  	_ =	shalt  }
0x69: {  	_ =	shalt  }
0x6a: {  	_ =	shalt  }
0x6b: {  	_ =	shalt  }
0x6c: {  	_ =	shalt  }
0x6d: {  	_ =	shalt  }
0x6e: {  	_ =	shalt  }
0x6f: {  	_ =	shalt  }
0x70: {  	_ =	shalt  }
0x71: {  	_ =	shalt  }
0x72: {  	_ =	shalt  }
0x73: {  	_ =	shalt  }
0x74: {  	_ =	shalt  }
0x75: {  	_ =	shalt  }
0x76: {  	_ =	shalt  }
0x77: {  	_ =	shalt  }
0x78: {  	_ =	shalt  }
0x79: {  	_ =	shalt  }
0x7a: {  	_ =	shalt  }
0x7b: {  	_ =	shalt  }
0x7c: {  	_ =	shalt  }
0x7d: {  	_ =	shalt  }
0x7e: {  	_ =	shalt  }
0x7f: {  	_ =	shalt  }
0x80: {  	_ =	shalt  }
0x81: {  	_ =	shalt  }
0x82: {  	_ =	shalt  }
0x83: {  	_ =	shalt  }
0x84: {  	_ =	shalt  }
0x85: {  	_ =	shalt  }
0x86: {  	_ =	shalt  }
0x87: {  	_ =	shalt  }
.Lfunc_end0:
.L_simem_size_0:
called_computation_lowered:
.L_overlay_start_0:
0x88: {  	s2 =	sld [smem:$0x3FD9]  }
0x89: {  	s3 =	sld [smem:$0x3FFE];
	_ =	sdelay $0x1  }
0x8a: {  	s1 =	srdreg.scid  }
0x8b: {  	s0 =	sand.u32 $0x1, s1  }
0x8c: {  	s13 =	sshll.u32 s0, $0xA;
	s2 =	sadd.s32 s3, s2  }
0x8d: {  	s2 =	sadd.s32 s2, s13  }
0x8e: {  	[smem:$0x3FC3] =	sst s2  }
0x8f: {  	_ = 	snop  }
0x90: {  	s5 =	sld [smem:$0x3FD0];
	_ =	sdelay $0x2  }
0x91: {  	s6 =	simm.s32 $0xA;
	s7 =	simm.s32 $0x10;
	s2 =	sld [smem:$0x3FC7]  }
0x92: {  	[smem:s7], [sflag:s6] =	dma.local [hbm:s5], $0x1  }
0x93: {  	_ =	swait.eq [sflag:s6], $0x1  }
0x94: {  	[sflag:s6] =	ssyncset.done $0x0  }
0x95: {  	s14 =	sld [smem:$0x13];
	[sflag:s6] =	ssyncadd.s32 $0xFFFFFFFF  }
0x96: {  	s8 =	sadd.s32 $0x1, s5;
	s4 =	sld [smem:$0x16]  }
0x97: {  	[smem:s7], [sflag:s6] =	dma.local [hbm:s8], $0x1  }
0x98: {  	_ =	swait.eq [sflag:s6], $0x1  }
0x99: {  	s15 =	sld [smem:$0x10];
	[sflag:s6] =	ssyncset.done $0x0  }
0x9a: {  	s9 =	sld [smem:$0x11];
	[sflag:s6] =	ssyncadd.s32 $0xFFFFFFFF  }
0x9b: {  	s5 =	sadd.s32 $0x2, s5;
	s10 =	sld [smem:$0x15]  }
0x9c: {  	[smem:s7], [sflag:s6] =	dma.local [hbm:s5], $0x1  }
0x9d: {  	_ =	swait.eq [sflag:s6], $0x1  }
0x9e: {  	[sflag:s6] =	ssyncset.done $0x0  }
0x9f: {  	[sflag:s6] =	ssyncadd.s32 $0xFFFFFFFF  }
0xa0: {  	s16 =	sld [smem:$0x12];
	(tm) =	ssettm $0x1  }
0xa1: {  	s17 =	sld [smem:$0x3FFB];
	_ =	sdelay $0x3  }
0xa2: {  	_ =	strace s17  }
0xa3: {  	s6 =	sld [smem:$0x3FFC];
	_ =	sdelay $0x3  }
0xa4: {  	_ =	strace s6  }
0xa5: {  	s6 =	sld [smem:$0x3FFD];
	_ =	sdelay $0x3  }
0xa6: {  	_ =	strace s6  }
0xa7: {  	_ =	strace $0x8FFFFFFF  }
0xa8: {  	s18 =	sld [smem:$0x3FDB];
	_ =	sdelay $0x1  }
0xa9: {  	s19 =	simm.s32 $_scs_section_size  }
0xaa: {  	s11 =	simm.s32 $_size__tile_overlayer_lowered;
	s12 =	simm.s32 $_tile_overlayer_lowered  }
0xab: {  	s22 =	simm.s32 $0x1BFF;
	s21 =	sshll.u32 s12, $0x1;
	s6 =	sadd.s32 s19, s18  }
0xac: {  	s20 =	sshll.u32 s11, $0x1;
	s13 =	simm.s32 $0x0;
	s11 =	sadd.s32 s21, s6  }
0xad: {  	[timem:s13], [sflag:s22] =	dma.local [hbm:s11], s20  }
0xae: {  	_ =	swait.ge [sflag:s22], s20  }
0xaf: {  	s7 =	ssub.s32 $0x0, s20;
	[sflag:s22] =	ssyncset.done $0x0  }
0xb0: {  	[sflag:s22] =	ssyncadd.s32 s7;
	_ =	sdelay $0x1  }
0xb1: {  	s23 =	simm.s32 $0x1B8B  }
0xb2: {  	_ =	swait.ge [sflag:s23], $0x1  }
0xb3: {  	[sflag:s23] =	ssyncset.done $0x0  }
0xb4: {  	s25 =	simm.s32 $0x1B8E;
	s24 =	sld [smem:$0x3FFE];
	[sflag:s23] =	ssyncadd.s32 $0xFFFFFFFF  }
0xb5: {  	s26 =	simm.s32 $execute0_lowered;
	[smem:$0x3FD2] =	sst s25  }
0xb6: {  	s11 =	sshll.u32 s26, $0x1;
	_ =	strace $0x80000046;
	[dreg:$0x1] =	wrdreg $0xFFFFFFFF  }
0xb7: {  	s28 =	simm.s32 $_size_execute0_lowered;
	s6 =	sadd.s32 s6, s11;
	[dreg:$0x0] =	wrdreg $0x0  }
0xb8: {  	s11 =	sshll.u32 s28, $0x1;
	[dreg:$0x2] =	wrdreg s6  }
0xb9: {  	[dreg:$0x3] =	wrdreg s11  }
0xba: {  	[dreg:$0x4] =	wrdreg $0xC0  }
0xbb: {  	_ =	task [dreg:s13], $0x5FFFF  }
0xbc: {  	[dreg:$0x1] =	wrdreg $0xFFFFFFFF  }
0xbd: {  	[dreg:$0x0] =	wrdreg $0x60  }
0xbe: {  	[dreg:$0x2] =	wrdreg s2  }
0xbf: {  	[dreg:$0x3] =	wrdreg s16  }
0xc0: {  	[dreg:$0x4] =	wrdreg s10  }
0xc1: {  	[dreg:$0x5] =	wrdreg s15  }
0xc2: {  	[dreg:$0x6] =	wrdreg s4  }
0xc3: {  	[dreg:$0x7] =	wrdreg s9  }
0xc4: {  	[dreg:$0x8] =	wrdreg s14  }
0xc5: {  	[dreg:$0x9] =	wrdreg s24  }
0xc6: {  	[dreg:$0xa] =	wrdreg $0x9  }
0xc7: {  	_ =	task.clear_ibuf [dreg:s13], $0xBFFFF;
	_ =	strace $0x90000046  }
0xc8: {  	s29 =	simm.s32 $0x9;
	_ =	strace $0x80000048  }
0xc9: {  	_ =	swait.ge [sflag:s29], $0x1  }
0xca: {  	[sflag:s29] =	ssyncadd.s32 $0xFFFFFFFF  }
0xcb: {  	_ =	strace $0x90000048  }
0xcc: {  	_ =	sfence  }
0xcd: {  	s30 =	sld [smem:$0x0];
	_ =	sdelay $0x2  }
0xce: {  	s31 =	sshll.u32 s1, $0xD;
	s1 =	sshrl.u32 s1, $0x2  }
0xcf: {  	s3 =	sand.u32 $0x4000, s31;
	s1 =	sadd.s32 s1, s30  }
0xd0: {  	s0 =	sor.u32 s3, s0;
	s1 =	sshll.u32 s1, $0x11  }
0xd1: {  	s0 =	sor.u32 s1, s0  }
0xd2: {  	s0 =	sadd.s32 $0x8F2B, s0  }
0xd3: {  	[sflag:s0] =	ssyncadd.remote.s32 $0x1  }
0xd4: {  	_ =	sfence.sel $0xFFFF  }
0xd5: {  	[dreg:$0x0] =	wrdreg $0xFFFFFFFF;
	(pc) =	sbr.abs _section_cstart, $3  }
0xd6: {  	[dreg:$0x1] =	wrdreg $0xFFFFFFFF  }
0xd7: {  	_ =	task.clear_ibuf [dreg:s13], $0x2FFFF;
	_ =	strace $0x9FFFFFFF  }
0xd8: {  	(tm) =	ssettm $0x7FFFFFFF  }
0xd9: {  	_ =	shalt  }
tec
execute0_lowered:
.L_overlay_start_1:
0x0: {  	(tag) =	ssettag $0x1  }
0x1: {  	s18 =	rddreg [dreg:$0x0]  }
0x2: {  	s10 =	rddreg [dreg:$0x3]  }
0x3: {  	s13 =	rddreg [dreg:$0x6]  }
0x4: {  	s1 =	rddreg [dreg:$0x7];
	s8 =	simm.s32 $0x0;
	s2 =	srdreg.scid  }
0x5: {  	s4 =	stileid.u32;
	[smem:$0x7FF] =	sst s8;
	s2 =	sand.u32 $0x1, s2  }
0x6: {  	s5 =	sadd.s32 $0x1600, s1;
	s20 =	sadd.s32 $0x1630, s1;
	s21 =	sadd.s32 $0x1620, s1  }
0x7: {  	_ =	strace $0x80000047;
	s3 =	sshll.u32 s2, $0x4;
	[dreg:$0x9] =	wrdreg s5  }
0x8: {  	[dreg:$0xb] =	wrdreg s20;
	s3 =	sor.u32 s4, s3;
	s4 =	sand.u32 $0x7, s4  }
0x9: {  	[dreg:$0xc] =	wrdreg s21;
	s16 =	sshll.u32 s3, $0x10;
	s11 =	sshll.u32 s4, $0x8  }
0xa: {  	s5 =	sadd.s32 s16, s1;
	s17 =	ssub.s32 $0x800, s11;
	s1 =	sadd.s32 $0x1610, s1  }
0xb: {  	s19 =	sshrl.u32 s17, $0x3;
	[dreg:$0xd] =	wrdreg s1  }
0xc: {  	s22 =	sadd.s32 $0x1A00, s5;
	[dreg:$0xa] =	wrdreg s19  }
0xd: {  	s23 =	sadd.s32 $0x2200, s5;
	[dreg:$0xe] =	wrdreg s22  }
0xe: {  	s24 =	sadd.s32 $0x2A00, s5;
	[dreg:$0xf] =	wrdreg s23  }
0xf: {  	s25 =	sadd.s32 $0x3200, s5;
	[dreg:$0x10] =	wrdreg s24  }
0x10: {  	p0 =	sne.s32 s4, $0x0;
	s26 =	sadd.s32 $0x3A00, s5;
	[dreg:$0x11] =	wrdreg s25  }
0x11: {  	p6 =	seq.s32 s4, $0x0;
	s0 =	sadd.s32 $0x4200, s5;
	[dreg:$0x12] =	wrdreg s26  }
0x12: {  	p4 =	seq.s32 s4, $0x7;
	s4 =	sadd.s32 $0x4A00, s5;
	[dreg:$0x13] =	wrdreg s0  }
0x13: {  	s12 =	sadd.s32 $0x6200, s5;
	[dreg:$0x14] =	wrdreg s4  }
0x14: {  	s14 =	sadd.s32 $0x6A00, s5;
	[dreg:$0x17] =	wrdreg s12  }
0x15: {  	s15 =	sadd.s32 $0x7200, s5;
	[dreg:$0x18] =	wrdreg s14  }
0x16: {  	s16 =	sadd.s32 $0x7A00, s5;
	[dreg:$0x19] =	wrdreg s15  }
0x17: {  	s7 =	simm.s32 $0x1;
	s17 =	sadd.s32 $0x8200, s5;
	[dreg:$0x1a] =	wrdreg s16  }
0x18: {  	s28 =	sadd.s32 $0x400, s18;
	s20 =	sadd.s32 $0x9200, s5;
	[dreg:$0x1b] =	wrdreg s17  }
0x19: {  	s29 =	sadd.s32 $0x500, s18;
	s21 =	sadd.s32 $0x9A00, s5;
	[dreg:$0x1d] =	wrdreg s20  }
0x1a: {  	s30 =	sadd.s32 $0x600, s18;
	s19 =	sadd.s32 $0x8A00, s5;
	[dreg:$0x1e] =	wrdreg s21  }
0x1b: {  	s31 =	sadd.s32 $0x700, s18;
	s22 =	sadd.s32 $0xA200, s5;
	[dreg:$0x1c] =	wrdreg s19  }
0x1c: {  	p1 =	seq.s32 s3, $0x0;
	s23 =	sadd.s32 $0xAA00, s5;
	[dreg:$0x1f] =	wrdreg s22  }
0x1d: {  	s9 =	sshrl.u32 s3, $0x3;
	s24 =	sadd.s32 $0xB200, s5;
	[smem:$0x7E8] =	sst s23  }
0x1e: {  	p1 =	por !p0, !p1;
	s25 =	sadd.s32 $0xBA00, s5;
	[smem:$0x7E9] =	sst s24  }
0x1f: {  	p1 =	por !p1, !p1;
	s26 =	sadd.s32 $0xC200, s5;
	[smem:$0x7EA] =	sst s25  }
0x20: {  	s7 =	simm.s32 @!p1 $0x0;
	s0 =	sadd.s32 $0xCA00, s5;
	[smem:$0x7EB] =	sst s26  }
0x21: {  	p1 =	sne.s32 s3, $0x0;
	s3 =	sadd.s32 $0xD200, s5;
	[smem:$0x7EC] =	sst s0  }
0x22: {  	s2 =	ssub.s32 $0x2, s2;
	s4 =	sadd.s32 $0xDA00, s5;
	[smem:$0x7ED] =	sst s3  }
0x23: {  	v2 =	vimm.s32 $0x87654321;
	v3 =	vimm.s32 $0x10FEDCBA;
	s6 =	sshrl.u32 s2, $0x1;
	s12 =	sadd.s32 $0xF200, s5;
	[smem:$0x7EE] =	sst s4  }
0x24: {  	vm0 =	vmxor vm0, vm0;
	v4 =	vimm.s32 $0x98765432;
	v5 =	vimm.s32 $0x3210FEDC;
	s2 =	ssub.s32 s2, s6;
	s14 =	sadd.s32 $0xFA00, s5;
	[smem:$0x7F1] =	sst s12  }
0x25: {  	v0 =	vlaneseq.u32;
	v6 =	vimm.s32 $0xBA987654;
	v7 =	vimm.s32 $0xFEDCBA98;
	s1 =	simm.s32 $0x8;
	s15 =	sadd.s32 $0x10200, s5;
	[smem:$0x7F2] =	sst s14  }
0x26: {  	vm3 =	vmmov $0x1;
	v8 =	vimm.s32 $0x76543210;
	vm5 =	vmmov $0xff;
	s16 =	sadd.s32 $0x10A00, s5;
	s17 =	sadd.s32 $0x11200, s5;
	[smem:$0x7F3] =	sst s15  }
0x27: {  	vm6 =	vcmask $0x310;
	vm7 =	vcmask $0x710;
	vm8 =	vcmask $0xB10;
	s20 =	sadd.s32 $0x7FE, s10;
	s6 =	ssub.s32 s9, s7;
	[smem:$0x7F4] =	sst s16  }
0x28: {  	vm10 =	vmmov $0xffff;
	vm2 =	vmmov vm0;
	s21 =	sadd.s32 $0x30, s13;
	s7 =	sadd.s32 $0x5200, s5;
	[smem:$0x7F5] =	sst s17;
	v1 =	vmov s6  }
0x29: {  	v2 =	vunpack.c.l.s4.s8 v2;
	s9 =	sadd.s32 $0x5A00, s5;
	s19 =	smax.u32 s2, $0x1;
	[smem:$0x7FA] =	sst s20;
	vm1 =	veq.s32 v1, v0;
	v1 =	vimm.s32 $0xFEDCBA9  }
0x2a: {  	v3 =	vunpack.c.l.s4.s8 v3;
	v4 =	vunpack.c.l.s4.s8 v4;
	s12 =	sadd.s32 $0x100, s11;
	s24 =	sadd.s32 $0x100, s18;
	s25 =	sadd.s32 $0x200, s18;
	v1 =	vunpack.c.l.s4.s8 v1  }
0x2b: {  	v5 =	vunpack.c.l.s4.s8 v5;
	v6 =	vunpack.c.l.s4.s8 v6;
	v2 =	vunpack.c.0.s8.s32 v2;
	s26 =	sadd.s32 $0x300, s18;
	[smem:$0x7FB] =	sst s21;
	s22 =	sadd.s32 $0x20, s13  }
0x2c: {  	v3 =	vunpack.c.0.s8.s32 v3;
	v4 =	vunpack.c.0.s8.s32 v4;
	s23 =	sadd.s32 $0x10, s13;
	s3 =	simm.s32 $0xDA80;
	s16 =	simm.s32 $0x4980;
	v1 =	vunpack.c.0.s8.s32 v1  }
0x2d: {  	v7 =	vunpack.c.l.s4.s8 v7;
	v5 =	vunpack.c.0.s8.s32 v5;
	v6 =	vunpack.c.0.s8.s32 v6;
	s17 =	simm.s32 $0x8980;
	s15 =	simm.s32 $0x0;
	[dreg:$0x15] =	wrdreg s7  }
0x2e: {  	s20 =	simm.s32 $0x7;
	s21 =	simm.s32 $0x4;
	[dreg:$0x16] =	wrdreg s9;
	v1 =	vcombine.low v2, v1;
	v2 =	vcombine.low v4, v3;
	v3 =	vunpack.c.l.s4.s8 v8  }
0x2f: {  	v9 =	vshrl.u32 v0, $0x3;
	s7 =	sadd.s32 $0xE200, s5;
	s9 =	sadd.s32 $0xEA00, s5;
	[smem:$0x7F6] =	sst s19;
	v4 =	vcombine.low v6, v5;
	v5 =	vunpack.c.0.s8.s32 v7  }
0x30: {  	vm4 =	vmmov vm0;
	v9 =	vmul.u32 $0x8, v9;
	p2 =	sgt.s32 s6, $0x1;
	p3 =	seq.s32 s6, $0x0;
	[smem:$0x7FC] =	sst s22;
	v6 =	vunpack.c.0.s8.s32 v3  }
0x31: {  	vm2 =	vmneg @p6 vm2;
	p5 =	seq.s32 s6, $0x1;
	[smem:$0x7FD] =	sst s23;
	s0 =	simm.s32 @!p3 $0x0;
	v3 =	vand.u32 $0xF, v4;
	v4 =	vand.u32 $0xF, v5  }
0x32: {  	s5 =	simm.s32 $0x2;
	[smem:$0x7EF] =	sst s7;
	s0 =	simm.s32 @p3 $0x1;
	v5 =	vimm.s32 $0xEDCBA987;
	v4 =	vcombine.low v4, v6;
	v6 =	vimm.s32 $0x6543210F  }
.Ltmp0:
0x33: {  	vm4 =	vmneg @p4 vm4;
	[smem:$0x7F7] =	sst s0;
	s0 =	simm.s32 @!p5 $0x0;
	v7 =	vunpack.c.l.s4.s8 v5;
	v8 =	vunpack.c.l.s4.s8 v6;
	(pc) =	sbr.rel .LBB2_1-.Ltmp0, $4  }
0x34: {  	vm4 =	vmand vm4, vm3;
	vm9 =	vmmov @!p1 $0xf;
	[smem:$0x7F0] =	sst s9;
	p3 =	seq.s32 s6, $0x3;
	vm2 =	vmand vm2, vm1;
	s0 =	simm.s32 @p5 $0x1  }
0x35: {  	s19 =	simm.s32 $0x3;
	[smem:$0x7F8] =	sst s0;
	s0 =	simm.s32 @!p3 $0x0;
	v1 =	vand.u32 $0xF, v1;
	v10 =	vunpack.c.0.s8.s32 v7;
	v11 =	vunpack.c.0.s8.s32 v8  }
0x36: {  	s9 =	simm.s32 $0x4080;
	s7 =	simm.s32 $0x4180;
	s0 =	simm.s32 @p3 $0x1;
	v2 =	vand.u32 $0xF, v2;
	v5 =	vimm.s32 $0xFF;
	v6 =	vimm.s32 $0x0  }
0x37: {  	p5 =	seq.s32 s6, $0x2;
	s6 =	simm.s32 $0x6;
	[smem:$0x7F9] =	sst s0;
	v7 =	vimm.s32 $0x7FF;
	v8 =	vand.u32 $0x7, v0;
	v10 =	vcombine.low v11, v10  }
.LBB2_14:
0x38: {  	s10 =	sld [smem:$0x7FC];
	_ =	sdelay $0x1  }
0x39: {  	s4 =	simm.s32 $0x80;
	s14 =	simm.s32 $0x200;
	s13 =	simm.s32 $0xC980  }
0x3a: {  	[hbm4b:s10+s4] =	stream.strided.scatter [tilespmem:s13], [sflag:$0x9], $0x800, s14, s4, $0x38;
	[tilespmem:$0x1DA80] =	vst v63  }
0x3b: {  	s10 =	simm.s32 $0x9  }
0x3c: {  	_ =	swait.ge [sflag:s10], $0x800  }
0x3d: {  	[sflag:s10] =	ssyncset.done $0x0  }
0x3e: {  	s13 =	rddreg [dreg:$0xc];
	[sflag:s10] =	ssyncadd.s32 $0xFFFFF800  }
.LBB2_15:
0x3f: {  	s15 =	simm.s32 $0xD180  }
0x40: {  	[hbm4b:s13+s4] =	stream.strided.scatter [tilespmem:s15], [sflag:$0x9], $0x800, s14, s4, $0x38;
	[tilespmem:$0x1DA80] =	vst v63  }
0x41: {  	_ =	swait.ge [sflag:s10], $0x800  }
0x42: {  	[sflag:s10] =	ssyncset.done $0x0  }
0x43: {  	s0 =	smov.u32 s22;
	[sflag:s10] =	ssyncadd.s32 $0xFFFFF800  }
.LBB2_16:
0x44: {  	v11 =	vld.msk [tilespmem:$0x4098], $0xff;
	_ =	sdelay $0x4  }
0x45: {  	v12 =	vshll.u32 v11, $0x4  }
0x46: {  	v11 =	vand.u32 $0x7, v11;
	v12 =	vand.u32 $0xFFFFFF80, v12  }
0x47: {  	v11 =	vor.u32 v11, v12  }
0x48: {  	v11 =	vperm.xlane v11, v8;
	_ =	sdelay $0x1  }
0x49: {  	v11 =	vadd.s32 v9, v11;
	_ =	sdelay $0x3  }
0x4a: {  	s14 =	simm.s32 $0x19A80  }
0x4b: {  	[tilespmem:s14], [sflag:$0x4] =	stream.indirect_vreg.gather [hbm4b:s18+s8], $0x80, v11, vm10, $0xb8;
	[tilespmem:$0x1DA80] =	vst v63  }
0x4c: {  	s4 =	simm.s32 $0x1A280  }
0x4d: {  	[tilespmem:s4], [sflag:$0x4] =	stream.indirect_vreg.gather [hbm4b:s24+s8], $0x80, v11, vm10, $0xb8;
	[tilespmem:$0x1DA80] =	vst v63  }
0x4e: {  	s15 =	simm.s32 $0x1AA80  }
0x4f: {  	[tilespmem:s15], [sflag:$0x4] =	stream.indirect_vreg.gather [hbm4b:s25+s8], $0x80, v11, vm10, $0xb8;
	[tilespmem:$0x1DA80] =	vst v63  }
0x50: {  	s22 =	simm.s32 $0x1B280  }
0x51: {  	[tilespmem:s22], [sflag:$0x4] =	stream.indirect_vreg.gather [hbm4b:s26+s8], $0x80, v11, vm10, $0xb8;
	[tilespmem:$0x1DA80] =	vst v63  }
0x52: {  	s23 =	simm.s32 $0x1BA80  }
0x53: {  	[tilespmem:s23], [sflag:$0x4] =	stream.indirect_vreg.gather [hbm4b:s28+s8], $0x80, v11, vm10, $0xb8;
	[tilespmem:$0x1DA80] =	vst v63  }
0x54: {  	[smem:$0x7E7] =	sst s0;
	s0 =	simm.s32 $0x1C280  }
0x55: {  	[tilespmem:s0], [sflag:$0x4] =	stream.indirect_vreg.gather [hbm4b:s29+s8], $0x80, v11, vm10, $0xb8;
	[tilespmem:$0x1DA80] =	vst v63  }
0x56: {  	s2 =	simm.s32 $0x1CA80  }
0x57: {  	[tilespmem:s2], [sflag:$0x4] =	stream.indirect_vreg.gather [hbm4b:s30+s8], $0x80, v11, vm10, $0xb8;
	[tilespmem:$0x1DA80] =	vst v63  }
0x58: {  	s3 =	simm.s32 $0x1D280  }
0x59: {  	[tilespmem:s3], [sflag:$0x4] =	stream.indirect_vreg.gather [hbm4b:s31+s8], $0x80, v11, vm10, $0xb8;
	[tilespmem:$0x1DA80] =	vst v63  }
0x5a: {  	s3 =	simm.s32 $0x1  }
0x5b: {  	_ =	swait.ge [sflag:s3], $0x4000  }
0x5c: {  	[sflag:s3] =	ssyncset.done $0x0  }
0x5d: {  	s4 =	simm.s32 $0xDA80;
	s10 =	rddreg [dreg:$0xe];
	[sflag:s3] =	ssyncadd.s32 $0xFFFFC000  }
0x5e: {  	[hbm4b:s10+s8] =	stream.linear.scatter [tilespmem:s4], [sflag:$0x5], $0x4000, $0x38;
	[tilespmem:$0x1DA80] =	vst v63  }
0x5f: {  	s4 =	simm.s32 $0x5  }
0x60: {  	_ =	swait.ge [sflag:s4], $0x4000  }
0x61: {  	[sflag:s4] =	ssyncset.done $0x0  }
0x62: {  	[sflag:s4] =	ssyncadd.s32 $0xFFFFC000  }
0x63: {  	v11 =	vld.msk [tilespmem:$0x40A0], $0xff;
	_ =	sdelay $0x4  }
0x64: {  	v36 =	vshll.u32 v11, $0x4  }
0x65: {  	v11 =	vand.u32 $0x7, v11;
	v12 =	vand.u32 $0xFFFFFF80, v36  }
0x66: {  	v11 =	vor.u32 v11, v12  }
0x67: {  	v11 =	vperm.xlane v11, v8;
	_ =	sdelay $0x1  }
0x68: {  	v11 =	vadd.s32 v9, v11;
	_ =	sdelay $0x3  }
0x69: {  	s14 =	simm.s32 $0xDA80  }
0x6a: {  	[tilespmem:s14], [sflag:$0x1] =	stream.indirect_vreg.gather [hbm4b:s18+s8], $0x80, v11, vm10, $0xb8;
	[tilespmem:$0x1DA80] =	vst v63  }
0x6b: {  	s15 =	simm.s32 $0xE280  }
0x6c: {  	[tilespmem:s15], [sflag:$0x1] =	stream.indirect_vreg.gather [hbm4b:s24+s8], $0x80, v11, vm10, $0xb8;
	[tilespmem:$0x1DA80] =	vst v63  }
0x6d: {  	s22 =	simm.s32 $0xEA80  }
0x6e: {  	[tilespmem:s22], [sflag:$0x1] =	stream.indirect_vreg.gather [hbm4b:s25+s8], $0x80, v11, vm10, $0xb8;
	[tilespmem:$0x1DA80] =	vst v63  }
0x6f: {  	s23 =	simm.s32 $0xF280  }
0x70: {  	[tilespmem:s23], [sflag:$0x1] =	stream.indirect_vreg.gather [hbm4b:s26+s8], $0x80, v11, vm10, $0xb8;
	[tilespmem:$0x1DA80] =	vst v63  }
0x71: {  	s2 =	simm.s32 $0xFA80  }
0x72: {  	[tilespmem:s2], [sflag:$0x1] =	stream.indirect_vreg.gather [hbm4b:s28+s8], $0x80, v11, vm10, $0xb8;
	[tilespmem:$0x1DA80] =	vst v63  }
0x73: {  	s10 =	simm.s32 $0x10280  }
0x74: {  	[tilespmem:s10], [sflag:$0x1] =	stream.indirect_vreg.gather [hbm4b:s29+s8], $0x80, v11, vm10, $0xb8;
	[tilespmem:$0x1DA80] =	vst v63  }
0x75: {  	s14 =	simm.s32 $0x10A80  }
0x76: {  	[tilespmem:s14], [sflag:$0x1] =	stream.indirect_vreg.gather [hbm4b:s30+s8], $0x80, v11, vm10, $0xb8;
	[tilespmem:$0x1DA80] =	vst v63  }
0x77: {  	s15 =	simm.s32 $0x11280  }
0x78: {  	[tilespmem:s15], [sflag:$0x1] =	stream.indirect_vreg.gather [hbm4b:s31+s8], $0x80, v11, vm10, $0xb8;
	[tilespmem:$0x1DA80] =	vst v63  }
0x79: {  	_ =	swait.ge [sflag:s5], $0x4000  }
0x7a: {  	[sflag:s5] =	ssyncset.done $0x0  }
0x7b: {  	s23 =	simm.s32 $0x11A80;
	s22 =	rddreg [dreg:$0xf];
	[sflag:s5] =	ssyncadd.s32 $0xFFFFC000  }
0x7c: {  	[hbm4b:s22+s8] =	stream.linear.scatter [tilespmem:s23], [sflag:$0x6], $0x4000, $0x38;
	[tilespmem:$0x1DA80] =	vst v63  }
0x7d: {  	_ =	swait.ge [sflag:s6], $0x4000  }
0x7e: {  	[sflag:s6] =	ssyncset.done $0x0  }
0x7f: {  	[sflag:s6] =	ssyncadd.s32 $0xFFFFC000  }
0x80: {  	v11 =	vld.msk [tilespmem:$0x40A8], $0xff;
	_ =	sdelay $0x4  }
0x81: {  	v37 =	vshll.u32 v11, $0x4  }
0x82: {  	v11 =	vand.u32 $0x7, v11;
	v12 =	vand.u32 $0xFFFFFF80, v37  }
0x83: {  	v11 =	vor.u32 v11, v12  }
0x84: {  	v11 =	vperm.xlane v11, v8;
	_ =	sdelay $0x1  }
0x85: {  	v11 =	vadd.s32 v9, v11;
	_ =	sdelay $0x3  }
0x86: {  	s2 =	simm.s32 $0x11A80  }
0x87: {  	[tilespmem:s2], [sflag:$0x2] =	stream.indirect_vreg.gather [hbm4b:s18+s8], $0x80, v11, vm10, $0xb8;
	[tilespmem:$0x1DA80] =	vst v63  }
0x88: {  	s10 =	simm.s32 $0x12280  }
0x89: {  	[tilespmem:s10], [sflag:$0x2] =	stream.indirect_vreg.gather [hbm4b:s24+s8], $0x80, v11, vm10, $0xb8;
	[tilespmem:$0x1DA80] =	vst v63  }
0x8a: {  	s14 =	simm.s32 $0x12A80  }
0x8b: {  	[tilespmem:s14], [sflag:$0x2] =	stream.indirect_vreg.gather [hbm4b:s25+s8], $0x80, v11, vm10, $0xb8;
	[tilespmem:$0x1DA80] =	vst v63  }
0x8c: {  	s15 =	simm.s32 $0x13280  }
0x8d: {  	[tilespmem:s15], [sflag:$0x2] =	stream.indirect_vreg.gather [hbm4b:s26+s8], $0x80, v11, vm10, $0xb8;
	[tilespmem:$0x1DA80] =	vst v63  }
0x8e: {  	s22 =	simm.s32 $0x13A80  }
0x8f: {  	[tilespmem:s22], [sflag:$0x2] =	stream.indirect_vreg.gather [hbm4b:s28+s8], $0x80, v11, vm10, $0xb8;
	[tilespmem:$0x1DA80] =	vst v63  }
0x90: {  	s23 =	simm.s32 $0x14280  }
0x91: {  	[tilespmem:s23], [sflag:$0x2] =	stream.indirect_vreg.gather [hbm4b:s29+s8], $0x80, v11, vm10, $0xb8;
	[tilespmem:$0x1DA80] =	vst v63  }
0x92: {  	s2 =	simm.s32 $0x14A80  }
0x93: {  	[tilespmem:s2], [sflag:$0x2] =	stream.indirect_vreg.gather [hbm4b:s30+s8], $0x80, v11, vm10, $0xb8;
	[tilespmem:$0x1DA80] =	vst v63  }
0x94: {  	s10 =	simm.s32 $0x15280  }
0x95: {  	[tilespmem:s10], [sflag:$0x2] =	stream.indirect_vreg.gather [hbm4b:s31+s8], $0x80, v11, vm10, $0xb8;
	[tilespmem:$0x1DA80] =	vst v63  }
0x96: {  	_ =	swait.ge [sflag:s19], $0x4000  }
0x97: {  	[sflag:s19] =	ssyncset.done $0x0  }
0x98: {  	s22 =	simm.s32 $0x15A80;
	s14 =	rddreg [dreg:$0x10];
	[sflag:s19] =	ssyncadd.s32 $0xFFFFC000  }
0x99: {  	[hbm4b:s14+s8] =	stream.linear.scatter [tilespmem:s22], [sflag:$0x7], $0x4000, $0x38;
	[tilespmem:$0x1DA80] =	vst v63  }
0x9a: {  	_ =	swait.ge [sflag:s20], $0x4000  }
0x9b: {  	[sflag:s20] =	ssyncset.done $0x0  }
0x9c: {  	[sflag:s20] =	ssyncadd.s32 $0xFFFFC000  }
0x9d: {  	v11 =	vld.msk [tilespmem:$0x40B0], $0xff;
	_ =	sdelay $0x4  }
0x9e: {  	v38 =	vshll.u32 v11, $0x4  }
0x9f: {  	v11 =	vand.u32 $0x7, v11;
	v12 =	vand.u32 $0xFFFFFF80, v38  }
0xa0: {  	v11 =	vor.u32 v11, v12  }
0xa1: {  	v11 =	vperm.xlane v11, v8;
	_ =	sdelay $0x1  }
0xa2: {  	v11 =	vadd.s32 v9, v11;
	_ =	sdelay $0x4  }
0xa3: {  	[tilespmem:s22], [sflag:$0x3] =	stream.indirect_vreg.gather [hbm4b:s18+s8], $0x80, v11, vm10, $0xb8;
	[tilespmem:$0x1DA80] =	vst v63  }
0xa4: {  	s15 =	simm.s32 $0x16280  }
0xa5: {  	[tilespmem:s15], [sflag:$0x3] =	stream.indirect_vreg.gather [hbm4b:s24+s8], $0x80, v11, vm10, $0xb8;
	[tilespmem:$0x1DA80] =	vst v63  }
0xa6: {  	s23 =	simm.s32 $0x16A80  }
0xa7: {  	[tilespmem:s23], [sflag:$0x3] =	stream.indirect_vreg.gather [hbm4b:s25+s8], $0x80, v11, vm10, $0xb8;
	[tilespmem:$0x1DA80] =	vst v63  }
0xa8: {  	s2 =	simm.s32 $0x17280  }
0xa9: {  	[tilespmem:s2], [sflag:$0x3] =	stream.indirect_vreg.gather [hbm4b:s26+s8], $0x80, v11, vm10, $0xb8;
	[tilespmem:$0x1DA80] =	vst v63  }
0xaa: {  	s10 =	simm.s32 $0x17A80  }
0xab: {  	[tilespmem:s10], [sflag:$0x3] =	stream.indirect_vreg.gather [hbm4b:s28+s8], $0x80, v11, vm10, $0xb8;
	[tilespmem:$0x1DA80] =	vst v63  }
0xac: {  	s14 =	simm.s32 $0x18280  }
0xad: {  	[tilespmem:s14], [sflag:$0x3] =	stream.indirect_vreg.gather [hbm4b:s29+s8], $0x80, v11, vm10, $0xb8;
	[tilespmem:$0x1DA80] =	vst v63  }
0xae: {  	s15 =	simm.s32 $0x18A80  }
0xaf: {  	[tilespmem:s15], [sflag:$0x3] =	stream.indirect_vreg.gather [hbm4b:s30+s8], $0x80, v11, vm10, $0xb8;
	[tilespmem:$0x1DA80] =	vst v63  }
0xb0: {  	s23 =	simm.s32 $0x19280  }
0xb1: {  	[tilespmem:s23], [sflag:$0x3] =	stream.indirect_vreg.gather [hbm4b:s31+s8], $0x80, v11, vm10, $0xb8;
	[tilespmem:$0x1DA80] =	vst v63  }
0xb2: {  	_ =	swait.ge [sflag:s21], $0x4000  }
0xb3: {  	[sflag:s21] =	ssyncset.done $0x0  }
0xb4: {  	s2 =	simm.s32 $0x19A80;
	s0 =	rddreg [dreg:$0x11];
	[sflag:s21] =	ssyncadd.s32 $0xFFFFC000  }
0xb5: {  	[hbm4b:s0+s8] =	stream.linear.scatter [tilespmem:s2], [sflag:$0x8], $0x4000, $0x38;
	[tilespmem:$0x1DA80] =	vst v63  }
0xb6: {  	_ =	swait.ge [sflag:s1], $0x4000  }
0xb7: {  	[sflag:s1] =	ssyncset.done $0x0  }
0xb8: {  	[sflag:s1] =	ssyncadd.s32 $0xFFFFC000  }
0xb9: {  	v11 =	vld.msk [tilespmem:$0x40B8], $0xff;
	_ =	sdelay $0x4  }
0xba: {  	v39 =	vshll.u32 v11, $0x4  }
0xbb: {  	v11 =	vand.u32 $0x7, v11;
	v12 =	vand.u32 $0xFFFFFF80, v39  }
0xbc: {  	v11 =	vor.u32 v11, v12  }
0xbd: {  	v11 =	vperm.xlane v11, v8;
	_ =	sdelay $0x1  }
0xbe: {  	v11 =	vadd.s32 v9, v11;
	_ =	sdelay $0x4  }
0xbf: {  	[tilespmem:s2], [sflag:$0x4] =	stream.indirect_vreg.gather [hbm4b:s18+s8], $0x80, v11, vm10, $0xb8;
	[tilespmem:$0x1DA80] =	vst v63  }
0xc0: {  	s15 =	simm.s32 $0x1A280  }
0xc1: {  	[tilespmem:s15], [sflag:$0x4] =	stream.indirect_vreg.gather [hbm4b:s24+s8], $0x80, v11, vm10, $0xb8;
	[tilespmem:$0x1DA80] =	vst v63  }
0xc2: {  	s23 =	simm.s32 $0x1AA80  }
0xc3: {  	[tilespmem:s23], [sflag:$0x4] =	stream.indirect_vreg.gather [hbm4b:s25+s8], $0x80, v11, vm10, $0xb8;
	[tilespmem:$0x1DA80] =	vst v63  }
0xc4: {  	s14 =	simm.s32 $0x1B280  }
0xc5: {  	[tilespmem:s14], [sflag:$0x4] =	stream.indirect_vreg.gather [hbm4b:s26+s8], $0x80, v11, vm10, $0xb8;
	[tilespmem:$0x1DA80] =	vst v63  }
0xc6: {  	s2 =	simm.s32 $0x1BA80  }
0xc7: {  	[tilespmem:s2], [sflag:$0x4] =	stream.indirect_vreg.gather [hbm4b:s28+s8], $0x80, v11, vm10, $0xb8;
	[tilespmem:$0x1DA80] =	vst v63  }
0xc8: {  	s10 =	simm.s32 $0x1C280  }
0xc9: {  	[tilespmem:s10], [sflag:$0x4] =	stream.indirect_vreg.gather [hbm4b:s29+s8], $0x80, v11, vm10, $0xb8;
	[tilespmem:$0x1DA80] =	vst v63  }
0xca: {  	s2 =	simm.s32 $0x1CA80  }
0xcb: {  	[tilespmem:s2], [sflag:$0x4] =	stream.indirect_vreg.gather [hbm4b:s30+s8], $0x80, v11, vm10, $0xb8;
	[tilespmem:$0x1DA80] =	vst v63  }
0xcc: {  	s13 =	simm.s32 $0x1D280  }
0xcd: {  	[tilespmem:s13], [sflag:$0x4] =	stream.indirect_vreg.gather [hbm4b:s31+s8], $0x80, v11, vm10, $0xb8;
	[tilespmem:$0x1DA80] =	vst v63  }
0xce: {  	_ =	swait.ge [sflag:s3], $0x4000  }
0xcf: {  	[sflag:s3] =	ssyncset.done $0x0  }
0xd0: {  	s13 =	simm.s32 $0xDA80;
	s0 =	rddreg [dreg:$0x12];
	[sflag:s3] =	ssyncadd.s32 $0xFFFFC000  }
0xd1: {  	[hbm4b:s0+s8] =	stream.linear.scatter [tilespmem:s13], [sflag:$0x5], $0x4000, $0x38;
	[tilespmem:$0x1DA80] =	vst v63  }
0xd2: {  	_ =	swait.ge [sflag:s4], $0x4000  }
0xd3: {  	[sflag:s4] =	ssyncset.done $0x0  }
0xd4: {  	[sflag:s4] =	ssyncadd.s32 $0xFFFFC000  }
0xd5: {  	v11 =	vld.msk [tilespmem:$0x40C0], $0xff;
	_ =	sdelay $0x4  }
0xd6: {  	v40 =	vshll.u32 v11, $0x4  }
0xd7: {  	v11 =	vand.u32 $0x7, v11;
	v12 =	vand.u32 $0xFFFFFF80, v40  }
0xd8: {  	v11 =	vor.u32 v11, v12  }
0xd9: {  	v11 =	vperm.xlane v11, v8;
	_ =	sdelay $0x1  }
0xda: {  	v11 =	vadd.s32 v9, v11;
	_ =	sdelay $0x4  }
0xdb: {  	[tilespmem:s13], [sflag:$0x1] =	stream.indirect_vreg.gather [hbm4b:s18+s8], $0x80, v11, vm10, $0xb8;
	[tilespmem:$0x1DA80] =	vst v63  }
0xdc: {  	s13 =	simm.s32 $0xE280  }
0xdd: {  	[tilespmem:s13], [sflag:$0x1] =	stream.indirect_vreg.gather [hbm4b:s24+s8], $0x80, v11, vm10, $0xb8;
	[tilespmem:$0x1DA80] =	vst v63  }
0xde: {  	s10 =	simm.s32 $0xEA80  }
0xdf: {  	[tilespmem:s10], [sflag:$0x1] =	stream.indirect_vreg.gather [hbm4b:s25+s8], $0x80, v11, vm10, $0xb8;
	[tilespmem:$0x1DA80] =	vst v63  }
0xe0: {  	s13 =	simm.s32 $0xF280  }
0xe1: {  	[tilespmem:s13], [sflag:$0x1] =	stream.indirect_vreg.gather [hbm4b:s26+s8], $0x80, v11, vm10, $0xb8;
	[tilespmem:$0x1DA80] =	vst v63  }
0xe2: {  	s10 =	simm.s32 $0xFA80  }
0xe3: {  	[tilespmem:s10], [sflag:$0x1] =	stream.indirect_vreg.gather [hbm4b:s28+s8], $0x80, v11, vm10, $0xb8;
	[tilespmem:$0x1DA80] =	vst v63  }
0xe4: {  	s13 =	simm.s32 $0x10280  }
0xe5: {  	[tilespmem:s13], [sflag:$0x1] =	stream.indirect_vreg.gather [hbm4b:s29+s8], $0x80, v11, vm10, $0xb8;
	[tilespmem:$0x1DA80] =	vst v63  }
0xe6: {  	s10 =	simm.s32 $0x10A80  }
0xe7: {  	[tilespmem:s10], [sflag:$0x1] =	stream.indirect_vreg.gather [hbm4b:s30+s8], $0x80, v11, vm10, $0xb8;
	[tilespmem:$0x1DA80] =	vst v63  }
0xe8: {  	s13 =	simm.s32 $0x11280  }
0xe9: {  	[tilespmem:s13], [sflag:$0x1] =	stream.indirect_vreg.gather [hbm4b:s31+s8], $0x80, v11, vm10, $0xb8;
	[tilespmem:$0x1DA80] =	vst v63  }
0xea: {  	_ =	swait.ge [sflag:s5], $0x4000  }
0xeb: {  	[sflag:s5] =	ssyncset.done $0x0  }
0xec: {  	s13 =	simm.s32 $0x11A80;
	s0 =	rddreg [dreg:$0x13];
	[sflag:s5] =	ssyncadd.s32 $0xFFFFC000  }
0xed: {  	[hbm4b:s0+s8] =	stream.linear.scatter [tilespmem:s13], [sflag:$0x6], $0x4000, $0x38;
	[tilespmem:$0x1DA80] =	vst v63  }
0xee: {  	_ =	swait.ge [sflag:s6], $0x4000  }
0xef: {  	[sflag:s6] =	ssyncset.done $0x0  }
0xf0: {  	[sflag:s6] =	ssyncadd.s32 $0xFFFFC000  }
0xf1: {  	v11 =	vld.msk [tilespmem:$0x40C8], $0xff;
	_ =	sdelay $0x4  }
0xf2: {  	v41 =	vshll.u32 v11, $0x4  }
0xf3: {  	v11 =	vand.u32 $0x7, v11;
	v12 =	vand.u32 $0xFFFFFF80, v41  }
0xf4: {  	v11 =	vor.u32 v11, v12  }
0xf5: {  	v11 =	vperm.xlane v11, v8;
	_ =	sdelay $0x1  }
0xf6: {  	v11 =	vadd.s32 v9, v11;
	_ =	sdelay $0x4  }
0xf7: {  	[tilespmem:s13], [sflag:$0x2] =	stream.indirect_vreg.gather [hbm4b:s18+s8], $0x80, v11, vm10, $0xb8;
	[tilespmem:$0x1DA80] =	vst v63  }
0xf8: {  	s13 =	simm.s32 $0x12280  }
0xf9: {  	[tilespmem:s13], [sflag:$0x2] =	stream.indirect_vreg.gather [hbm4b:s24+s8], $0x80, v11, vm10, $0xb8;
	[tilespmem:$0x1DA80] =	vst v63  }
0xfa: {  	s10 =	simm.s32 $0x12A80  }
0xfb: {  	[tilespmem:s10], [sflag:$0x2] =	stream.indirect_vreg.gather [hbm4b:s25+s8], $0x80, v11, vm10, $0xb8;
	[tilespmem:$0x1DA80] =	vst v63  }
0xfc: {  	s10 =	simm.s32 $0x13280  }
0xfd: {  	[tilespmem:s10], [sflag:$0x2] =	stream.indirect_vreg.gather [hbm4b:s26+s8], $0x80, v11, vm10, $0xb8;
	[tilespmem:$0x1DA80] =	vst v63  }
0xfe: {  	s10 =	simm.s32 $0x13A80  }
0xff: {  	[tilespmem:s10], [sflag:$0x2] =	stream.indirect_vreg.gather [hbm4b:s28+s8], $0x80, v11, vm10, $0xb8;
	[tilespmem:$0x1DA80] =	vst v63  }
0x100: {  	s10 =	simm.s32 $0x14280  }
0x101: {  	[tilespmem:s10], [sflag:$0x2] =	stream.indirect_vreg.gather [hbm4b:s29+s8], $0x80, v11, vm10, $0xb8;
	[tilespmem:$0x1DA80] =	vst v63  }
0x102: {  	s10 =	simm.s32 $0x14A80  }
0x103: {  	[tilespmem:s10], [sflag:$0x2] =	stream.indirect_vreg.gather [hbm4b:s30+s8], $0x80, v11, vm10, $0xb8;
	[tilespmem:$0x1DA80] =	vst v63  }
0x104: {  	s10 =	simm.s32 $0x15280  }
0x105: {  	[tilespmem:s10], [sflag:$0x2] =	stream.indirect_vreg.gather [hbm4b:s31+s8], $0x80, v11, vm10, $0xb8;
	[tilespmem:$0x1DA80] =	vst v63  }
0x106: {  	_ =	swait.ge [sflag:s19], $0x4000  }
0x107: {  	[sflag:s19] =	ssyncset.done $0x0  }
0x108: {  	s0 =	rddreg [dreg:$0x14];
	[sflag:s19] =	ssyncadd.s32 $0xFFFFC000  }
0x109: {  	[hbm4b:s0+s8] =	stream.linear.scatter [tilespmem:s22], [sflag:$0x7], $0x4000, $0x38;
	[tilespmem:$0x1DA80] =	vst v63  }
0x10a: {  	_ =	swait.ge [sflag:s20], $0x4000  }
0x10b: {  	[sflag:s20] =	ssyncset.done $0x0  }
0x10c: {  	[sflag:s20] =	ssyncadd.s32 $0xFFFFC000  }
0x10d: {  	v11 =	vld.msk [tilespmem:$0x40D0], $0xff;
	_ =	sdelay $0x4  }
0x10e: {  	v42 =	vshll.u32 v11, $0x4  }
0x10f: {  	v11 =	vand.u32 $0x7, v11;
	v12 =	vand.u32 $0xFFFFFF80, v42  }
0x110: {  	v11 =	vor.u32 v11, v12  }
0x111: {  	v11 =	vperm.xlane v11, v8;
	_ =	sdelay $0x1  }
0x112: {  	v11 =	vadd.s32 v9, v11;
	_ =	sdelay $0x4  }
0x113: {  	[tilespmem:s22], [sflag:$0x3] =	stream.indirect_vreg.gather [hbm4b:s18+s8], $0x80, v11, vm10, $0xb8;
	[tilespmem:$0x1DA80] =	vst v63  }
0x114: {  	s10 =	simm.s32 $0x16280  }
0x115: {  	[tilespmem:s10], [sflag:$0x3] =	stream.indirect_vreg.gather [hbm4b:s24+s8], $0x80, v11, vm10, $0xb8;
	[tilespmem:$0x1DA80] =	vst v63  }
0x116: {  	s10 =	simm.s32 $0x16A80  }
0x117: {  	[tilespmem:s10], [sflag:$0x3] =	stream.indirect_vreg.gather [hbm4b:s25+s8], $0x80, v11, vm10, $0xb8;
	[tilespmem:$0x1DA80] =	vst v63  }
0x118: {  	s10 =	simm.s32 $0x17280  }
0x119: {  	[tilespmem:s10], [sflag:$0x3] =	stream.indirect_vreg.gather [hbm4b:s26+s8], $0x80, v11, vm10, $0xb8;
	[tilespmem:$0x1DA80] =	vst v63  }
0x11a: {  	s10 =	simm.s32 $0x17A80  }
0x11b: {  	[tilespmem:s10], [sflag:$0x3] =	stream.indirect_vreg.gather [hbm4b:s28+s8], $0x80, v11, vm10, $0xb8;
	[tilespmem:$0x1DA80] =	vst v63  }
0x11c: {  	s10 =	simm.s32 $0x18280  }
0x11d: {  	[tilespmem:s10], [sflag:$0x3] =	stream.indirect_vreg.gather [hbm4b:s29+s8], $0x80, v11, vm10, $0xb8;
	[tilespmem:$0x1DA80] =	vst v63  }
0x11e: {  	s10 =	simm.s32 $0x18A80  }
0x11f: {  	[tilespmem:s10], [sflag:$0x3] =	stream.indirect_vreg.gather [hbm4b:s30+s8], $0x80, v11, vm10, $0xb8;
	[tilespmem:$0x1DA80] =	vst v63  }
0x120: {  	s10 =	simm.s32 $0x19280  }
0x121: {  	[tilespmem:s10], [sflag:$0x3] =	stream.indirect_vreg.gather [hbm4b:s31+s8], $0x80, v11, vm10, $0xb8;
	[tilespmem:$0x1DA80] =	vst v63  }
0x122: {  	_ =	swait.ge [sflag:s21], $0x4000  }
0x123: {  	[sflag:s21] =	ssyncset.done $0x0  }
0x124: {  	s0 =	simm.s32 $0x19A80;
	s10 =	rddreg [dreg:$0x15];
	[sflag:s21] =	ssyncadd.s32 $0xFFFFC000  }
0x125: {  	[hbm4b:s10+s8] =	stream.linear.scatter [tilespmem:s0], [sflag:$0x8], $0x4000, $0x38;
	[tilespmem:$0x1DA80] =	vst v63  }
0x126: {  	_ =	swait.ge [sflag:s1], $0x4000  }
0x127: {  	[sflag:s1] =	ssyncset.done $0x0  }
0x128: {  	[sflag:s1] =	ssyncadd.s32 $0xFFFFC000  }
0x129: {  	v11 =	vld.msk [tilespmem:$0x40D8], $0xff;
	_ =	sdelay $0x4  }
0x12a: {  	v43 =	vshll.u32 v11, $0x4  }
0x12b: {  	v11 =	vand.u32 $0x7, v11;
	v12 =	vand.u32 $0xFFFFFF80, v43  }
0x12c: {  	v11 =	vor.u32 v11, v12  }
0x12d: {  	v11 =	vperm.xlane v11, v8;
	_ =	sdelay $0x1  }
0x12e: {  	v11 =	vadd.s32 v9, v11;
	_ =	sdelay $0x4  }
0x12f: {  	[tilespmem:s0], [sflag:$0x4] =	stream.indirect_vreg.gather [hbm4b:s18+s8], $0x80, v11, vm10, $0xb8;
	[tilespmem:$0x1DA80] =	vst v63  }
0x130: {  	_ = 	snop  }
0x131: {  	[tilespmem:s15], [sflag:$0x4] =	stream.indirect_vreg.gather [hbm4b:s24+s8], $0x80, v11, vm10, $0xb8;
	[tilespmem:$0x1DA80] =	vst v63  }
0x132: {  	_ = 	snop  }
0x133: {  	[tilespmem:s23], [sflag:$0x4] =	stream.indirect_vreg.gather [hbm4b:s25+s8], $0x80, v11, vm10, $0xb8;
	[tilespmem:$0x1DA80] =	vst v63  }
0x134: {  	_ = 	snop  }
0x135: {  	[tilespmem:s14], [sflag:$0x4] =	stream.indirect_vreg.gather [hbm4b:s26+s8], $0x80, v11, vm10, $0xb8;
	[tilespmem:$0x1DA80] =	vst v63  }
0x136: {  	s23 =	simm.s32 $0x1BA80  }
0x137: {  	[tilespmem:s23], [sflag:$0x4] =	stream.indirect_vreg.gather [hbm4b:s28+s8], $0x80, v11, vm10, $0xb8;
	[tilespmem:$0x1DA80] =	vst v63  }
0x138: {  	s10 =	simm.s32 $0x1C280  }
0x139: {  	[tilespmem:s10], [sflag:$0x4] =	stream.indirect_vreg.gather [hbm4b:s29+s8], $0x80, v11, vm10, $0xb8;
	[tilespmem:$0x1DA80] =	vst v63  }
0x13a: {  	_ = 	snop  }
0x13b: {  	[tilespmem:s2], [sflag:$0x4] =	stream.indirect_vreg.gather [hbm4b:s30+s8], $0x80, v11, vm10, $0xb8;
	[tilespmem:$0x1DA80] =	vst v63  }
0x13c: {  	s2 =	simm.s32 $0x1D280  }
0x13d: {  	[tilespmem:s2], [sflag:$0x4] =	stream.indirect_vreg.gather [hbm4b:s31+s8], $0x80, v11, vm10, $0xb8;
	[tilespmem:$0x1DA80] =	vst v63  }
0x13e: {  	_ =	swait.ge [sflag:s3], $0x4000  }
0x13f: {  	[sflag:s3] =	ssyncset.done $0x0  }
0x140: {  	s15 =	simm.s32 $0xDA80;
	s14 =	rddreg [dreg:$0x16];
	[sflag:s3] =	ssyncadd.s32 $0xFFFFC000  }
0x141: {  	[hbm4b:s14+s8] =	stream.linear.scatter [tilespmem:s15], [sflag:$0x5], $0x4000, $0x38;
	[tilespmem:$0x1DA80] =	vst v63  }
0x142: {  	_ =	swait.ge [sflag:s4], $0x4000  }
0x143: {  	[sflag:s4] =	ssyncset.done $0x0  }
0x144: {  	[sflag:s4] =	ssyncadd.s32 $0xFFFFC000  }
0x145: {  	v11 =	vld.msk [tilespmem:$0x40E0], $0xff;
	_ =	sdelay $0x4  }
0x146: {  	v44 =	vshll.u32 v11, $0x4  }
0x147: {  	v11 =	vand.u32 $0x7, v11;
	v12 =	vand.u32 $0xFFFFFF80, v44  }
0x148: {  	v11 =	vor.u32 v11, v12  }
0x149: {  	v11 =	vperm.xlane v11, v8;
	_ =	sdelay $0x1  }
0x14a: {  	v11 =	vadd.s32 v9, v11;
	_ =	sdelay $0x4  }
0x14b: {  	[tilespmem:s15], [sflag:$0x1] =	stream.indirect_vreg.gather [hbm4b:s18+s8], $0x80, v11, vm10, $0xb8;
	[tilespmem:$0x1DA80] =	vst v63  }
0x14c: {  	s15 =	simm.s32 $0xE280  }
0x14d: {  	[tilespmem:s15], [sflag:$0x1] =	stream.indirect_vreg.gather [hbm4b:s24+s8], $0x80, v11, vm10, $0xb8;
	[tilespmem:$0x1DA80] =	vst v63  }
0x14e: {  	s23 =	simm.s32 $0xEA80  }
0x14f: {  	[tilespmem:s23], [sflag:$0x1] =	stream.indirect_vreg.gather [hbm4b:s25+s8], $0x80, v11, vm10, $0xb8;
	[tilespmem:$0x1DA80] =	vst v63  }
0x150: {  	s10 =	simm.s32 $0xF280  }
0x151: {  	[tilespmem:s10], [sflag:$0x1] =	stream.indirect_vreg.gather [hbm4b:s26+s8], $0x80, v11, vm10, $0xb8;
	[tilespmem:$0x1DA80] =	vst v63  }
0x152: {  	s14 =	simm.s32 $0xFA80  }
0x153: {  	[tilespmem:s14], [sflag:$0x1] =	stream.indirect_vreg.gather [hbm4b:s28+s8], $0x80, v11, vm10, $0xb8;
	[tilespmem:$0x1DA80] =	vst v63  }
0x154: {  	s23 =	simm.s32 $0x10280  }
0x155: {  	[tilespmem:s23], [sflag:$0x1] =	stream.indirect_vreg.gather [hbm4b:s29+s8], $0x80, v11, vm10, $0xb8;
	[tilespmem:$0x1DA80] =	vst v63  }
0x156: {  	s10 =	simm.s32 $0x10A80  }
0x157: {  	[tilespmem:s10], [sflag:$0x1] =	stream.indirect_vreg.gather [hbm4b:s30+s8], $0x80, v11, vm10, $0xb8;
	[tilespmem:$0x1DA80] =	vst v63  }
0x158: {  	s14 =	simm.s32 $0x11280  }
0x159: {  	[tilespmem:s14], [sflag:$0x1] =	stream.indirect_vreg.gather [hbm4b:s31+s8], $0x80, v11, vm10, $0xb8;
	[tilespmem:$0x1DA80] =	vst v63  }
0x15a: {  	_ =	swait.ge [sflag:s5], $0x4000  }
0x15b: {  	[sflag:s5] =	ssyncset.done $0x0  }
0x15c: {  	s0 =	simm.s32 $0x11A80;
	s23 =	rddreg [dreg:$0x17];
	[sflag:s5] =	ssyncadd.s32 $0xFFFFC000  }
0x15d: {  	[hbm4b:s23+s8] =	stream.linear.scatter [tilespmem:s0], [sflag:$0x6], $0x4000, $0x38;
	[tilespmem:$0x1DA80] =	vst v63  }
0x15e: {  	_ =	swait.ge [sflag:s6], $0x4000  }
0x15f: {  	[sflag:s6] =	ssyncset.done $0x0  }
0x160: {  	[sflag:s6] =	ssyncadd.s32 $0xFFFFC000  }
0x161: {  	v11 =	vld.msk [tilespmem:$0x40E8], $0xff;
	_ =	sdelay $0x4  }
0x162: {  	v45 =	vshll.u32 v11, $0x4  }
0x163: {  	v11 =	vand.u32 $0x7, v11;
	v12 =	vand.u32 $0xFFFFFF80, v45  }
0x164: {  	v11 =	vor.u32 v11, v12  }
0x165: {  	v11 =	vperm.xlane v11, v8;
	_ =	sdelay $0x1  }
0x166: {  	v11 =	vadd.s32 v9, v11;
	_ =	sdelay $0x4  }
0x167: {  	[tilespmem:s0], [sflag:$0x2] =	stream.indirect_vreg.gather [hbm4b:s18+s8], $0x80, v11, vm10, $0xb8;
	[tilespmem:$0x1DA80] =	vst v63  }
0x168: {  	_ = 	snop  }
0x169: {  	[tilespmem:s13], [sflag:$0x2] =	stream.indirect_vreg.gather [hbm4b:s24+s8], $0x80, v11, vm10, $0xb8;
	[tilespmem:$0x1DA80] =	vst v63  }
0x16a: {  	s14 =	simm.s32 $0x12A80  }
0x16b: {  	[tilespmem:s14], [sflag:$0x2] =	stream.indirect_vreg.gather [hbm4b:s25+s8], $0x80, v11, vm10, $0xb8;
	[tilespmem:$0x1DA80] =	vst v63  }
0x16c: {  	s23 =	simm.s32 $0x13280  }
0x16d: {  	[tilespmem:s23], [sflag:$0x2] =	stream.indirect_vreg.gather [hbm4b:s26+s8], $0x80, v11, vm10, $0xb8;
	[tilespmem:$0x1DA80] =	vst v63  }
0x16e: {  	s10 =	simm.s32 $0x13A80  }
0x16f: {  	[tilespmem:s10], [sflag:$0x2] =	stream.indirect_vreg.gather [hbm4b:s28+s8], $0x80, v11, vm10, $0xb8;
	[tilespmem:$0x1DA80] =	vst v63  }
0x170: {  	s13 =	simm.s32 $0x14280  }
0x171: {  	[tilespmem:s13], [sflag:$0x2] =	stream.indirect_vreg.gather [hbm4b:s29+s8], $0x80, v11, vm10, $0xb8;
	[tilespmem:$0x1DA80] =	vst v63  }
0x172: {  	s14 =	simm.s32 $0x14A80  }
0x173: {  	[tilespmem:s14], [sflag:$0x2] =	stream.indirect_vreg.gather [hbm4b:s30+s8], $0x80, v11, vm10, $0xb8;
	[tilespmem:$0x1DA80] =	vst v63  }
0x174: {  	s23 =	simm.s32 $0x15280  }
0x175: {  	[tilespmem:s23], [sflag:$0x2] =	stream.indirect_vreg.gather [hbm4b:s31+s8], $0x80, v11, vm10, $0xb8;
	[tilespmem:$0x1DA80] =	vst v63  }
0x176: {  	_ =	swait.ge [sflag:s19], $0x4000  }
0x177: {  	[sflag:s19] =	ssyncset.done $0x0  }
0x178: {  	s0 =	rddreg [dreg:$0x18];
	[sflag:s19] =	ssyncadd.s32 $0xFFFFC000  }
0x179: {  	[hbm4b:s0+s8] =	stream.linear.scatter [tilespmem:s22], [sflag:$0x7], $0x4000, $0x38;
	[tilespmem:$0x1DA80] =	vst v63  }
0x17a: {  	_ =	swait.ge [sflag:s20], $0x4000  }
0x17b: {  	[sflag:s20] =	ssyncset.done $0x0  }
0x17c: {  	[sflag:s20] =	ssyncadd.s32 $0xFFFFC000  }
0x17d: {  	v11 =	vld.msk [tilespmem:$0x40F0], $0xff;
	_ =	sdelay $0x4  }
0x17e: {  	v46 =	vshll.u32 v11, $0x4  }
0x17f: {  	v11 =	vand.u32 $0x7, v11;
	v12 =	vand.u32 $0xFFFFFF80, v46  }
0x180: {  	v11 =	vor.u32 v11, v12  }
0x181: {  	v11 =	vperm.xlane v11, v8;
	_ =	sdelay $0x1  }
0x182: {  	v11 =	vadd.s32 v9, v11;
	_ =	sdelay $0x4  }
0x183: {  	[tilespmem:s22], [sflag:$0x3] =	stream.indirect_vreg.gather [hbm4b:s18+s8], $0x80, v11, vm10, $0xb8;
	[tilespmem:$0x1DA80] =	vst v63  }
0x184: {  	s10 =	simm.s32 $0x16280  }
0x185: {  	[tilespmem:s10], [sflag:$0x3] =	stream.indirect_vreg.gather [hbm4b:s24+s8], $0x80, v11, vm10, $0xb8;
	[tilespmem:$0x1DA80] =	vst v63  }
0x186: {  	s13 =	simm.s32 $0x16A80  }
0x187: {  	[tilespmem:s13], [sflag:$0x3] =	stream.indirect_vreg.gather [hbm4b:s25+s8], $0x80, v11, vm10, $0xb8;
	[tilespmem:$0x1DA80] =	vst v63  }
0x188: {  	s14 =	simm.s32 $0x17280  }
0x189: {  	[tilespmem:s14], [sflag:$0x3] =	stream.indirect_vreg.gather [hbm4b:s26+s8], $0x80, v11, vm10, $0xb8;
	[tilespmem:$0x1DA80] =	vst v63  }
0x18a: {  	s23 =	simm.s32 $0x17A80  }
0x18b: {  	[tilespmem:s23], [sflag:$0x3] =	stream.indirect_vreg.gather [hbm4b:s28+s8], $0x80, v11, vm10, $0xb8;
	[tilespmem:$0x1DA80] =	vst v63  }
0x18c: {  	s10 =	simm.s32 $0x18280  }
0x18d: {  	[tilespmem:s10], [sflag:$0x3] =	stream.indirect_vreg.gather [hbm4b:s29+s8], $0x80, v11, vm10, $0xb8;
	[tilespmem:$0x1DA80] =	vst v63  }
0x18e: {  	s13 =	simm.s32 $0x18A80  }
0x18f: {  	[tilespmem:s13], [sflag:$0x3] =	stream.indirect_vreg.gather [hbm4b:s30+s8], $0x80, v11, vm10, $0xb8;
	[tilespmem:$0x1DA80] =	vst v63  }
0x190: {  	s14 =	simm.s32 $0x19280  }
0x191: {  	[tilespmem:s14], [sflag:$0x3] =	stream.indirect_vreg.gather [hbm4b:s31+s8], $0x80, v11, vm10, $0xb8;
	[tilespmem:$0x1DA80] =	vst v63  }
0x192: {  	_ =	swait.ge [sflag:s21], $0x4000  }
0x193: {  	[sflag:s21] =	ssyncset.done $0x0  }
0x194: {  	s0 =	simm.s32 $0x19A80;
	s23 =	rddreg [dreg:$0x19];
	[sflag:s21] =	ssyncadd.s32 $0xFFFFC000  }
0x195: {  	[hbm4b:s23+s8] =	stream.linear.scatter [tilespmem:s0], [sflag:$0x8], $0x4000, $0x38;
	[tilespmem:$0x1DA80] =	vst v63  }
0x196: {  	_ =	swait.ge [sflag:s1], $0x4000  }
0x197: {  	[sflag:s1] =	ssyncset.done $0x0  }
0x198: {  	[sflag:s1] =	ssyncadd.s32 $0xFFFFC000  }
0x199: {  	v11 =	vld.msk [tilespmem:$0x40F8], $0xff;
	_ =	sdelay $0x4  }
0x19a: {  	v47 =	vshll.u32 v11, $0x4  }
0x19b: {  	v11 =	vand.u32 $0x7, v11;
	v12 =	vand.u32 $0xFFFFFF80, v47  }
0x19c: {  	v11 =	vor.u32 v11, v12  }
0x19d: {  	v11 =	vperm.xlane v11, v8;
	_ =	sdelay $0x1  }
0x19e: {  	v11 =	vadd.s32 v9, v11;
	_ =	sdelay $0x4  }
0x19f: {  	[tilespmem:s0], [sflag:$0x4] =	stream.indirect_vreg.gather [hbm4b:s18+s8], $0x80, v11, vm10, $0xb8;
	[tilespmem:$0x1DA80] =	vst v63  }
0x1a0: {  	s0 =	simm.s32 $0x1A280  }
0x1a1: {  	[tilespmem:s0], [sflag:$0x4] =	stream.indirect_vreg.gather [hbm4b:s24+s8], $0x80, v11, vm10, $0xb8;
	[tilespmem:$0x1DA80] =	vst v63  }
0x1a2: {  	s14 =	simm.s32 $0x1AA80  }
0x1a3: {  	[tilespmem:s14], [sflag:$0x4] =	stream.indirect_vreg.gather [hbm4b:s25+s8], $0x80, v11, vm10, $0xb8;
	[tilespmem:$0x1DA80] =	vst v63  }
0x1a4: {  	s23 =	simm.s32 $0x1B280  }
0x1a5: {  	[tilespmem:s23], [sflag:$0x4] =	stream.indirect_vreg.gather [hbm4b:s26+s8], $0x80, v11, vm10, $0xb8;
	[tilespmem:$0x1DA80] =	vst v63  }
0x1a6: {  	s23 =	simm.s32 $0x1BA80  }
0x1a7: {  	[tilespmem:s23], [sflag:$0x4] =	stream.indirect_vreg.gather [hbm4b:s28+s8], $0x80, v11, vm10, $0xb8;
	[tilespmem:$0x1DA80] =	vst v63  }
0x1a8: {  	s13 =	simm.s32 $0x1C280  }
0x1a9: {  	[tilespmem:s13], [sflag:$0x4] =	stream.indirect_vreg.gather [hbm4b:s29+s8], $0x80, v11, vm10, $0xb8;
	[tilespmem:$0x1DA80] =	vst v63  }
0x1aa: {  	s14 =	simm.s32 $0x1CA80  }
0x1ab: {  	[tilespmem:s14], [sflag:$0x4] =	stream.indirect_vreg.gather [hbm4b:s30+s8], $0x80, v11, vm10, $0xb8;
	[tilespmem:$0x1DA80] =	vst v63  }
0x1ac: {  	_ = 	snop  }
0x1ad: {  	[tilespmem:s2], [sflag:$0x4] =	stream.indirect_vreg.gather [hbm4b:s31+s8], $0x80, v11, vm10, $0xb8;
	[tilespmem:$0x1DA80] =	vst v63  }
0x1ae: {  	_ =	swait.ge [sflag:s3], $0x4000  }
0x1af: {  	[sflag:s3] =	ssyncset.done $0x0  }
0x1b0: {  	s14 =	simm.s32 $0xDA80;
	s13 =	rddreg [dreg:$0x1a];
	[sflag:s3] =	ssyncadd.s32 $0xFFFFC000  }
0x1b1: {  	[hbm4b:s13+s8] =	stream.linear.scatter [tilespmem:s14], [sflag:$0x5], $0x4000, $0x38;
	[tilespmem:$0x1DA80] =	vst v63  }
0x1b2: {  	_ =	swait.ge [sflag:s4], $0x4000  }
0x1b3: {  	[sflag:s4] =	ssyncset.done $0x0  }
0x1b4: {  	[sflag:s4] =	ssyncadd.s32 $0xFFFFC000  }
0x1b5: {  	v11 =	vld.msk [tilespmem:$0x4100], $0xff;
	_ =	sdelay $0x4  }
0x1b6: {  	v48 =	vshll.u32 v11, $0x4  }
0x1b7: {  	v11 =	vand.u32 $0x7, v11;
	v12 =	vand.u32 $0xFFFFFF80, v48  }
0x1b8: {  	v11 =	vor.u32 v11, v12  }
0x1b9: {  	v11 =	vperm.xlane v11, v8;
	_ =	sdelay $0x1  }
0x1ba: {  	v11 =	vadd.s32 v9, v11;
	_ =	sdelay $0x4  }
0x1bb: {  	[tilespmem:s14], [sflag:$0x1] =	stream.indirect_vreg.gather [hbm4b:s18+s8], $0x80, v11, vm10, $0xb8;
	[tilespmem:$0x1DA80] =	vst v63  }
0x1bc: {  	_ = 	snop  }
0x1bd: {  	[tilespmem:s15], [sflag:$0x1] =	stream.indirect_vreg.gather [hbm4b:s24+s8], $0x80, v11, vm10, $0xb8;
	[tilespmem:$0x1DA80] =	vst v63  }
0x1be: {  	s13 =	simm.s32 $0xEA80  }
0x1bf: {  	[tilespmem:s13], [sflag:$0x1] =	stream.indirect_vreg.gather [hbm4b:s25+s8], $0x80, v11, vm10, $0xb8;
	[tilespmem:$0x1DA80] =	vst v63  }
0x1c0: {  	s15 =	simm.s32 $0xF280  }
0x1c1: {  	[tilespmem:s15], [sflag:$0x1] =	stream.indirect_vreg.gather [hbm4b:s26+s8], $0x80, v11, vm10, $0xb8;
	[tilespmem:$0x1DA80] =	vst v63  }
0x1c2: {  	s10 =	simm.s32 $0xFA80  }
0x1c3: {  	[tilespmem:s10], [sflag:$0x1] =	stream.indirect_vreg.gather [hbm4b:s28+s8], $0x80, v11, vm10, $0xb8;
	[tilespmem:$0x1DA80] =	vst v63  }
0x1c4: {  	s14 =	simm.s32 $0x10280  }
0x1c5: {  	[tilespmem:s14], [sflag:$0x1] =	stream.indirect_vreg.gather [hbm4b:s29+s8], $0x80, v11, vm10, $0xb8;
	[tilespmem:$0x1DA80] =	vst v63  }
0x1c6: {  	s15 =	simm.s32 $0x10A80  }
0x1c7: {  	[tilespmem:s15], [sflag:$0x1] =	stream.indirect_vreg.gather [hbm4b:s30+s8], $0x80, v11, vm10, $0xb8;
	[tilespmem:$0x1DA80] =	vst v63  }
0x1c8: {  	s10 =	simm.s32 $0x11280  }
0x1c9: {  	[tilespmem:s10], [sflag:$0x1] =	stream.indirect_vreg.gather [hbm4b:s31+s8], $0x80, v11, vm10, $0xb8;
	[tilespmem:$0x1DA80] =	vst v63  }
0x1ca: {  	_ =	swait.ge [sflag:s5], $0x4000  }
0x1cb: {  	[sflag:s5] =	ssyncset.done $0x0  }
0x1cc: {  	s15 =	simm.s32 $0x11A80;
	s14 =	rddreg [dreg:$0x1b];
	[sflag:s5] =	ssyncadd.s32 $0xFFFFC000  }
0x1cd: {  	[hbm4b:s14+s8] =	stream.linear.scatter [tilespmem:s15], [sflag:$0x6], $0x4000, $0x38;
	[tilespmem:$0x1DA80] =	vst v63  }
0x1ce: {  	_ =	swait.ge [sflag:s6], $0x4000  }
0x1cf: {  	[sflag:s6] =	ssyncset.done $0x0  }
0x1d0: {  	[sflag:s6] =	ssyncadd.s32 $0xFFFFC000  }
0x1d1: {  	v11 =	vld.msk [tilespmem:$0x4108], $0xff;
	_ =	sdelay $0x4  }
0x1d2: {  	v49 =	vshll.u32 v11, $0x4  }
0x1d3: {  	v11 =	vand.u32 $0x7, v11;
	v12 =	vand.u32 $0xFFFFFF80, v49  }
0x1d4: {  	v11 =	vor.u32 v11, v12  }
0x1d5: {  	v11 =	vperm.xlane v11, v8;
	_ =	sdelay $0x1  }
0x1d6: {  	v11 =	vadd.s32 v9, v11;
	_ =	sdelay $0x4  }
0x1d7: {  	[tilespmem:s15], [sflag:$0x2] =	stream.indirect_vreg.gather [hbm4b:s18+s8], $0x80, v11, vm10, $0xb8;
	[tilespmem:$0x1DA80] =	vst v63  }
0x1d8: {  	s14 =	simm.s32 $0x12280  }
0x1d9: {  	[tilespmem:s14], [sflag:$0x2] =	stream.indirect_vreg.gather [hbm4b:s24+s8], $0x80, v11, vm10, $0xb8;
	[tilespmem:$0x1DA80] =	vst v63  }
0x1da: {  	s10 =	simm.s32 $0x12A80  }
0x1db: {  	[tilespmem:s10], [sflag:$0x2] =	stream.indirect_vreg.gather [hbm4b:s25+s8], $0x80, v11, vm10, $0xb8;
	[tilespmem:$0x1DA80] =	vst v63  }
0x1dc: {  	s15 =	simm.s32 $0x13280  }
0x1dd: {  	[tilespmem:s15], [sflag:$0x2] =	stream.indirect_vreg.gather [hbm4b:s26+s8], $0x80, v11, vm10, $0xb8;
	[tilespmem:$0x1DA80] =	vst v63  }
0x1de: {  	s10 =	simm.s32 $0x13A80  }
0x1df: {  	[tilespmem:s10], [sflag:$0x2] =	stream.indirect_vreg.gather [hbm4b:s28+s8], $0x80, v11, vm10, $0xb8;
	[tilespmem:$0x1DA80] =	vst v63  }
0x1e0: {  	s15 =	simm.s32 $0x14280  }
0x1e1: {  	[tilespmem:s15], [sflag:$0x2] =	stream.indirect_vreg.gather [hbm4b:s29+s8], $0x80, v11, vm10, $0xb8;
	[tilespmem:$0x1DA80] =	vst v63  }
0x1e2: {  	s10 =	simm.s32 $0x14A80  }
0x1e3: {  	[tilespmem:s10], [sflag:$0x2] =	stream.indirect_vreg.gather [hbm4b:s30+s8], $0x80, v11, vm10, $0xb8;
	[tilespmem:$0x1DA80] =	vst v63  }
0x1e4: {  	s15 =	simm.s32 $0x15280  }
0x1e5: {  	[tilespmem:s15], [sflag:$0x2] =	stream.indirect_vreg.gather [hbm4b:s31+s8], $0x80, v11, vm10, $0xb8;
	[tilespmem:$0x1DA80] =	vst v63  }
0x1e6: {  	_ =	swait.ge [sflag:s19], $0x4000  }
0x1e7: {  	[sflag:s19] =	ssyncset.done $0x0  }
0x1e8: {  	s2 =	rddreg [dreg:$0x1c];
	[sflag:s19] =	ssyncadd.s32 $0xFFFFC000  }
0x1e9: {  	[hbm4b:s2+s8] =	stream.linear.scatter [tilespmem:s22], [sflag:$0x7], $0x4000, $0x38;
	[tilespmem:$0x1DA80] =	vst v63  }
0x1ea: {  	_ =	swait.ge [sflag:s20], $0x4000  }
0x1eb: {  	[sflag:s20] =	ssyncset.done $0x0  }
0x1ec: {  	[sflag:s20] =	ssyncadd.s32 $0xFFFFC000  }
0x1ed: {  	v11 =	vld.msk [tilespmem:$0x4110], $0xff;
	_ =	sdelay $0x4  }
0x1ee: {  	v50 =	vshll.u32 v11, $0x4  }
0x1ef: {  	v11 =	vand.u32 $0x7, v11;
	v12 =	vand.u32 $0xFFFFFF80, v50  }
0x1f0: {  	v11 =	vor.u32 v11, v12  }
0x1f1: {  	v11 =	vperm.xlane v11, v8;
	_ =	sdelay $0x1  }
0x1f2: {  	v11 =	vadd.s32 v9, v11;
	_ =	sdelay $0x4  }
0x1f3: {  	[tilespmem:s22], [sflag:$0x3] =	stream.indirect_vreg.gather [hbm4b:s18+s8], $0x80, v11, vm10, $0xb8;
	[tilespmem:$0x1DA80] =	vst v63  }
0x1f4: {  	s15 =	simm.s32 $0x16280  }
0x1f5: {  	[tilespmem:s15], [sflag:$0x3] =	stream.indirect_vreg.gather [hbm4b:s24+s8], $0x80, v11, vm10, $0xb8;
	[tilespmem:$0x1DA80] =	vst v63  }
0x1f6: {  	s10 =	simm.s32 $0x16A80  }
0x1f7: {  	[tilespmem:s10], [sflag:$0x3] =	stream.indirect_vreg.gather [hbm4b:s25+s8], $0x80, v11, vm10, $0xb8;
	[tilespmem:$0x1DA80] =	vst v63  }
0x1f8: {  	s15 =	simm.s32 $0x17280  }
0x1f9: {  	[tilespmem:s15], [sflag:$0x3] =	stream.indirect_vreg.gather [hbm4b:s26+s8], $0x80, v11, vm10, $0xb8;
	[tilespmem:$0x1DA80] =	vst v63  }
0x1fa: {  	s10 =	simm.s32 $0x17A80  }
0x1fb: {  	[tilespmem:s10], [sflag:$0x3] =	stream.indirect_vreg.gather [hbm4b:s28+s8], $0x80, v11, vm10, $0xb8;
	[tilespmem:$0x1DA80] =	vst v63  }
0x1fc: {  	s15 =	simm.s32 $0x18280  }
0x1fd: {  	[tilespmem:s15], [sflag:$0x3] =	stream.indirect_vreg.gather [hbm4b:s29+s8], $0x80, v11, vm10, $0xb8;
	[tilespmem:$0x1DA80] =	vst v63  }
0x1fe: {  	s10 =	simm.s32 $0x18A80  }
0x1ff: {  	[tilespmem:s10], [sflag:$0x3] =	stream.indirect_vreg.gather [hbm4b:s30+s8], $0x80, v11, vm10, $0xb8;
	[tilespmem:$0x1DA80] =	vst v63  }
0x200: {  	s15 =	simm.s32 $0x19280  }
0x201: {  	[tilespmem:s15], [sflag:$0x3] =	stream.indirect_vreg.gather [hbm4b:s31+s8], $0x80, v11, vm10, $0xb8;
	[tilespmem:$0x1DA80] =	vst v63  }
0x202: {  	_ =	swait.ge [sflag:s21], $0x4000  }
0x203: {  	[sflag:s21] =	ssyncset.done $0x0  }
0x204: {  	s15 =	simm.s32 $0x19A80;
	s2 =	rddreg [dreg:$0x1d];
	[sflag:s21] =	ssyncadd.s32 $0xFFFFC000  }
0x205: {  	[hbm4b:s2+s8] =	stream.linear.scatter [tilespmem:s15], [sflag:$0x8], $0x4000, $0x38;
	[tilespmem:$0x1DA80] =	vst v63  }
0x206: {  	_ =	swait.ge [sflag:s1], $0x4000  }
0x207: {  	[sflag:s1] =	ssyncset.done $0x0  }
0x208: {  	[sflag:s1] =	ssyncadd.s32 $0xFFFFC000  }
0x209: {  	v11 =	vld.msk [tilespmem:$0x4118], $0xff;
	_ =	sdelay $0x4  }
0x20a: {  	v51 =	vshll.u32 v11, $0x4  }
0x20b: {  	v11 =	vand.u32 $0x7, v11;
	v12 =	vand.u32 $0xFFFFFF80, v51  }
0x20c: {  	v11 =	vor.u32 v11, v12  }
0x20d: {  	v11 =	vperm.xlane v11, v8;
	_ =	sdelay $0x1  }
0x20e: {  	v11 =	vadd.s32 v9, v11;
	_ =	sdelay $0x4  }
0x20f: {  	[tilespmem:s15], [sflag:$0x4] =	stream.indirect_vreg.gather [hbm4b:s18+s8], $0x80, v11, vm10, $0xb8;
	[tilespmem:$0x1DA80] =	vst v63  }
0x210: {  	_ = 	snop  }
0x211: {  	[tilespmem:s0], [sflag:$0x4] =	stream.indirect_vreg.gather [hbm4b:s24+s8], $0x80, v11, vm10, $0xb8;
	[tilespmem:$0x1DA80] =	vst v63  }
0x212: {  	s2 =	simm.s32 $0x1AA80  }
0x213: {  	[tilespmem:s2], [sflag:$0x4] =	stream.indirect_vreg.gather [hbm4b:s25+s8], $0x80, v11, vm10, $0xb8;
	[tilespmem:$0x1DA80] =	vst v63  }
0x214: {  	s10 =	simm.s32 $0x1B280  }
0x215: {  	[tilespmem:s10], [sflag:$0x4] =	stream.indirect_vreg.gather [hbm4b:s26+s8], $0x80, v11, vm10, $0xb8;
	[tilespmem:$0x1DA80] =	vst v63  }
0x216: {  	_ = 	snop  }
0x217: {  	[tilespmem:s23], [sflag:$0x4] =	stream.indirect_vreg.gather [hbm4b:s28+s8], $0x80, v11, vm10, $0xb8;
	[tilespmem:$0x1DA80] =	vst v63  }
0x218: {  	s15 =	simm.s32 $0x1C280  }
0x219: {  	[tilespmem:s15], [sflag:$0x4] =	stream.indirect_vreg.gather [hbm4b:s29+s8], $0x80, v11, vm10, $0xb8;
	[tilespmem:$0x1DA80] =	vst v63  }
0x21a: {  	s23 =	simm.s32 $0x1CA80  }
0x21b: {  	[tilespmem:s23], [sflag:$0x4] =	stream.indirect_vreg.gather [hbm4b:s30+s8], $0x80, v11, vm10, $0xb8;
	[tilespmem:$0x1DA80] =	vst v63  }
0x21c: {  	s15 =	simm.s32 $0x1D280  }
0x21d: {  	[tilespmem:s15], [sflag:$0x4] =	stream.indirect_vreg.gather [hbm4b:s31+s8], $0x80, v11, vm10, $0xb8;
	[tilespmem:$0x1DA80] =	vst v63  }
0x21e: {  	_ =	swait.ge [sflag:s3], $0x4000  }
0x21f: {  	[sflag:s3] =	ssyncset.done $0x0  }
0x220: {  	s2 =	simm.s32 $0xDA80;
	s0 =	rddreg [dreg:$0x1e];
	[sflag:s3] =	ssyncadd.s32 $0xFFFFC000  }
0x221: {  	[hbm4b:s0+s8] =	stream.linear.scatter [tilespmem:s2], [sflag:$0x5], $0x4000, $0x38;
	[tilespmem:$0x1DA80] =	vst v63  }
0x222: {  	_ =	swait.ge [sflag:s4], $0x4000  }
0x223: {  	[sflag:s4] =	ssyncset.done $0x0  }
0x224: {  	[sflag:s4] =	ssyncadd.s32 $0xFFFFC000  }
0x225: {  	v11 =	vld.msk [tilespmem:$0x4120], $0xff;
	_ =	sdelay $0x4  }
0x226: {  	v52 =	vshll.u32 v11, $0x4  }
0x227: {  	v11 =	vand.u32 $0x7, v11;
	v12 =	vand.u32 $0xFFFFFF80, v52  }
0x228: {  	v11 =	vor.u32 v11, v12  }
0x229: {  	v11 =	vperm.xlane v11, v8;
	_ =	sdelay $0x1  }
0x22a: {  	v11 =	vadd.s32 v9, v11;
	_ =	sdelay $0x4  }
0x22b: {  	[tilespmem:s2], [sflag:$0x1] =	stream.indirect_vreg.gather [hbm4b:s18+s8], $0x80, v11, vm10, $0xb8;
	[tilespmem:$0x1DA80] =	vst v63  }
0x22c: {  	s2 =	simm.s32 $0xE280  }
0x22d: {  	[tilespmem:s2], [sflag:$0x1] =	stream.indirect_vreg.gather [hbm4b:s24+s8], $0x80, v11, vm10, $0xb8;
	[tilespmem:$0x1DA80] =	vst v63  }
0x22e: {  	_ = 	snop  }
0x22f: {  	[tilespmem:s13], [sflag:$0x1] =	stream.indirect_vreg.gather [hbm4b:s25+s8], $0x80, v11, vm10, $0xb8;
	[tilespmem:$0x1DA80] =	vst v63  }
0x230: {  	s10 =	simm.s32 $0xF280  }
0x231: {  	[tilespmem:s10], [sflag:$0x1] =	stream.indirect_vreg.gather [hbm4b:s26+s8], $0x80, v11, vm10, $0xb8;
	[tilespmem:$0x1DA80] =	vst v63  }
0x232: {  	s13 =	simm.s32 $0xFA80  }
0x233: {  	[tilespmem:s13], [sflag:$0x1] =	stream.indirect_vreg.gather [hbm4b:s28+s8], $0x80, v11, vm10, $0xb8;
	[tilespmem:$0x1DA80] =	vst v63  }
0x234: {  	s23 =	simm.s32 $0x10280  }
0x235: {  	[tilespmem:s23], [sflag:$0x1] =	stream.indirect_vreg.gather [hbm4b:s29+s8], $0x80, v11, vm10, $0xb8;
	[tilespmem:$0x1DA80] =	vst v63  }
0x236: {  	s10 =	simm.s32 $0x10A80  }
0x237: {  	[tilespmem:s10], [sflag:$0x1] =	stream.indirect_vreg.gather [hbm4b:s30+s8], $0x80, v11, vm10, $0xb8;
	[tilespmem:$0x1DA80] =	vst v63  }
0x238: {  	s13 =	simm.s32 $0x11280  }
0x239: {  	[tilespmem:s13], [sflag:$0x1] =	stream.indirect_vreg.gather [hbm4b:s31+s8], $0x80, v11, vm10, $0xb8;
	[tilespmem:$0x1DA80] =	vst v63  }
0x23a: {  	_ =	swait.ge [sflag:s5], $0x4000  }
0x23b: {  	[sflag:s5] =	ssyncset.done $0x0  }
0x23c: {  	s0 =	simm.s32 $0x11A80;
	s23 =	rddreg [dreg:$0x1f];
	[sflag:s5] =	ssyncadd.s32 $0xFFFFC000  }
0x23d: {  	[hbm4b:s23+s8] =	stream.linear.scatter [tilespmem:s0], [sflag:$0x6], $0x4000, $0x38;
	[tilespmem:$0x1DA80] =	vst v63  }
0x23e: {  	_ =	swait.ge [sflag:s6], $0x4000  }
0x23f: {  	[sflag:s6] =	ssyncset.done $0x0  }
0x240: {  	[sflag:s6] =	ssyncadd.s32 $0xFFFFC000  }
0x241: {  	v11 =	vld.msk [tilespmem:$0x4128], $0xff;
	_ =	sdelay $0x4  }
0x242: {  	v53 =	vshll.u32 v11, $0x4  }
0x243: {  	v11 =	vand.u32 $0x7, v11;
	v12 =	vand.u32 $0xFFFFFF80, v53  }
0x244: {  	v11 =	vor.u32 v11, v12  }
0x245: {  	v11 =	vperm.xlane v11, v8;
	_ =	sdelay $0x1  }
0x246: {  	v11 =	vadd.s32 v9, v11;
	_ =	sdelay $0x4  }
0x247: {  	[tilespmem:s0], [sflag:$0x2] =	stream.indirect_vreg.gather [hbm4b:s18+s8], $0x80, v11, vm10, $0xb8;
	[tilespmem:$0x1DA80] =	vst v63  }
0x248: {  	_ = 	snop  }
0x249: {  	[tilespmem:s14], [sflag:$0x2] =	stream.indirect_vreg.gather [hbm4b:s24+s8], $0x80, v11, vm10, $0xb8;
	[tilespmem:$0x1DA80] =	vst v63  }
0x24a: {  	s23 =	simm.s32 $0x12A80  }
0x24b: {  	[tilespmem:s23], [sflag:$0x2] =	stream.indirect_vreg.gather [hbm4b:s25+s8], $0x80, v11, vm10, $0xb8;
	[tilespmem:$0x1DA80] =	vst v63  }
0x24c: {  	s10 =	simm.s32 $0x13280  }
0x24d: {  	[tilespmem:s10], [sflag:$0x2] =	stream.indirect_vreg.gather [hbm4b:s26+s8], $0x80, v11, vm10, $0xb8;
	[tilespmem:$0x1DA80] =	vst v63  }
0x24e: {  	s13 =	simm.s32 $0x13A80  }
0x24f: {  	[tilespmem:s13], [sflag:$0x2] =	stream.indirect_vreg.gather [hbm4b:s28+s8], $0x80, v11, vm10, $0xb8;
	[tilespmem:$0x1DA80] =	vst v63  }
0x250: {  	s14 =	simm.s32 $0x14280  }
0x251: {  	[tilespmem:s14], [sflag:$0x2] =	stream.indirect_vreg.gather [hbm4b:s29+s8], $0x80, v11, vm10, $0xb8;
	[tilespmem:$0x1DA80] =	vst v63  }
0x252: {  	s23 =	simm.s32 $0x14A80  }
0x253: {  	[tilespmem:s23], [sflag:$0x2] =	stream.indirect_vreg.gather [hbm4b:s30+s8], $0x80, v11, vm10, $0xb8;
	[tilespmem:$0x1DA80] =	vst v63  }
0x254: {  	s10 =	simm.s32 $0x15280  }
0x255: {  	[tilespmem:s10], [sflag:$0x2] =	stream.indirect_vreg.gather [hbm4b:s31+s8], $0x80, v11, vm10, $0xb8;
	[tilespmem:$0x1DA80] =	vst v63  }
0x256: {  	_ =	swait.ge [sflag:s19], $0x4000  }
0x257: {  	s13 =	sld [smem:$0x7E8]  }
0x258: {  	[sflag:s19] =	ssyncset.done $0x0  }
0x259: {  	[sflag:s19] =	ssyncadd.s32 $0xFFFFC000  }
0x25a: {  	[hbm4b:s13+s8] =	stream.linear.scatter [tilespmem:s22], [sflag:$0x7], $0x4000, $0x38;
	[tilespmem:$0x1DA80] =	vst v63  }
0x25b: {  	_ =	swait.ge [sflag:s20], $0x4000  }
0x25c: {  	[sflag:s20] =	ssyncset.done $0x0  }
0x25d: {  	[sflag:s20] =	ssyncadd.s32 $0xFFFFC000  }
0x25e: {  	v11 =	vld.msk [tilespmem:$0x4130], $0xff;
	_ =	sdelay $0x4  }
0x25f: {  	v54 =	vshll.u32 v11, $0x4  }
0x260: {  	v11 =	vand.u32 $0x7, v11;
	v12 =	vand.u32 $0xFFFFFF80, v54  }
0x261: {  	v11 =	vor.u32 v11, v12  }
0x262: {  	v11 =	vperm.xlane v11, v8;
	_ =	sdelay $0x1  }
0x263: {  	v11 =	vadd.s32 v9, v11;
	_ =	sdelay $0x4  }
0x264: {  	[tilespmem:s22], [sflag:$0x3] =	stream.indirect_vreg.gather [hbm4b:s18+s8], $0x80, v11, vm10, $0xb8;
	[tilespmem:$0x1DA80] =	vst v63  }
0x265: {  	s14 =	simm.s32 $0x16280  }
0x266: {  	[tilespmem:s14], [sflag:$0x3] =	stream.indirect_vreg.gather [hbm4b:s24+s8], $0x80, v11, vm10, $0xb8;
	[tilespmem:$0x1DA80] =	vst v63  }
0x267: {  	s23 =	simm.s32 $0x16A80  }
0x268: {  	[tilespmem:s23], [sflag:$0x3] =	stream.indirect_vreg.gather [hbm4b:s25+s8], $0x80, v11, vm10, $0xb8;
	[tilespmem:$0x1DA80] =	vst v63  }
0x269: {  	s10 =	simm.s32 $0x17280  }
0x26a: {  	[tilespmem:s10], [sflag:$0x3] =	stream.indirect_vreg.gather [hbm4b:s26+s8], $0x80, v11, vm10, $0xb8;
	[tilespmem:$0x1DA80] =	vst v63  }
0x26b: {  	s13 =	simm.s32 $0x17A80  }
0x26c: {  	[tilespmem:s13], [sflag:$0x3] =	stream.indirect_vreg.gather [hbm4b:s28+s8], $0x80, v11, vm10, $0xb8;
	[tilespmem:$0x1DA80] =	vst v63  }
0x26d: {  	s14 =	simm.s32 $0x18280  }
0x26e: {  	[tilespmem:s14], [sflag:$0x3] =	stream.indirect_vreg.gather [hbm4b:s29+s8], $0x80, v11, vm10, $0xb8;
	[tilespmem:$0x1DA80] =	vst v63  }
0x26f: {  	s23 =	simm.s32 $0x18A80  }
0x270: {  	[tilespmem:s23], [sflag:$0x3] =	stream.indirect_vreg.gather [hbm4b:s30+s8], $0x80, v11, vm10, $0xb8;
	[tilespmem:$0x1DA80] =	vst v63  }
0x271: {  	s10 =	simm.s32 $0x19280  }
0x272: {  	[tilespmem:s10], [sflag:$0x3] =	stream.indirect_vreg.gather [hbm4b:s31+s8], $0x80, v11, vm10, $0xb8;
	[tilespmem:$0x1DA80] =	vst v63  }
0x273: {  	_ =	swait.ge [sflag:s21], $0x4000  }
0x274: {  	s13 =	sld [smem:$0x7E9]  }
0x275: {  	[sflag:s21] =	ssyncset.done $0x0  }
0x276: {  	s14 =	simm.s32 $0x19A80;
	[sflag:s21] =	ssyncadd.s32 $0xFFFFC000  }
0x277: {  	[hbm4b:s13+s8] =	stream.linear.scatter [tilespmem:s14], [sflag:$0x8], $0x4000, $0x38;
	[tilespmem:$0x1DA80] =	vst v63  }
0x278: {  	_ =	swait.ge [sflag:s1], $0x4000  }
0x279: {  	[sflag:s1] =	ssyncset.done $0x0  }
0x27a: {  	[sflag:s1] =	ssyncadd.s32 $0xFFFFC000  }
0x27b: {  	v11 =	vld.msk [tilespmem:$0x4138], $0xff;
	_ =	sdelay $0x4  }
0x27c: {  	v55 =	vshll.u32 v11, $0x4  }
0x27d: {  	v11 =	vand.u32 $0x7, v11;
	v12 =	vand.u32 $0xFFFFFF80, v55  }
0x27e: {  	v11 =	vor.u32 v11, v12  }
0x27f: {  	v11 =	vperm.xlane v11, v8;
	_ =	sdelay $0x1  }
0x280: {  	v11 =	vadd.s32 v9, v11;
	_ =	sdelay $0x4  }
0x281: {  	[tilespmem:s14], [sflag:$0x4] =	stream.indirect_vreg.gather [hbm4b:s18+s8], $0x80, v11, vm10, $0xb8;
	[tilespmem:$0x1DA80] =	vst v63  }
0x282: {  	s13 =	simm.s32 $0x1A280  }
0x283: {  	[tilespmem:s13], [sflag:$0x4] =	stream.indirect_vreg.gather [hbm4b:s24+s8], $0x80, v11, vm10, $0xb8;
	[tilespmem:$0x1DA80] =	vst v63  }
0x284: {  	s23 =	simm.s32 $0x1AA80  }
0x285: {  	[tilespmem:s23], [sflag:$0x4] =	stream.indirect_vreg.gather [hbm4b:s25+s8], $0x80, v11, vm10, $0xb8;
	[tilespmem:$0x1DA80] =	vst v63  }
0x286: {  	s23 =	simm.s32 $0x1B280  }
0x287: {  	[tilespmem:s23], [sflag:$0x4] =	stream.indirect_vreg.gather [hbm4b:s26+s8], $0x80, v11, vm10, $0xb8;
	[tilespmem:$0x1DA80] =	vst v63  }
0x288: {  	s14 =	simm.s32 $0x1BA80  }
0x289: {  	[tilespmem:s14], [sflag:$0x4] =	stream.indirect_vreg.gather [hbm4b:s28+s8], $0x80, v11, vm10, $0xb8;
	[tilespmem:$0x1DA80] =	vst v63  }
0x28a: {  	s14 =	simm.s32 $0x1C280  }
0x28b: {  	[tilespmem:s14], [sflag:$0x4] =	stream.indirect_vreg.gather [hbm4b:s29+s8], $0x80, v11, vm10, $0xb8;
	[tilespmem:$0x1DA80] =	vst v63  }
0x28c: {  	s14 =	simm.s32 $0x1CA80  }
0x28d: {  	[tilespmem:s14], [sflag:$0x4] =	stream.indirect_vreg.gather [hbm4b:s30+s8], $0x80, v11, vm10, $0xb8;
	[tilespmem:$0x1DA80] =	vst v63  }
0x28e: {  	_ = 	snop  }
0x28f: {  	[tilespmem:s15], [sflag:$0x4] =	stream.indirect_vreg.gather [hbm4b:s31+s8], $0x80, v11, vm10, $0xb8;
	[tilespmem:$0x1DA80] =	vst v63  }
0x290: {  	_ =	swait.ge [sflag:s3], $0x4000  }
0x291: {  	s15 =	sld [smem:$0x7EA]  }
0x292: {  	[sflag:s3] =	ssyncset.done $0x0  }
0x293: {  	s14 =	simm.s32 $0xDA80;
	[sflag:s3] =	ssyncadd.s32 $0xFFFFC000  }
0x294: {  	[hbm4b:s15+s8] =	stream.linear.scatter [tilespmem:s14], [sflag:$0x5], $0x4000, $0x38;
	[tilespmem:$0x1DA80] =	vst v63  }
0x295: {  	_ =	swait.ge [sflag:s4], $0x4000  }
0x296: {  	[sflag:s4] =	ssyncset.done $0x0  }
0x297: {  	[sflag:s4] =	ssyncadd.s32 $0xFFFFC000  }
0x298: {  	v11 =	vld.msk [tilespmem:$0x4140], $0xff;
	_ =	sdelay $0x4  }
0x299: {  	v56 =	vshll.u32 v11, $0x4  }
0x29a: {  	v11 =	vand.u32 $0x7, v11;
	v12 =	vand.u32 $0xFFFFFF80, v56  }
0x29b: {  	v11 =	vor.u32 v11, v12  }
0x29c: {  	v11 =	vperm.xlane v11, v8;
	_ =	sdelay $0x1  }
0x29d: {  	v11 =	vadd.s32 v9, v11;
	_ =	sdelay $0x4  }
0x29e: {  	[tilespmem:s14], [sflag:$0x1] =	stream.indirect_vreg.gather [hbm4b:s18+s8], $0x80, v11, vm10, $0xb8;
	[tilespmem:$0x1DA80] =	vst v63  }
0x29f: {  	_ = 	snop  }
0x2a0: {  	[tilespmem:s2], [sflag:$0x1] =	stream.indirect_vreg.gather [hbm4b:s24+s8], $0x80, v11, vm10, $0xb8;
	[tilespmem:$0x1DA80] =	vst v63  }
0x2a1: {  	s14 =	simm.s32 $0xEA80  }
0x2a2: {  	[tilespmem:s14], [sflag:$0x1] =	stream.indirect_vreg.gather [hbm4b:s25+s8], $0x80, v11, vm10, $0xb8;
	[tilespmem:$0x1DA80] =	vst v63  }
0x2a3: {  	s15 =	simm.s32 $0xF280  }
0x2a4: {  	[tilespmem:s15], [sflag:$0x1] =	stream.indirect_vreg.gather [hbm4b:s26+s8], $0x80, v11, vm10, $0xb8;
	[tilespmem:$0x1DA80] =	vst v63  }
0x2a5: {  	s10 =	simm.s32 $0xFA80  }
0x2a6: {  	[tilespmem:s10], [sflag:$0x1] =	stream.indirect_vreg.gather [hbm4b:s28+s8], $0x80, v11, vm10, $0xb8;
	[tilespmem:$0x1DA80] =	vst v63  }
0x2a7: {  	s10 =	simm.s32 $0x10280  }
0x2a8: {  	[tilespmem:s10], [sflag:$0x1] =	stream.indirect_vreg.gather [hbm4b:s29+s8], $0x80, v11, vm10, $0xb8;
	[tilespmem:$0x1DA80] =	vst v63  }
0x2a9: {  	s10 =	simm.s32 $0x10A80  }
0x2aa: {  	[tilespmem:s10], [sflag:$0x1] =	stream.indirect_vreg.gather [hbm4b:s30+s8], $0x80, v11, vm10, $0xb8;
	[tilespmem:$0x1DA80] =	vst v63  }
0x2ab: {  	s10 =	simm.s32 $0x11280  }
0x2ac: {  	[tilespmem:s10], [sflag:$0x1] =	stream.indirect_vreg.gather [hbm4b:s31+s8], $0x80, v11, vm10, $0xb8;
	[tilespmem:$0x1DA80] =	vst v63  }
0x2ad: {  	_ =	swait.ge [sflag:s5], $0x4000  }
0x2ae: {  	s10 =	sld [smem:$0x7EB]  }
0x2af: {  	[sflag:s5] =	ssyncset.done $0x0  }
0x2b0: {  	s2 =	simm.s32 $0x11A80;
	[sflag:s5] =	ssyncadd.s32 $0xFFFFC000  }
0x2b1: {  	[hbm4b:s10+s8] =	stream.linear.scatter [tilespmem:s2], [sflag:$0x6], $0x4000, $0x38;
	[tilespmem:$0x1DA80] =	vst v63  }
0x2b2: {  	_ =	swait.ge [sflag:s6], $0x4000  }
0x2b3: {  	[sflag:s6] =	ssyncset.done $0x0  }
0x2b4: {  	[sflag:s6] =	ssyncadd.s32 $0xFFFFC000  }
0x2b5: {  	v11 =	vld.msk [tilespmem:$0x4148], $0xff;
	_ =	sdelay $0x4  }
0x2b6: {  	v57 =	vshll.u32 v11, $0x4  }
0x2b7: {  	v11 =	vand.u32 $0x7, v11;
	v12 =	vand.u32 $0xFFFFFF80, v57  }
0x2b8: {  	v11 =	vor.u32 v11, v12  }
0x2b9: {  	v11 =	vperm.xlane v11, v8;
	_ =	sdelay $0x1  }
0x2ba: {  	v11 =	vadd.s32 v9, v11;
	_ =	sdelay $0x4  }
0x2bb: {  	[tilespmem:s2], [sflag:$0x2] =	stream.indirect_vreg.gather [hbm4b:s18+s8], $0x80, v11, vm10, $0xb8;
	[tilespmem:$0x1DA80] =	vst v63  }
0x2bc: {  	s10 =	simm.s32 $0x12280  }
0x2bd: {  	[tilespmem:s10], [sflag:$0x2] =	stream.indirect_vreg.gather [hbm4b:s24+s8], $0x80, v11, vm10, $0xb8;
	[tilespmem:$0x1DA80] =	vst v63  }
0x2be: {  	s10 =	simm.s32 $0x12A80  }
0x2bf: {  	[tilespmem:s10], [sflag:$0x2] =	stream.indirect_vreg.gather [hbm4b:s25+s8], $0x80, v11, vm10, $0xb8;
	[tilespmem:$0x1DA80] =	vst v63  }
0x2c0: {  	s10 =	simm.s32 $0x13280  }
0x2c1: {  	[tilespmem:s10], [sflag:$0x2] =	stream.indirect_vreg.gather [hbm4b:s26+s8], $0x80, v11, vm10, $0xb8;
	[tilespmem:$0x1DA80] =	vst v63  }
0x2c2: {  	s10 =	simm.s32 $0x13A80  }
0x2c3: {  	[tilespmem:s10], [sflag:$0x2] =	stream.indirect_vreg.gather [hbm4b:s28+s8], $0x80, v11, vm10, $0xb8;
	[tilespmem:$0x1DA80] =	vst v63  }
0x2c4: {  	s10 =	simm.s32 $0x14280  }
0x2c5: {  	[tilespmem:s10], [sflag:$0x2] =	stream.indirect_vreg.gather [hbm4b:s29+s8], $0x80, v11, vm10, $0xb8;
	[tilespmem:$0x1DA80] =	vst v63  }
0x2c6: {  	s10 =	simm.s32 $0x14A80  }
0x2c7: {  	[tilespmem:s10], [sflag:$0x2] =	stream.indirect_vreg.gather [hbm4b:s30+s8], $0x80, v11, vm10, $0xb8;
	[tilespmem:$0x1DA80] =	vst v63  }
0x2c8: {  	s10 =	simm.s32 $0x15280  }
0x2c9: {  	[tilespmem:s10], [sflag:$0x2] =	stream.indirect_vreg.gather [hbm4b:s31+s8], $0x80, v11, vm10, $0xb8;
	[tilespmem:$0x1DA80] =	vst v63  }
0x2ca: {  	_ =	swait.ge [sflag:s19], $0x4000  }
0x2cb: {  	s2 =	sld [smem:$0x7EC]  }
0x2cc: {  	[sflag:s19] =	ssyncset.done $0x0  }
0x2cd: {  	[sflag:s19] =	ssyncadd.s32 $0xFFFFC000  }
0x2ce: {  	[hbm4b:s2+s8] =	stream.linear.scatter [tilespmem:s22], [sflag:$0x7], $0x4000, $0x38;
	[tilespmem:$0x1DA80] =	vst v63  }
0x2cf: {  	_ =	swait.ge [sflag:s20], $0x4000  }
0x2d0: {  	[sflag:s20] =	ssyncset.done $0x0  }
0x2d1: {  	[sflag:s20] =	ssyncadd.s32 $0xFFFFC000  }
0x2d2: {  	v11 =	vld.msk [tilespmem:$0x4150], $0xff;
	_ =	sdelay $0x4  }
0x2d3: {  	v58 =	vshll.u32 v11, $0x4  }
0x2d4: {  	v11 =	vand.u32 $0x7, v11;
	v12 =	vand.u32 $0xFFFFFF80, v58  }
0x2d5: {  	v11 =	vor.u32 v11, v12  }
0x2d6: {  	v11 =	vperm.xlane v11, v8;
	_ =	sdelay $0x1  }
0x2d7: {  	v11 =	vadd.s32 v9, v11;
	_ =	sdelay $0x4  }
0x2d8: {  	[tilespmem:s22], [sflag:$0x3] =	stream.indirect_vreg.gather [hbm4b:s18+s8], $0x80, v11, vm10, $0xb8;
	[tilespmem:$0x1DA80] =	vst v63  }
0x2d9: {  	s10 =	simm.s32 $0x16280  }
0x2da: {  	[tilespmem:s10], [sflag:$0x3] =	stream.indirect_vreg.gather [hbm4b:s24+s8], $0x80, v11, vm10, $0xb8;
	[tilespmem:$0x1DA80] =	vst v63  }
0x2db: {  	s10 =	simm.s32 $0x16A80  }
0x2dc: {  	[tilespmem:s10], [sflag:$0x3] =	stream.indirect_vreg.gather [hbm4b:s25+s8], $0x80, v11, vm10, $0xb8;
	[tilespmem:$0x1DA80] =	vst v63  }
0x2dd: {  	s10 =	simm.s32 $0x17280  }
0x2de: {  	[tilespmem:s10], [sflag:$0x3] =	stream.indirect_vreg.gather [hbm4b:s26+s8], $0x80, v11, vm10, $0xb8;
	[tilespmem:$0x1DA80] =	vst v63  }
0x2df: {  	s10 =	simm.s32 $0x17A80  }
0x2e0: {  	[tilespmem:s10], [sflag:$0x3] =	stream.indirect_vreg.gather [hbm4b:s28+s8], $0x80, v11, vm10, $0xb8;
	[tilespmem:$0x1DA80] =	vst v63  }
0x2e1: {  	s10 =	simm.s32 $0x18280  }
0x2e2: {  	[tilespmem:s10], [sflag:$0x3] =	stream.indirect_vreg.gather [hbm4b:s29+s8], $0x80, v11, vm10, $0xb8;
	[tilespmem:$0x1DA80] =	vst v63  }
0x2e3: {  	s10 =	simm.s32 $0x18A80  }
0x2e4: {  	[tilespmem:s10], [sflag:$0x3] =	stream.indirect_vreg.gather [hbm4b:s30+s8], $0x80, v11, vm10, $0xb8;
	[tilespmem:$0x1DA80] =	vst v63  }
0x2e5: {  	s10 =	simm.s32 $0x19280  }
0x2e6: {  	[tilespmem:s10], [sflag:$0x3] =	stream.indirect_vreg.gather [hbm4b:s31+s8], $0x80, v11, vm10, $0xb8;
	[tilespmem:$0x1DA80] =	vst v63  }
0x2e7: {  	_ =	swait.ge [sflag:s21], $0x4000  }
0x2e8: {  	s2 =	sld [smem:$0x7ED]  }
0x2e9: {  	[sflag:s21] =	ssyncset.done $0x0  }
0x2ea: {  	s0 =	simm.s32 $0x19A80;
	[sflag:s21] =	ssyncadd.s32 $0xFFFFC000  }
0x2eb: {  	[hbm4b:s2+s8] =	stream.linear.scatter [tilespmem:s0], [sflag:$0x8], $0x4000, $0x38;
	[tilespmem:$0x1DA80] =	vst v63  }
0x2ec: {  	_ =	swait.ge [sflag:s1], $0x4000  }
0x2ed: {  	[sflag:s1] =	ssyncset.done $0x0  }
0x2ee: {  	[sflag:s1] =	ssyncadd.s32 $0xFFFFC000  }
0x2ef: {  	v11 =	vld.msk [tilespmem:$0x4158], $0xff;
	_ =	sdelay $0x4  }
0x2f0: {  	v59 =	vshll.u32 v11, $0x4  }
0x2f1: {  	v11 =	vand.u32 $0x7, v11;
	v12 =	vand.u32 $0xFFFFFF80, v59  }
0x2f2: {  	v11 =	vor.u32 v11, v12  }
0x2f3: {  	v11 =	vperm.xlane v11, v8;
	_ =	sdelay $0x1  }
0x2f4: {  	v11 =	vadd.s32 v9, v11;
	_ =	sdelay $0x4  }
0x2f5: {  	[tilespmem:s0], [sflag:$0x4] =	stream.indirect_vreg.gather [hbm4b:s18+s8], $0x80, v11, vm10, $0xb8;
	[tilespmem:$0x1DA80] =	vst v63  }
0x2f6: {  	_ = 	snop  }
0x2f7: {  	[tilespmem:s13], [sflag:$0x4] =	stream.indirect_vreg.gather [hbm4b:s24+s8], $0x80, v11, vm10, $0xb8;
	[tilespmem:$0x1DA80] =	vst v63  }
0x2f8: {  	s13 =	simm.s32 $0x1AA80  }
0x2f9: {  	[tilespmem:s13], [sflag:$0x4] =	stream.indirect_vreg.gather [hbm4b:s25+s8], $0x80, v11, vm10, $0xb8;
	[tilespmem:$0x1DA80] =	vst v63  }
0x2fa: {  	_ = 	snop  }
0x2fb: {  	[tilespmem:s23], [sflag:$0x4] =	stream.indirect_vreg.gather [hbm4b:s26+s8], $0x80, v11, vm10, $0xb8;
	[tilespmem:$0x1DA80] =	vst v63  }
0x2fc: {  	s23 =	simm.s32 $0x1BA80  }
0x2fd: {  	[tilespmem:s23], [sflag:$0x4] =	stream.indirect_vreg.gather [hbm4b:s28+s8], $0x80, v11, vm10, $0xb8;
	[tilespmem:$0x1DA80] =	vst v63  }
0x2fe: {  	s2 =	simm.s32 $0x1C280  }
0x2ff: {  	[tilespmem:s2], [sflag:$0x4] =	stream.indirect_vreg.gather [hbm4b:s29+s8], $0x80, v11, vm10, $0xb8;
	[tilespmem:$0x1DA80] =	vst v63  }
0x300: {  	s13 =	simm.s32 $0x1CA80  }
0x301: {  	[tilespmem:s13], [sflag:$0x4] =	stream.indirect_vreg.gather [hbm4b:s30+s8], $0x80, v11, vm10, $0xb8;
	[tilespmem:$0x1DA80] =	vst v63  }
0x302: {  	s2 =	simm.s32 $0x1D280  }
0x303: {  	[tilespmem:s2], [sflag:$0x4] =	stream.indirect_vreg.gather [hbm4b:s31+s8], $0x80, v11, vm10, $0xb8;
	[tilespmem:$0x1DA80] =	vst v63  }
0x304: {  	_ =	swait.ge [sflag:s3], $0x4000  }
0x305: {  	s10 =	sld [smem:$0x7EE]  }
0x306: {  	[sflag:s3] =	ssyncset.done $0x0  }
0x307: {  	s13 =	simm.s32 $0xDA80;
	[sflag:s3] =	ssyncadd.s32 $0xFFFFC000  }
0x308: {  	[hbm4b:s10+s8] =	stream.linear.scatter [tilespmem:s13], [sflag:$0x5], $0x4000, $0x38;
	[tilespmem:$0x1DA80] =	vst v63  }
0x309: {  	_ =	swait.ge [sflag:s4], $0x4000  }
0x30a: {  	[sflag:s4] =	ssyncset.done $0x0  }
0x30b: {  	[sflag:s4] =	ssyncadd.s32 $0xFFFFC000  }
0x30c: {  	v11 =	vld.msk [tilespmem:$0x4160], $0xff;
	_ =	sdelay $0x4  }
0x30d: {  	v60 =	vshll.u32 v11, $0x4  }
0x30e: {  	v11 =	vand.u32 $0x7, v11;
	v12 =	vand.u32 $0xFFFFFF80, v60  }
0x30f: {  	v11 =	vor.u32 v11, v12  }
0x310: {  	v11 =	vperm.xlane v11, v8;
	_ =	sdelay $0x1  }
0x311: {  	v11 =	vadd.s32 v9, v11;
	_ =	sdelay $0x4  }
0x312: {  	[tilespmem:s13], [sflag:$0x1] =	stream.indirect_vreg.gather [hbm4b:s18+s8], $0x80, v11, vm10, $0xb8;
	[tilespmem:$0x1DA80] =	vst v63  }
0x313: {  	s10 =	simm.s32 $0xE280  }
0x314: {  	[tilespmem:s10], [sflag:$0x1] =	stream.indirect_vreg.gather [hbm4b:s24+s8], $0x80, v11, vm10, $0xb8;
	[tilespmem:$0x1DA80] =	vst v63  }
0x315: {  	_ = 	snop  }
0x316: {  	[tilespmem:s14], [sflag:$0x1] =	stream.indirect_vreg.gather [hbm4b:s25+s8], $0x80, v11, vm10, $0xb8;
	[tilespmem:$0x1DA80] =	vst v63  }
0x317: {  	_ = 	snop  }
0x318: {  	[tilespmem:s15], [sflag:$0x1] =	stream.indirect_vreg.gather [hbm4b:s26+s8], $0x80, v11, vm10, $0xb8;
	[tilespmem:$0x1DA80] =	vst v63  }
0x319: {  	s14 =	simm.s32 $0xFA80  }
0x31a: {  	[tilespmem:s14], [sflag:$0x1] =	stream.indirect_vreg.gather [hbm4b:s28+s8], $0x80, v11, vm10, $0xb8;
	[tilespmem:$0x1DA80] =	vst v63  }
0x31b: {  	s15 =	simm.s32 $0x10280  }
0x31c: {  	[tilespmem:s15], [sflag:$0x1] =	stream.indirect_vreg.gather [hbm4b:s29+s8], $0x80, v11, vm10, $0xb8;
	[tilespmem:$0x1DA80] =	vst v63  }
0x31d: {  	s14 =	simm.s32 $0x10A80  }
0x31e: {  	[tilespmem:s14], [sflag:$0x1] =	stream.indirect_vreg.gather [hbm4b:s30+s8], $0x80, v11, vm10, $0xb8;
	[tilespmem:$0x1DA80] =	vst v63  }
0x31f: {  	s15 =	simm.s32 $0x11280  }
0x320: {  	[tilespmem:s15], [sflag:$0x1] =	stream.indirect_vreg.gather [hbm4b:s31+s8], $0x80, v11, vm10, $0xb8;
	[tilespmem:$0x1DA80] =	vst v63  }
0x321: {  	_ =	swait.ge [sflag:s5], $0x4000  }
0x322: {  	s14 =	sld [smem:$0x7EF]  }
0x323: {  	[sflag:s5] =	ssyncset.done $0x0  }
0x324: {  	s15 =	simm.s32 $0x11A80;
	[sflag:s5] =	ssyncadd.s32 $0xFFFFC000  }
0x325: {  	[hbm4b:s14+s8] =	stream.linear.scatter [tilespmem:s15], [sflag:$0x6], $0x4000, $0x38;
	[tilespmem:$0x1DA80] =	vst v63  }
0x326: {  	_ =	swait.ge [sflag:s6], $0x4000  }
0x327: {  	[sflag:s6] =	ssyncset.done $0x0  }
0x328: {  	[sflag:s6] =	ssyncadd.s32 $0xFFFFC000  }
0x329: {  	v11 =	vld.msk [tilespmem:$0x4168], $0xff;
	_ =	sdelay $0x4  }
0x32a: {  	v61 =	vshll.u32 v11, $0x4  }
0x32b: {  	v11 =	vand.u32 $0x7, v11;
	v12 =	vand.u32 $0xFFFFFF80, v61  }
0x32c: {  	v11 =	vor.u32 v11, v12  }
0x32d: {  	v11 =	vperm.xlane v11, v8;
	_ =	sdelay $0x1  }
0x32e: {  	v11 =	vadd.s32 v9, v11;
	_ =	sdelay $0x4  }
0x32f: {  	[tilespmem:s15], [sflag:$0x2] =	stream.indirect_vreg.gather [hbm4b:s18+s8], $0x80, v11, vm10, $0xb8;
	[tilespmem:$0x1DA80] =	vst v63  }
0x330: {  	s15 =	simm.s32 $0x12280  }
0x331: {  	[tilespmem:s15], [sflag:$0x2] =	stream.indirect_vreg.gather [hbm4b:s24+s8], $0x80, v11, vm10, $0xb8;
	[tilespmem:$0x1DA80] =	vst v63  }
0x332: {  	s15 =	simm.s32 $0x12A80  }
0x333: {  	[tilespmem:s15], [sflag:$0x2] =	stream.indirect_vreg.gather [hbm4b:s25+s8], $0x80, v11, vm10, $0xb8;
	[tilespmem:$0x1DA80] =	vst v63  }
0x334: {  	s15 =	simm.s32 $0x13280  }
0x335: {  	[tilespmem:s15], [sflag:$0x2] =	stream.indirect_vreg.gather [hbm4b:s26+s8], $0x80, v11, vm10, $0xb8;
	[tilespmem:$0x1DA80] =	vst v63  }
0x336: {  	s15 =	simm.s32 $0x13A80  }
0x337: {  	[tilespmem:s15], [sflag:$0x2] =	stream.indirect_vreg.gather [hbm4b:s28+s8], $0x80, v11, vm10, $0xb8;
	[tilespmem:$0x1DA80] =	vst v63  }
0x338: {  	s15 =	simm.s32 $0x14280  }
0x339: {  	[tilespmem:s15], [sflag:$0x2] =	stream.indirect_vreg.gather [hbm4b:s29+s8], $0x80, v11, vm10, $0xb8;
	[tilespmem:$0x1DA80] =	vst v63  }
0x33a: {  	s15 =	simm.s32 $0x14A80  }
0x33b: {  	[tilespmem:s15], [sflag:$0x2] =	stream.indirect_vreg.gather [hbm4b:s30+s8], $0x80, v11, vm10, $0xb8;
	[tilespmem:$0x1DA80] =	vst v63  }
0x33c: {  	s15 =	simm.s32 $0x15280  }
0x33d: {  	[tilespmem:s15], [sflag:$0x2] =	stream.indirect_vreg.gather [hbm4b:s31+s8], $0x80, v11, vm10, $0xb8;
	[tilespmem:$0x1DA80] =	vst v63  }
0x33e: {  	_ =	swait.ge [sflag:s19], $0x4000  }
0x33f: {  	s15 =	sld [smem:$0x7F0]  }
0x340: {  	[sflag:s19] =	ssyncset.done $0x0  }
0x341: {  	[sflag:s19] =	ssyncadd.s32 $0xFFFFC000  }
0x342: {  	[hbm4b:s15+s8] =	stream.linear.scatter [tilespmem:s22], [sflag:$0x7], $0x4000, $0x38;
	[tilespmem:$0x1DA80] =	vst v63  }
0x343: {  	_ =	swait.ge [sflag:s20], $0x4000  }
0x344: {  	[sflag:s20] =	ssyncset.done $0x0  }
0x345: {  	[sflag:s20] =	ssyncadd.s32 $0xFFFFC000  }
0x346: {  	v11 =	vld.msk [tilespmem:$0x4170], $0xff;
	_ =	sdelay $0x4  }
0x347: {  	v62 =	vshll.u32 v11, $0x4  }
0x348: {  	v11 =	vand.u32 $0x7, v11;
	v12 =	vand.u32 $0xFFFFFF80, v62  }
0x349: {  	v11 =	vor.u32 v11, v12  }
0x34a: {  	v11 =	vperm.xlane v11, v8;
	_ =	sdelay $0x1  }
0x34b: {  	v11 =	vadd.s32 v9, v11;
	_ =	sdelay $0x4  }
0x34c: {  	[tilespmem:s22], [sflag:$0x3] =	stream.indirect_vreg.gather [hbm4b:s18+s8], $0x80, v11, vm10, $0xb8;
	[tilespmem:$0x1DA80] =	vst v63  }
0x34d: {  	s15 =	simm.s32 $0x16280  }
0x34e: {  	[tilespmem:s15], [sflag:$0x3] =	stream.indirect_vreg.gather [hbm4b:s24+s8], $0x80, v11, vm10, $0xb8;
	[tilespmem:$0x1DA80] =	vst v63  }
0x34f: {  	s15 =	simm.s32 $0x16A80  }
0x350: {  	[tilespmem:s15], [sflag:$0x3] =	stream.indirect_vreg.gather [hbm4b:s25+s8], $0x80, v11, vm10, $0xb8;
	[tilespmem:$0x1DA80] =	vst v63  }
0x351: {  	s15 =	simm.s32 $0x17280  }
0x352: {  	[tilespmem:s15], [sflag:$0x3] =	stream.indirect_vreg.gather [hbm4b:s26+s8], $0x80, v11, vm10, $0xb8;
	[tilespmem:$0x1DA80] =	vst v63  }
0x353: {  	s15 =	simm.s32 $0x17A80  }
0x354: {  	[tilespmem:s15], [sflag:$0x3] =	stream.indirect_vreg.gather [hbm4b:s28+s8], $0x80, v11, vm10, $0xb8;
	[tilespmem:$0x1DA80] =	vst v63  }
0x355: {  	s15 =	simm.s32 $0x18280  }
0x356: {  	[tilespmem:s15], [sflag:$0x3] =	stream.indirect_vreg.gather [hbm4b:s29+s8], $0x80, v11, vm10, $0xb8;
	[tilespmem:$0x1DA80] =	vst v63  }
0x357: {  	s15 =	simm.s32 $0x18A80  }
0x358: {  	[tilespmem:s15], [sflag:$0x3] =	stream.indirect_vreg.gather [hbm4b:s30+s8], $0x80, v11, vm10, $0xb8;
	[tilespmem:$0x1DA80] =	vst v63  }
0x359: {  	s15 =	simm.s32 $0x19280  }
0x35a: {  	[tilespmem:s15], [sflag:$0x3] =	stream.indirect_vreg.gather [hbm4b:s31+s8], $0x80, v11, vm10, $0xb8;
	[tilespmem:$0x1DA80] =	vst v63  }
0x35b: {  	_ =	swait.ge [sflag:s21], $0x4000  }
0x35c: {  	s15 =	sld [smem:$0x7F1]  }
0x35d: {  	[sflag:s21] =	ssyncset.done $0x0  }
0x35e: {  	[sflag:s21] =	ssyncadd.s32 $0xFFFFC000  }
0x35f: {  	[hbm4b:s15+s8] =	stream.linear.scatter [tilespmem:s0], [sflag:$0x8], $0x4000, $0x38;
	[tilespmem:$0x1DA80] =	vst v63  }
0x360: {  	_ =	swait.ge [sflag:s1], $0x4000  }
0x361: {  	[sflag:s1] =	ssyncset.done $0x0  }
0x362: {  	[sflag:s1] =	ssyncadd.s32 $0xFFFFC000  }
0x363: {  	v11 =	vld.msk [tilespmem:$0x4178], $0xff;
	_ =	sdelay $0x4  }
0x364: {  	v63 =	vshll.u32 v11, $0x4  }
0x365: {  	v11 =	vand.u32 $0x7, v11;
	v12 =	vand.u32 $0xFFFFFF80, v63  }
0x366: {  	v11 =	vor.u32 v11, v12  }
0x367: {  	v11 =	vperm.xlane v11, v8;
	_ =	sdelay $0x1  }
0x368: {  	v11 =	vadd.s32 v9, v11;
	_ =	sdelay $0x4  }
0x369: {  	[tilespmem:s0], [sflag:$0x4] =	stream.indirect_vreg.gather [hbm4b:s18+s8], $0x80, v11, vm10, $0xb8;
	[tilespmem:$0x1DA80] =	vst v63  }
0x36a: {  	s15 =	simm.s32 $0x1A280  }
0x36b: {  	[tilespmem:s15], [sflag:$0x4] =	stream.indirect_vreg.gather [hbm4b:s24+s8], $0x80, v11, vm10, $0xb8;
	[tilespmem:$0x1DA80] =	vst v63  }
0x36c: {  	s15 =	simm.s32 $0x1AA80  }
0x36d: {  	[tilespmem:s15], [sflag:$0x4] =	stream.indirect_vreg.gather [hbm4b:s25+s8], $0x80, v11, vm10, $0xb8;
	[tilespmem:$0x1DA80] =	vst v63  }
0x36e: {  	s15 =	simm.s32 $0x1B280  }
0x36f: {  	[tilespmem:s15], [sflag:$0x4] =	stream.indirect_vreg.gather [hbm4b:s26+s8], $0x80, v11, vm10, $0xb8;
	[tilespmem:$0x1DA80] =	vst v63  }
0x370: {  	s23 =	simm.s32 $0x1BA80  }
0x371: {  	[tilespmem:s23], [sflag:$0x4] =	stream.indirect_vreg.gather [hbm4b:s28+s8], $0x80, v11, vm10, $0xb8;
	[tilespmem:$0x1DA80] =	vst v63  }
0x372: {  	s15 =	simm.s32 $0x1C280  }
0x373: {  	[tilespmem:s15], [sflag:$0x4] =	stream.indirect_vreg.gather [hbm4b:s29+s8], $0x80, v11, vm10, $0xb8;
	[tilespmem:$0x1DA80] =	vst v63  }
0x374: {  	s23 =	simm.s32 $0x1CA80  }
0x375: {  	[tilespmem:s23], [sflag:$0x4] =	stream.indirect_vreg.gather [hbm4b:s30+s8], $0x80, v11, vm10, $0xb8;
	[tilespmem:$0x1DA80] =	vst v63  }
0x376: {  	_ = 	snop  }
0x377: {  	[tilespmem:s2], [sflag:$0x4] =	stream.indirect_vreg.gather [hbm4b:s31+s8], $0x80, v11, vm10, $0xb8;
	[tilespmem:$0x1DA80] =	vst v63  }
0x378: {  	_ =	swait.ge [sflag:s3], $0x4000  }
0x379: {  	s2 =	sld [smem:$0x7F2]  }
0x37a: {  	[sflag:s3] =	ssyncset.done $0x0  }
0x37b: {  	s13 =	simm.s32 $0xDA80;
	[sflag:s3] =	ssyncadd.s32 $0xFFFFC000  }
0x37c: {  	[hbm4b:s2+s8] =	stream.linear.scatter [tilespmem:s13], [sflag:$0x5], $0x4000, $0x38;
	[tilespmem:$0x1DA80] =	vst v63  }
0x37d: {  	_ =	swait.ge [sflag:s5], $0x4000  }
0x37e: {  	s13 =	sld [smem:$0x7F3]  }
0x37f: {  	[sflag:s5] =	ssyncset.done $0x0  }
0x380: {  	s14 =	simm.s32 $0x11A80;
	[sflag:s5] =	ssyncadd.s32 $0xFFFFC000  }
0x381: {  	[hbm4b:s13+s8] =	stream.linear.scatter [tilespmem:s14], [sflag:$0x6], $0x4000, $0x38;
	[tilespmem:$0x1DA80] =	vst v63  }
0x382: {  	_ =	swait.ge [sflag:s19], $0x4000  }
0x383: {  	s14 =	sld [smem:$0x7F4]  }
0x384: {  	[sflag:s19] =	ssyncset.done $0x0  }
0x385: {  	[sflag:s19] =	ssyncadd.s32 $0xFFFFC000  }
0x386: {  	[hbm4b:s14+s8] =	stream.linear.scatter [tilespmem:s22], [sflag:$0x7], $0x4000, $0x38;
	[tilespmem:$0x1DA80] =	vst v63  }
0x387: {  	_ =	swait.ge [sflag:s21], $0x4000  }
0x388: {  	s15 =	sld [smem:$0x7F5]  }
0x389: {  	[sflag:s21] =	ssyncset.done $0x0  }
0x38a: {  	[sflag:s21] =	ssyncadd.s32 $0xFFFFC000  }
0x38b: {  	[hbm4b:s15+s8] =	stream.linear.scatter [tilespmem:s0], [sflag:$0x8], $0x4000, $0x38;
	[tilespmem:$0x1DA80] =	vst v63  }
0x38c: {  	_ =	swait.ge [sflag:s4], $0x4000  }
0x38d: {  	[sflag:s4] =	ssyncset.done $0x0  }
0x38e: {  	[sflag:s4] =	ssyncadd.s32 $0xFFFFC000  }
0x38f: {  	_ =	swait.ge [sflag:s6], $0x4000  }
0x390: {  	[sflag:s6] =	ssyncset.done $0x0  }
0x391: {  	[sflag:s6] =	ssyncadd.s32 $0xFFFFC000  }
0x392: {  	_ =	swait.ge [sflag:s20], $0x4000  }
0x393: {  	[sflag:s20] =	ssyncset.done $0x0  }
0x394: {  	[sflag:s20] =	ssyncadd.s32 $0xFFFFC000  }
0x395: {  	_ =	swait.ge [sflag:s1], $0x4000  }
0x396: {  	s22 =	sld [smem:$0x7E7]  }
0x397: {  	s23 =	sld [smem:$0x7F6];
	_ =	sdelay $0x1  }
0x398: {  	s15 =	sadd.s32 $0x1, s22  }
0x399: {  	p4 =	sne.s32 s15, s23  }
.Ltmp1:
0x39a: {  	_ = 	snop;
	(pc) =	sbr.rel @!p4 .LBB2_17-.Ltmp1, $3  }
0x39b: {  	_ =	sdelay $0x1  }
0x39c: {  	[sflag:s1] =	ssyncset.done $0x0  }
0x39d: {  	s3 =	simm.s32 $0xDA80;
	[sflag:s1] =	ssyncadd.s32 $0xFFFFC000  }
.LBB2_1:
0x39e: {  	s10 =	rddreg [dreg:$0x1];
	s13 =	simm.s32 $0x9  }
0x39f: {  	[tilespmem:s8], [sflag:$0x9] =	stream.linear.gather [hbm4b:s10+s8], $0x4000, $0x38;
	[tilespmem:$0x1DA80] =	vst v63  }
0x3a0: {  	_ =	swait.ge [sflag:s13], $0x4000  }
0x3a1: {  	s23 =	sld [smem:$0x7FA]  }
0x3a2: {  	[sflag:s13] =	ssyncset.done $0x0  }
0x3a3: {  	s14 =	simm.s32 $0x4000;
	[sflag:s13] =	ssyncadd.s32 $0xFFFFC000  }
0x3a4: {  	[tilespmem:s14], [sflag:$0x9] =	stream.linear.gather [hbm4b:s23+s8], $0x10, $0x38;
	[tilespmem:$0x1DA80] =	vst v63  }
0x3a5: {  	_ =	swait.ge [sflag:s13], $0x10  }
0x3a6: {  	[sflag:s13] =	ssyncset.done $0x0  }
0x3a7: {  	[sflag:s13] =	ssyncadd.s32 $0xFFFFFFF0  }
0x3a8: {  	v12 =	vld [tilespmem:$0x4000];
	_ =	sdelay $0x4  }
0x3a9: {  	v11 =	vsel vm5, $0xFF800000, v12  }
0x3aa: {  	v13 =	vperm.xlane v11, v1;
	_ =	sdelay $0x1  }
0x3ab: {  	v13 =	vmax.f32 v11, v13  }
0x3ac: {  	v14 =	vperm.xlane v13, v2;
	_ =	sdelay $0x1  }
0x3ad: {  	v13 =	vmax.f32 v13, v14  }
0x3ae: {  	v14 =	vperm.xlane v13, v3;
	_ =	sdelay $0x1  }
0x3af: {  	v13 =	vmax.f32 v13, v14  }
0x3b0: {  	v14 =	vperm.xlane v13, v4;
	_ =	sdelay $0x1  }
0x3b1: {  	v13 =	vmax.f32 v13, v14  }
0x3b2: {  	vm11 =	veq.f32 v11, v13  }
0x3b3: {  	v13 =	vmctz.xlane vm11;
	_ =	sdelay $0x1  }
0x3b4: {  	vm11 =	veq.s32 v13, v0  }
0x3b5: {  	v11 =	vsel vm11, $0xFF800000, v11  }
0x3b6: {  	v57 =	vperm.xlane v11, v1;
	_ =	sdelay $0x1  }
0x3b7: {  	v14 =	vmax.f32 v11, v57  }
0x3b8: {  	v15 =	vperm.xlane v14, v2;
	_ =	sdelay $0x1  }
0x3b9: {  	v14 =	vmax.f32 v14, v15  }
0x3ba: {  	v15 =	vperm.xlane v14, v3;
	_ =	sdelay $0x1  }
0x3bb: {  	v14 =	vmax.f32 v14, v15  }
0x3bc: {  	v15 =	vperm.xlane v14, v4;
	_ =	sdelay $0x1  }
0x3bd: {  	v14 =	vmax.f32 v14, v15  }
0x3be: {  	vm11 =	veq.f32 v11, v14  }
0x3bf: {  	v14 =	vmctz.xlane vm11;
	_ =	sdelay $0x1  }
0x3c0: {  	vm11 =	veq.s32 v14, v0  }
0x3c1: {  	v11 =	vsel vm11, $0xFF800000, v11  }
0x3c2: {  	v58 =	vperm.xlane v11, v1;
	_ =	sdelay $0x1  }
0x3c3: {  	v15 =	vmax.f32 v11, v58  }
0x3c4: {  	v16 =	vperm.xlane v15, v2;
	_ =	sdelay $0x1  }
0x3c5: {  	v15 =	vmax.f32 v15, v16  }
0x3c6: {  	v16 =	vperm.xlane v15, v3;
	_ =	sdelay $0x1  }
0x3c7: {  	v15 =	vmax.f32 v15, v16  }
0x3c8: {  	v16 =	vperm.xlane v15, v4;
	_ =	sdelay $0x1  }
0x3c9: {  	v15 =	vmax.f32 v15, v16  }
0x3ca: {  	vm11 =	veq.f32 v11, v15  }
0x3cb: {  	v15 =	vmctz.xlane vm11;
	_ =	sdelay $0x1  }
0x3cc: {  	vm11 =	veq.s32 v15, v0  }
0x3cd: {  	v11 =	vsel vm11, $0xFF800000, v11  }
0x3ce: {  	v59 =	vperm.xlane v11, v1;
	_ =	sdelay $0x1  }
0x3cf: {  	v16 =	vmax.f32 v11, v59  }
0x3d0: {  	v17 =	vperm.xlane v16, v2;
	_ =	sdelay $0x1  }
0x3d1: {  	v16 =	vmax.f32 v16, v17  }
0x3d2: {  	v17 =	vperm.xlane v16, v3;
	_ =	sdelay $0x1  }
0x3d3: {  	v16 =	vmax.f32 v16, v17  }
0x3d4: {  	v17 =	vperm.xlane v16, v4;
	_ =	sdelay $0x1  }
0x3d5: {  	v16 =	vmax.f32 v16, v17  }
0x3d6: {  	vm11 =	veq.f32 v11, v16;
	v11 =	vadd.s32 $0xFFFFFFF8, v13  }
0x3d7: {  	v60 =	vadd.s32 $0xFFFFFFF8, v14;
	v11 =	vnsel vm3, $0x0, v11;
	v61 =	vmctz.xlane vm11  }
0x3d8: {  	v62 =	vadd.s32 $0xFFFFFFF8, v15;
	v11 =	vsel vm6, v11, v60  }
0x3d9: {  	v11 =	vsel vm7, v11, v62;
	v63 =	vadd.s32 $0xFFFFFFF8, v61  }
0x3da: {  	v11 =	vsel vm8, v11, v63  }
0x3db: {  	v13 =	vadd.s32 @!p1 $0x8, v11  }
0x3dc: {  	v14 =	vadd.s32 @!p1 $0x18, v11;
	vm11 =	vlt.s32 @!p1 v13, $0x0  }
0x3dd: {  	v13 =	vsel @!p1 vm11, v14, v13  }
0x3de: {  	v12 =	vperm.xlane @!p1 v12, v13  }
0x3df: {  	v13 =	vnsel @!p1 vm9, $0x0, v11  }
0x3e0: {  	[tilespmem:$0xD980] =	vst @!p1 v13;
	v12 =	vnsel @!p1 vm9, $0x0, v12  }
0x3e1: {  	s14 =	simm.s32 @!p1 $0xD980;
	s13 =	simm.s32 @!p1 $0x0;
	s10 =	rddreg [dreg:$0x4];
	[tilespmem:$0xDA00] =	vst @!p1 v12  }
0x3e2: {  	[hbm4b:s10+s13] =	stream.linear.scatter @!p1 [tilespmem:s14], [sflag:$0x9], $0x80, $0x38;
	[tilespmem:$0x1DA80] =	vst v63  }
0x3e3: {  	s14 =	simm.s32 @!p1 $0x9  }
0x3e4: {  	_ =	swait.ge @!p1 [sflag:s14], $0x80  }
0x3e5: {  	[sflag:s14] =	ssyncset.done @!p1 $0x0  }
0x3e6: {  	[sflag:s14] =	ssyncadd.s32 @!p1 $0xFFFFFF80  }
0x3e7: {  	s22 =	smov.u32 s15;
	s15 =	simm.s32 @!p1 $0xDA00;
	s10 =	rddreg [dreg:$0x5]  }
0x3e8: {  	[hbm4b:s10+s13] =	stream.linear.scatter @!p1 [tilespmem:s15], [sflag:$0x9], $0x80, $0x38;
	[tilespmem:$0x1DA80] =	vst v63  }
0x3e9: {  	_ =	swait.ge @!p1 [sflag:s14], $0x80  }
0x3ea: {  	[sflag:s14] =	ssyncset.done @!p1 $0x0  }
0x3eb: {  	[sflag:s14] =	ssyncadd.s32 @!p1 $0xFFFFFF80  }
0x3ec: {  	[tilespmem:v5+s9+$0x0] =	vst.idx.msk vm4, v6  }
0x3ed: {  	s13 =	simm.s32 @!p0 $0x0;
	s14 =	simm.s32 @!p0 $0x4980;
	s10 =	rddreg [dreg:$0x2];
	[tilespmem:v7+s7+$0x0] =	vst.idx.msk vm2, v6  }
0x3ee: {  	[tilespmem:s14], [sflag:$0x9] =	stream.linear.gather @!p0 [hbm4b:s10+s13], $0x4000, $0x38;
	[tilespmem:$0x1DA80] =	vst v63  }
0x3ef: {  	s14 =	simm.s32 @!p0 $0x9  }
0x3f0: {  	_ =	swait.ge @!p0 [sflag:s14], $0x4000  }
0x3f1: {  	[sflag:s14] =	ssyncset.done @!p0 $0x0  }
0x3f2: {  	[sflag:s14] =	ssyncadd.s32 @!p0 $0xFFFFC000  }
0x3f3: {  	s15 =	simm.s32 @!p0 $0x8980;
	s10 =	rddreg [dreg:$0x3]  }
0x3f4: {  	[tilespmem:s15], [sflag:$0x9] =	stream.linear.gather @!p0 [hbm4b:s10+s13], $0x4000, $0x38;
	[tilespmem:$0x1DA80] =	vst v63  }
0x3f5: {  	_ =	swait.ge @!p0 [sflag:s14], $0x4000  }
0x3f6: {  	s13 =	simm.s32 $0x7FF;
	[sflag:s14] =	ssyncset.done @!p0 $0x0  }
0x3f7: {  	s15 =	rddreg [dreg:$0xa];
	[sflag:s14] =	ssyncadd.s32 @!p0 $0xFFFFC000;
	s14 =	simm.s32 $0x3FF8  }
.LBB2_2:
0x3f8: {  	s23 =	sadd.s32 $0xFFFFFFFF, s13  }
0x3f9: {  	p4 =	sge.s32 s23, s11;
	p6 =	slt.s32 s23, s12  }
0x3fa: {  	p4 =	por !p4, !p6  }
0x3fb: {  	vm11 =	vmmov vm0;
	vm12 =	vmmov vm0;
	v12 =	vmov s23;
	p4 =	por !p4, !p4  }
0x3fc: {  	v13 =	vand.u32 $0xFE, v12;
	v12 =	vand.u32 $0x7FE, v12;
	vm11 =	vmneg @p4 vm11;
	p4 =	sgt.s32 s13, $0x0  }
0x3fd: {  	v13 =	vbroadcast v13, $0x0;
	vm11 =	vmand vm1, vm11;
	vm12 =	vmneg @p4 vm12  }
0x3fe: {  	v12 =	vbroadcast v12, $0x0;
	vm12 =	vmand vm2, vm12;
	_ =	sdelay $0x1  }
0x3ff: {  	v11 =	vadd.s32 s14, v11;
	_ =	sdelay $0x1  }
0x400: {  	s10 =	sadd.s32 $0xFFFFFFFE, s13  }
0x401: {  	p3 =	slt.s32 s10, s12;
	p6 =	sge.s32 s10, s11;
	[tilespmem:v13+s9+$0x0] =	vst.idx.msk vm11, v11  }
0x402: {  	v50 =	vmov s10;
	p4 =	por !p6, !p3;
	[tilespmem:v12+s7+$0x0] =	vst.idx.msk vm12, v11  }
0x403: {  	v51 =	vand.u32 $0xFD, v50;
	p4 =	por !p4, !p4;
	vm11 =	vmmov vm0;
	v11 =	vld.idx.msk [tilespmem:v11+s8+$0x0], $0xffff  }
0x404: {  	v13 =	vbroadcast v51, $0x0;
	vm11 =	vmneg @p4 vm11;
	p4 =	sgt.s32 s23, $0x0;
	vm12 =	vmmov vm0  }
0x405: {  	v12 =	vand.u32 $0x7FD, v50;
	vm11 =	vmand vm1, vm11;
	vm12 =	vmneg @p4 vm12  }
0x406: {  	v12 =	vbroadcast v12, $0x0;
	vm12 =	vmand vm2, vm12  }
0x407: {  	s2 =	sadd.s32 $0xFFFFFFF8, s14  }
0x408: {  	v11 =	vadd.s32 s2, v11;
	_ =	sdelay $0x1  }
0x409: {  	s4 =	sadd.s32 $0xFFFFFFFD, s13  }
0x40a: {  	p6 =	sge.s32 s4, s11;
	p3 =	slt.s32 s4, s12;
	[tilespmem:v13+s9+$0x0] =	vst.idx.msk vm11, v11  }
0x40b: {  	v52 =	vmov s4;
	p4 =	por !p6, !p3;
	[tilespmem:v12+s7+$0x0] =	vst.idx.msk vm12, v11  }
0x40c: {  	v53 =	vand.u32 $0xFC, v52;
	p4 =	por !p4, !p4;
	vm11 =	vmmov vm0;
	v11 =	vld.idx.msk [tilespmem:v11+s8+$0x0], $0xffff  }
0x40d: {  	v13 =	vbroadcast v53, $0x0;
	vm11 =	vmneg @p4 vm11;
	p4 =	sgt.s32 s10, $0x0;
	vm12 =	vmmov vm0  }
0x40e: {  	v12 =	vand.u32 $0x7FC, v52;
	vm11 =	vmand vm1, vm11;
	vm12 =	vmneg @p4 vm12  }
0x40f: {  	v12 =	vbroadcast v12, $0x0;
	vm12 =	vmand vm2, vm12  }
0x410: {  	s0 =	sadd.s32 $0xFFFFFFF0, s14  }
0x411: {  	v11 =	vadd.s32 s0, v11;
	_ =	sdelay $0x1  }
0x412: {  	s2 =	sadd.s32 $0xFFFFFFFC, s13  }
0x413: {  	p6 =	sge.s32 s2, s11;
	p3 =	slt.s32 s2, s12;
	[tilespmem:v13+s9+$0x0] =	vst.idx.msk vm11, v11  }
0x414: {  	v54 =	vmov s2;
	p4 =	por !p6, !p3;
	[tilespmem:v12+s7+$0x0] =	vst.idx.msk vm12, v11  }
0x415: {  	v55 =	vand.u32 $0xFB, v54;
	p4 =	por !p4, !p4;
	vm11 =	vmmov vm0;
	v11 =	vld.idx.msk [tilespmem:v11+s8+$0x0], $0xffff  }
0x416: {  	v13 =	vbroadcast v55, $0x0;
	vm11 =	vmneg @p4 vm11;
	p4 =	sgt.s32 s4, $0x0;
	vm12 =	vmmov vm0  }
0x417: {  	v12 =	vand.u32 $0x7FB, v54;
	vm11 =	vmand vm1, vm11;
	vm12 =	vmneg @p4 vm12  }
0x418: {  	v12 =	vbroadcast v12, $0x0;
	vm12 =	vmand vm2, vm12  }
0x419: {  	s4 =	sadd.s32 $0xFFFFFFE8, s14  }
0x41a: {  	v11 =	vadd.s32 s4, v11;
	_ =	sdelay $0x1  }
0x41b: {  	s0 =	sadd.s32 $0xFFFFFFFB, s13  }
0x41c: {  	p6 =	sge.s32 s0, s11;
	p3 =	slt.s32 s0, s12;
	[tilespmem:v13+s9+$0x0] =	vst.idx.msk vm11, v11  }
0x41d: {  	v56 =	vmov s0;
	p4 =	por !p6, !p3;
	[tilespmem:v12+s7+$0x0] =	vst.idx.msk vm12, v11  }
0x41e: {  	v57 =	vand.u32 $0xFA, v56;
	p4 =	por !p4, !p4;
	vm11 =	vmmov vm0;
	v11 =	vld.idx.msk [tilespmem:v11+s8+$0x0], $0xffff  }
0x41f: {  	v13 =	vbroadcast v57, $0x0;
	vm11 =	vmneg @p4 vm11;
	p4 =	sgt.s32 s2, $0x0;
	vm12 =	vmmov vm0  }
0x420: {  	v12 =	vand.u32 $0x7FA, v56;
	vm11 =	vmand vm1, vm11;
	vm12 =	vmneg @p4 vm12  }
0x421: {  	v12 =	vbroadcast v12, $0x0;
	vm12 =	vmand vm2, vm12  }
0x422: {  	s2 =	sadd.s32 $0xFFFFFFE0, s14  }
0x423: {  	v11 =	vadd.s32 s2, v11;
	_ =	sdelay $0x1  }
0x424: {  	s4 =	sadd.s32 $0xFFFFFFFA, s13  }
0x425: {  	p6 =	sge.s32 s4, s11;
	p3 =	slt.s32 s4, s12;
	[tilespmem:v13+s9+$0x0] =	vst.idx.msk vm11, v11  }
0x426: {  	v58 =	vmov s4;
	p4 =	por !p6, !p3;
	[tilespmem:v12+s7+$0x0] =	vst.idx.msk vm12, v11  }
0x427: {  	v59 =	vand.u32 $0xF9, v58;
	p4 =	por !p4, !p4;
	vm11 =	vmmov vm0;
	v11 =	vld.idx.msk [tilespmem:v11+s8+$0x0], $0xffff  }
0x428: {  	v13 =	vbroadcast v59, $0x0;
	vm11 =	vmneg @p4 vm11;
	p4 =	sgt.s32 s0, $0x0;
	vm12 =	vmmov vm0  }
0x429: {  	v12 =	vand.u32 $0x7F9, v58;
	vm11 =	vmand vm1, vm11;
	vm12 =	vmneg @p4 vm12  }
0x42a: {  	v12 =	vbroadcast v12, $0x0;
	vm12 =	vmand vm2, vm12  }
0x42b: {  	s0 =	sadd.s32 $0xFFFFFFD8, s14  }
0x42c: {  	v11 =	vadd.s32 s0, v11;
	_ =	sdelay $0x1  }
0x42d: {  	s2 =	sadd.s32 $0xFFFFFFF9, s13  }
0x42e: {  	p6 =	sge.s32 s2, s11;
	p3 =	slt.s32 s2, s12;
	[tilespmem:v13+s9+$0x0] =	vst.idx.msk vm11, v11  }
0x42f: {  	v60 =	vmov s2;
	p4 =	por !p6, !p3;
	[tilespmem:v12+s7+$0x0] =	vst.idx.msk vm12, v11  }
0x430: {  	v61 =	vand.u32 $0xF8, v60;
	p4 =	por !p4, !p4;
	vm11 =	vmmov vm0;
	v11 =	vld.idx.msk [tilespmem:v11+s8+$0x0], $0xffff  }
0x431: {  	v13 =	vbroadcast v61, $0x0;
	vm11 =	vmneg @p4 vm11;
	p4 =	sgt.s32 s4, $0x0;
	vm12 =	vmmov vm0  }
0x432: {  	v12 =	vand.u32 $0x7F8, v60;
	vm11 =	vmand vm1, vm11;
	vm12 =	vmneg @p4 vm12  }
0x433: {  	v12 =	vbroadcast v12, $0x0;
	vm12 =	vmand vm2, vm12  }
0x434: {  	s4 =	sadd.s32 $0xFFFFFFD0, s14  }
0x435: {  	v11 =	vadd.s32 s4, v11;
	_ =	sdelay $0x1  }
0x436: {  	s13 =	sadd.s32 $0xFFFFFFF8, s13  }
0x437: {  	p6 =	sge.s32 s13, s11;
	p3 =	slt.s32 s13, s12;
	[tilespmem:v13+s9+$0x0] =	vst.idx.msk vm11, v11  }
0x438: {  	v62 =	vmov s13;
	p4 =	por !p6, !p3;
	[tilespmem:v12+s7+$0x0] =	vst.idx.msk vm12, v11  }
0x439: {  	v63 =	vand.u32 $0xFF, v62;
	p4 =	por !p4, !p4;
	vm11 =	vmmov vm0;
	v11 =	vld.idx.msk [tilespmem:v11+s8+$0x0], $0xffff  }
0x43a: {  	v13 =	vbroadcast v63, $0x0;
	vm11 =	vmneg @p4 vm11;
	p4 =	sgt.s32 s2, $0x0;
	vm12 =	vmmov vm0  }
0x43b: {  	v12 =	vand.u32 $0x7FF, v62;
	vm11 =	vmand vm1, vm11;
	vm12 =	vmneg @p4 vm12  }
0x43c: {  	v12 =	vbroadcast v12, $0x0;
	vm12 =	vmand vm2, vm12  }
0x43d: {  	s23 =	sadd.s32 $0xFFFFFFC8, s14  }
0x43e: {  	p4 =	sne.s32 s15, $0x1;
	v11 =	vadd.s32 s23, v11  }
.Ltmp2:
0x43f: {  	_ = 	snop;
	(pc) =	sbr.rel @p4 .LBB2_2-.Ltmp2, $4  }
0x440: {  	_ = 	snop  }
0x441: {  	[tilespmem:v13+s9+$0x0] =	vst.idx.msk vm11, v11  }
0x442: {  	[tilespmem:v12+s7+$0x0] =	vst.idx.msk vm12, v11  }
0x443: {  	s14 =	sadd.s32 $0xFFFFFFC0, s14;
	s15 =	sadd.s32 $0xFFFFFFFF, s15;
	v11 =	vld.idx.msk [tilespmem:v11+s8+$0x0], $0xffff  }
0x444: {  	v11 =	vld.msk [tilespmem:$0x4080], $0xff;
	_ =	sdelay $0x4  }
0x445: {  	v12 =	vshll.u32 v11, $0x4  }
0x446: {  	v11 =	vand.u32 $0x7, v11;
	v12 =	vand.u32 $0xFFFFFF80, v12  }
0x447: {  	v11 =	vor.u32 v11, v12  }
0x448: {  	v11 =	vperm.xlane v11, v8;
	_ =	sdelay $0x1  }
0x449: {  	v11 =	vadd.s32 v9, v11;
	_ =	sdelay $0x3  }
0x44a: {  	s10 =	simm.s32 $0x0  }
0x44b: {  	[tilespmem:s3], [sflag:$0x1] =	stream.indirect_vreg.gather [hbm4b:s18+s10], $0x80, v11, vm10, $0xb8;
	[tilespmem:$0x1DA80] =	vst v63  }
0x44c: {  	s4 =	simm.s32 $0xE280  }
0x44d: {  	[tilespmem:s4], [sflag:$0x1] =	stream.indirect_vreg.gather [hbm4b:s24+s10], $0x80, v11, vm10, $0xb8;
	[tilespmem:$0x1DA80] =	vst v63  }
0x44e: {  	s0 =	simm.s32 $0xEA80  }
0x44f: {  	[tilespmem:s0], [sflag:$0x1] =	stream.indirect_vreg.gather [hbm4b:s25+s10], $0x80, v11, vm10, $0xb8;
	[tilespmem:$0x1DA80] =	vst v63  }
0x450: {  	s2 =	simm.s32 $0xF280  }
0x451: {  	[tilespmem:s2], [sflag:$0x1] =	stream.indirect_vreg.gather [hbm4b:s26+s10], $0x80, v11, vm10, $0xb8;
	[tilespmem:$0x1DA80] =	vst v63  }
0x452: {  	s3 =	simm.s32 $0xFA80  }
0x453: {  	[tilespmem:s3], [sflag:$0x1] =	stream.indirect_vreg.gather [hbm4b:s28+s10], $0x80, v11, vm10, $0xb8;
	[tilespmem:$0x1DA80] =	vst v63  }
0x454: {  	s13 =	simm.s32 $0x10280  }
0x455: {  	[tilespmem:s13], [sflag:$0x1] =	stream.indirect_vreg.gather [hbm4b:s29+s10], $0x80, v11, vm10, $0xb8;
	[tilespmem:$0x1DA80] =	vst v63  }
0x456: {  	s14 =	simm.s32 $0x10A80  }
0x457: {  	[tilespmem:s14], [sflag:$0x1] =	stream.indirect_vreg.gather [hbm4b:s30+s10], $0x80, v11, vm10, $0xb8;
	[tilespmem:$0x1DA80] =	vst v63  }
0x458: {  	s15 =	simm.s32 $0x11280  }
0x459: {  	[tilespmem:s15], [sflag:$0x1] =	stream.indirect_vreg.gather [hbm4b:s31+s10], $0x80, v11, vm10, $0xb8;
	[tilespmem:$0x1DA80] =	vst v63  }
0x45a: {  	v11 =	vld.msk [tilespmem:$0x4088], $0xff;
	_ =	sdelay $0x4  }
0x45b: {  	v62 =	vshll.u32 v11, $0x4  }
0x45c: {  	v11 =	vand.u32 $0x7, v11;
	v12 =	vand.u32 $0xFFFFFF80, v62  }
0x45d: {  	v11 =	vor.u32 v11, v12  }
0x45e: {  	v11 =	vperm.xlane v11, v8;
	_ =	sdelay $0x1  }
0x45f: {  	v11 =	vadd.s32 v9, v11;
	_ =	sdelay $0x3  }
0x460: {  	s23 =	simm.s32 $0x11A80  }
0x461: {  	[tilespmem:s23], [sflag:$0x2] =	stream.indirect_vreg.gather [hbm4b:s18+s10], $0x80, v11, vm10, $0xb8;
	[tilespmem:$0x1DA80] =	vst v63  }
0x462: {  	s0 =	simm.s32 $0x12280  }
0x463: {  	[tilespmem:s0], [sflag:$0x2] =	stream.indirect_vreg.gather [hbm4b:s24+s10], $0x80, v11, vm10, $0xb8;
	[tilespmem:$0x1DA80] =	vst v63  }
0x464: {  	s2 =	simm.s32 $0x12A80  }
0x465: {  	[tilespmem:s2], [sflag:$0x2] =	stream.indirect_vreg.gather [hbm4b:s25+s10], $0x80, v11, vm10, $0xb8;
	[tilespmem:$0x1DA80] =	vst v63  }
0x466: {  	s3 =	simm.s32 $0x13280  }
0x467: {  	[tilespmem:s3], [sflag:$0x2] =	stream.indirect_vreg.gather [hbm4b:s26+s10], $0x80, v11, vm10, $0xb8;
	[tilespmem:$0x1DA80] =	vst v63  }
0x468: {  	s13 =	simm.s32 $0x13A80  }
0x469: {  	[tilespmem:s13], [sflag:$0x2] =	stream.indirect_vreg.gather [hbm4b:s28+s10], $0x80, v11, vm10, $0xb8;
	[tilespmem:$0x1DA80] =	vst v63  }
0x46a: {  	s14 =	simm.s32 $0x14280  }
0x46b: {  	[tilespmem:s14], [sflag:$0x2] =	stream.indirect_vreg.gather [hbm4b:s29+s10], $0x80, v11, vm10, $0xb8;
	[tilespmem:$0x1DA80] =	vst v63  }
0x46c: {  	s15 =	simm.s32 $0x14A80  }
0x46d: {  	[tilespmem:s15], [sflag:$0x2] =	stream.indirect_vreg.gather [hbm4b:s30+s10], $0x80, v11, vm10, $0xb8;
	[tilespmem:$0x1DA80] =	vst v63  }
0x46e: {  	s23 =	simm.s32 $0x15280  }
0x46f: {  	[tilespmem:s23], [sflag:$0x2] =	stream.indirect_vreg.gather [hbm4b:s31+s10], $0x80, v11, vm10, $0xb8;
	[tilespmem:$0x1DA80] =	vst v63  }
0x470: {  	v11 =	vld.msk [tilespmem:$0x4090], $0xff;
	_ =	sdelay $0x4  }
0x471: {  	v63 =	vshll.u32 v11, $0x4  }
0x472: {  	v11 =	vand.u32 $0x7, v11;
	v12 =	vand.u32 $0xFFFFFF80, v63  }
0x473: {  	v11 =	vor.u32 v11, v12  }
0x474: {  	v11 =	vperm.xlane v11, v8;
	_ =	sdelay $0x1  }
0x475: {  	v11 =	vadd.s32 v9, v11;
	_ =	sdelay $0x3  }
0x476: {  	s2 =	simm.s32 $0x15A80  }
0x477: {  	[tilespmem:s2], [sflag:$0x3] =	stream.indirect_vreg.gather [hbm4b:s18+s10], $0x80, v11, vm10, $0xb8;
	[tilespmem:$0x1DA80] =	vst v63  }
0x478: {  	s0 =	simm.s32 $0x16280  }
0x479: {  	[tilespmem:s0], [sflag:$0x3] =	stream.indirect_vreg.gather [hbm4b:s24+s10], $0x80, v11, vm10, $0xb8;
	[tilespmem:$0x1DA80] =	vst v63  }
0x47a: {  	s2 =	simm.s32 $0x16A80  }
0x47b: {  	[tilespmem:s2], [sflag:$0x3] =	stream.indirect_vreg.gather [hbm4b:s25+s10], $0x80, v11, vm10, $0xb8;
	[tilespmem:$0x1DA80] =	vst v63  }
0x47c: {  	s3 =	simm.s32 $0x17280  }
0x47d: {  	[tilespmem:s3], [sflag:$0x3] =	stream.indirect_vreg.gather [hbm4b:s26+s10], $0x80, v11, vm10, $0xb8;
	[tilespmem:$0x1DA80] =	vst v63  }
0x47e: {  	s13 =	simm.s32 $0x17A80  }
0x47f: {  	[tilespmem:s13], [sflag:$0x3] =	stream.indirect_vreg.gather [hbm4b:s28+s10], $0x80, v11, vm10, $0xb8;
	[tilespmem:$0x1DA80] =	vst v63  }
0x480: {  	s14 =	simm.s32 $0x18280  }
0x481: {  	[tilespmem:s14], [sflag:$0x3] =	stream.indirect_vreg.gather [hbm4b:s29+s10], $0x80, v11, vm10, $0xb8;
	[tilespmem:$0x1DA80] =	vst v63  }
.Ltmp3:
0x482: {  	_ = 	snop;
	(pc) =	sbr.rel @p0 .LBB2_16-.Ltmp3, $4  }
0x483: {  	s15 =	simm.s32 $0x18A80  }
0x484: {  	[tilespmem:s15], [sflag:$0x3] =	stream.indirect_vreg.gather [hbm4b:s30+s10], $0x80, v11, vm10, $0xb8;
	[tilespmem:$0x1DA80] =	vst v63  }
0x485: {  	s23 =	simm.s32 $0x19280;
	s0 =	smov.u32 s22  }
0x486: {  	[tilespmem:s23], [sflag:$0x3] =	stream.indirect_vreg.gather [hbm4b:s31+s10], $0x80, v11, vm10, $0xb8;
	[tilespmem:$0x1DA80] =	vst v63  }
0x487: {  	s13 =	simm.s32 $0x0  }
0x488: {  	v11 =	vld [tilespmem:s13+$0x4180];
	_ =	sdelay $0x7  }
0x489: {  	v12 =	vld.idx.msk [tilespmem:v11+s16+$0x0], $0xffff;
	_ =	sdelay $0x4  }
0x48a: {  	[tilespmem:s13+$0xC980] =	vst v12  }
0x48b: {  	v11 =	vld.idx.msk [tilespmem:v11+s17+$0x0], $0xffff;
	_ =	sdelay $0x1  }
0x48c: {  	s23 =	simm.f32 $0.0e+00;
	s14 =	simm.s32 $0x10;
	s15 =	simm.s32 $0x80  }
.LBB2_5:
0x48d: {  	p4 =	sne.s32 s15, $0x1FC0;
	v12 =	vld [tilespmem:s14+$0x4180];
	_ =	sdelay $0x1  }
0x48e: {  	v13 =	vperm.xlane v11, v10;
	(v2sf) =	vpush v11, $0xF  }
0x48f: {  	vm11 =	veq.s32 v0, $0x0  }
0x490: {  	v13 =	vsel vm11, s23, v13  }
0x491: {  	v11 =	vsub.f32 v11, v13;
	_ =	sdelay $0x1  }
0x492: {  	[tilespmem:s13+$0xD180] =	vst v11;
	s13 =	smov.u32 s14  }
0x493: {  	v11 =	vld.idx.msk [tilespmem:v12+s16+$0x0], $0xffff;
	_ =	sdelay $0x5  }
.Ltmp4:
0x494: {  	[tilespmem:s13+$0xC980] =	vst v11;
	(pc) =	sbr.rel @p4 .LBB2_5-.Ltmp4, $3  }
0x495: {  	v11 =	vld.idx.msk [tilespmem:v12+s17+$0x0], $0xffff;
	_ =	sdelay $0x1  }
0x496: {  	s23 =	spop (v2sf)  }
0x497: {  	s14 =	sshra.s32 s15, $0x2;
	s15 =	sadd.s32 $0x40, s15  }
0x498: {  	v12 =	vld [tilespmem:s14+$0x4180];
	_ =	sdelay $0x1  }
0x499: {  	v13 =	vperm.xlane v11, v10;
	_ =	sdelay $0x1  }
0x49a: {  	v13 =	vsel vm11, s23, v13  }
0x49b: {  	v13 =	vsub.f32 v11, v13;
	_ =	sdelay $0x1  }
0x49c: {  	[tilespmem:s13+$0xD180] =	vst v13  }
0x49d: {  	v13 =	vld.idx.msk [tilespmem:v12+s16+$0x0], $0xffff;
	_ =	sdelay $0x4  }
0x49e: {  	[tilespmem:s14+$0xC980] =	vst v13  }
0x49f: {  	v12 =	vld.idx.msk [tilespmem:v12+s17+$0x0], $0xffff  }
0x4a0: {  	(v2sf) =	vpush v11, $0xF;
	_ =	sdelay $0x3  }
0x4a1: {  	(v2sf) =	vpush v12, $0xF;
	_ =	sdelay $0x9  }
0x4a2: {  	v11 =	vperm.xlane v12, v10  }
.Ltmp5:
0x4a3: {  	s10 =	spop (v2sf);
	(pc) =	sbr.rel @p2 .LBB2_10-.Ltmp5, $3  }
0x4a4: {  	v11 =	vsel vm11, s10, v11  }
0x4a5: {  	v11 =	vsub.f32 v12, v11;
	_ =	sdelay $0x1  }
0x4a6: {  	[tilespmem:s14+$0xD180] =	vst v11;
	s23 =	spop (v2sf)  }
0x4a7: {  	s0 =	sld [smem:$0x7F7];
	_ =	sdelay $0x2  }
0x4a8: {  	p3 =	seq.s32 s0, $0x1  }
.Ltmp6:
0x4a9: {  	_ = 	snop;
	(pc) =	sbr.rel @p3 .LBB2_13-.Ltmp6, $1  }
0x4aa: {  	_ =	sdelay $0x3  }
0x4ab: {  	s0 =	sld [smem:$0x7F8];
	_ =	sdelay $0x2  }
0x4ac: {  	p4 =	seq.s32 s0, $0x1  }
.Ltmp7:
0x4ad: {  	_ = 	snop;
	(pc) =	sbr.rel @!p4 .LBB2_16-.Ltmp7, $2  }
0x4ae: {  	_ =	sdelay $0x2  }
0x4af: {  	s0 =	smov.u32 s22  }
0x4b0: {  	s10 =	sld [smem:$0x7FD];
	_ =	sdelay $0x1  }
0x4b1: {  	s4 =	simm.s32 $0x80;
	s14 =	simm.s32 $0x200;
	s13 =	simm.s32 $0xC980  }
0x4b2: {  	[hbm4b:s10+s4] =	stream.strided.scatter [tilespmem:s13], [sflag:$0x9], $0x800, s14, s4, $0x38;
	[tilespmem:$0x1DA80] =	vst v63  }
.Ltmp8:
0x4b3: {  	_ = 	snop;
	(pc) =	sbr.rel .LBB2_15-.Ltmp8, $4  }
0x4b4: {  	s10 =	simm.s32 $0x9  }
0x4b5: {  	_ =	swait.ge [sflag:s10], $0x800  }
0x4b6: {  	[sflag:s10] =	ssyncset.done $0x0  }
0x4b7: {  	s13 =	rddreg [dreg:$0xd];
	[sflag:s10] =	ssyncadd.s32 $0xFFFFF800  }
.LBB2_10:
.Ltmp9:
0x4b8: {  	(pc) =	sbr.rel @p5 .LBB2_14-.Ltmp9, $1  }
0x4b9: {  	_ =	sdelay $0x3  }
0x4ba: {  	s0 =	sld [smem:$0x7F9];
	_ =	sdelay $0x2  }
0x4bb: {  	p3 =	seq.s32 s0, $0x1  }
.Ltmp10:
0x4bc: {  	_ = 	snop;
	(pc) =	sbr.rel @!p3 .LBB2_16-.Ltmp10, $2  }
0x4bd: {  	_ =	sdelay $0x2  }
0x4be: {  	s0 =	smov.u32 s22  }
0x4bf: {  	s10 =	sld [smem:$0x7FB];
	_ =	sdelay $0x1  }
0x4c0: {  	s4 =	simm.s32 $0x80;
	s14 =	simm.s32 $0x200;
	s13 =	simm.s32 $0xC980  }
0x4c1: {  	[hbm4b:s10+s4] =	stream.strided.scatter [tilespmem:s13], [sflag:$0x9], $0x800, s14, s4, $0x38;
	[tilespmem:$0x1DA80] =	vst v63  }
.Ltmp11:
0x4c2: {  	_ = 	snop;
	(pc) =	sbr.rel .LBB2_15-.Ltmp11, $4  }
0x4c3: {  	s10 =	simm.s32 $0x9  }
0x4c4: {  	_ =	swait.ge [sflag:s10], $0x800  }
0x4c5: {  	[sflag:s10] =	ssyncset.done $0x0  }
0x4c6: {  	s13 =	rddreg [dreg:$0xb];
	[sflag:s10] =	ssyncadd.s32 $0xFFFFF800  }
.LBB2_13:
0x4c7: {  	s10 =	rddreg [dreg:$0x6]  }
0x4c8: {  	s4 =	simm.s32 $0x80;
	s14 =	simm.s32 $0x200;
	s13 =	simm.s32 $0xC980  }
0x4c9: {  	[hbm4b:s10+s4] =	stream.strided.scatter [tilespmem:s13], [sflag:$0x9], $0x800, s14, s4, $0x38;
	[tilespmem:$0x1DA80] =	vst v63  }
.Ltmp12:
0x4ca: {  	_ = 	snop;
	(pc) =	sbr.rel .LBB2_15-.Ltmp12, $4  }
0x4cb: {  	s10 =	simm.s32 $0x9  }
0x4cc: {  	_ =	swait.ge [sflag:s10], $0x800  }
0x4cd: {  	[sflag:s10] =	ssyncset.done $0x0  }
0x4ce: {  	s13 =	rddreg [dreg:$0x9];
	[sflag:s10] =	ssyncadd.s32 $0xFFFFF800  }
.LBB2_17:
0x4cf: {  	_ =	sfence.sel $0x180000  }
0x4d0: {  	[bflag:$0x0] =	sbarrier.arrive $0xFFFF  }
0x4d1: {  	_ =	strace $0x90000047  }
0x4d2: {  	s0 =	stileid.u32;
	[bflag:$0x2] =	sbarrier.arrive $0xFFFF  }
0x4d3: {  	p0 =	sne.s32 s0, $0x0;
	s0 =	rddreg [dreg:$0x8]  }
0x4d4: {  	s0 =	sadd.s32 @!p0 $0x100000, s0  }
0x4d5: {  	[sflag:s0] =	ssyncadd.tile.s32 @!p0 $0x1;
	_ =	shalt  }
.Lfunc_end2:
_tile_overlayer_lowered:
.L_overlay_start_2:
0x4d6: {  	(tag) =	ssettag $0x2  }
0x4d7: {  	s0 =	rddreg [dreg:$0x0];
	s2 =	stileid.u32  }
0x4d8: {  	s1 =	rddreg [dreg:$0x1];
	p0 =	sne.s32 s2, $0x0  }
0x4d9: {  	s3 =	rddreg [dreg:$0x2];
	[bflag:$0x3] =	sbarrier.arrive $0xFFFF;
	s2 =	simm.s32 @!p0 $0x1C09  }
0x4da: {  	[timem:s3], [sflag:s2] =	dma.local @!p0 [hbm:s0], s1  }
0x4db: {  	s0 =	simm.s32 @!p0 $0x9  }
0x4dc: {  	_ =	swait.ge @!p0 [sflag:s0], s1  }
0x4dd: {  	s1 =	ssub.s32 @!p0 $0x0, s1;
	[sflag:s0] =	ssyncset.done @!p0 $0x0  }
0x4de: {  	[sflag:s0] =	ssyncadd.s32 @!p0 s1  }
0x4df: {  	[bflag:$0x3] =	sbarrier.arrive $0xFFFF  }
0x4e0: {  	_ =	shalt  }

</sc_bundles>
